<compile_context>
chip_gen: v7x
topology: tpu7x:2x2x1
jax: 0.10.2.dev20260603
libtpu: 0.0.44.dev20260713+nightly
codegen_flags: <defaults>
</compile_context>

<pallas_src>
import jax
import jax.numpy as jnp
from jax import lax
from jax.experimental import pallas as pl
from jax.experimental.pallas import tpu as pltpu
from jax.experimental.pallas import tpu_sc as plsc

N_NODES = 10000
N_EDGES = 320000
D = 128

NC = 2
NS = 16
NW = NC * NS
CH = 80
E_REAL = N_EDGES // NW
N_CHK = E_REAL // CH
E_IDX = E_REAL
N_PAD = 10240
ROWS_T = N_PAD // NS


def _make_sc_agg():
    mesh = plsc.VectorSubcoreMesh(
        core_axis_name="c", subcore_axis_name="s", num_cores=NC, num_subcores=NS
    )
    out_type = jax.ShapeDtypeStruct((NC, N_PAD, D), jnp.float32)
    scratch = [
        pltpu.VMEM((CH,), jnp.int32),
        pltpu.VMEM((CH,), jnp.int32),
        pltpu.VMEM((CH,), jnp.int32),
        pltpu.VMEM((CH,), jnp.int32),
        pltpu.VMEM((CH, D), jnp.float32),
        pltpu.VMEM_SHARED((N_PAD, D), jnp.float32),
        pltpu.SemaphoreType.DMA,
        pltpu.SemaphoreType.DMA,
        pltpu.SemaphoreType.DMA,
    ]

    def body(h_hbm, src_hbm, dst_hbm, znd_hbm, out_hbm,
             src0, dst0, src1, dst1, rows_v, acc_s, sem, is0, is1):
        c = lax.axis_index("c")
        s = lax.axis_index("s")
        wid = s * NC + c
        r0 = s * ROWS_T

        for k in range(ROWS_T // CH):
            rr = r0 + k * CH
            pltpu.sync_copy(znd_hbm.at[pl.ds(rr, CH)], rows_v)
            pltpu.sync_copy(rows_v, acc_s.at[pl.ds(rr, CH)])
        plsc.subcore_barrier()

        base = wid * E_IDX

        def idx_load(off, sv, dv, isem):
            pltpu.async_copy(src_hbm.at[pl.ds(off, CH)], sv, isem)
            pltpu.async_copy(dst_hbm.at[pl.ds(off, CH)], dv, isem)

        def idx_wait(sv, dv, isem):
            pltpu.make_async_copy(src_hbm.at[pl.ds(0, CH)], sv, isem).wait()
            pltpu.make_async_copy(dst_hbm.at[pl.ds(0, CH)], dv, isem).wait()

        def gat_scat(sv, dv):
            pltpu.async_copy(h_hbm.at[sv], rows_v, sem).wait()
            pltpu.sync_copy(rows_v, acc_s.at[dv], add=True)

        idx_load(base, src0, dst0, is0)
        idx_wait(src0, dst0, is0)
        idx_load(base + CH, src1, dst1, is1)
        gat_scat(src0, dst0)

        def pair(p, carry):
            off1 = base + CH + 2 * p * CH
            idx_wait(src1, dst1, is1)
            idx_load(off1 + CH, src0, dst0, is0)
            gat_scat(src1, dst1)
            idx_wait(src0, dst0, is0)
            idx_load(off1 + 2 * CH, src1, dst1, is1)
            gat_scat(src0, dst0)
            return carry

        lax.fori_loop(0, (N_CHK - 1) // 2, pair, 0)
        idx_wait(src1, dst1, is1)
        plsc.subcore_barrier()

        for k in range(ROWS_T // CH):
            rr = r0 + k * CH
            pltpu.sync_copy(acc_s.at[pl.ds(rr, CH)], rows_v)
            pltpu.sync_copy(rows_v, out_hbm.at[c, pl.ds(rr, CH)])

    return pl.kernel(body, out_type, mesh=mesh, scratch_types=scratch)


_sc_agg = _make_sc_agg()


def _make_sc_deg():
    mesh = plsc.VectorSubcoreMesh(
        core_axis_name="c", subcore_axis_name="s", num_cores=NC, num_subcores=NS
    )
    out_type = jax.ShapeDtypeStruct((NC, N_PAD, D), jnp.float32)
    scratch = [
        pltpu.VMEM((CH,), jnp.int32),
        pltpu.VMEM((CH,), jnp.int32),
        pltpu.VMEM((CH, D), jnp.float32),
        pltpu.VMEM_SHARED((N_PAD, D), jnp.float32),
        pltpu.SemaphoreType.DMA,
        pltpu.SemaphoreType.DMA,
    ]

    def body(ones_hbm, dst_hbm, znd_hbm, out_hbm, dst0, dst1, rows_v, acc_s,
             is0, is1):
        c = lax.axis_index("c")
        s = lax.axis_index("s")
        wid = s * NC + c
        r0 = s * ROWS_T

        for k in range(ROWS_T // CH):
            rr = r0 + k * CH
            pltpu.sync_copy(znd_hbm.at[pl.ds(rr, CH)], rows_v)
            pltpu.sync_copy(rows_v, acc_s.at[pl.ds(rr, CH)])
        plsc.subcore_barrier()

        pltpu.sync_copy(ones_hbm, rows_v)
        base = wid * E_IDX

        def idx_wait(dv, isem):
            pltpu.make_async_copy(dst_hbm.at[pl.ds(0, CH)], dv, isem).wait()

        pltpu.async_copy(dst_hbm.at[pl.ds(base, CH)], dst0, is0)
        idx_wait(dst0, is0)
        pltpu.async_copy(dst_hbm.at[pl.ds(base + CH, CH)], dst1, is1)
        pltpu.sync_copy(rows_v, acc_s.at[dst0], add=True)

        def pair(p, carry):
            off1 = base + CH + 2 * p * CH
            idx_wait(dst1, is1)
            pltpu.async_copy(dst_hbm.at[pl.ds(off1 + CH, CH)], dst0, is0)
            pltpu.sync_copy(rows_v, acc_s.at[dst1], add=True)
            idx_wait(dst0, is0)
            pltpu.async_copy(dst_hbm.at[pl.ds(off1 + 2 * CH, CH)], dst1, is1)
            pltpu.sync_copy(rows_v, acc_s.at[dst0], add=True)
            return carry

        lax.fori_loop(0, (N_CHK - 1) // 2, pair, 0)
        idx_wait(dst1, is1)
        plsc.subcore_barrier()

        for k in range(ROWS_T // CH):
            rr = r0 + k * CH
            pltpu.sync_copy(acc_s.at[pl.ds(rr, CH)], rows_v)
            pltpu.sync_copy(rows_v, out_hbm.at[c, pl.ds(rr, CH)])

    return pl.kernel(body, out_type, mesh=mesh, scratch_types=scratch)


_sc_deg = _make_sc_deg()

_BR = 1000


def _tc_layer_body(h_ref, aA_ref, aB_ref, dA_ref, dB_ref, ws_ref, wn_ref,
                   b_ref, o_ref):
    deg = jnp.maximum(dA_ref[0, :, 0:1] + dB_ref[0, :, 0:1], 1.0)
    hn = (aA_ref[0] + aB_ref[0]) / deg
    acc = jnp.dot(h_ref[...], ws_ref[...], preferred_element_type=jnp.float32)
    acc = acc + jnp.dot(hn, wn_ref[...], preferred_element_type=jnp.float32)
    acc = acc + b_ref[...]
    o_ref[...] = jnp.maximum(acc, 0.01 * acc)


_tc_layer = pl.pallas_call(
    _tc_layer_body,
    grid=(N_NODES // _BR,),
    in_specs=[
        pl.BlockSpec((_BR, D), lambda i: (i, 0)),
        pl.BlockSpec((1, _BR, D), lambda i: (0, i, 0)),
        pl.BlockSpec((1, _BR, D), lambda i: (1, i, 0)),
        pl.BlockSpec((1, _BR, D), lambda i: (0, i, 0)),
        pl.BlockSpec((1, _BR, D), lambda i: (1, i, 0)),
        pl.BlockSpec((D, D), lambda i: (0, 0)),
        pl.BlockSpec((D, D), lambda i: (0, 0)),
        pl.BlockSpec((1, D), lambda i: (0, 0)),
    ],
    out_specs=pl.BlockSpec((_BR, D), lambda i: (i, 0)),
    out_shape=jax.ShapeDtypeStruct((N_NODES, D), jnp.float32),
)


def kernel(n_feat, edge_index, Ws0, Wn0, b0, Ws1, Wn1, b1, Ws2, Wn2, b2):
    pad = jnp.zeros((2 * CH,), jnp.int32)
    srcp = jnp.concatenate([edge_index[0].astype(jnp.int32), pad])
    dstp = jnp.concatenate([edge_index[1].astype(jnp.int32), pad])
    znd = jnp.zeros((N_PAD, D), jnp.float32)
    ones_rows = jnp.ones((CH, D), jnp.float32)

    dgp = _sc_deg(ones_rows, dstp, znd)

    h = n_feat
    agg = _sc_agg(h, srcp, dstp, znd)
    h = _tc_layer(h, agg, agg, dgp, dgp, Ws0, Wn0, b0.reshape(1, D))
    agg = _sc_agg(h, srcp, dstp, znd)
    h = _tc_layer(h, agg, agg, dgp, dgp, Ws1, Wn1, b1.reshape(1, D))
    agg = _sc_agg(h, srcp, dstp, znd)
    h = _tc_layer(h, agg, agg, dgp, dgp, Ws2, Wn2, b2.reshape(1, D))
    return h

# --- scband reference (transcript-rebuilt; emitter-appended) ---
"""Pipeline reference for scband-patch-sage-34514357191317 (READ-ONLY COPY).

The authoritative reference and input builder live on the scoring server;
editing this copy changes nothing except your own understanding.
"""

import jax, jax.numpy as jnp
import numpy as np

N_NODES = 10000
N_EDGES = 320000
D_IN = 128
HIDDEN = [128, 128]
D_OUT = 128


def _sage_conv(x, src, dst, W_self, W_neigh, b, n_nodes):
    # DGL SAGEConv with aggregator_type='mean':
    # h_neigh[v] = mean_{u in N(v)} x[u]; rst = fc_self(x) + fc_neigh(h_neigh) + bias
    msg = x[src]
    summed = jax.ops.segment_sum(msg, dst, num_segments=n_nodes)
    deg = jax.ops.segment_sum(jnp.ones((src.shape[0],), dtype=x.dtype), dst, num_segments=n_nodes)
    deg = jnp.maximum(deg, 1.0)
    h_neigh = summed / deg[:, None]
    return x @ W_self + h_neigh @ W_neigh + b


def setup_inputs(seed: int = 0) -> dict:
    key = jax.random.key(seed)
    ks = jax.random.split(key, 16)
    n_feat = jax.random.normal(ks[0], (N_NODES, D_IN), dtype=jnp.float32)
    edge_index = jax.random.randint(ks[1], (2, N_EDGES), 0, N_NODES, dtype=jnp.int64)
    dims = [D_IN] + HIDDEN + [D_OUT]
    params = {}
    for i in range(3):
        din, dout = dims[i], dims[i + 1]
        scale = 1.0 / np.sqrt(din)
        params[f"Ws{i}"] = jax.random.normal(ks[2 + 3 * i], (din, dout), dtype=jnp.float32) * scale
        params[f"Wn{i}"] = jax.random.normal(ks[3 + 3 * i], (din, dout), dtype=jnp.float32) * scale
        params[f"b{i}"] = jnp.zeros((dout,), dtype=jnp.float32)
    return {"n_feat": n_feat, "edge_index": edge_index, **params}


def reference(n_feat, edge_index, Ws0, Wn0, b0, Ws1, Wn1, b1, Ws2, Wn2, b2):
    src = edge_index[0]
    dst = edge_index[1]
    leaky = lambda h: jax.nn.leaky_relu(h, negative_slope=0.01)
    # flatten (identity on 2D input)
    h = n_feat.reshape(n_feat.shape[0], -1)
    # input layer
    h = leaky(_sage_conv(h, src, dst, Ws0, Wn0, b0, N_NODES))
    # middle layer(s)
    h = leaky(_sage_conv(h, src, dst, Ws1, Wn1, b1, N_NODES))
    # output layer
    h = leaky(_sage_conv(h, src, dst, Ws2, Wn2, b2, N_NODES))
    return h

if __name__ == "__main__":
    import jax
    _d = setup_inputs()
    print(jax.jit(kernel)(*tuple(_d.values())))

</pallas_src>

<mosaic_0001>
#map = affine_map<(d0, d1) -> (0, 0)>
#map1 = affine_map<(d0, d1) -> (0)>
#map2 = affine_map<(d0, d1) -> (0, 0, 0)>
module attributes {stable_mosaic.version = 14 : i64} {
  func.func @body(%arg0: i32, %arg1: i32, %arg2: memref<80x128xf32, #tpu.memory_space<hbm>>, %arg3: memref<320160xi32, #tpu.memory_space<hbm>>, %arg4: memref<10240x128xf32, #tpu.memory_space<hbm>>, %arg5: memref<2x10240x128xf32, #tpu.memory_space<hbm>>, %arg6: memref<80xi32, #tpu.memory_space<vmem>>, %arg7: memref<80xi32, #tpu.memory_space<vmem>>, %arg8: memref<80x128xf32, #tpu.memory_space<vmem>>, %arg9: memref<10240x128xf32, #tpu.memory_space<vmem_shared>>, %arg10: memref<!tpu.dma_semaphore, #tpu.memory_space<semaphore_mem>>, %arg11: memref<!tpu.dma_semaphore, #tpu.memory_space<semaphore_mem>>) attributes {dimension_semantics = [#tpu.dimension_semantics<core_parallel>, #tpu.dimension_semantics<subcore_parallel>], iteration_bounds = array<i64: 2, 16>, scalar_prefetch = 0 : i64, scratch_operands = 6 : i64, tpu.core_type = #tpu.core_type<sc_vector_subcore>, window_params = [{transform_indices = #map}, {transform_indices = #map1}, {transform_indices = #map}, {transform_indices = #map2}]} {
    %mul3A = arith.constant 2 : i32
    %mul3A_0 = arith.muli %arg1, %mul3A : i32
    %add3A = arith.addi %mul3A_0, %arg0 : i32
    %mul3A_1 = arith.constant 640 : i32
    %mul3A_2 = arith.muli %arg1, %mul3A_1 : i32
    %add3A_3 = arith.constant 0 : i32
    %add3A_4 = arith.addi %mul3A_2, %add3A_3 : i32
    "tpu.region"() ({
      %run_scoped3A = tpu.sem_alloc : memref<!tpu.dma_semaphore, #tpu.memory_space<semaphore_mem>>
      %dma_start3A_55 = arith.constant 0 : i32
      %dma_start3A_56 = tpu.memref_slice %arg4[%add3A_4, %dma_start3A_55] : memref<10240x128xf32, #tpu.memory_space<hbm>> -> memref<80x128xf32, #tpu.memory_space<hbm>>
      %dma_start3A_57 = arith.constant 0 : i32
      %dma_start3A_58 = tpu.memref_slice %arg4[%add3A_4, %dma_start3A_57] : memref<10240x128xf32, #tpu.memory_space<hbm>> -> memref<80x128xf32, #tpu.memory_space<hbm>>
      tpu.enqueue_dma source(%dma_start3A_58 : memref<80x128xf32, #tpu.memory_space<hbm>>) target(%arg8 : memref<80x128xf32, #tpu.memory_space<vmem>>) target_semaphore(%run_scoped3A : memref<!tpu.dma_semaphore, #tpu.memory_space<semaphore_mem>>)
      %dma_wait3A_59 = arith.constant 0 : i32
      %dma_wait3A_60 = tpu.memref_slice %arg4[%add3A_4, %dma_wait3A_59] : memref<10240x128xf32, #tpu.memory_space<hbm>> -> memref<80x128xf32, #tpu.memory_space<hbm>>
      %dma_wait3A_61 = arith.constant 0 : i32
      %dma_wait3A_62 = tpu.memref_slice %arg4[%add3A_4, %dma_wait3A_61] : memref<10240x128xf32, #tpu.memory_space<hbm>> -> memref<80x128xf32, #tpu.memory_space<hbm>>
      tpu.wait_dma2 semaphore(%run_scoped3A : memref<!tpu.dma_semaphore, #tpu.memory_space<semaphore_mem>>) src(%dma_wait3A_62 : memref<80x128xf32, #tpu.memory_space<hbm>>) dst(%arg8 : memref<80x128xf32, #tpu.memory_space<vmem>>)
      tpu.yield
    }) : () -> ()
    "tpu.region"() ({
      %run_scoped3A = tpu.sem_alloc : memref<!tpu.dma_semaphore, #tpu.memory_space<semaphore_mem>>
      %dma_start3A_55 = arith.constant 0 : i32
      %dma_start3A_56 = tpu.memref_slice %arg9[%add3A_4, %dma_start3A_55] : memref<10240x128xf32, #tpu.memory_space<vmem_shared>> -> memref<80x128xf32, #tpu.memory_space<vmem_shared>>
      %dma_start3A_57 = arith.constant 0 : i32
      %dma_start3A_58 = tpu.memref_slice %arg9[%add3A_4, %dma_start3A_57] : memref<10240x128xf32, #tpu.memory_space<vmem_shared>> -> memref<80x128xf32, #tpu.memory_space<vmem_shared>>
      tpu.enqueue_dma source(%arg8 : memref<80x128xf32, #tpu.memory_space<vmem>>) target(%dma_start3A_58 : memref<80x128xf32, #tpu.memory_space<vmem_shared>>) target_semaphore(%run_scoped3A : memref<!tpu.dma_semaphore, #tpu.memory_space<semaphore_mem>>)
      %dma_wait3A_59 = arith.constant 0 : i32
      %dma_wait3A_60 = tpu.memref_slice %arg9[%add3A_4, %dma_wait3A_59] : memref<10240x128xf32, #tpu.memory_space<vmem_shared>> -> memref<80x128xf32, #tpu.memory_space<vmem_shared>>
      %dma_wait3A_61 = arith.constant 0 : i32
      %dma_wait3A_62 = tpu.memref_slice %arg9[%add3A_4, %dma_wait3A_61] : memref<10240x128xf32, #tpu.memory_space<vmem_shared>> -> memref<80x128xf32, #tpu.memory_space<vmem_shared>>
      tpu.wait_dma2 semaphore(%run_scoped3A : memref<!tpu.dma_semaphore, #tpu.memory_space<semaphore_mem>>) src(%arg8 : memref<80x128xf32, #tpu.memory_space<vmem>>) dst(%dma_wait3A_62 : memref<80x128xf32, #tpu.memory_space<vmem_shared>>)
      tpu.yield
    }) : () -> ()
    %add3A_5 = arith.constant 80 : i32
    %add3A_6 = arith.addi %mul3A_2, %add3A_5 : i32
    "tpu.region"() ({
      %run_scoped3A = tpu.sem_alloc : memref<!tpu.dma_semaphore, #tpu.memory_space<semaphore_mem>>
      %dma_start3A_55 = arith.constant 0 : i32
      %dma_start3A_56 = tpu.memref_slice %arg4[%add3A_6, %dma_start3A_55] : memref<10240x128xf32, #tpu.memory_space<hbm>> -> memref<80x128xf32, #tpu.memory_space<hbm>>
      %dma_start3A_57 = arith.constant 0 : i32
      %dma_start3A_58 = tpu.memref_slice %arg4[%add3A_6, %dma_start3A_57] : memref<10240x128xf32, #tpu.memory_space<hbm>> -> memref<80x128xf32, #tpu.memory_space<hbm>>
      tpu.enqueue_dma source(%dma_start3A_58 : memref<80x128xf32, #tpu.memory_space<hbm>>) target(%arg8 : memref<80x128xf32, #tpu.memory_space<vmem>>) target_semaphore(%run_scoped3A : memref<!tpu.dma_semaphore, #tpu.memory_space<semaphore_mem>>)
      %dma_wait3A_59 = arith.constant 0 : i32
      %dma_wait3A_60 = tpu.memref_slice %arg4[%add3A_6, %dma_wait3A_59] : memref<10240x128xf32, #tpu.memory_space<hbm>> -> memref<80x128xf32, #tpu.memory_space<hbm>>
      %dma_wait3A_61 = arith.constant 0 : i32
      %dma_wait3A_62 = tpu.memref_slice %arg4[%add3A_6, %dma_wait3A_61] : memref<10240x128xf32, #tpu.memory_space<hbm>> -> memref<80x128xf32, #tpu.memory_space<hbm>>
      tpu.wait_dma2 semaphore(%run_scoped3A : memref<!tpu.dma_semaphore, #tpu.memory_space<semaphore_mem>>) src(%dma_wait3A_62 : memref<80x128xf32, #tpu.memory_space<hbm>>) dst(%arg8 : memref<80x128xf32, #tpu.memory_space<vmem>>)
      tpu.yield
    }) : () -> ()
    "tpu.region"() ({
      %run_scoped3A = tpu.sem_alloc : memref<!tpu.dma_semaphore, #tpu.memory_space<semaphore_mem>>
      %dma_start3A_55 = arith.constant 0 : i32
      %dma_start3A_56 = tpu.memref_slice %arg9[%add3A_6, %dma_start3A_55] : memref<10240x128xf32, #tpu.memory_space<vmem_shared>> -> memref<80x128xf32, #tpu.memory_space<vmem_shared>>
      %dma_start3A_57 = arith.constant 0 : i32
      %dma_start3A_58 = tpu.memref_slice %arg9[%add3A_6, %dma_start3A_57] : memref<10240x128xf32, #tpu.memory_space<vmem_shared>> -> memref<80x128xf32, #tpu.memory_space<vmem_shared>>
      tpu.enqueue_dma source(%arg8 : memref<80x128xf32, #tpu.memory_space<vmem>>) target(%dma_start3A_58 : memref<80x128xf32, #tpu.memory_space<vmem_shared>>) target_semaphore(%run_scoped3A : memref<!tpu.dma_semaphore, #tpu.memory_space<semaphore_mem>>)
      %dma_wait3A_59 = arith.constant 0 : i32
      %dma_wait3A_60 = tpu.memref_slice %arg9[%add3A_6, %dma_wait3A_59] : memref<10240x128xf32, #tpu.memory_space<vmem_shared>> -> memref<80x128xf32, #tpu.memory_space<vmem_shared>>
      %dma_wait3A_61 = arith.constant 0 : i32
      %dma_wait3A_62 = tpu.memref_slice %arg9[%add3A_6, %dma_wait3A_61] : memref<10240x128xf32, #tpu.memory_space<vmem_shared>> -> memref<80x128xf32, #tpu.memory_space<vmem_shared>>
      tpu.wait_dma2 semaphore(%run_scoped3A : memref<!tpu.dma_semaphore, #tpu.memory_space<semaphore_mem>>) src(%arg8 : memref<80x128xf32, #tpu.memory_space<vmem>>) dst(%dma_wait3A_62 : memref<80x128xf32, #tpu.memory_space<vmem_shared>>)
      tpu.yield
    }) : () -> ()
    %add3A_7 = arith.constant 160 : i32
    %add3A_8 = arith.addi %mul3A_2, %add3A_7 : i32
    "tpu.region"() ({
      %run_scoped3A = tpu.sem_alloc : memref<!tpu.dma_semaphore, #tpu.memory_space<semaphore_mem>>
      %dma_start3A_55 = arith.constant 0 : i32
      %dma_start3A_56 = tpu.memref_slice %arg4[%add3A_8, %dma_start3A_55] : memref<10240x128xf32, #tpu.memory_space<hbm>> -> memref<80x128xf32, #tpu.memory_space<hbm>>
      %dma_start3A_57 = arith.constant 0 : i32
      %dma_start3A_58 = tpu.memref_slice %arg4[%add3A_8, %dma_start3A_57] : memref<10240x128xf32, #tpu.memory_space<hbm>> -> memref<80x128xf32, #tpu.memory_space<hbm>>
      tpu.enqueue_dma source(%dma_start3A_58 : memref<80x128xf32, #tpu.memory_space<hbm>>) target(%arg8 : memref<80x128xf32, #tpu.memory_space<vmem>>) target_semaphore(%run_scoped3A : memref<!tpu.dma_semaphore, #tpu.memory_space<semaphore_mem>>)
      %dma_wait3A_59 = arith.constant 0 : i32
      %dma_wait3A_60 = tpu.memref_slice %arg4[%add3A_8, %dma_wait3A_59] : memref<10240x128xf32, #tpu.memory_space<hbm>> -> memref<80x128xf32, #tpu.memory_space<hbm>>
      %dma_wait3A_61 = arith.constant 0 : i32
      %dma_wait3A_62 = tpu.memref_slice %arg4[%add3A_8, %dma_wait3A_61] : memref<10240x128xf32, #tpu.memory_space<hbm>> -> memref<80x128xf32, #tpu.memory_space<hbm>>
      tpu.wait_dma2 semaphore(%run_scoped3A : memref<!tpu.dma_semaphore, #tpu.memory_space<semaphore_mem>>) src(%dma_wait3A_62 : memref<80x128xf32, #tpu.memory_space<hbm>>) dst(%arg8 : memref<80x128xf32, #tpu.memory_space<vmem>>)
      tpu.yield
    }) : () -> ()
    "tpu.region"() ({
      %run_scoped3A = tpu.sem_alloc : memref<!tpu.dma_semaphore, #tpu.memory_space<semaphore_mem>>
      %dma_start3A_55 = arith.constant 0 : i32
      %dma_start3A_56 = tpu.memref_slice %arg9[%add3A_8, %dma_start3A_55] : memref<10240x128xf32, #tpu.memory_space<vmem_shared>> -> memref<80x128xf32, #tpu.memory_space<vmem_shared>>
      %dma_start3A_57 = arith.constant 0 : i32
      %dma_start3A_58 = tpu.memref_slice %arg9[%add3A_8, %dma_start3A_57] : memref<10240x128xf32, #tpu.memory_space<vmem_shared>> -> memref<80x128xf32, #tpu.memory_space<vmem_shared>>
      tpu.enqueue_dma source(%arg8 : memref<80x128xf32, #tpu.memory_space<vmem>>) target(%dma_start3A_58 : memref<80x128xf32, #tpu.memory_space<vmem_shared>>) target_semaphore(%run_scoped3A : memref<!tpu.dma_semaphore, #tpu.memory_space<semaphore_mem>>)
      %dma_wait3A_59 = arith.constant 0 : i32
      %dma_wait3A_60 = tpu.memref_slice %arg9[%add3A_8, %dma_wait3A_59] : memref<10240x128xf32, #tpu.memory_space<vmem_shared>> -> memref<80x128xf32, #tpu.memory_space<vmem_shared>>
      %dma_wait3A_61 = arith.constant 0 : i32
      %dma_wait3A_62 = tpu.memref_slice %arg9[%add3A_8, %dma_wait3A_61] : memref<10240x128xf32, #tpu.memory_space<vmem_shared>> -> memref<80x128xf32, #tpu.memory_space<vmem_shared>>
      tpu.wait_dma2 semaphore(%run_scoped3A : memref<!tpu.dma_semaphore, #tpu.memory_space<semaphore_mem>>) src(%arg8 : memref<80x128xf32, #tpu.memory_space<vmem>>) dst(%dma_wait3A_62 : memref<80x128xf32, #tpu.memory_space<vmem_shared>>)
      tpu.yield
    }) : () -> ()
    %add3A_9 = arith.constant 240 : i32
    %add3A_10 = arith.addi %mul3A_2, %add3A_9 : i32
    "tpu.region"() ({
      %run_scoped3A = tpu.sem_alloc : memref<!tpu.dma_semaphore, #tpu.memory_space<semaphore_mem>>
      %dma_start3A_55 = arith.constant 0 : i32
      %dma_start3A_56 = tpu.memref_slice %arg4[%add3A_10, %dma_start3A_55] : memref<10240x128xf32, #tpu.memory_space<hbm>> -> memref<80x128xf32, #tpu.memory_space<hbm>>
      %dma_start3A_57 = arith.constant 0 : i32
      %dma_start3A_58 = tpu.memref_slice %arg4[%add3A_10, %dma_start3A_57] : memref<10240x128xf32, #tpu.memory_space<hbm>> -> memref<80x128xf32, #tpu.memory_space<hbm>>
      tpu.enqueue_dma source(%dma_start3A_58 : memref<80x128xf32, #tpu.memory_space<hbm>>) target(%arg8 : memref<80x128xf32, #tpu.memory_space<vmem>>) target_semaphore(%run_scoped3A : memref<!tpu.dma_semaphore, #tpu.memory_space<semaphore_mem>>)
      %dma_wait3A_59 = arith.constant 0 : i32
      %dma_wait3A_60 = tpu.memref_slice %arg4[%add3A_10, %dma_wait3A_59] : memref<10240x128xf32, #tpu.memory_space<hbm>> -> memref<80x128xf32, #tpu.memory_space<hbm>>
      %dma_wait3A_61 = arith.constant 0 : i32
      %dma_wait3A_62 = tpu.memref_slice %arg4[%add3A_10, %dma_wait3A_61] : memref<10240x128xf32, #tpu.memory_space<hbm>> -> memref<80x128xf32, #tpu.memory_space<hbm>>
      tpu.wait_dma2 semaphore(%run_scoped3A : memref<!tpu.dma_semaphore, #tpu.memory_space<semaphore_mem>>) src(%dma_wait3A_62 : memref<80x128xf32, #tpu.memory_space<hbm>>) dst(%arg8 : memref<80x128xf32, #tpu.memory_space<vmem>>)
      tpu.yield
    }) : () -> ()
    "tpu.region"() ({
      %run_scoped3A = tpu.sem_alloc : memref<!tpu.dma_semaphore, #tpu.memory_space<semaphore_mem>>
      %dma_start3A_55 = arith.constant 0 : i32
      %dma_start3A_56 = tpu.memref_slice %arg9[%add3A_10, %dma_start3A_55] : memref<10240x128xf32, #tpu.memory_space<vmem_shared>> -> memref<80x128xf32, #tpu.memory_space<vmem_shared>>
      %dma_start3A_57 = arith.constant 0 : i32
      %dma_start3A_58 = tpu.memref_slice %arg9[%add3A_10, %dma_start3A_57] : memref<10240x128xf32, #tpu.memory_space<vmem_shared>> -> memref<80x128xf32, #tpu.memory_space<vmem_shared>>
      tpu.enqueue_dma source(%arg8 : memref<80x128xf32, #tpu.memory_space<vmem>>) target(%dma_start3A_58 : memref<80x128xf32, #tpu.memory_space<vmem_shared>>) target_semaphore(%run_scoped3A : memref<!tpu.dma_semaphore, #tpu.memory_space<semaphore_mem>>)
      %dma_wait3A_59 = arith.constant 0 : i32
      %dma_wait3A_60 = tpu.memref_slice %arg9[%add3A_10, %dma_wait3A_59] : memref<10240x128xf32, #tpu.memory_space<vmem_shared>> -> memref<80x128xf32, #tpu.memory_space<vmem_shared>>
      %dma_wait3A_61 = arith.constant 0 : i32
      %dma_wait3A_62 = tpu.memref_slice %arg9[%add3A_10, %dma_wait3A_61] : memref<10240x128xf32, #tpu.memory_space<vmem_shared>> -> memref<80x128xf32, #tpu.memory_space<vmem_shared>>
      tpu.wait_dma2 semaphore(%run_scoped3A : memref<!tpu.dma_semaphore, #tpu.memory_space<semaphore_mem>>) src(%arg8 : memref<80x128xf32, #tpu.memory_space<vmem>>) dst(%dma_wait3A_62 : memref<80x128xf32, #tpu.memory_space<vmem_shared>>)
      tpu.yield
    }) : () -> ()
    %add3A_11 = arith.constant 320 : i32
    %add3A_12 = arith.addi %mul3A_2, %add3A_11 : i32
    "tpu.region"() ({
      %run_scoped3A = tpu.sem_alloc : memref<!tpu.dma_semaphore, #tpu.memory_space<semaphore_mem>>
      %dma_start3A_55 = arith.constant 0 : i32
      %dma_start3A_56 = tpu.memref_slice %arg4[%add3A_12, %dma_start3A_55] : memref<10240x128xf32, #tpu.memory_space<hbm>> -> memref<80x128xf32, #tpu.memory_space<hbm>>
      %dma_start3A_57 = arith.constant 0 : i32
      %dma_start3A_58 = tpu.memref_slice %arg4[%add3A_12, %dma_start3A_57] : memref<10240x128xf32, #tpu.memory_space<hbm>> -> memref<80x128xf32, #tpu.memory_space<hbm>>
      tpu.enqueue_dma source(%dma_start3A_58 : memref<80x128xf32, #tpu.memory_space<hbm>>) target(%arg8 : memref<80x128xf32, #tpu.memory_space<vmem>>) target_semaphore(%run_scoped3A : memref<!tpu.dma_semaphore, #tpu.memory_space<semaphore_mem>>)
      %dma_wait3A_59 = arith.constant 0 : i32
      %dma_wait3A_60 = tpu.memref_slice %arg4[%add3A_12, %dma_wait3A_59] : memref<10240x128xf32, #tpu.memory_space<hbm>> -> memref<80x128xf32, #tpu.memory_space<hbm>>
      %dma_wait3A_61 = arith.constant 0 : i32
      %dma_wait3A_62 = tpu.memref_slice %arg4[%add3A_12, %dma_wait3A_61] : memref<10240x128xf32, #tpu.memory_space<hbm>> -> memref<80x128xf32, #tpu.memory_space<hbm>>
      tpu.wait_dma2 semaphore(%run_scoped3A : memref<!tpu.dma_semaphore, #tpu.memory_space<semaphore_mem>>) src(%dma_wait3A_62 : memref<80x128xf32, #tpu.memory_space<hbm>>) dst(%arg8 : memref<80x128xf32, #tpu.memory_space<vmem>>)
      tpu.yield
    }) : () -> ()
    "tpu.region"() ({
      %run_scoped3A = tpu.sem_alloc : memref<!tpu.dma_semaphore, #tpu.memory_space<semaphore_mem>>
      %dma_start3A_55 = arith.constant 0 : i32
      %dma_start3A_56 = tpu.memref_slice %arg9[%add3A_12, %dma_start3A_55] : memref<10240x128xf32, #tpu.memory_space<vmem_shared>> -> memref<80x128xf32, #tpu.memory_space<vmem_shared>>
      %dma_start3A_57 = arith.constant 0 : i32
      %dma_start3A_58 = tpu.memref_slice %arg9[%add3A_12, %dma_start3A_57] : memref<10240x128xf32, #tpu.memory_space<vmem_shared>> -> memref<80x128xf32, #tpu.memory_space<vmem_shared>>
      tpu.enqueue_dma source(%arg8 : memref<80x128xf32, #tpu.memory_space<vmem>>) target(%dma_start3A_58 : memref<80x128xf32, #tpu.memory_space<vmem_shared>>) target_semaphore(%run_scoped3A : memref<!tpu.dma_semaphore, #tpu.memory_space<semaphore_mem>>)
      %dma_wait3A_59 = arith.constant 0 : i32
      %dma_wait3A_60 = tpu.memref_slice %arg9[%add3A_12, %dma_wait3A_59] : memref<10240x128xf32, #tpu.memory_space<vmem_shared>> -> memref<80x128xf32, #tpu.memory_space<vmem_shared>>
      %dma_wait3A_61 = arith.constant 0 : i32
      %dma_wait3A_62 = tpu.memref_slice %arg9[%add3A_12, %dma_wait3A_61] : memref<10240x128xf32, #tpu.memory_space<vmem_shared>> -> memref<80x128xf32, #tpu.memory_space<vmem_shared>>
      tpu.wait_dma2 semaphore(%run_scoped3A : memref<!tpu.dma_semaphore, #tpu.memory_space<semaphore_mem>>) src(%arg8 : memref<80x128xf32, #tpu.memory_space<vmem>>) dst(%dma_wait3A_62 : memref<80x128xf32, #tpu.memory_space<vmem_shared>>)
      tpu.yield
    }) : () -> ()
    %add3A_13 = arith.constant 400 : i32
    %add3A_14 = arith.addi %mul3A_2, %add3A_13 : i32
    "tpu.region"() ({
      %run_scoped3A = tpu.sem_alloc : memref<!tpu.dma_semaphore, #tpu.memory_space<semaphore_mem>>
      %dma_start3A_55 = arith.constant 0 : i32
      %dma_start3A_56 = tpu.memref_slice %arg4[%add3A_14, %dma_start3A_55] : memref<10240x128xf32, #tpu.memory_space<hbm>> -> memref<80x128xf32, #tpu.memory_space<hbm>>
      %dma_start3A_57 = arith.constant 0 : i32
      %dma_start3A_58 = tpu.memref_slice %arg4[%add3A_14, %dma_start3A_57] : memref<10240x128xf32, #tpu.memory_space<hbm>> -> memref<80x128xf32, #tpu.memory_space<hbm>>
      tpu.enqueue_dma source(%dma_start3A_58 : memref<80x128xf32, #tpu.memory_space<hbm>>) target(%arg8 : memref<80x128xf32, #tpu.memory_space<vmem>>) target_semaphore(%run_scoped3A : memref<!tpu.dma_semaphore, #tpu.memory_space<semaphore_mem>>)
      %dma_wait3A_59 = arith.constant 0 : i32
      %dma_wait3A_60 = tpu.memref_slice %arg4[%add3A_14, %dma_wait3A_59] : memref<10240x128xf32, #tpu.memory_space<hbm>> -> memref<80x128xf32, #tpu.memory_space<hbm>>
      %dma_wait3A_61 = arith.constant 0 : i32
      %dma_wait3A_62 = tpu.memref_slice %arg4[%add3A_14, %dma_wait3A_61] : memref<10240x128xf32, #tpu.memory_space<hbm>> -> memref<80x128xf32, #tpu.memory_space<hbm>>
      tpu.wait_dma2 semaphore(%run_scoped3A : memref<!tpu.dma_semaphore, #tpu.memory_space<semaphore_mem>>) src(%dma_wait3A_62 : memref<80x128xf32, #tpu.memory_space<hbm>>) dst(%arg8 : memref<80x128xf32, #tpu.memory_space<vmem>>)
      tpu.yield
    }) : () -> ()
    "tpu.region"() ({
      %run_scoped3A = tpu.sem_alloc : memref<!tpu.dma_semaphore, #tpu.memory_space<semaphore_mem>>
      %dma_start3A_55 = arith.constant 0 : i32
      %dma_start3A_56 = tpu.memref_slice %arg9[%add3A_14, %dma_start3A_55] : memref<10240x128xf32, #tpu.memory_space<vmem_shared>> -> memref<80x128xf32, #tpu.memory_space<vmem_shared>>
      %dma_start3A_57 = arith.constant 0 : i32
      %dma_start3A_58 = tpu.memref_slice %arg9[%add3A_14, %dma_start3A_57] : memref<10240x128xf32, #tpu.memory_space<vmem_shared>> -> memref<80x128xf32, #tpu.memory_space<vmem_shared>>
      tpu.enqueue_dma source(%arg8 : memref<80x128xf32, #tpu.memory_space<vmem>>) target(%dma_start3A_58 : memref<80x128xf32, #tpu.memory_space<vmem_shared>>) target_semaphore(%run_scoped3A : memref<!tpu.dma_semaphore, #tpu.memory_space<semaphore_mem>>)
      %dma_wait3A_59 = arith.constant 0 : i32
      %dma_wait3A_60 = tpu.memref_slice %arg9[%add3A_14, %dma_wait3A_59] : memref<10240x128xf32, #tpu.memory_space<vmem_shared>> -> memref<80x128xf32, #tpu.memory_space<vmem_shared>>
      %dma_wait3A_61 = arith.constant 0 : i32
      %dma_wait3A_62 = tpu.memref_slice %arg9[%add3A_14, %dma_wait3A_61] : memref<10240x128xf32, #tpu.memory_space<vmem_shared>> -> memref<80x128xf32, #tpu.memory_space<vmem_shared>>
      tpu.wait_dma2 semaphore(%run_scoped3A : memref<!tpu.dma_semaphore, #tpu.memory_space<semaphore_mem>>) src(%arg8 : memref<80x128xf32, #tpu.memory_space<vmem>>) dst(%dma_wait3A_62 : memref<80x128xf32, #tpu.memory_space<vmem_shared>>)
      tpu.yield
    }) : () -> ()
    %add3A_15 = arith.constant 480 : i32
    %add3A_16 = arith.addi %mul3A_2, %add3A_15 : i32
    "tpu.region"() ({
      %run_scoped3A = tpu.sem_alloc : memref<!tpu.dma_semaphore, #tpu.memory_space<semaphore_mem>>
      %dma_start3A_55 = arith.constant 0 : i32
      %dma_start3A_56 = tpu.memref_slice %arg4[%add3A_16, %dma_start3A_55] : memref<10240x128xf32, #tpu.memory_space<hbm>> -> memref<80x128xf32, #tpu.memory_space<hbm>>
      %dma_start3A_57 = arith.constant 0 : i32
      %dma_start3A_58 = tpu.memref_slice %arg4[%add3A_16, %dma_start3A_57] : memref<10240x128xf32, #tpu.memory_space<hbm>> -> memref<80x128xf32, #tpu.memory_space<hbm>>
      tpu.enqueue_dma source(%dma_start3A_58 : memref<80x128xf32, #tpu.memory_space<hbm>>) target(%arg8 : memref<80x128xf32, #tpu.memory_space<vmem>>) target_semaphore(%run_scoped3A : memref<!tpu.dma_semaphore, #tpu.memory_space<semaphore_mem>>)
      %dma_wait3A_59 = arith.constant 0 : i32
      %dma_wait3A_60 = tpu.memref_slice %arg4[%add3A_16, %dma_wait3A_59] : memref<10240x128xf32, #tpu.memory_space<hbm>> -> memref<80x128xf32, #tpu.memory_space<hbm>>
      %dma_wait3A_61 = arith.constant 0 : i32
      %dma_wait3A_62 = tpu.memref_slice %arg4[%add3A_16, %dma_wait3A_61] : memref<10240x128xf32, #tpu.memory_space<hbm>> -> memref<80x128xf32, #tpu.memory_space<hbm>>
      tpu.wait_dma2 semaphore(%run_scoped3A : memref<!tpu.dma_semaphore, #tpu.memory_space<semaphore_mem>>) src(%dma_wait3A_62 : memref<80x128xf32, #tpu.memory_space<hbm>>) dst(%arg8 : memref<80x128xf32, #tpu.memory_space<vmem>>)
      tpu.yield
    }) : () -> ()
    "tpu.region"() ({
      %run_scoped3A = tpu.sem_alloc : memref<!tpu.dma_semaphore, #tpu.memory_space<semaphore_mem>>
      %dma_start3A_55 = arith.constant 0 : i32
      %dma_start3A_56 = tpu.memref_slice %arg9[%add3A_16, %dma_start3A_55] : memref<10240x128xf32, #tpu.memory_space<vmem_shared>> -> memref<80x128xf32, #tpu.memory_space<vmem_shared>>
      %dma_start3A_57 = arith.constant 0 : i32
      %dma_start3A_58 = tpu.memref_slice %arg9[%add3A_16, %dma_start3A_57] : memref<10240x128xf32, #tpu.memory_space<vmem_shared>> -> memref<80x128xf32, #tpu.memory_space<vmem_shared>>
      tpu.enqueue_dma source(%arg8 : memref<80x128xf32, #tpu.memory_space<vmem>>) target(%dma_start3A_58 : memref<80x128xf32, #tpu.memory_space<vmem_shared>>) target_semaphore(%run_scoped3A : memref<!tpu.dma_semaphore, #tpu.memory_space<semaphore_mem>>)
      %dma_wait3A_59 = arith.constant 0 : i32
      %dma_wait3A_60 = tpu.memref_slice %arg9[%add3A_16, %dma_wait3A_59] : memref<10240x128xf32, #tpu.memory_space<vmem_shared>> -> memref<80x128xf32, #tpu.memory_space<vmem_shared>>
      %dma_wait3A_61 = arith.constant 0 : i32
      %dma_wait3A_62 = tpu.memref_slice %arg9[%add3A_16, %dma_wait3A_61] : memref<10240x128xf32, #tpu.memory_space<vmem_shared>> -> memref<80x128xf32, #tpu.memory_space<vmem_shared>>
      tpu.wait_dma2 semaphore(%run_scoped3A : memref<!tpu.dma_semaphore, #tpu.memory_space<semaphore_mem>>) src(%arg8 : memref<80x128xf32, #tpu.memory_space<vmem>>) dst(%dma_wait3A_62 : memref<80x128xf32, #tpu.memory_space<vmem_shared>>)
      tpu.yield
    }) : () -> ()
    %add3A_17 = arith.constant 560 : i32
    %add3A_18 = arith.addi %mul3A_2, %add3A_17 : i32
    "tpu.region"() ({
      %run_scoped3A = tpu.sem_alloc : memref<!tpu.dma_semaphore, #tpu.memory_space<semaphore_mem>>
      %dma_start3A_55 = arith.constant 0 : i32
      %dma_start3A_56 = tpu.memref_slice %arg4[%add3A_18, %dma_start3A_55] : memref<10240x128xf32, #tpu.memory_space<hbm>> -> memref<80x128xf32, #tpu.memory_space<hbm>>
      %dma_start3A_57 = arith.constant 0 : i32
      %dma_start3A_58 = tpu.memref_slice %arg4[%add3A_18, %dma_start3A_57] : memref<10240x128xf32, #tpu.memory_space<hbm>> -> memref<80x128xf32, #tpu.memory_space<hbm>>
      tpu.enqueue_dma source(%dma_start3A_58 : memref<80x128xf32, #tpu.memory_space<hbm>>) target(%arg8 : memref<80x128xf32, #tpu.memory_space<vmem>>) target_semaphore(%run_scoped3A : memref<!tpu.dma_semaphore, #tpu.memory_space<semaphore_mem>>)
      %dma_wait3A_59 = arith.constant 0 : i32
      %dma_wait3A_60 = tpu.memref_slice %arg4[%add3A_18, %dma_wait3A_59] : memref<10240x128xf32, #tpu.memory_space<hbm>> -> memref<80x128xf32, #tpu.memory_space<hbm>>
      %dma_wait3A_61 = arith.constant 0 : i32
      %dma_wait3A_62 = tpu.memref_slice %arg4[%add3A_18, %dma_wait3A_61] : memref<10240x128xf32, #tpu.memory_space<hbm>> -> memref<80x128xf32, #tpu.memory_space<hbm>>
      tpu.wait_dma2 semaphore(%run_scoped3A : memref<!tpu.dma_semaphore, #tpu.memory_space<semaphore_mem>>) src(%dma_wait3A_62 : memref<80x128xf32, #tpu.memory_space<hbm>>) dst(%arg8 : memref<80x128xf32, #tpu.memory_space<vmem>>)
      tpu.yield
    }) : () -> ()
    "tpu.region"() ({
      %run_scoped3A = tpu.sem_alloc : memref<!tpu.dma_semaphore, #tpu.memory_space<semaphore_mem>>
      %dma_start3A_55 = arith.constant 0 : i32
      %dma_start3A_56 = tpu.memref_slice %arg9[%add3A_18, %dma_start3A_55] : memref<10240x128xf32, #tpu.memory_space<vmem_shared>> -> memref<80x128xf32, #tpu.memory_space<vmem_shared>>
      %dma_start3A_57 = arith.constant 0 : i32
      %dma_start3A_58 = tpu.memref_slice %arg9[%add3A_18, %dma_start3A_57] : memref<10240x128xf32, #tpu.memory_space<vmem_shared>> -> memref<80x128xf32, #tpu.memory_space<vmem_shared>>
      tpu.enqueue_dma source(%arg8 : memref<80x128xf32, #tpu.memory_space<vmem>>) target(%dma_start3A_58 : memref<80x128xf32, #tpu.memory_space<vmem_shared>>) target_semaphore(%run_scoped3A : memref<!tpu.dma_semaphore, #tpu.memory_space<semaphore_mem>>)
      %dma_wait3A_59 = arith.constant 0 : i32
      %dma_wait3A_60 = tpu.memref_slice %arg9[%add3A_18, %dma_wait3A_59] : memref<10240x128xf32, #tpu.memory_space<vmem_shared>> -> memref<80x128xf32, #tpu.memory_space<vmem_shared>>
      %dma_wait3A_61 = arith.constant 0 : i32
      %dma_wait3A_62 = tpu.memref_slice %arg9[%add3A_18, %dma_wait3A_61] : memref<10240x128xf32, #tpu.memory_space<vmem_shared>> -> memref<80x128xf32, #tpu.memory_space<vmem_shared>>
      tpu.wait_dma2 semaphore(%run_scoped3A : memref<!tpu.dma_semaphore, #tpu.memory_space<semaphore_mem>>) src(%arg8 : memref<80x128xf32, #tpu.memory_space<vmem>>) dst(%dma_wait3A_62 : memref<80x128xf32, #tpu.memory_space<vmem_shared>>)
      tpu.yield
    }) : () -> ()
    %barrier3A = arith.constant 0 : index
    tpu.barrier barrier_id(%barrier3A)
    "tpu.region"() ({
      %run_scoped3A = tpu.sem_alloc : memref<!tpu.dma_semaphore, #tpu.memory_space<semaphore_mem>>
      tpu.enqueue_dma source(%arg2 : memref<80x128xf32, #tpu.memory_space<hbm>>) target(%arg8 : memref<80x128xf32, #tpu.memory_space<vmem>>) target_semaphore(%run_scoped3A : memref<!tpu.dma_semaphore, #tpu.memory_space<semaphore_mem>>)
      tpu.wait_dma2 semaphore(%run_scoped3A : memref<!tpu.dma_semaphore, #tpu.memory_space<semaphore_mem>>) src(%arg2 : memref<80x128xf32, #tpu.memory_space<hbm>>) dst(%arg8 : memref<80x128xf32, #tpu.memory_space<vmem>>)
      tpu.yield
    }) : () -> ()
    %mul3A_19 = arith.constant 10000 : i32
    %mul3A_20 = arith.muli %add3A, %mul3A_19 : i32
    %dma_start3A = tpu.memref_slice %arg3[%mul3A_20] : memref<320160xi32, #tpu.memory_space<hbm>> -> memref<80xi32, #tpu.memory_space<hbm>>
    %dma_start3A_21 = tpu.memref_slice %arg3[%mul3A_20] : memref<320160xi32, #tpu.memory_space<hbm>> -> memref<80xi32, #tpu.memory_space<hbm>>
    tpu.enqueue_dma source(%dma_start3A_21 : memref<80xi32, #tpu.memory_space<hbm>>) target(%arg6 : memref<80xi32, #tpu.memory_space<vmem>>) target_semaphore(%arg10 : memref<!tpu.dma_semaphore, #tpu.memory_space<semaphore_mem>>)
    %dma_wait3A = arith.constant 0 : i32
    %dma_wait3A_22 = tpu.memref_slice %arg3[%dma_wait3A] : memref<320160xi32, #tpu.memory_space<hbm>> -> memref<80xi32, #tpu.memory_space<hbm>>
    %dma_wait3A_23 = arith.constant 0 : i32
    %dma_wait3A_24 = tpu.memref_slice %arg3[%dma_wait3A_23] : memref<320160xi32, #tpu.memory_space<hbm>> -> memref<80xi32, #tpu.memory_space<hbm>>
    tpu.wait_dma2 semaphore(%arg10 : memref<!tpu.dma_semaphore, #tpu.memory_space<semaphore_mem>>) src(%dma_wait3A_24 : memref<80xi32, #tpu.memory_space<hbm>>) dst(%arg6 : memref<80xi32, #tpu.memory_space<vmem>>)
    %add3A_25 = arith.constant 80 : i32
    %add3A_26 = arith.addi %mul3A_20, %add3A_25 : i32
    %dma_start3A_27 = tpu.memref_slice %arg3[%add3A_26] : memref<320160xi32, #tpu.memory_space<hbm>> -> memref<80xi32, #tpu.memory_space<hbm>>
    %dma_start3A_28 = tpu.memref_slice %arg3[%add3A_26] : memref<320160xi32, #tpu.memory_space<hbm>> -> memref<80xi32, #tpu.memory_space<hbm>>
    tpu.enqueue_dma source(%dma_start3A_28 : memref<80xi32, #tpu.memory_space<hbm>>) target(%arg7 : memref<80xi32, #tpu.memory_space<vmem>>) target_semaphore(%arg11 : memref<!tpu.dma_semaphore, #tpu.memory_space<semaphore_mem>>)
    "tpu.region"() ({
      %run_scoped3A = tpu.sem_alloc : memref<!tpu.dma_semaphore, #tpu.memory_space<semaphore_mem>>
      %dma_start3A_55 = arith.constant 0 : i32
      %dma_start3A_56 = arith.constant 0 : i32
      %dma_start3A_57 = tpu.memref_slice %arg9[%dma_start3A_55, %dma_start3A_56] : memref<10240x128xf32, #tpu.memory_space<vmem_shared>> -> memref<10240x128xf32, #tpu.memory_space<vmem_shared>>
      tpu.enqueue_indirect_dma source(%arg8 : memref<80x128xf32, #tpu.memory_space<vmem>>) target(%dma_start3A_57 : memref<10240x128xf32, #tpu.memory_space<vmem_shared>>) offsets(%arg6 : memref<80xi32, #tpu.memory_space<vmem>>) semaphore(%run_scoped3A : memref<!tpu.dma_semaphore, #tpu.memory_space<semaphore_mem>>) {add = true}
      %dma_wait3A_58 = arith.constant 0 : i32
      %dma_wait3A_59 = arith.constant 0 : i32
      %dma_wait3A_60 = tpu.memref_slice %arg9[%dma_wait3A_58, %dma_wait3A_59] : memref<10240x128xf32, #tpu.memory_space<vmem_shared>> -> memref<10240x128xf32, #tpu.memory_space<vmem_shared>>
      tpu.wait_indirect_dma semaphore(%run_scoped3A : memref<!tpu.dma_semaphore, #tpu.memory_space<semaphore_mem>>) src(%arg8 : memref<80x128xf32, #tpu.memory_space<vmem>>) dst(%dma_wait3A_60 : memref<10240x128xf32, #tpu.memory_space<vmem_shared>>)
      tpu.yield
    }) : () -> ()
    %scan3A = arith.constant 0 : i32
    %scan3A_29 = arith.constant 0 : i32
    %scan3A_30 = arith.constant 62 : i32
    %scan3A_31 = arith.addi %scan3A_29, %scan3A_30 : i32
    %scan3A_32 = arith.constant 1 : i32
    scf.for %scan3A_55 = %scan3A_29 to %scan3A_31 step %scan3A_32  : i32 {
      %add3A_56 = arith.constant 80 : i32
      %add3A_57 = arith.addi %mul3A_20, %add3A_56 : i32
      %mul3A_58 = arith.constant 2 : i32
      %mul3A_59 = arith.muli %mul3A_58, %scan3A_55 : i32
      %mul3A_60 = arith.constant 80 : i32
      %mul3A_61 = arith.muli %mul3A_59, %mul3A_60 : i32
      %add3A_62 = arith.addi %add3A_57, %mul3A_61 : i32
      %dma_wait3A_63 = arith.constant 0 : i32
      %dma_wait3A_64 = tpu.memref_slice %arg3[%dma_wait3A_63] : memref<320160xi32, #tpu.memory_space<hbm>> -> memref<80xi32, #tpu.memory_space<hbm>>
      %dma_wait3A_65 = arith.constant 0 : i32
      %dma_wait3A_66 = tpu.memref_slice %arg3[%dma_wait3A_65] : memref<320160xi32, #tpu.memory_space<hbm>> -> memref<80xi32, #tpu.memory_space<hbm>>
      tpu.wait_dma2 semaphore(%arg11 : memref<!tpu.dma_semaphore, #tpu.memory_space<semaphore_mem>>) src(%dma_wait3A_66 : memref<80xi32, #tpu.memory_space<hbm>>) dst(%arg7 : memref<80xi32, #tpu.memory_space<vmem>>)
      %add3A_67 = arith.constant 80 : i32
      %add3A_68 = arith.addi %add3A_62, %add3A_67 : i32
      %dma_start3A_69 = tpu.memref_slice %arg3[%add3A_68] : memref<320160xi32, #tpu.memory_space<hbm>> -> memref<80xi32, #tpu.memory_space<hbm>>
      %dma_start3A_70 = tpu.memref_slice %arg3[%add3A_68] : memref<320160xi32, #tpu.memory_space<hbm>> -> memref<80xi32, #tpu.memory_space<hbm>>
      tpu.enqueue_dma source(%dma_start3A_70 : memref<80xi32, #tpu.memory_space<hbm>>) target(%arg6 : memref<80xi32, #tpu.memory_space<vmem>>) target_semaphore(%arg10 : memref<!tpu.dma_semaphore, #tpu.memory_space<semaphore_mem>>)
      "tpu.region"() ({
        %run_scoped3A = tpu.sem_alloc : memref<!tpu.dma_semaphore, #tpu.memory_space<semaphore_mem>>
        %dma_start3A_79 = arith.constant 0 : i32
        %dma_start3A_80 = arith.constant 0 : i32
        %dma_start3A_81 = tpu.memref_slice %arg9[%dma_start3A_79, %dma_start3A_80] : memref<10240x128xf32, #tpu.memory_space<vmem_shared>> -> memref<10240x128xf32, #tpu.memory_space<vmem_shared>>
        tpu.enqueue_indirect_dma source(%arg8 : memref<80x128xf32, #tpu.memory_space<vmem>>) target(%dma_start3A_81 : memref<10240x128xf32, #tpu.memory_space<vmem_shared>>) offsets(%arg7 : memref<80xi32, #tpu.memory_space<vmem>>) semaphore(%run_scoped3A : memref<!tpu.dma_semaphore, #tpu.memory_space<semaphore_mem>>) {add = true}
        %dma_wait3A_82 = arith.constant 0 : i32
        %dma_wait3A_83 = arith.constant 0 : i32
        %dma_wait3A_84 = tpu.memref_slice %arg9[%dma_wait3A_82, %dma_wait3A_83] : memref<10240x128xf32, #tpu.memory_space<vmem_shared>> -> memref<10240x128xf32, #tpu.memory_space<vmem_shared>>
        tpu.wait_indirect_dma semaphore(%run_scoped3A : memref<!tpu.dma_semaphore, #tpu.memory_space<semaphore_mem>>) src(%arg8 : memref<80x128xf32, #tpu.memory_space<vmem>>) dst(%dma_wait3A_84 : memref<10240x128xf32, #tpu.memory_space<vmem_shared>>)
        tpu.yield
      }) : () -> ()
      %dma_wait3A_71 = arith.constant 0 : i32
      %dma_wait3A_72 = tpu.memref_slice %arg3[%dma_wait3A_71] : memref<320160xi32, #tpu.memory_space<hbm>> -> memref<80xi32, #tpu.memory_space<hbm>>
      %dma_wait3A_73 = arith.constant 0 : i32
      %dma_wait3A_74 = tpu.memref_slice %arg3[%dma_wait3A_73] : memref<320160xi32, #tpu.memory_space<hbm>> -> memref<80xi32, #tpu.memory_space<hbm>>
      tpu.wait_dma2 semaphore(%arg10 : memref<!tpu.dma_semaphore, #tpu.memory_space<semaphore_mem>>) src(%dma_wait3A_74 : memref<80xi32, #tpu.memory_space<hbm>>) dst(%arg6 : memref<80xi32, #tpu.memory_space<vmem>>)
      %add3A_75 = arith.constant 160 : i32
      %add3A_76 = arith.addi %add3A_62, %add3A_75 : i32
      %dma_start3A_77 = tpu.memref_slice %arg3[%add3A_76] : memref<320160xi32, #tpu.memory_space<hbm>> -> memref<80xi32, #tpu.memory_space<hbm>>
      %dma_start3A_78 = tpu.memref_slice %arg3[%add3A_76] : memref<320160xi32, #tpu.memory_space<hbm>> -> memref<80xi32, #tpu.memory_space<hbm>>
      tpu.enqueue_dma source(%dma_start3A_78 : memref<80xi32, #tpu.memory_space<hbm>>) target(%arg7 : memref<80xi32, #tpu.memory_space<vmem>>) target_semaphore(%arg11 : memref<!tpu.dma_semaphore, #tpu.memory_space<semaphore_mem>>)
      "tpu.region"() ({
        %run_scoped3A = tpu.sem_alloc : memref<!tpu.dma_semaphore, #tpu.memory_space<semaphore_mem>>
        %dma_start3A_79 = arith.constant 0 : i32
        %dma_start3A_80 = arith.constant 0 : i32
        %dma_start3A_81 = tpu.memref_slice %arg9[%dma_start3A_79, %dma_start3A_80] : memref<10240x128xf32, #tpu.memory_space<vmem_shared>> -> memref<10240x128xf32, #tpu.memory_space<vmem_shared>>
        tpu.enqueue_indirect_dma source(%arg8 : memref<80x128xf32, #tpu.memory_space<vmem>>) target(%dma_start3A_81 : memref<10240x128xf32, #tpu.memory_space<vmem_shared>>) offsets(%arg6 : memref<80xi32, #tpu.memory_space<vmem>>) semaphore(%run_scoped3A : memref<!tpu.dma_semaphore, #tpu.memory_space<semaphore_mem>>) {add = true}
        %dma_wait3A_82 = arith.constant 0 : i32
        %dma_wait3A_83 = arith.constant 0 : i32
        %dma_wait3A_84 = tpu.memref_slice %arg9[%dma_wait3A_82, %dma_wait3A_83] : memref<10240x128xf32, #tpu.memory_space<vmem_shared>> -> memref<10240x128xf32, #tpu.memory_space<vmem_shared>>
        tpu.wait_indirect_dma semaphore(%run_scoped3A : memref<!tpu.dma_semaphore, #tpu.memory_space<semaphore_mem>>) src(%arg8 : memref<80x128xf32, #tpu.memory_space<vmem>>) dst(%dma_wait3A_84 : memref<10240x128xf32, #tpu.memory_space<vmem_shared>>)
        tpu.yield
      }) : () -> ()
    }
    %scan3A_33 = arith.constant 62 : i32
    %dma_wait3A_34 = arith.constant 0 : i32
    %dma_wait3A_35 = tpu.memref_slice %arg3[%dma_wait3A_34] : memref<320160xi32, #tpu.memory_space<hbm>> -> memref<80xi32, #tpu.memory_space<hbm>>
    %dma_wait3A_36 = arith.constant 0 : i32
    %dma_wait3A_37 = tpu.memref_slice %arg3[%dma_wait3A_36] : memref<320160xi32, #tpu.memory_space<hbm>> -> memref<80xi32, #tpu.memory_space<hbm>>
    tpu.wait_dma2 semaphore(%arg11 : memref<!tpu.dma_semaphore, #tpu.memory_space<semaphore_mem>>) src(%dma_wait3A_37 : memref<80xi32, #tpu.memory_space<hbm>>) dst(%arg7 : memref<80xi32, #tpu.memory_space<vmem>>)
    %barrier3A_38 = arith.constant 0 : index
    tpu.barrier barrier_id(%barrier3A_38)
    %add3A_39 = arith.constant 0 : i32
    %add3A_40 = arith.addi %mul3A_2, %add3A_39 : i32
    "tpu.region"() ({
      %run_scoped3A = tpu.sem_alloc : memref<!tpu.dma_semaphore, #tpu.memory_space<semaphore_mem>>
      %dma_start3A_55 = arith.constant 0 : i32
      %dma_start3A_56 = tpu.memref_slice %arg9[%add3A_40, %dma_start3A_55] : memref<10240x128xf32, #tpu.memory_space<vmem_shared>> -> memref<80x128xf32, #tpu.memory_space<vmem_shared>>
      %dma_start3A_57 = arith.constant 0 : i32
      %dma_start3A_58 = tpu.memref_slice %arg9[%add3A_40, %dma_start3A_57] : memref<10240x128xf32, #tpu.memory_space<vmem_shared>> -> memref<80x128xf32, #tpu.memory_space<vmem_shared>>
      tpu.enqueue_dma source(%dma_start3A_58 : memref<80x128xf32, #tpu.memory_space<vmem_shared>>) target(%arg8 : memref<80x128xf32, #tpu.memory_space<vmem>>) target_semaphore(%run_scoped3A : memref<!tpu.dma_semaphore, #tpu.memory_space<semaphore_mem>>)
      %dma_wait3A_59 = arith.constant 0 : i32
      %dma_wait3A_60 = tpu.memref_slice %arg9[%add3A_40, %dma_wait3A_59] : memref<10240x128xf32, #tpu.memory_space<vmem_shared>> -> memref<80x128xf32, #tpu.memory_space<vmem_shared>>
      %dma_wait3A_61 = arith.constant 0 : i32
      %dma_wait3A_62 = tpu.memref_slice %arg9[%add3A_40, %dma_wait3A_61] : memref<10240x128xf32, #tpu.memory_space<vmem_shared>> -> memref<80x128xf32, #tpu.memory_space<vmem_shared>>
      tpu.wait_dma2 semaphore(%run_scoped3A : memref<!tpu.dma_semaphore, #tpu.memory_space<semaphore_mem>>) src(%dma_wait3A_62 : memref<80x128xf32, #tpu.memory_space<vmem_shared>>) dst(%arg8 : memref<80x128xf32, #tpu.memory_space<vmem>>)
      tpu.yield
    }) : () -> ()
    "tpu.region"() ({
      %run_scoped3A = tpu.sem_alloc : memref<!tpu.dma_semaphore, #tpu.memory_space<semaphore_mem>>
      %dma_start3A_55 = arith.constant 0 : i32
      %dma_start3A_56 = tpu.memref_slice %arg5[%arg0, %add3A_40, %dma_start3A_55] : memref<2x10240x128xf32, #tpu.memory_space<hbm>> -> memref<1x80x128xf32, #tpu.memory_space<hbm>>
      %dma_start3A_57 = tpu.memref_squeeze %dma_start3A_56 : memref<1x80x128xf32, #tpu.memory_space<hbm>> -> memref<80x128xf32, #tpu.memory_space<hbm>>
      %dma_start3A_58 = arith.constant 0 : i32
      %dma_start3A_59 = tpu.memref_slice %arg5[%arg0, %add3A_40, %dma_start3A_58] : memref<2x10240x128xf32, #tpu.memory_space<hbm>> -> memref<1x80x128xf32, #tpu.memory_space<hbm>>
      %dma_start3A_60 = tpu.memref_squeeze %dma_start3A_59 : memref<1x80x128xf32, #tpu.memory_space<hbm>> -> memref<80x128xf32, #tpu.memory_space<hbm>>
      tpu.enqueue_dma source(%arg8 : memref<80x128xf32, #tpu.memory_space<vmem>>) target(%dma_start3A_60 : memref<80x128xf32, #tpu.memory_space<hbm>>) target_semaphore(%run_scoped3A : memref<!tpu.dma_semaphore, #tpu.memory_space<semaphore_mem>>)
      %dma_wait3A_61 = arith.constant 0 : i32
      %dma_wait3A_62 = tpu.memref_slice %arg5[%arg0, %add3A_40, %dma_wait3A_61] : memref<2x10240x128xf32, #tpu.memory_space<hbm>> -> memref<1x80x128xf32, #tpu.memory_space<hbm>>
      %dma_wait3A_63 = tpu.memref_squeeze %dma_wait3A_62 : memref<1x80x128xf32, #tpu.memory_space<hbm>> -> memref<80x128xf32, #tpu.memory_space<hbm>>
      %dma_wait3A_64 = arith.constant 0 : i32
      %dma_wait3A_65 = tpu.memref_slice %arg5[%arg0, %add3A_40, %dma_wait3A_64] : memref<2x10240x128xf32, #tpu.memory_space<hbm>> -> memref<1x80x128xf32, #tpu.memory_space<hbm>>
      %dma_wait3A_66 = tpu.memref_squeeze %dma_wait3A_65 : memref<1x80x128xf32, #tpu.memory_space<hbm>> -> memref<80x128xf32, #tpu.memory_space<hbm>>
      tpu.wait_dma2 semaphore(%run_scoped3A : memref<!tpu.dma_semaphore, #tpu.memory_space<semaphore_mem>>) src(%arg8 : memref<80x128xf32, #tpu.memory_space<vmem>>) dst(%dma_wait3A_66 : memref<80x128xf32, #tpu.memory_space<hbm>>)
      tpu.yield
    }) : () -> ()
    %add3A_41 = arith.constant 80 : i32
    %add3A_42 = arith.addi %mul3A_2, %add3A_41 : i32
    "tpu.region"() ({
      %run_scoped3A = tpu.sem_alloc : memref<!tpu.dma_semaphore, #tpu.memory_space<semaphore_mem>>
      %dma_start3A_55 = arith.constant 0 : i32
      %dma_start3A_56 = tpu.memref_slice %arg9[%add3A_42, %dma_start3A_55] : memref<10240x128xf32, #tpu.memory_space<vmem_shared>> -> memref<80x128xf32, #tpu.memory_space<vmem_shared>>
      %dma_start3A_57 = arith.constant 0 : i32
      %dma_start3A_58 = tpu.memref_slice %arg9[%add3A_42, %dma_start3A_57] : memref<10240x128xf32, #tpu.memory_space<vmem_shared>> -> memref<80x128xf32, #tpu.memory_space<vmem_shared>>
      tpu.enqueue_dma source(%dma_start3A_58 : memref<80x128xf32, #tpu.memory_space<vmem_shared>>) target(%arg8 : memref<80x128xf32, #tpu.memory_space<vmem>>) target_semaphore(%run_scoped3A : memref<!tpu.dma_semaphore, #tpu.memory_space<semaphore_mem>>)
      %dma_wait3A_59 = arith.constant 0 : i32
      %dma_wait3A_60 = tpu.memref_slice %arg9[%add3A_42, %dma_wait3A_59] : memref<10240x128xf32, #tpu.memory_space<vmem_shared>> -> memref<80x128xf32, #tpu.memory_space<vmem_shared>>
      %dma_wait3A_61 = arith.constant 0 : i32
      %dma_wait3A_62 = tpu.memref_slice %arg9[%add3A_42, %dma_wait3A_61] : memref<10240x128xf32, #tpu.memory_space<vmem_shared>> -> memref<80x128xf32, #tpu.memory_space<vmem_shared>>
      tpu.wait_dma2 semaphore(%run_scoped3A : memref<!tpu.dma_semaphore, #tpu.memory_space<semaphore_mem>>) src(%dma_wait3A_62 : memref<80x128xf32, #tpu.memory_space<vmem_shared>>) dst(%arg8 : memref<80x128xf32, #tpu.memory_space<vmem>>)
      tpu.yield
    }) : () -> ()
    "tpu.region"() ({
      %run_scoped3A = tpu.sem_alloc : memref<!tpu.dma_semaphore, #tpu.memory_space<semaphore_mem>>
      %dma_start3A_55 = arith.constant 0 : i32
      %dma_start3A_56 = tpu.memref_slice %arg5[%arg0, %add3A_42, %dma_start3A_55] : memref<2x10240x128xf32, #tpu.memory_space<hbm>> -> memref<1x80x128xf32, #tpu.memory_space<hbm>>
      %dma_start3A_57 = tpu.memref_squeeze %dma_start3A_56 : memref<1x80x128xf32, #tpu.memory_space<hbm>> -> memref<80x128xf32, #tpu.memory_space<hbm>>
      %dma_start3A_58 = arith.constant 0 : i32
      %dma_start3A_59 = tpu.memref_slice %arg5[%arg0, %add3A_42, %dma_start3A_58] : memref<2x10240x128xf32, #tpu.memory_space<hbm>> -> memref<1x80x128xf32, #tpu.memory_space<hbm>>
      %dma_start3A_60 = tpu.memref_squeeze %dma_start3A_59 : memref<1x80x128xf32, #tpu.memory_space<hbm>> -> memref<80x128xf32, #tpu.memory_space<hbm>>
      tpu.enqueue_dma source(%arg8 : memref<80x128xf32, #tpu.memory_space<vmem>>) target(%dma_start3A_60 : memref<80x128xf32, #tpu.memory_space<hbm>>) target_semaphore(%run_scoped3A : memref<!tpu.dma_semaphore, #tpu.memory_space<semaphore_mem>>)
      %dma_wait3A_61 = arith.constant 0 : i32
      %dma_wait3A_62 = tpu.memref_slice %arg5[%arg0, %add3A_42, %dma_wait3A_61] : memref<2x10240x128xf32, #tpu.memory_space<hbm>> -> memref<1x80x128xf32, #tpu.memory_space<hbm>>
      %dma_wait3A_63 = tpu.memref_squeeze %dma_wait3A_62 : memref<1x80x128xf32, #tpu.memory_space<hbm>> -> memref<80x128xf32, #tpu.memory_space<hbm>>
      %dma_wait3A_64 = arith.constant 0 : i32
      %dma_wait3A_65 = tpu.memref_slice %arg5[%arg0, %add3A_42, %dma_wait3A_64] : memref<2x10240x128xf32, #tpu.memory_space<hbm>> -> memref<1x80x128xf32, #tpu.memory_space<hbm>>
      %dma_wait3A_66 = tpu.memref_squeeze %dma_wait3A_65 : memref<1x80x128xf32, #tpu.memory_space<hbm>> -> memref<80x128xf32, #tpu.memory_space<hbm>>
      tpu.wait_dma2 semaphore(%run_scoped3A : memref<!tpu.dma_semaphore, #tpu.memory_space<semaphore_mem>>) src(%arg8 : memref<80x128xf32, #tpu.memory_space<vmem>>) dst(%dma_wait3A_66 : memref<80x128xf32, #tpu.memory_space<hbm>>)
      tpu.yield
    }) : () -> ()
    %add3A_43 = arith.constant 160 : i32
    %add3A_44 = arith.addi %mul3A_2, %add3A_43 : i32
    "tpu.region"() ({
      %run_scoped3A = tpu.sem_alloc : memref<!tpu.dma_semaphore, #tpu.memory_space<semaphore_mem>>
      %dma_start3A_55 = arith.constant 0 : i32
      %dma_start3A_56 = tpu.memref_slice %arg9[%add3A_44, %dma_start3A_55] : memref<10240x128xf32, #tpu.memory_space<vmem_shared>> -> memref<80x128xf32, #tpu.memory_space<vmem_shared>>
      %dma_start3A_57 = arith.constant 0 : i32
      %dma_start3A_58 = tpu.memref_slice %arg9[%add3A_44, %dma_start3A_57] : memref<10240x128xf32, #tpu.memory_space<vmem_shared>> -> memref<80x128xf32, #tpu.memory_space<vmem_shared>>
      tpu.enqueue_dma source(%dma_start3A_58 : memref<80x128xf32, #tpu.memory_space<vmem_shared>>) target(%arg8 : memref<80x128xf32, #tpu.memory_space<vmem>>) target_semaphore(%run_scoped3A : memref<!tpu.dma_semaphore, #tpu.memory_space<semaphore_mem>>)
      %dma_wait3A_59 = arith.constant 0 : i32
      %dma_wait3A_60 = tpu.memref_slice %arg9[%add3A_44, %dma_wait3A_59] : memref<10240x128xf32, #tpu.memory_space<vmem_shared>> -> memref<80x128xf32, #tpu.memory_space<vmem_shared>>
      %dma_wait3A_61 = arith.constant 0 : i32
      %dma_wait3A_62 = tpu.memref_slice %arg9[%add3A_44, %dma_wait3A_61] : memref<10240x128xf32, #tpu.memory_space<vmem_shared>> -> memref<80x128xf32, #tpu.memory_space<vmem_shared>>
      tpu.wait_dma2 semaphore(%run_scoped3A : memref<!tpu.dma_semaphore, #tpu.memory_space<semaphore_mem>>) src(%dma_wait3A_62 : memref<80x128xf32, #tpu.memory_space<vmem_shared>>) dst(%arg8 : memref<80x128xf32, #tpu.memory_space<vmem>>)
      tpu.yield
    }) : () -> ()
    "tpu.region"() ({
      %run_scoped3A = tpu.sem_alloc : memref<!tpu.dma_semaphore, #tpu.memory_space<semaphore_mem>>
      %dma_start3A_55 = arith.constant 0 : i32
      %dma_start3A_56 = tpu.memref_slice %arg5[%arg0, %add3A_44, %dma_start3A_55] : memref<2x10240x128xf32, #tpu.memory_space<hbm>> -> memref<1x80x128xf32, #tpu.memory_space<hbm>>
      %dma_start3A_57 = tpu.memref_squeeze %dma_start3A_56 : memref<1x80x128xf32, #tpu.memory_space<hbm>> -> memref<80x128xf32, #tpu.memory_space<hbm>>
      %dma_start3A_58 = arith.constant 0 : i32
      %dma_start3A_59 = tpu.memref_slice %arg5[%arg0, %add3A_44, %dma_start3A_58] : memref<2x10240x128xf32, #tpu.memory_space<hbm>> -> memref<1x80x128xf32, #tpu.memory_space<hbm>>
      %dma_start3A_60 = tpu.memref_squeeze %dma_start3A_59 : memref<1x80x128xf32, #tpu.memory_space<hbm>> -> memref<80x128xf32, #tpu.memory_space<hbm>>
      tpu.enqueue_dma source(%arg8 : memref<80x128xf32, #tpu.memory_space<vmem>>) target(%dma_start3A_60 : memref<80x128xf32, #tpu.memory_space<hbm>>) target_semaphore(%run_scoped3A : memref<!tpu.dma_semaphore, #tpu.memory_space<semaphore_mem>>)
      %dma_wait3A_61 = arith.constant 0 : i32
      %dma_wait3A_62 = tpu.memref_slice %arg5[%arg0, %add3A_44, %dma_wait3A_61] : memref<2x10240x128xf32, #tpu.memory_space<hbm>> -> memref<1x80x128xf32, #tpu.memory_space<hbm>>
      %dma_wait3A_63 = tpu.memref_squeeze %dma_wait3A_62 : memref<1x80x128xf32, #tpu.memory_space<hbm>> -> memref<80x128xf32, #tpu.memory_space<hbm>>
      %dma_wait3A_64 = arith.constant 0 : i32
      %dma_wait3A_65 = tpu.memref_slice %arg5[%arg0, %add3A_44, %dma_wait3A_64] : memref<2x10240x128xf32, #tpu.memory_space<hbm>> -> memref<1x80x128xf32, #tpu.memory_space<hbm>>
      %dma_wait3A_66 = tpu.memref_squeeze %dma_wait3A_65 : memref<1x80x128xf32, #tpu.memory_space<hbm>> -> memref<80x128xf32, #tpu.memory_space<hbm>>
      tpu.wait_dma2 semaphore(%run_scoped3A : memref<!tpu.dma_semaphore, #tpu.memory_space<semaphore_mem>>) src(%arg8 : memref<80x128xf32, #tpu.memory_space<vmem>>) dst(%dma_wait3A_66 : memref<80x128xf32, #tpu.memory_space<hbm>>)
      tpu.yield
    }) : () -> ()
    %add3A_45 = arith.constant 240 : i32
    %add3A_46 = arith.addi %mul3A_2, %add3A_45 : i32
    "tpu.region"() ({
      %run_scoped3A = tpu.sem_alloc : memref<!tpu.dma_semaphore, #tpu.memory_space<semaphore_mem>>
      %dma_start3A_55 = arith.constant 0 : i32
      %dma_start3A_56 = tpu.memref_slice %arg9[%add3A_46, %dma_start3A_55] : memref<10240x128xf32, #tpu.memory_space<vmem_shared>> -> memref<80x128xf32, #tpu.memory_space<vmem_shared>>
      %dma_start3A_57 = arith.constant 0 : i32
      %dma_start3A_58 = tpu.memref_slice %arg9[%add3A_46, %dma_start3A_57] : memref<10240x128xf32, #tpu.memory_space<vmem_shared>> -> memref<80x128xf32, #tpu.memory_space<vmem_shared>>
      tpu.enqueue_dma source(%dma_start3A_58 : memref<80x128xf32, #tpu.memory_space<vmem_shared>>) target(%arg8 : memref<80x128xf32, #tpu.memory_space<vmem>>) target_semaphore(%run_scoped3A : memref<!tpu.dma_semaphore, #tpu.memory_space<semaphore_mem>>)
      %dma_wait3A_59 = arith.constant 0 : i32
      %dma_wait3A_60 = tpu.memref_slice %arg9[%add3A_46, %dma_wait3A_59] : memref<10240x128xf32, #tpu.memory_space<vmem_shared>> -> memref<80x128xf32, #tpu.memory_space<vmem_shared>>
      %dma_wait3A_61 = arith.constant 0 : i32
      %dma_wait3A_62 = tpu.memref_slice %arg9[%add3A_46, %dma_wait3A_61] : memref<10240x128xf32, #tpu.memory_space<vmem_shared>> -> memref<80x128xf32, #tpu.memory_space<vmem_shared>>
      tpu.wait_dma2 semaphore(%run_scoped3A : memref<!tpu.dma_semaphore, #tpu.memory_space<semaphore_mem>>) src(%dma_wait3A_62 : memref<80x128xf32, #tpu.memory_space<vmem_shared>>) dst(%arg8 : memref<80x128xf32, #tpu.memory_space<vmem>>)
      tpu.yield
    }) : () -> ()
    "tpu.region"() ({
      %run_scoped3A = tpu.sem_alloc : memref<!tpu.dma_semaphore, #tpu.memory_space<semaphore_mem>>
      %dma_start3A_55 = arith.constant 0 : i32
      %dma_start3A_56 = tpu.memref_slice %arg5[%arg0, %add3A_46, %dma_start3A_55] : memref<2x10240x128xf32, #tpu.memory_space<hbm>> -> memref<1x80x128xf32, #tpu.memory_space<hbm>>
      %dma_start3A_57 = tpu.memref_squeeze %dma_start3A_56 : memref<1x80x128xf32, #tpu.memory_space<hbm>> -> memref<80x128xf32, #tpu.memory_space<hbm>>
      %dma_start3A_58 = arith.constant 0 : i32
      %dma_start3A_59 = tpu.memref_slice %arg5[%arg0, %add3A_46, %dma_start3A_58] : memref<2x10240x128xf32, #tpu.memory_space<hbm>> -> memref<1x80x128xf32, #tpu.memory_space<hbm>>
      %dma_start3A_60 = tpu.memref_squeeze %dma_start3A_59 : memref<1x80x128xf32, #tpu.memory_space<hbm>> -> memref<80x128xf32, #tpu.memory_space<hbm>>
      tpu.enqueue_dma source(%arg8 : memref<80x128xf32, #tpu.memory_space<vmem>>) target(%dma_start3A_60 : memref<80x128xf32, #tpu.memory_space<hbm>>) target_semaphore(%run_scoped3A : memref<!tpu.dma_semaphore, #tpu.memory_space<semaphore_mem>>)
      %dma_wait3A_61 = arith.constant 0 : i32
      %dma_wait3A_62 = tpu.memref_slice %arg5[%arg0, %add3A_46, %dma_wait3A_61] : memref<2x10240x128xf32, #tpu.memory_space<hbm>> -> memref<1x80x128xf32, #tpu.memory_space<hbm>>
      %dma_wait3A_63 = tpu.memref_squeeze %dma_wait3A_62 : memref<1x80x128xf32, #tpu.memory_space<hbm>> -> memref<80x128xf32, #tpu.memory_space<hbm>>
      %dma_wait3A_64 = arith.constant 0 : i32
      %dma_wait3A_65 = tpu.memref_slice %arg5[%arg0, %add3A_46, %dma_wait3A_64] : memref<2x10240x128xf32, #tpu.memory_space<hbm>> -> memref<1x80x128xf32, #tpu.memory_space<hbm>>
      %dma_wait3A_66 = tpu.memref_squeeze %dma_wait3A_65 : memref<1x80x128xf32, #tpu.memory_space<hbm>> -> memref<80x128xf32, #tpu.memory_space<hbm>>
      tpu.wait_dma2 semaphore(%run_scoped3A : memref<!tpu.dma_semaphore, #tpu.memory_space<semaphore_mem>>) src(%arg8 : memref<80x128xf32, #tpu.memory_space<vmem>>) dst(%dma_wait3A_66 : memref<80x128xf32, #tpu.memory_space<hbm>>)
      tpu.yield
    }) : () -> ()
    %add3A_47 = arith.constant 320 : i32
    %add3A_48 = arith.addi %mul3A_2, %add3A_47 : i32
    "tpu.region"() ({
      %run_scoped3A = tpu.sem_alloc : memref<!tpu.dma_semaphore, #tpu.memory_space<semaphore_mem>>
      %dma_start3A_55 = arith.constant 0 : i32
      %dma_start3A_56 = tpu.memref_slice %arg9[%add3A_48, %dma_start3A_55] : memref<10240x128xf32, #tpu.memory_space<vmem_shared>> -> memref<80x128xf32, #tpu.memory_space<vmem_shared>>
      %dma_start3A_57 = arith.constant 0 : i32
      %dma_start3A_58 = tpu.memref_slice %arg9[%add3A_48, %dma_start3A_57] : memref<10240x128xf32, #tpu.memory_space<vmem_shared>> -> memref<80x128xf32, #tpu.memory_space<vmem_shared>>
      tpu.enqueue_dma source(%dma_start3A_58 : memref<80x128xf32, #tpu.memory_space<vmem_shared>>) target(%arg8 : memref<80x128xf32, #tpu.memory_space<vmem>>) target_semaphore(%run_scoped3A : memref<!tpu.dma_semaphore, #tpu.memory_space<semaphore_mem>>)
      %dma_wait3A_59 = arith.constant 0 : i32
      %dma_wait3A_60 = tpu.memref_slice %arg9[%add3A_48, %dma_wait3A_59] : memref<10240x128xf32, #tpu.memory_space<vmem_shared>> -> memref<80x128xf32, #tpu.memory_space<vmem_shared>>
      %dma_wait3A_61 = arith.constant 0 : i32
      %dma_wait3A_62 = tpu.memref_slice %arg9[%add3A_48, %dma_wait3A_61] : memref<10240x128xf32, #tpu.memory_space<vmem_shared>> -> memref<80x128xf32, #tpu.memory_space<vmem_shared>>
      tpu.wait_dma2 semaphore(%run_scoped3A : memref<!tpu.dma_semaphore, #tpu.memory_space<semaphore_mem>>) src(%dma_wait3A_62 : memref<80x128xf32, #tpu.memory_space<vmem_shared>>) dst(%arg8 : memref<80x128xf32, #tpu.memory_space<vmem>>)
      tpu.yield
    }) : () -> ()
    "tpu.region"() ({
      %run_scoped3A = tpu.sem_alloc : memref<!tpu.dma_semaphore, #tpu.memory_space<semaphore_mem>>
      %dma_start3A_55 = arith.constant 0 : i32
      %dma_start3A_56 = tpu.memref_slice %arg5[%arg0, %add3A_48, %dma_start3A_55] : memref<2x10240x128xf32, #tpu.memory_space<hbm>> -> memref<1x80x128xf32, #tpu.memory_space<hbm>>
      %dma_start3A_57 = tpu.memref_squeeze %dma_start3A_56 : memref<1x80x128xf32, #tpu.memory_space<hbm>> -> memref<80x128xf32, #tpu.memory_space<hbm>>
      %dma_start3A_58 = arith.constant 0 : i32
      %dma_start3A_59 = tpu.memref_slice %arg5[%arg0, %add3A_48, %dma_start3A_58] : memref<2x10240x128xf32, #tpu.memory_space<hbm>> -> memref<1x80x128xf32, #tpu.memory_space<hbm>>
      %dma_start3A_60 = tpu.memref_squeeze %dma_start3A_59 : memref<1x80x128xf32, #tpu.memory_space<hbm>> -> memref<80x128xf32, #tpu.memory_space<hbm>>
      tpu.enqueue_dma source(%arg8 : memref<80x128xf32, #tpu.memory_space<vmem>>) target(%dma_start3A_60 : memref<80x128xf32, #tpu.memory_space<hbm>>) target_semaphore(%run_scoped3A : memref<!tpu.dma_semaphore, #tpu.memory_space<semaphore_mem>>)
      %dma_wait3A_61 = arith.constant 0 : i32
      %dma_wait3A_62 = tpu.memref_slice %arg5[%arg0, %add3A_48, %dma_wait3A_61] : memref<2x10240x128xf32, #tpu.memory_space<hbm>> -> memref<1x80x128xf32, #tpu.memory_space<hbm>>
      %dma_wait3A_63 = tpu.memref_squeeze %dma_wait3A_62 : memref<1x80x128xf32, #tpu.memory_space<hbm>> -> memref<80x128xf32, #tpu.memory_space<hbm>>
      %dma_wait3A_64 = arith.constant 0 : i32
      %dma_wait3A_65 = tpu.memref_slice %arg5[%arg0, %add3A_48, %dma_wait3A_64] : memref<2x10240x128xf32, #tpu.memory_space<hbm>> -> memref<1x80x128xf32, #tpu.memory_space<hbm>>
      %dma_wait3A_66 = tpu.memref_squeeze %dma_wait3A_65 : memref<1x80x128xf32, #tpu.memory_space<hbm>> -> memref<80x128xf32, #tpu.memory_space<hbm>>
      tpu.wait_dma2 semaphore(%run_scoped3A : memref<!tpu.dma_semaphore, #tpu.memory_space<semaphore_mem>>) src(%arg8 : memref<80x128xf32, #tpu.memory_space<vmem>>) dst(%dma_wait3A_66 : memref<80x128xf32, #tpu.memory_space<hbm>>)
      tpu.yield
    }) : () -> ()
    %add3A_49 = arith.constant 400 : i32
    %add3A_50 = arith.addi %mul3A_2, %add3A_49 : i32
    "tpu.region"() ({
      %run_scoped3A = tpu.sem_alloc : memref<!tpu.dma_semaphore, #tpu.memory_space<semaphore_mem>>
      %dma_start3A_55 = arith.constant 0 : i32
      %dma_start3A_56 = tpu.memref_slice %arg9[%add3A_50, %dma_start3A_55] : memref<10240x128xf32, #tpu.memory_space<vmem_shared>> -> memref<80x128xf32, #tpu.memory_space<vmem_shared>>
      %dma_start3A_57 = arith.constant 0 : i32
      %dma_start3A_58 = tpu.memref_slice %arg9[%add3A_50, %dma_start3A_57] : memref<10240x128xf32, #tpu.memory_space<vmem_shared>> -> memref<80x128xf32, #tpu.memory_space<vmem_shared>>
      tpu.enqueue_dma source(%dma_start3A_58 : memref<80x128xf32, #tpu.memory_space<vmem_shared>>) target(%arg8 : memref<80x128xf32, #tpu.memory_space<vmem>>) target_semaphore(%run_scoped3A : memref<!tpu.dma_semaphore, #tpu.memory_space<semaphore_mem>>)
      %dma_wait3A_59 = arith.constant 0 : i32
      %dma_wait3A_60 = tpu.memref_slice %arg9[%add3A_50, %dma_wait3A_59] : memref<10240x128xf32, #tpu.memory_space<vmem_shared>> -> memref<80x128xf32, #tpu.memory_space<vmem_shared>>
      %dma_wait3A_61 = arith.constant 0 : i32
      %dma_wait3A_62 = tpu.memref_slice %arg9[%add3A_50, %dma_wait3A_61] : memref<10240x128xf32, #tpu.memory_space<vmem_shared>> -> memref<80x128xf32, #tpu.memory_space<vmem_shared>>
      tpu.wait_dma2 semaphore(%run_scoped3A : memref<!tpu.dma_semaphore, #tpu.memory_space<semaphore_mem>>) src(%dma_wait3A_62 : memref<80x128xf32, #tpu.memory_space<vmem_shared>>) dst(%arg8 : memref<80x128xf32, #tpu.memory_space<vmem>>)
      tpu.yield
    }) : () -> ()
    "tpu.region"() ({
      %run_scoped3A = tpu.sem_alloc : memref<!tpu.dma_semaphore, #tpu.memory_space<semaphore_mem>>
      %dma_start3A_55 = arith.constant 0 : i32
      %dma_start3A_56 = tpu.memref_slice %arg5[%arg0, %add3A_50, %dma_start3A_55] : memref<2x10240x128xf32, #tpu.memory_space<hbm>> -> memref<1x80x128xf32, #tpu.memory_space<hbm>>
      %dma_start3A_57 = tpu.memref_squeeze %dma_start3A_56 : memref<1x80x128xf32, #tpu.memory_space<hbm>> -> memref<80x128xf32, #tpu.memory_space<hbm>>
      %dma_start3A_58 = arith.constant 0 : i32
      %dma_start3A_59 = tpu.memref_slice %arg5[%arg0, %add3A_50, %dma_start3A_58] : memref<2x10240x128xf32, #tpu.memory_space<hbm>> -> memref<1x80x128xf32, #tpu.memory_space<hbm>>
      %dma_start3A_60 = tpu.memref_squeeze %dma_start3A_59 : memref<1x80x128xf32, #tpu.memory_space<hbm>> -> memref<80x128xf32, #tpu.memory_space<hbm>>
      tpu.enqueue_dma source(%arg8 : memref<80x128xf32, #tpu.memory_space<vmem>>) target(%dma_start3A_60 : memref<80x128xf32, #tpu.memory_space<hbm>>) target_semaphore(%run_scoped3A : memref<!tpu.dma_semaphore, #tpu.memory_space<semaphore_mem>>)
      %dma_wait3A_61 = arith.constant 0 : i32
      %dma_wait3A_62 = tpu.memref_slice %arg5[%arg0, %add3A_50, %dma_wait3A_61] : memref<2x10240x128xf32, #tpu.memory_space<hbm>> -> memref<1x80x128xf32, #tpu.memory_space<hbm>>
      %dma_wait3A_63 = tpu.memref_squeeze %dma_wait3A_62 : memref<1x80x128xf32, #tpu.memory_space<hbm>> -> memref<80x128xf32, #tpu.memory_space<hbm>>
      %dma_wait3A_64 = arith.constant 0 : i32
      %dma_wait3A_65 = tpu.memref_slice %arg5[%arg0, %add3A_50, %dma_wait3A_64] : memref<2x10240x128xf32, #tpu.memory_space<hbm>> -> memref<1x80x128xf32, #tpu.memory_space<hbm>>
      %dma_wait3A_66 = tpu.memref_squeeze %dma_wait3A_65 : memref<1x80x128xf32, #tpu.memory_space<hbm>> -> memref<80x128xf32, #tpu.memory_space<hbm>>
      tpu.wait_dma2 semaphore(%run_scoped3A : memref<!tpu.dma_semaphore, #tpu.memory_space<semaphore_mem>>) src(%arg8 : memref<80x128xf32, #tpu.memory_space<vmem>>) dst(%dma_wait3A_66 : memref<80x128xf32, #tpu.memory_space<hbm>>)
      tpu.yield
    }) : () -> ()
    %add3A_51 = arith.constant 480 : i32
    %add3A_52 = arith.addi %mul3A_2, %add3A_51 : i32
    "tpu.region"() ({
      %run_scoped3A = tpu.sem_alloc : memref<!tpu.dma_semaphore, #tpu.memory_space<semaphore_mem>>
      %dma_start3A_55 = arith.constant 0 : i32
      %dma_start3A_56 = tpu.memref_slice %arg9[%add3A_52, %dma_start3A_55] : memref<10240x128xf32, #tpu.memory_space<vmem_shared>> -> memref<80x128xf32, #tpu.memory_space<vmem_shared>>
      %dma_start3A_57 = arith.constant 0 : i32
      %dma_start3A_58 = tpu.memref_slice %arg9[%add3A_52, %dma_start3A_57] : memref<10240x128xf32, #tpu.memory_space<vmem_shared>> -> memref<80x128xf32, #tpu.memory_space<vmem_shared>>
      tpu.enqueue_dma source(%dma_start3A_58 : memref<80x128xf32, #tpu.memory_space<vmem_shared>>) target(%arg8 : memref<80x128xf32, #tpu.memory_space<vmem>>) target_semaphore(%run_scoped3A : memref<!tpu.dma_semaphore, #tpu.memory_space<semaphore_mem>>)
      %dma_wait3A_59 = arith.constant 0 : i32
      %dma_wait3A_60 = tpu.memref_slice %arg9[%add3A_52, %dma_wait3A_59] : memref<10240x128xf32, #tpu.memory_space<vmem_shared>> -> memref<80x128xf32, #tpu.memory_space<vmem_shared>>
      %dma_wait3A_61 = arith.constant 0 : i32
      %dma_wait3A_62 = tpu.memref_slice %arg9[%add3A_52, %dma_wait3A_61] : memref<10240x128xf32, #tpu.memory_space<vmem_shared>> -> memref<80x128xf32, #tpu.memory_space<vmem_shared>>
      tpu.wait_dma2 semaphore(%run_scoped3A : memref<!tpu.dma_semaphore, #tpu.memory_space<semaphore_mem>>) src(%dma_wait3A_62 : memref<80x128xf32, #tpu.memory_space<vmem_shared>>) dst(%arg8 : memref<80x128xf32, #tpu.memory_space<vmem>>)
      tpu.yield
    }) : () -> ()
    "tpu.region"() ({
      %run_scoped3A = tpu.sem_alloc : memref<!tpu.dma_semaphore, #tpu.memory_space<semaphore_mem>>
      %dma_start3A_55 = arith.constant 0 : i32
      %dma_start3A_56 = tpu.memref_slice %arg5[%arg0, %add3A_52, %dma_start3A_55] : memref<2x10240x128xf32, #tpu.memory_space<hbm>> -> memref<1x80x128xf32, #tpu.memory_space<hbm>>
      %dma_start3A_57 = tpu.memref_squeeze %dma_start3A_56 : memref<1x80x128xf32, #tpu.memory_space<hbm>> -> memref<80x128xf32, #tpu.memory_space<hbm>>
      %dma_start3A_58 = arith.constant 0 : i32
      %dma_start3A_59 = tpu.memref_slice %arg5[%arg0, %add3A_52, %dma_start3A_58] : memref<2x10240x128xf32, #tpu.memory_space<hbm>> -> memref<1x80x128xf32, #tpu.memory_space<hbm>>
      %dma_start3A_60 = tpu.memref_squeeze %dma_start3A_59 : memref<1x80x128xf32, #tpu.memory_space<hbm>> -> memref<80x128xf32, #tpu.memory_space<hbm>>
      tpu.enqueue_dma source(%arg8 : memref<80x128xf32, #tpu.memory_space<vmem>>) target(%dma_start3A_60 : memref<80x128xf32, #tpu.memory_space<hbm>>) target_semaphore(%run_scoped3A : memref<!tpu.dma_semaphore, #tpu.memory_space<semaphore_mem>>)
      %dma_wait3A_61 = arith.constant 0 : i32
      %dma_wait3A_62 = tpu.memref_slice %arg5[%arg0, %add3A_52, %dma_wait3A_61] : memref<2x10240x128xf32, #tpu.memory_space<hbm>> -> memref<1x80x128xf32, #tpu.memory_space<hbm>>
      %dma_wait3A_63 = tpu.memref_squeeze %dma_wait3A_62 : memref<1x80x128xf32, #tpu.memory_space<hbm>> -> memref<80x128xf32, #tpu.memory_space<hbm>>
      %dma_wait3A_64 = arith.constant 0 : i32
      %dma_wait3A_65 = tpu.memref_slice %arg5[%arg0, %add3A_52, %dma_wait3A_64] : memref<2x10240x128xf32, #tpu.memory_space<hbm>> -> memref<1x80x128xf32, #tpu.memory_space<hbm>>
      %dma_wait3A_66 = tpu.memref_squeeze %dma_wait3A_65 : memref<1x80x128xf32, #tpu.memory_space<hbm>> -> memref<80x128xf32, #tpu.memory_space<hbm>>
      tpu.wait_dma2 semaphore(%run_scoped3A : memref<!tpu.dma_semaphore, #tpu.memory_space<semaphore_mem>>) src(%arg8 : memref<80x128xf32, #tpu.memory_space<vmem>>) dst(%dma_wait3A_66 : memref<80x128xf32, #tpu.memory_space<hbm>>)
      tpu.yield
    }) : () -> ()
    %add3A_53 = arith.constant 560 : i32
    %add3A_54 = arith.addi %mul3A_2, %add3A_53 : i32
    "tpu.region"() ({
      %run_scoped3A = tpu.sem_alloc : memref<!tpu.dma_semaphore, #tpu.memory_space<semaphore_mem>>
      %dma_start3A_55 = arith.constant 0 : i32
      %dma_start3A_56 = tpu.memref_slice %arg9[%add3A_54, %dma_start3A_55] : memref<10240x128xf32, #tpu.memory_space<vmem_shared>> -> memref<80x128xf32, #tpu.memory_space<vmem_shared>>
      %dma_start3A_57 = arith.constant 0 : i32
      %dma_start3A_58 = tpu.memref_slice %arg9[%add3A_54, %dma_start3A_57] : memref<10240x128xf32, #tpu.memory_space<vmem_shared>> -> memref<80x128xf32, #tpu.memory_space<vmem_shared>>
      tpu.enqueue_dma source(%dma_start3A_58 : memref<80x128xf32, #tpu.memory_space<vmem_shared>>) target(%arg8 : memref<80x128xf32, #tpu.memory_space<vmem>>) target_semaphore(%run_scoped3A : memref<!tpu.dma_semaphore, #tpu.memory_space<semaphore_mem>>)
      %dma_wait3A_59 = arith.constant 0 : i32
      %dma_wait3A_60 = tpu.memref_slice %arg9[%add3A_54, %dma_wait3A_59] : memref<10240x128xf32, #tpu.memory_space<vmem_shared>> -> memref<80x128xf32, #tpu.memory_space<vmem_shared>>
      %dma_wait3A_61 = arith.constant 0 : i32
      %dma_wait3A_62 = tpu.memref_slice %arg9[%add3A_54, %dma_wait3A_61] : memref<10240x128xf32, #tpu.memory_space<vmem_shared>> -> memref<80x128xf32, #tpu.memory_space<vmem_shared>>
      tpu.wait_dma2 semaphore(%run_scoped3A : memref<!tpu.dma_semaphore, #tpu.memory_space<semaphore_mem>>) src(%dma_wait3A_62 : memref<80x128xf32, #tpu.memory_space<vmem_shared>>) dst(%arg8 : memref<80x128xf32, #tpu.memory_space<vmem>>)
      tpu.yield
    }) : () -> ()
    "tpu.region"() ({
      %run_scoped3A = tpu.sem_alloc : memref<!tpu.dma_semaphore, #tpu.memory_space<semaphore_mem>>
      %dma_start3A_55 = arith.constant 0 : i32
      %dma_start3A_56 = tpu.memref_slice %arg5[%arg0, %add3A_54, %dma_start3A_55] : memref<2x10240x128xf32, #tpu.memory_space<hbm>> -> memref<1x80x128xf32, #tpu.memory_space<hbm>>
      %dma_start3A_57 = tpu.memref_squeeze %dma_start3A_56 : memref<1x80x128xf32, #tpu.memory_space<hbm>> -> memref<80x128xf32, #tpu.memory_space<hbm>>
      %dma_start3A_58 = arith.constant 0 : i32
      %dma_start3A_59 = tpu.memref_slice %arg5[%arg0, %add3A_54, %dma_start3A_58] : memref<2x10240x128xf32, #tpu.memory_space<hbm>> -> memref<1x80x128xf32, #tpu.memory_space<hbm>>
      %dma_start3A_60 = tpu.memref_squeeze %dma_start3A_59 : memref<1x80x128xf32, #tpu.memory_space<hbm>> -> memref<80x128xf32, #tpu.memory_space<hbm>>
      tpu.enqueue_dma source(%arg8 : memref<80x128xf32, #tpu.memory_space<vmem>>) target(%dma_start3A_60 : memref<80x128xf32, #tpu.memory_space<hbm>>) target_semaphore(%run_scoped3A : memref<!tpu.dma_semaphore, #tpu.memory_space<semaphore_mem>>)
      %dma_wait3A_61 = arith.constant 0 : i32
      %dma_wait3A_62 = tpu.memref_slice %arg5[%arg0, %add3A_54, %dma_wait3A_61] : memref<2x10240x128xf32, #tpu.memory_space<hbm>> -> memref<1x80x128xf32, #tpu.memory_space<hbm>>
      %dma_wait3A_63 = tpu.memref_squeeze %dma_wait3A_62 : memref<1x80x128xf32, #tpu.memory_space<hbm>> -> memref<80x128xf32, #tpu.memory_space<hbm>>
      %dma_wait3A_64 = arith.constant 0 : i32
      %dma_wait3A_65 = tpu.memref_slice %arg5[%arg0, %add3A_54, %dma_wait3A_64] : memref<2x10240x128xf32, #tpu.memory_space<hbm>> -> memref<1x80x128xf32, #tpu.memory_space<hbm>>
      %dma_wait3A_66 = tpu.memref_squeeze %dma_wait3A_65 : memref<1x80x128xf32, #tpu.memory_space<hbm>> -> memref<80x128xf32, #tpu.memory_space<hbm>>
      tpu.wait_dma2 semaphore(%run_scoped3A : memref<!tpu.dma_semaphore, #tpu.memory_space<semaphore_mem>>) src(%arg8 : memref<80x128xf32, #tpu.memory_space<vmem>>) dst(%dma_wait3A_66 : memref<80x128xf32, #tpu.memory_space<hbm>>)
      tpu.yield
    }) : () -> ()
    return
  }
}

#map = affine_map<(d0, d1) -> (0, 0)>
#map1 = affine_map<(d0, d1) -> (0)>
#map2 = affine_map<(d0, d1) -> (0, 0, 0)>
module attributes {stable_mosaic.version = 14 : i64} {
  func.func @body(%arg0: i32, %arg1: i32, %arg2: memref<10000x128xf32, #tpu.memory_space<hbm>>, %arg3: memref<320160xi32, #tpu.memory_space<hbm>>, %arg4: memref<320160xi32, #tpu.memory_space<hbm>>, %arg5: memref<10240x128xf32, #tpu.memory_space<hbm>>, %arg6: memref<2x10240x128xf32, #tpu.memory_space<hbm>>, %arg7: memref<80xi32, #tpu.memory_space<vmem>>, %arg8: memref<80xi32, #tpu.memory_space<vmem>>, %arg9: memref<80xi32, #tpu.memory_space<vmem>>, %arg10: memref<80xi32, #tpu.memory_space<vmem>>, %arg11: memref<80x128xf32, #tpu.memory_space<vmem>>, %arg12: memref<10240x128xf32, #tpu.memory_space<vmem_shared>>, %arg13: memref<!tpu.dma_semaphore, #tpu.memory_space<semaphore_mem>>, %arg14: memref<!tpu.dma_semaphore, #tpu.memory_space<semaphore_mem>>, %arg15: memref<!tpu.dma_semaphore, #tpu.memory_space<semaphore_mem>>) attributes {dimension_semantics = [#tpu.dimension_semantics<core_parallel>, #tpu.dimension_semantics<subcore_parallel>], iteration_bounds = array<i64: 2, 16>, scalar_prefetch = 0 : i64, scratch_operands = 9 : i64, tpu.core_type = #tpu.core_type<sc_vector_subcore>, window_params = [{transform_indices = #map}, {transform_indices = #map1}, {transform_indices = #map1}, {transform_indices = #map}, {transform_indices = #map2}]} {
    %mul3A = arith.constant 2 : i32
    %mul3A_0 = arith.muli %arg1, %mul3A : i32
    %add3A = arith.addi %mul3A_0, %arg0 : i32
    %mul3A_1 = arith.constant 640 : i32
    %mul3A_2 = arith.muli %arg1, %mul3A_1 : i32
    %add3A_3 = arith.constant 0 : i32
    %add3A_4 = arith.addi %mul3A_2, %add3A_3 : i32
    "tpu.region"() ({
      %run_scoped3A = tpu.sem_alloc : memref<!tpu.dma_semaphore, #tpu.memory_space<semaphore_mem>>
      %dma_start3A_73 = arith.constant 0 : i32
      %dma_start3A_74 = tpu.memref_slice %arg5[%add3A_4, %dma_start3A_73] : memref<10240x128xf32, #tpu.memory_space<hbm>> -> memref<80x128xf32, #tpu.memory_space<hbm>>
      %dma_start3A_75 = arith.constant 0 : i32
      %dma_start3A_76 = tpu.memref_slice %arg5[%add3A_4, %dma_start3A_75] : memref<10240x128xf32, #tpu.memory_space<hbm>> -> memref<80x128xf32, #tpu.memory_space<hbm>>
      tpu.enqueue_dma source(%dma_start3A_76 : memref<80x128xf32, #tpu.memory_space<hbm>>) target(%arg11 : memref<80x128xf32, #tpu.memory_space<vmem>>) target_semaphore(%run_scoped3A : memref<!tpu.dma_semaphore, #tpu.memory_space<semaphore_mem>>)
      %dma_wait3A_77 = arith.constant 0 : i32
      %dma_wait3A_78 = tpu.memref_slice %arg5[%add3A_4, %dma_wait3A_77] : memref<10240x128xf32, #tpu.memory_space<hbm>> -> memref<80x128xf32, #tpu.memory_space<hbm>>
      %dma_wait3A_79 = arith.constant 0 : i32
      %dma_wait3A_80 = tpu.memref_slice %arg5[%add3A_4, %dma_wait3A_79] : memref<10240x128xf32, #tpu.memory_space<hbm>> -> memref<80x128xf32, #tpu.memory_space<hbm>>
      tpu.wait_dma2 semaphore(%run_scoped3A : memref<!tpu.dma_semaphore, #tpu.memory_space<semaphore_mem>>) src(%dma_wait3A_80 : memref<80x128xf32, #tpu.memory_space<hbm>>) dst(%arg11 : memref<80x128xf32, #tpu.memory_space<vmem>>)
      tpu.yield
    }) : () -> ()
    "tpu.region"() ({
      %run_scoped3A = tpu.sem_alloc : memref<!tpu.dma_semaphore, #tpu.memory_space<semaphore_mem>>
      %dma_start3A_73 = arith.constant 0 : i32
      %dma_start3A_74 = tpu.memref_slice %arg12[%add3A_4, %dma_start3A_73] : memref<10240x128xf32, #tpu.memory_space<vmem_shared>> -> memref<80x128xf32, #tpu.memory_space<vmem_shared>>
      %dma_start3A_75 = arith.constant 0 : i32
      %dma_start3A_76 = tpu.memref_slice %arg12[%add3A_4, %dma_start3A_75] : memref<10240x128xf32, #tpu.memory_space<vmem_shared>> -> memref<80x128xf32, #tpu.memory_space<vmem_shared>>
      tpu.enqueue_dma source(%arg11 : memref<80x128xf32, #tpu.memory_space<vmem>>) target(%dma_start3A_76 : memref<80x128xf32, #tpu.memory_space<vmem_shared>>) target_semaphore(%run_scoped3A : memref<!tpu.dma_semaphore, #tpu.memory_space<semaphore_mem>>)
      %dma_wait3A_77 = arith.constant 0 : i32
      %dma_wait3A_78 = tpu.memref_slice %arg12[%add3A_4, %dma_wait3A_77] : memref<10240x128xf32, #tpu.memory_space<vmem_shared>> -> memref<80x128xf32, #tpu.memory_space<vmem_shared>>
      %dma_wait3A_79 = arith.constant 0 : i32
      %dma_wait3A_80 = tpu.memref_slice %arg12[%add3A_4, %dma_wait3A_79] : memref<10240x128xf32, #tpu.memory_space<vmem_shared>> -> memref<80x128xf32, #tpu.memory_space<vmem_shared>>
      tpu.wait_dma2 semaphore(%run_scoped3A : memref<!tpu.dma_semaphore, #tpu.memory_space<semaphore_mem>>) src(%arg11 : memref<80x128xf32, #tpu.memory_space<vmem>>) dst(%dma_wait3A_80 : memref<80x128xf32, #tpu.memory_space<vmem_shared>>)
      tpu.yield
    }) : () -> ()
    %add3A_5 = arith.constant 80 : i32
    %add3A_6 = arith.addi %mul3A_2, %add3A_5 : i32
    "tpu.region"() ({
      %run_scoped3A = tpu.sem_alloc : memref<!tpu.dma_semaphore, #tpu.memory_space<semaphore_mem>>
      %dma_start3A_73 = arith.constant 0 : i32
      %dma_start3A_74 = tpu.memref_slice %arg5[%add3A_6, %dma_start3A_73] : memref<10240x128xf32, #tpu.memory_space<hbm>> -> memref<80x128xf32, #tpu.memory_space<hbm>>
      %dma_start3A_75 = arith.constant 0 : i32
      %dma_start3A_76 = tpu.memref_slice %arg5[%add3A_6, %dma_start3A_75] : memref<10240x128xf32, #tpu.memory_space<hbm>> -> memref<80x128xf32, #tpu.memory_space<hbm>>
      tpu.enqueue_dma source(%dma_start3A_76 : memref<80x128xf32, #tpu.memory_space<hbm>>) target(%arg11 : memref<80x128xf32, #tpu.memory_space<vmem>>) target_semaphore(%run_scoped3A : memref<!tpu.dma_semaphore, #tpu.memory_space<semaphore_mem>>)
      %dma_wait3A_77 = arith.constant 0 : i32
      %dma_wait3A_78 = tpu.memref_slice %arg5[%add3A_6, %dma_wait3A_77] : memref<10240x128xf32, #tpu.memory_space<hbm>> -> memref<80x128xf32, #tpu.memory_space<hbm>>
      %dma_wait3A_79 = arith.constant 0 : i32
      %dma_wait3A_80 = tpu.memref_slice %arg5[%add3A_6, %dma_wait3A_79] : memref<10240x128xf32, #tpu.memory_space<hbm>> -> memref<80x128xf32, #tpu.memory_space<hbm>>
      tpu.wait_dma2 semaphore(%run_scoped3A : memref<!tpu.dma_semaphore, #tpu.memory_space<semaphore_mem>>) src(%dma_wait3A_80 : memref<80x128xf32, #tpu.memory_space<hbm>>) dst(%arg11 : memref<80x128xf32, #tpu.memory_space<vmem>>)
      tpu.yield
    }) : () -> ()
    "tpu.region"() ({
      %run_scoped3A = tpu.sem_alloc : memref<!tpu.dma_semaphore, #tpu.memory_space<semaphore_mem>>
      %dma_start3A_73 = arith.constant 0 : i32
      %dma_start3A_74 = tpu.memref_slice %arg12[%add3A_6, %dma_start3A_73] : memref<10240x128xf32, #tpu.memory_space<vmem_shared>> -> memref<80x128xf32, #tpu.memory_space<vmem_shared>>
      %dma_start3A_75 = arith.constant 0 : i32
      %dma_start3A_76 = tpu.memref_slice %arg12[%add3A_6, %dma_start3A_75] : memref<10240x128xf32, #tpu.memory_space<vmem_shared>> -> memref<80x128xf32, #tpu.memory_space<vmem_shared>>
      tpu.enqueue_dma source(%arg11 : memref<80x128xf32, #tpu.memory_space<vmem>>) target(%dma_start3A_76 : memref<80x128xf32, #tpu.memory_space<vmem_shared>>) target_semaphore(%run_scoped3A : memref<!tpu.dma_semaphore, #tpu.memory_space<semaphore_mem>>)
      %dma_wait3A_77 = arith.constant 0 : i32
      %dma_wait3A_78 = tpu.memref_slice %arg12[%add3A_6, %dma_wait3A_77] : memref<10240x128xf32, #tpu.memory_space<vmem_shared>> -> memref<80x128xf32, #tpu.memory_space<vmem_shared>>
      %dma_wait3A_79 = arith.constant 0 : i32
      %dma_wait3A_80 = tpu.memref_slice %arg12[%add3A_6, %dma_wait3A_79] : memref<10240x128xf32, #tpu.memory_space<vmem_shared>> -> memref<80x128xf32, #tpu.memory_space<vmem_shared>>
      tpu.wait_dma2 semaphore(%run_scoped3A : memref<!tpu.dma_semaphore, #tpu.memory_space<semaphore_mem>>) src(%arg11 : memref<80x128xf32, #tpu.memory_space<vmem>>) dst(%dma_wait3A_80 : memref<80x128xf32, #tpu.memory_space<vmem_shared>>)
      tpu.yield
    }) : () -> ()
    %add3A_7 = arith.constant 160 : i32
    %add3A_8 = arith.addi %mul3A_2, %add3A_7 : i32
    "tpu.region"() ({
      %run_scoped3A = tpu.sem_alloc : memref<!tpu.dma_semaphore, #tpu.memory_space<semaphore_mem>>
      %dma_start3A_73 = arith.constant 0 : i32
      %dma_start3A_74 = tpu.memref_slice %arg5[%add3A_8, %dma_start3A_73] : memref<10240x128xf32, #tpu.memory_space<hbm>> -> memref<80x128xf32, #tpu.memory_space<hbm>>
      %dma_start3A_75 = arith.constant 0 : i32
      %dma_start3A_76 = tpu.memref_slice %arg5[%add3A_8, %dma_start3A_75] : memref<10240x128xf32, #tpu.memory_space<hbm>> -> memref<80x128xf32, #tpu.memory_space<hbm>>
      tpu.enqueue_dma source(%dma_start3A_76 : memref<80x128xf32, #tpu.memory_space<hbm>>) target(%arg11 : memref<80x128xf32, #tpu.memory_space<vmem>>) target_semaphore(%run_scoped3A : memref<!tpu.dma_semaphore, #tpu.memory_space<semaphore_mem>>)
      %dma_wait3A_77 = arith.constant 0 : i32
      %dma_wait3A_78 = tpu.memref_slice %arg5[%add3A_8, %dma_wait3A_77] : memref<10240x128xf32, #tpu.memory_space<hbm>> -> memref<80x128xf32, #tpu.memory_space<hbm>>
      %dma_wait3A_79 = arith.constant 0 : i32
      %dma_wait3A_80 = tpu.memref_slice %arg5[%add3A_8, %dma_wait3A_79] : memref<10240x128xf32, #tpu.memory_space<hbm>> -> memref<80x128xf32, #tpu.memory_space<hbm>>
      tpu.wait_dma2 semaphore(%run_scoped3A : memref<!tpu.dma_semaphore, #tpu.memory_space<semaphore_mem>>) src(%dma_wait3A_80 : memref<80x128xf32, #tpu.memory_space<hbm>>) dst(%arg11 : memref<80x128xf32, #tpu.memory_space<vmem>>)
      tpu.yield
    }) : () -> ()
    "tpu.region"() ({
      %run_scoped3A = tpu.sem_alloc : memref<!tpu.dma_semaphore, #tpu.memory_space<semaphore_mem>>
      %dma_start3A_73 = arith.constant 0 : i32
      %dma_start3A_74 = tpu.memref_slice %arg12[%add3A_8, %dma_start3A_73] : memref<10240x128xf32, #tpu.memory_space<vmem_shared>> -> memref<80x128xf32, #tpu.memory_space<vmem_shared>>
      %dma_start3A_75 = arith.constant 0 : i32
      %dma_start3A_76 = tpu.memref_slice %arg12[%add3A_8, %dma_start3A_75] : memref<10240x128xf32, #tpu.memory_space<vmem_shared>> -> memref<80x128xf32, #tpu.memory_space<vmem_shared>>
      tpu.enqueue_dma source(%arg11 : memref<80x128xf32, #tpu.memory_space<vmem>>) target(%dma_start3A_76 : memref<80x128xf32, #tpu.memory_space<vmem_shared>>) target_semaphore(%run_scoped3A : memref<!tpu.dma_semaphore, #tpu.memory_space<semaphore_mem>>)
      %dma_wait3A_77 = arith.constant 0 : i32
      %dma_wait3A_78 = tpu.memref_slice %arg12[%add3A_8, %dma_wait3A_77] : memref<10240x128xf32, #tpu.memory_space<vmem_shared>> -> memref<80x128xf32, #tpu.memory_space<vmem_shared>>
      %dma_wait3A_79 = arith.constant 0 : i32
      %dma_wait3A_80 = tpu.memref_slice %arg12[%add3A_8, %dma_wait3A_79] : memref<10240x128xf32, #tpu.memory_space<vmem_shared>> -> memref<80x128xf32, #tpu.memory_space<vmem_shared>>
      tpu.wait_dma2 semaphore(%run_scoped3A : memref<!tpu.dma_semaphore, #tpu.memory_space<semaphore_mem>>) src(%arg11 : memref<80x128xf32, #tpu.memory_space<vmem>>) dst(%dma_wait3A_80 : memref<80x128xf32, #tpu.memory_space<vmem_shared>>)
      tpu.yield
    }) : () -> ()
    %add3A_9 = arith.constant 240 : i32
    %add3A_10 = arith.addi %mul3A_2, %add3A_9 : i32
    "tpu.region"() ({
      %run_scoped3A = tpu.sem_alloc : memref<!tpu.dma_semaphore, #tpu.memory_space<semaphore_mem>>
      %dma_start3A_73 = arith.constant 0 : i32
      %dma_start3A_74 = tpu.memref_slice %arg5[%add3A_10, %dma_start3A_73] : memref<10240x128xf32, #tpu.memory_space<hbm>> -> memref<80x128xf32, #tpu.memory_space<hbm>>
      %dma_start3A_75 = arith.constant 0 : i32
      %dma_start3A_76 = tpu.memref_slice %arg5[%add3A_10, %dma_start3A_75] : memref<10240x128xf32, #tpu.memory_space<hbm>> -> memref<80x128xf32, #tpu.memory_space<hbm>>
      tpu.enqueue_dma source(%dma_start3A_76 : memref<80x128xf32, #tpu.memory_space<hbm>>) target(%arg11 : memref<80x128xf32, #tpu.memory_space<vmem>>) target_semaphore(%run_scoped3A : memref<!tpu.dma_semaphore, #tpu.memory_space<semaphore_mem>>)
      %dma_wait3A_77 = arith.constant 0 : i32
      %dma_wait3A_78 = tpu.memref_slice %arg5[%add3A_10, %dma_wait3A_77] : memref<10240x128xf32, #tpu.memory_space<hbm>> -> memref<80x128xf32, #tpu.memory_space<hbm>>
      %dma_wait3A_79 = arith.constant 0 : i32
      %dma_wait3A_80 = tpu.memref_slice %arg5[%add3A_10, %dma_wait3A_79] : memref<10240x128xf32, #tpu.memory_space<hbm>> -> memref<80x128xf32, #tpu.memory_space<hbm>>
      tpu.wait_dma2 semaphore(%run_scoped3A : memref<!tpu.dma_semaphore, #tpu.memory_space<semaphore_mem>>) src(%dma_wait3A_80 : memref<80x128xf32, #tpu.memory_space<hbm>>) dst(%arg11 : memref<80x128xf32, #tpu.memory_space<vmem>>)
      tpu.yield
    }) : () -> ()
    "tpu.region"() ({
      %run_scoped3A = tpu.sem_alloc : memref<!tpu.dma_semaphore, #tpu.memory_space<semaphore_mem>>
      %dma_start3A_73 = arith.constant 0 : i32
      %dma_start3A_74 = tpu.memref_slice %arg12[%add3A_10, %dma_start3A_73] : memref<10240x128xf32, #tpu.memory_space<vmem_shared>> -> memref<80x128xf32, #tpu.memory_space<vmem_shared>>
      %dma_start3A_75 = arith.constant 0 : i32
      %dma_start3A_76 = tpu.memref_slice %arg12[%add3A_10, %dma_start3A_75] : memref<10240x128xf32, #tpu.memory_space<vmem_shared>> -> memref<80x128xf32, #tpu.memory_space<vmem_shared>>
      tpu.enqueue_dma source(%arg11 : memref<80x128xf32, #tpu.memory_space<vmem>>) target(%dma_start3A_76 : memref<80x128xf32, #tpu.memory_space<vmem_shared>>) target_semaphore(%run_scoped3A : memref<!tpu.dma_semaphore, #tpu.memory_space<semaphore_mem>>)
      %dma_wait3A_77 = arith.constant 0 : i32
      %dma_wait3A_78 = tpu.memref_slice %arg12[%add3A_10, %dma_wait3A_77] : memref<10240x128xf32, #tpu.memory_space<vmem_shared>> -> memref<80x128xf32, #tpu.memory_space<vmem_shared>>
      %dma_wait3A_79 = arith.constant 0 : i32
      %dma_wait3A_80 = tpu.memref_slice %arg12[%add3A_10, %dma_wait3A_79] : memref<10240x128xf32, #tpu.memory_space<vmem_shared>> -> memref<80x128xf32, #tpu.memory_space<vmem_shared>>
      tpu.wait_dma2 semaphore(%run_scoped3A : memref<!tpu.dma_semaphore, #tpu.memory_space<semaphore_mem>>) src(%arg11 : memref<80x128xf32, #tpu.memory_space<vmem>>) dst(%dma_wait3A_80 : memref<80x128xf32, #tpu.memory_space<vmem_shared>>)
      tpu.yield
    }) : () -> ()
    %add3A_11 = arith.constant 320 : i32
    %add3A_12 = arith.addi %mul3A_2, %add3A_11 : i32
    "tpu.region"() ({
      %run_scoped3A = tpu.sem_alloc : memref<!tpu.dma_semaphore, #tpu.memory_space<semaphore_mem>>
      %dma_start3A_73 = arith.constant 0 : i32
      %dma_start3A_74 = tpu.memref_slice %arg5[%add3A_12, %dma_start3A_73] : memref<10240x128xf32, #tpu.memory_space<hbm>> -> memref<80x128xf32, #tpu.memory_space<hbm>>
      %dma_start3A_75 = arith.constant 0 : i32
      %dma_start3A_76 = tpu.memref_slice %arg5[%add3A_12, %dma_start3A_75] : memref<10240x128xf32, #tpu.memory_space<hbm>> -> memref<80x128xf32, #tpu.memory_space<hbm>>
      tpu.enqueue_dma source(%dma_start3A_76 : memref<80x128xf32, #tpu.memory_space<hbm>>) target(%arg11 : memref<80x128xf32, #tpu.memory_space<vmem>>) target_semaphore(%run_scoped3A : memref<!tpu.dma_semaphore, #tpu.memory_space<semaphore_mem>>)
      %dma_wait3A_77 = arith.constant 0 : i32
      %dma_wait3A_78 = tpu.memref_slice %arg5[%add3A_12, %dma_wait3A_77] : memref<10240x128xf32, #tpu.memory_space<hbm>> -> memref<80x128xf32, #tpu.memory_space<hbm>>
      %dma_wait3A_79 = arith.constant 0 : i32
      %dma_wait3A_80 = tpu.memref_slice %arg5[%add3A_12, %dma_wait3A_79] : memref<10240x128xf32, #tpu.memory_space<hbm>> -> memref<80x128xf32, #tpu.memory_space<hbm>>
      tpu.wait_dma2 semaphore(%run_scoped3A : memref<!tpu.dma_semaphore, #tpu.memory_space<semaphore_mem>>) src(%dma_wait3A_80 : memref<80x128xf32, #tpu.memory_space<hbm>>) dst(%arg11 : memref<80x128xf32, #tpu.memory_space<vmem>>)
      tpu.yield
    }) : () -> ()
    "tpu.region"() ({
      %run_scoped3A = tpu.sem_alloc : memref<!tpu.dma_semaphore, #tpu.memory_space<semaphore_mem>>
      %dma_start3A_73 = arith.constant 0 : i32
      %dma_start3A_74 = tpu.memref_slice %arg12[%add3A_12, %dma_start3A_73] : memref<10240x128xf32, #tpu.memory_space<vmem_shared>> -> memref<80x128xf32, #tpu.memory_space<vmem_shared>>
      %dma_start3A_75 = arith.constant 0 : i32
      %dma_start3A_76 = tpu.memref_slice %arg12[%add3A_12, %dma_start3A_75] : memref<10240x128xf32, #tpu.memory_space<vmem_shared>> -> memref<80x128xf32, #tpu.memory_space<vmem_shared>>
      tpu.enqueue_dma source(%arg11 : memref<80x128xf32, #tpu.memory_space<vmem>>) target(%dma_start3A_76 : memref<80x128xf32, #tpu.memory_space<vmem_shared>>) target_semaphore(%run_scoped3A : memref<!tpu.dma_semaphore, #tpu.memory_space<semaphore_mem>>)
      %dma_wait3A_77 = arith.constant 0 : i32
      %dma_wait3A_78 = tpu.memref_slice %arg12[%add3A_12, %dma_wait3A_77] : memref<10240x128xf32, #tpu.memory_space<vmem_shared>> -> memref<80x128xf32, #tpu.memory_space<vmem_shared>>
      %dma_wait3A_79 = arith.constant 0 : i32
      %dma_wait3A_80 = tpu.memref_slice %arg12[%add3A_12, %dma_wait3A_79] : memref<10240x128xf32, #tpu.memory_space<vmem_shared>> -> memref<80x128xf32, #tpu.memory_space<vmem_shared>>
      tpu.wait_dma2 semaphore(%run_scoped3A : memref<!tpu.dma_semaphore, #tpu.memory_space<semaphore_mem>>) src(%arg11 : memref<80x128xf32, #tpu.memory_space<vmem>>) dst(%dma_wait3A_80 : memref<80x128xf32, #tpu.memory_space<vmem_shared>>)
      tpu.yield
    }) : () -> ()
    %add3A_13 = arith.constant 400 : i32
    %add3A_14 = arith.addi %mul3A_2, %add3A_13 : i32
    "tpu.region"() ({
      %run_scoped3A = tpu.sem_alloc : memref<!tpu.dma_semaphore, #tpu.memory_space<semaphore_mem>>
      %dma_start3A_73 = arith.constant 0 : i32
      %dma_start3A_74 = tpu.memref_slice %arg5[%add3A_14, %dma_start3A_73] : memref<10240x128xf32, #tpu.memory_space<hbm>> -> memref<80x128xf32, #tpu.memory_space<hbm>>
      %dma_start3A_75 = arith.constant 0 : i32
      %dma_start3A_76 = tpu.memref_slice %arg5[%add3A_14, %dma_start3A_75] : memref<10240x128xf32, #tpu.memory_space<hbm>> -> memref<80x128xf32, #tpu.memory_space<hbm>>
      tpu.enqueue_dma source(%dma_start3A_76 : memref<80x128xf32, #tpu.memory_space<hbm>>) target(%arg11 : memref<80x128xf32, #tpu.memory_space<vmem>>) target_semaphore(%run_scoped3A : memref<!tpu.dma_semaphore, #tpu.memory_space<semaphore_mem>>)
      %dma_wait3A_77 = arith.constant 0 : i32
      %dma_wait3A_78 = tpu.memref_slice %arg5[%add3A_14, %dma_wait3A_77] : memref<10240x128xf32, #tpu.memory_space<hbm>> -> memref<80x128xf32, #tpu.memory_space<hbm>>
      %dma_wait3A_79 = arith.constant 0 : i32
      %dma_wait3A_80 = tpu.memref_slice %arg5[%add3A_14, %dma_wait3A_79] : memref<10240x128xf32, #tpu.memory_space<hbm>> -> memref<80x128xf32, #tpu.memory_space<hbm>>
      tpu.wait_dma2 semaphore(%run_scoped3A : memref<!tpu.dma_semaphore, #tpu.memory_space<semaphore_mem>>) src(%dma_wait3A_80 : memref<80x128xf32, #tpu.memory_space<hbm>>) dst(%arg11 : memref<80x128xf32, #tpu.memory_space<vmem>>)
      tpu.yield
    }) : () -> ()
    "tpu.region"() ({
      %run_scoped3A = tpu.sem_alloc : memref<!tpu.dma_semaphore, #tpu.memory_space<semaphore_mem>>
      %dma_start3A_73 = arith.constant 0 : i32
      %dma_start3A_74 = tpu.memref_slice %arg12[%add3A_14, %dma_start3A_73] : memref<10240x128xf32, #tpu.memory_space<vmem_shared>> -> memref<80x128xf32, #tpu.memory_space<vmem_shared>>
      %dma_start3A_75 = arith.constant 0 : i32
      %dma_start3A_76 = tpu.memref_slice %arg12[%add3A_14, %dma_start3A_75] : memref<10240x128xf32, #tpu.memory_space<vmem_shared>> -> memref<80x128xf32, #tpu.memory_space<vmem_shared>>
      tpu.enqueue_dma source(%arg11 : memref<80x128xf32, #tpu.memory_space<vmem>>) target(%dma_start3A_76 : memref<80x128xf32, #tpu.memory_space<vmem_shared>>) target_semaphore(%run_scoped3A : memref<!tpu.dma_semaphore, #tpu.memory_space<semaphore_mem>>)
      %dma_wait3A_77 = arith.constant 0 : i32
      %dma_wait3A_78 = tpu.memref_slice %arg12[%add3A_14, %dma_wait3A_77] : memref<10240x128xf32, #tpu.memory_space<vmem_shared>> -> memref<80x128xf32, #tpu.memory_space<vmem_shared>>
      %dma_wait3A_79 = arith.constant 0 : i32
      %dma_wait3A_80 = tpu.memref_slice %arg12[%add3A_14, %dma_wait3A_79] : memref<10240x128xf32, #tpu.memory_space<vmem_shared>> -> memref<80x128xf32, #tpu.memory_space<vmem_shared>>
      tpu.wait_dma2 semaphore(%run_scoped3A : memref<!tpu.dma_semaphore, #tpu.memory_space<semaphore_mem>>) src(%arg11 : memref<80x128xf32, #tpu.memory_space<vmem>>) dst(%dma_wait3A_80 : memref<80x128xf32, #tpu.memory_space<vmem_shared>>)
      tpu.yield
    }) : () -> ()
    %add3A_15 = arith.constant 480 : i32
    %add3A_16 = arith.addi %mul3A_2, %add3A_15 : i32
    "tpu.region"() ({
      %run_scoped3A = tpu.sem_alloc : memref<!tpu.dma_semaphore, #tpu.memory_space<semaphore_mem>>
      %dma_start3A_73 = arith.constant 0 : i32
      %dma_start3A_74 = tpu.memref_slice %arg5[%add3A_16, %dma_start3A_73] : memref<10240x128xf32, #tpu.memory_space<hbm>> -> memref<80x128xf32, #tpu.memory_space<hbm>>
      %dma_start3A_75 = arith.constant 0 : i32
      %dma_start3A_76 = tpu.memref_slice %arg5[%add3A_16, %dma_start3A_75] : memref<10240x128xf32, #tpu.memory_space<hbm>> -> memref<80x128xf32, #tpu.memory_space<hbm>>
      tpu.enqueue_dma source(%dma_start3A_76 : memref<80x128xf32, #tpu.memory_space<hbm>>) target(%arg11 : memref<80x128xf32, #tpu.memory_space<vmem>>) target_semaphore(%run_scoped3A : memref<!tpu.dma_semaphore, #tpu.memory_space<semaphore_mem>>)
      %dma_wait3A_77 = arith.constant 0 : i32
      %dma_wait3A_78 = tpu.memref_slice %arg5[%add3A_16, %dma_wait3A_77] : memref<10240x128xf32, #tpu.memory_space<hbm>> -> memref<80x128xf32, #tpu.memory_space<hbm>>
      %dma_wait3A_79 = arith.constant 0 : i32
      %dma_wait3A_80 = tpu.memref_slice %arg5[%add3A_16, %dma_wait3A_79] : memref<10240x128xf32, #tpu.memory_space<hbm>> -> memref<80x128xf32, #tpu.memory_space<hbm>>
      tpu.wait_dma2 semaphore(%run_scoped3A : memref<!tpu.dma_semaphore, #tpu.memory_space<semaphore_mem>>) src(%dma_wait3A_80 : memref<80x128xf32, #tpu.memory_space<hbm>>) dst(%arg11 : memref<80x128xf32, #tpu.memory_space<vmem>>)
      tpu.yield
    }) : () -> ()
    "tpu.region"() ({
      %run_scoped3A = tpu.sem_alloc : memref<!tpu.dma_semaphore, #tpu.memory_space<semaphore_mem>>
      %dma_start3A_73 = arith.constant 0 : i32
      %dma_start3A_74 = tpu.memref_slice %arg12[%add3A_16, %dma_start3A_73] : memref<10240x128xf32, #tpu.memory_space<vmem_shared>> -> memref<80x128xf32, #tpu.memory_space<vmem_shared>>
      %dma_start3A_75 = arith.constant 0 : i32
      %dma_start3A_76 = tpu.memref_slice %arg12[%add3A_16, %dma_start3A_75] : memref<10240x128xf32, #tpu.memory_space<vmem_shared>> -> memref<80x128xf32, #tpu.memory_space<vmem_shared>>
      tpu.enqueue_dma source(%arg11 : memref<80x128xf32, #tpu.memory_space<vmem>>) target(%dma_start3A_76 : memref<80x128xf32, #tpu.memory_space<vmem_shared>>) target_semaphore(%run_scoped3A : memref<!tpu.dma_semaphore, #tpu.memory_space<semaphore_mem>>)
      %dma_wait3A_77 = arith.constant 0 : i32
      %dma_wait3A_78 = tpu.memref_slice %arg12[%add3A_16, %dma_wait3A_77] : memref<10240x128xf32, #tpu.memory_space<vmem_shared>> -> memref<80x128xf32, #tpu.memory_space<vmem_shared>>
      %dma_wait3A_79 = arith.constant 0 : i32
      %dma_wait3A_80 = tpu.memref_slice %arg12[%add3A_16, %dma_wait3A_79] : memref<10240x128xf32, #tpu.memory_space<vmem_shared>> -> memref<80x128xf32, #tpu.memory_space<vmem_shared>>
      tpu.wait_dma2 semaphore(%run_scoped3A : memref<!tpu.dma_semaphore, #tpu.memory_space<semaphore_mem>>) src(%arg11 : memref<80x128xf32, #tpu.memory_space<vmem>>) dst(%dma_wait3A_80 : memref<80x128xf32, #tpu.memory_space<vmem_shared>>)
      tpu.yield
    }) : () -> ()
    %add3A_17 = arith.constant 560 : i32
    %add3A_18 = arith.addi %mul3A_2, %add3A_17 : i32
    "tpu.region"() ({
      %run_scoped3A = tpu.sem_alloc : memref<!tpu.dma_semaphore, #tpu.memory_space<semaphore_mem>>
      %dma_start3A_73 = arith.constant 0 : i32
      %dma_start3A_74 = tpu.memref_slice %arg5[%add3A_18, %dma_start3A_73] : memref<10240x128xf32, #tpu.memory_space<hbm>> -> memref<80x128xf32, #tpu.memory_space<hbm>>
      %dma_start3A_75 = arith.constant 0 : i32
      %dma_start3A_76 = tpu.memref_slice %arg5[%add3A_18, %dma_start3A_75] : memref<10240x128xf32, #tpu.memory_space<hbm>> -> memref<80x128xf32, #tpu.memory_space<hbm>>
      tpu.enqueue_dma source(%dma_start3A_76 : memref<80x128xf32, #tpu.memory_space<hbm>>) target(%arg11 : memref<80x128xf32, #tpu.memory_space<vmem>>) target_semaphore(%run_scoped3A : memref<!tpu.dma_semaphore, #tpu.memory_space<semaphore_mem>>)
      %dma_wait3A_77 = arith.constant 0 : i32
      %dma_wait3A_78 = tpu.memref_slice %arg5[%add3A_18, %dma_wait3A_77] : memref<10240x128xf32, #tpu.memory_space<hbm>> -> memref<80x128xf32, #tpu.memory_space<hbm>>
      %dma_wait3A_79 = arith.constant 0 : i32
      %dma_wait3A_80 = tpu.memref_slice %arg5[%add3A_18, %dma_wait3A_79] : memref<10240x128xf32, #tpu.memory_space<hbm>> -> memref<80x128xf32, #tpu.memory_space<hbm>>
      tpu.wait_dma2 semaphore(%run_scoped3A : memref<!tpu.dma_semaphore, #tpu.memory_space<semaphore_mem>>) src(%dma_wait3A_80 : memref<80x128xf32, #tpu.memory_space<hbm>>) dst(%arg11 : memref<80x128xf32, #tpu.memory_space<vmem>>)
      tpu.yield
    }) : () -> ()
    "tpu.region"() ({
      %run_scoped3A = tpu.sem_alloc : memref<!tpu.dma_semaphore, #tpu.memory_space<semaphore_mem>>
      %dma_start3A_73 = arith.constant 0 : i32
      %dma_start3A_74 = tpu.memref_slice %arg12[%add3A_18, %dma_start3A_73] : memref<10240x128xf32, #tpu.memory_space<vmem_shared>> -> memref<80x128xf32, #tpu.memory_space<vmem_shared>>
      %dma_start3A_75 = arith.constant 0 : i32
      %dma_start3A_76 = tpu.memref_slice %arg12[%add3A_18, %dma_start3A_75] : memref<10240x128xf32, #tpu.memory_space<vmem_shared>> -> memref<80x128xf32, #tpu.memory_space<vmem_shared>>
      tpu.enqueue_dma source(%arg11 : memref<80x128xf32, #tpu.memory_space<vmem>>) target(%dma_start3A_76 : memref<80x128xf32, #tpu.memory_space<vmem_shared>>) target_semaphore(%run_scoped3A : memref<!tpu.dma_semaphore, #tpu.memory_space<semaphore_mem>>)
      %dma_wait3A_77 = arith.constant 0 : i32
      %dma_wait3A_78 = tpu.memref_slice %arg12[%add3A_18, %dma_wait3A_77] : memref<10240x128xf32, #tpu.memory_space<vmem_shared>> -> memref<80x128xf32, #tpu.memory_space<vmem_shared>>
      %dma_wait3A_79 = arith.constant 0 : i32
      %dma_wait3A_80 = tpu.memref_slice %arg12[%add3A_18, %dma_wait3A_79] : memref<10240x128xf32, #tpu.memory_space<vmem_shared>> -> memref<80x128xf32, #tpu.memory_space<vmem_shared>>
      tpu.wait_dma2 semaphore(%run_scoped3A : memref<!tpu.dma_semaphore, #tpu.memory_space<semaphore_mem>>) src(%arg11 : memref<80x128xf32, #tpu.memory_space<vmem>>) dst(%dma_wait3A_80 : memref<80x128xf32, #tpu.memory_space<vmem_shared>>)
      tpu.yield
    }) : () -> ()
    %barrier3A = arith.constant 0 : index
    tpu.barrier barrier_id(%barrier3A)
    %mul3A_19 = arith.constant 10000 : i32
    %mul3A_20 = arith.muli %add3A, %mul3A_19 : i32
    %dma_start3A = tpu.memref_slice %arg3[%mul3A_20] : memref<320160xi32, #tpu.memory_space<hbm>> -> memref<80xi32, #tpu.memory_space<hbm>>
    %dma_start3A_21 = tpu.memref_slice %arg3[%mul3A_20] : memref<320160xi32, #tpu.memory_space<hbm>> -> memref<80xi32, #tpu.memory_space<hbm>>
    tpu.enqueue_dma source(%dma_start3A_21 : memref<80xi32, #tpu.memory_space<hbm>>) target(%arg7 : memref<80xi32, #tpu.memory_space<vmem>>) target_semaphore(%arg14 : memref<!tpu.dma_semaphore, #tpu.memory_space<semaphore_mem>>)
    %dma_start3A_22 = tpu.memref_slice %arg4[%mul3A_20] : memref<320160xi32, #tpu.memory_space<hbm>> -> memref<80xi32, #tpu.memory_space<hbm>>
    %dma_start3A_23 = tpu.memref_slice %arg4[%mul3A_20] : memref<320160xi32, #tpu.memory_space<hbm>> -> memref<80xi32, #tpu.memory_space<hbm>>
    tpu.enqueue_dma source(%dma_start3A_23 : memref<80xi32, #tpu.memory_space<hbm>>) target(%arg8 : memref<80xi32, #tpu.memory_space<vmem>>) target_semaphore(%arg14 : memref<!tpu.dma_semaphore, #tpu.memory_space<semaphore_mem>>)
    %dma_wait3A = arith.constant 0 : i32
    %dma_wait3A_24 = tpu.memref_slice %arg3[%dma_wait3A] : memref<320160xi32, #tpu.memory_space<hbm>> -> memref<80xi32, #tpu.memory_space<hbm>>
    %dma_wait3A_25 = arith.constant 0 : i32
    %dma_wait3A_26 = tpu.memref_slice %arg3[%dma_wait3A_25] : memref<320160xi32, #tpu.memory_space<hbm>> -> memref<80xi32, #tpu.memory_space<hbm>>
    tpu.wait_dma2 semaphore(%arg14 : memref<!tpu.dma_semaphore, #tpu.memory_space<semaphore_mem>>) src(%dma_wait3A_26 : memref<80xi32, #tpu.memory_space<hbm>>) dst(%arg7 : memref<80xi32, #tpu.memory_space<vmem>>)
    %dma_wait3A_27 = arith.constant 0 : i32
    %dma_wait3A_28 = tpu.memref_slice %arg4[%dma_wait3A_27] : memref<320160xi32, #tpu.memory_space<hbm>> -> memref<80xi32, #tpu.memory_space<hbm>>
    %dma_wait3A_29 = arith.constant 0 : i32
    %dma_wait3A_30 = tpu.memref_slice %arg4[%dma_wait3A_29] : memref<320160xi32, #tpu.memory_space<hbm>> -> memref<80xi32, #tpu.memory_space<hbm>>
    tpu.wait_dma2 semaphore(%arg14 : memref<!tpu.dma_semaphore, #tpu.memory_space<semaphore_mem>>) src(%dma_wait3A_30 : memref<80xi32, #tpu.memory_space<hbm>>) dst(%arg8 : memref<80xi32, #tpu.memory_space<vmem>>)
    %add3A_31 = arith.constant 80 : i32
    %add3A_32 = arith.addi %mul3A_20, %add3A_31 : i32
    %dma_start3A_33 = tpu.memref_slice %arg3[%add3A_32] : memref<320160xi32, #tpu.memory_space<hbm>> -> memref<80xi32, #tpu.memory_space<hbm>>
    %dma_start3A_34 = tpu.memref_slice %arg3[%add3A_32] : memref<320160xi32, #tpu.memory_space<hbm>> -> memref<80xi32, #tpu.memory_space<hbm>>
    tpu.enqueue_dma source(%dma_start3A_34 : memref<80xi32, #tpu.memory_space<hbm>>) target(%arg9 : memref<80xi32, #tpu.memory_space<vmem>>) target_semaphore(%arg15 : memref<!tpu.dma_semaphore, #tpu.memory_space<semaphore_mem>>)
    %dma_start3A_35 = tpu.memref_slice %arg4[%add3A_32] : memref<320160xi32, #tpu.memory_space<hbm>> -> memref<80xi32, #tpu.memory_space<hbm>>
    %dma_start3A_36 = tpu.memref_slice %arg4[%add3A_32] : memref<320160xi32, #tpu.memory_space<hbm>> -> memref<80xi32, #tpu.memory_space<hbm>>
    tpu.enqueue_dma source(%dma_start3A_36 : memref<80xi32, #tpu.memory_space<hbm>>) target(%arg10 : memref<80xi32, #tpu.memory_space<vmem>>) target_semaphore(%arg15 : memref<!tpu.dma_semaphore, #tpu.memory_space<semaphore_mem>>)
    %dma_start3A_37 = arith.constant 0 : i32
    %dma_start3A_38 = arith.constant 0 : i32
    %dma_start3A_39 = tpu.memref_slice %arg2[%dma_start3A_37, %dma_start3A_38] : memref<10000x128xf32, #tpu.memory_space<hbm>> -> memref<10000x128xf32, #tpu.memory_space<hbm>>
    tpu.enqueue_indirect_dma source(%dma_start3A_39 : memref<10000x128xf32, #tpu.memory_space<hbm>>) target(%arg11 : memref<80x128xf32, #tpu.memory_space<vmem>>) offsets(%arg7 : memref<80xi32, #tpu.memory_space<vmem>>) semaphore(%arg13 : memref<!tpu.dma_semaphore, #tpu.memory_space<semaphore_mem>>)
    %dma_wait3A_40 = arith.constant 0 : i32
    %dma_wait3A_41 = arith.constant 0 : i32
    %dma_wait3A_42 = tpu.memref_slice %arg2[%dma_wait3A_40, %dma_wait3A_41] : memref<10000x128xf32, #tpu.memory_space<hbm>> -> memref<10000x128xf32, #tpu.memory_space<hbm>>
    tpu.wait_indirect_dma semaphore(%arg13 : memref<!tpu.dma_semaphore, #tpu.memory_space<semaphore_mem>>) src(%dma_wait3A_42 : memref<10000x128xf32, #tpu.memory_space<hbm>>) dst(%arg11 : memref<80x128xf32, #tpu.memory_space<vmem>>)
    "tpu.region"() ({
      %run_scoped3A = tpu.sem_alloc : memref<!tpu.dma_semaphore, #tpu.memory_space<semaphore_mem>>
      %dma_start3A_73 = arith.constant 0 : i32
      %dma_start3A_74 = arith.constant 0 : i32
      %dma_start3A_75 = tpu.memref_slice %arg12[%dma_start3A_73, %dma_start3A_74] : memref<10240x128xf32, #tpu.memory_space<vmem_shared>> -> memref<10240x128xf32, #tpu.memory_space<vmem_shared>>
      tpu.enqueue_indirect_dma source(%arg11 : memref<80x128xf32, #tpu.memory_space<vmem>>) target(%dma_start3A_75 : memref<10240x128xf32, #tpu.memory_space<vmem_shared>>) offsets(%arg8 : memref<80xi32, #tpu.memory_space<vmem>>) semaphore(%run_scoped3A : memref<!tpu.dma_semaphore, #tpu.memory_space<semaphore_mem>>) {add = true}
      %dma_wait3A_76 = arith.constant 0 : i32
      %dma_wait3A_77 = arith.constant 0 : i32
      %dma_wait3A_78 = tpu.memref_slice %arg12[%dma_wait3A_76, %dma_wait3A_77] : memref<10240x128xf32, #tpu.memory_space<vmem_shared>> -> memref<10240x128xf32, #tpu.memory_space<vmem_shared>>
      tpu.wait_indirect_dma semaphore(%run_scoped3A : memref<!tpu.dma_semaphore, #tpu.memory_space<semaphore_mem>>) src(%arg11 : memref<80x128xf32, #tpu.memory_space<vmem>>) dst(%dma_wait3A_78 : memref<10240x128xf32, #tpu.memory_space<vmem_shared>>)
      tpu.yield
    }) : () -> ()
    %scan3A = arith.constant 0 : i32
    %scan3A_43 = arith.constant 0 : i32
    %scan3A_44 = arith.constant 62 : i32
    %scan3A_45 = arith.addi %scan3A_43, %scan3A_44 : i32
    %scan3A_46 = arith.constant 1 : i32
    scf.for %scan3A_73 = %scan3A_43 to %scan3A_45 step %scan3A_46  : i32 {
      %add3A_74 = arith.constant 80 : i32
      %add3A_75 = arith.addi %mul3A_20, %add3A_74 : i32
      %mul3A_76 = arith.constant 2 : i32
      %mul3A_77 = arith.muli %mul3A_76, %scan3A_73 : i32
      %mul3A_78 = arith.constant 80 : i32
      %mul3A_79 = arith.muli %mul3A_77, %mul3A_78 : i32
      %add3A_80 = arith.addi %add3A_75, %mul3A_79 : i32
      %dma_wait3A_81 = arith.constant 0 : i32
      %dma_wait3A_82 = tpu.memref_slice %arg3[%dma_wait3A_81] : memref<320160xi32, #tpu.memory_space<hbm>> -> memref<80xi32, #tpu.memory_space<hbm>>
      %dma_wait3A_83 = arith.constant 0 : i32
      %dma_wait3A_84 = tpu.memref_slice %arg3[%dma_wait3A_83] : memref<320160xi32, #tpu.memory_space<hbm>> -> memref<80xi32, #tpu.memory_space<hbm>>
      tpu.wait_dma2 semaphore(%arg15 : memref<!tpu.dma_semaphore, #tpu.memory_space<semaphore_mem>>) src(%dma_wait3A_84 : memref<80xi32, #tpu.memory_space<hbm>>) dst(%arg9 : memref<80xi32, #tpu.memory_space<vmem>>)
      %dma_wait3A_85 = arith.constant 0 : i32
      %dma_wait3A_86 = tpu.memref_slice %arg4[%dma_wait3A_85] : memref<320160xi32, #tpu.memory_space<hbm>> -> memref<80xi32, #tpu.memory_space<hbm>>
      %dma_wait3A_87 = arith.constant 0 : i32
      %dma_wait3A_88 = tpu.memref_slice %arg4[%dma_wait3A_87] : memref<320160xi32, #tpu.memory_space<hbm>> -> memref<80xi32, #tpu.memory_space<hbm>>
      tpu.wait_dma2 semaphore(%arg15 : memref<!tpu.dma_semaphore, #tpu.memory_space<semaphore_mem>>) src(%dma_wait3A_88 : memref<80xi32, #tpu.memory_space<hbm>>) dst(%arg10 : memref<80xi32, #tpu.memory_space<vmem>>)
      %add3A_89 = arith.constant 80 : i32
      %add3A_90 = arith.addi %add3A_80, %add3A_89 : i32
      %dma_start3A_91 = tpu.memref_slice %arg3[%add3A_90] : memref<320160xi32, #tpu.memory_space<hbm>> -> memref<80xi32, #tpu.memory_space<hbm>>
      %dma_start3A_92 = tpu.memref_slice %arg3[%add3A_90] : memref<320160xi32, #tpu.memory_space<hbm>> -> memref<80xi32, #tpu.memory_space<hbm>>
      tpu.enqueue_dma source(%dma_start3A_92 : memref<80xi32, #tpu.memory_space<hbm>>) target(%arg7 : memref<80xi32, #tpu.memory_space<vmem>>) target_semaphore(%arg14 : memref<!tpu.dma_semaphore, #tpu.memory_space<semaphore_mem>>)
      %dma_start3A_93 = tpu.memref_slice %arg4[%add3A_90] : memref<320160xi32, #tpu.memory_space<hbm>> -> memref<80xi32, #tpu.memory_space<hbm>>
      %dma_start3A_94 = tpu.memref_slice %arg4[%add3A_90] : memref<320160xi32, #tpu.memory_space<hbm>> -> memref<80xi32, #tpu.memory_space<hbm>>
      tpu.enqueue_dma source(%dma_start3A_94 : memref<80xi32, #tpu.memory_space<hbm>>) target(%arg8 : memref<80xi32, #tpu.memory_space<vmem>>) target_semaphore(%arg14 : memref<!tpu.dma_semaphore, #tpu.memory_space<semaphore_mem>>)
      %dma_start3A_95 = arith.constant 0 : i32
      %dma_start3A_96 = arith.constant 0 : i32
      %dma_start3A_97 = tpu.memref_slice %arg2[%dma_start3A_95, %dma_start3A_96] : memref<10000x128xf32, #tpu.memory_space<hbm>> -> memref<10000x128xf32, #tpu.memory_space<hbm>>
      tpu.enqueue_indirect_dma source(%dma_start3A_97 : memref<10000x128xf32, #tpu.memory_space<hbm>>) target(%arg11 : memref<80x128xf32, #tpu.memory_space<vmem>>) offsets(%arg9 : memref<80xi32, #tpu.memory_space<vmem>>) semaphore(%arg13 : memref<!tpu.dma_semaphore, #tpu.memory_space<semaphore_mem>>)
      %dma_wait3A_98 = arith.constant 0 : i32
      %dma_wait3A_99 = arith.constant 0 : i32
      %dma_wait3A_100 = tpu.memref_slice %arg2[%dma_wait3A_98, %dma_wait3A_99] : memref<10000x128xf32, #tpu.memory_space<hbm>> -> memref<10000x128xf32, #tpu.memory_space<hbm>>
      tpu.wait_indirect_dma semaphore(%arg13 : memref<!tpu.dma_semaphore, #tpu.memory_space<semaphore_mem>>) src(%dma_wait3A_100 : memref<10000x128xf32, #tpu.memory_space<hbm>>) dst(%arg11 : memref<80x128xf32, #tpu.memory_space<vmem>>)
      "tpu.region"() ({
        %run_scoped3A = tpu.sem_alloc : memref<!tpu.dma_semaphore, #tpu.memory_space<semaphore_mem>>
        %dma_start3A_121 = arith.constant 0 : i32
        %dma_start3A_122 = arith.constant 0 : i32
        %dma_start3A_123 = tpu.memref_slice %arg12[%dma_start3A_121, %dma_start3A_122] : memref<10240x128xf32, #tpu.memory_space<vmem_shared>> -> memref<10240x128xf32, #tpu.memory_space<vmem_shared>>
        tpu.enqueue_indirect_dma source(%arg11 : memref<80x128xf32, #tpu.memory_space<vmem>>) target(%dma_start3A_123 : memref<10240x128xf32, #tpu.memory_space<vmem_shared>>) offsets(%arg10 : memref<80xi32, #tpu.memory_space<vmem>>) semaphore(%run_scoped3A : memref<!tpu.dma_semaphore, #tpu.memory_space<semaphore_mem>>) {add = true}
        %dma_wait3A_124 = arith.constant 0 : i32
        %dma_wait3A_125 = arith.constant 0 : i32
        %dma_wait3A_126 = tpu.memref_slice %arg12[%dma_wait3A_124, %dma_wait3A_125] : memref<10240x128xf32, #tpu.memory_space<vmem_shared>> -> memref<10240x128xf32, #tpu.memory_space<vmem_shared>>
        tpu.wait_indirect_dma semaphore(%run_scoped3A : memref<!tpu.dma_semaphore, #tpu.memory_space<semaphore_mem>>) src(%arg11 : memref<80x128xf32, #tpu.memory_space<vmem>>) dst(%dma_wait3A_126 : memref<10240x128xf32, #tpu.memory_space<vmem_shared>>)
        tpu.yield
      }) : () -> ()
      %dma_wait3A_101 = arith.constant 0 : i32
      %dma_wait3A_102 = tpu.memref_slice %arg3[%dma_wait3A_101] : memref<320160xi32, #tpu.memory_space<hbm>> -> memref<80xi32, #tpu.memory_space<hbm>>
      %dma_wait3A_103 = arith.constant 0 : i32
      %dma_wait3A_104 = tpu.memref_slice %arg3[%dma_wait3A_103] : memref<320160xi32, #tpu.memory_space<hbm>> -> memref<80xi32, #tpu.memory_space<hbm>>
      tpu.wait_dma2 semaphore(%arg14 : memref<!tpu.dma_semaphore, #tpu.memory_space<semaphore_mem>>) src(%dma_wait3A_104 : memref<80xi32, #tpu.memory_space<hbm>>) dst(%arg7 : memref<80xi32, #tpu.memory_space<vmem>>)
      %dma_wait3A_105 = arith.constant 0 : i32
      %dma_wait3A_106 = tpu.memref_slice %arg4[%dma_wait3A_105] : memref<320160xi32, #tpu.memory_space<hbm>> -> memref<80xi32, #tpu.memory_space<hbm>>
      %dma_wait3A_107 = arith.constant 0 : i32
      %dma_wait3A_108 = tpu.memref_slice %arg4[%dma_wait3A_107] : memref<320160xi32, #tpu.memory_space<hbm>> -> memref<80xi32, #tpu.memory_space<hbm>>
      tpu.wait_dma2 semaphore(%arg14 : memref<!tpu.dma_semaphore, #tpu.memory_space<semaphore_mem>>) src(%dma_wait3A_108 : memref<80xi32, #tpu.memory_space<hbm>>) dst(%arg8 : memref<80xi32, #tpu.memory_space<vmem>>)
      %add3A_109 = arith.constant 160 : i32
      %add3A_110 = arith.addi %add3A_80, %add3A_109 : i32
      %dma_start3A_111 = tpu.memref_slice %arg3[%add3A_110] : memref<320160xi32, #tpu.memory_space<hbm>> -> memref<80xi32, #tpu.memory_space<hbm>>
      %dma_start3A_112 = tpu.memref_slice %arg3[%add3A_110] : memref<320160xi32, #tpu.memory_space<hbm>> -> memref<80xi32, #tpu.memory_space<hbm>>
      tpu.enqueue_dma source(%dma_start3A_112 : memref<80xi32, #tpu.memory_space<hbm>>) target(%arg9 : memref<80xi32, #tpu.memory_space<vmem>>) target_semaphore(%arg15 : memref<!tpu.dma_semaphore, #tpu.memory_space<semaphore_mem>>)
      %dma_start3A_113 = tpu.memref_slice %arg4[%add3A_110] : memref<320160xi32, #tpu.memory_space<hbm>> -> memref<80xi32, #tpu.memory_space<hbm>>
      %dma_start3A_114 = tpu.memref_slice %arg4[%add3A_110] : memref<320160xi32, #tpu.memory_space<hbm>> -> memref<80xi32, #tpu.memory_space<hbm>>
      tpu.enqueue_dma source(%dma_start3A_114 : memref<80xi32, #tpu.memory_space<hbm>>) target(%arg10 : memref<80xi32, #tpu.memory_space<vmem>>) target_semaphore(%arg15 : memref<!tpu.dma_semaphore, #tpu.memory_space<semaphore_mem>>)
      %dma_start3A_115 = arith.constant 0 : i32
      %dma_start3A_116 = arith.constant 0 : i32
      %dma_start3A_117 = tpu.memref_slice %arg2[%dma_start3A_115, %dma_start3A_116] : memref<10000x128xf32, #tpu.memory_space<hbm>> -> memref<10000x128xf32, #tpu.memory_space<hbm>>
      tpu.enqueue_indirect_dma source(%dma_start3A_117 : memref<10000x128xf32, #tpu.memory_space<hbm>>) target(%arg11 : memref<80x128xf32, #tpu.memory_space<vmem>>) offsets(%arg7 : memref<80xi32, #tpu.memory_space<vmem>>) semaphore(%arg13 : memref<!tpu.dma_semaphore, #tpu.memory_space<semaphore_mem>>)
      %dma_wait3A_118 = arith.constant 0 : i32
      %dma_wait3A_119 = arith.constant 0 : i32
      %dma_wait3A_120 = tpu.memref_slice %arg2[%dma_wait3A_118, %dma_wait3A_119] : memref<10000x128xf32, #tpu.memory_space<hbm>> -> memref<10000x128xf32, #tpu.memory_space<hbm>>
      tpu.wait_indirect_dma semaphore(%arg13 : memref<!tpu.dma_semaphore, #tpu.memory_space<semaphore_mem>>) src(%dma_wait3A_120 : memref<10000x128xf32, #tpu.memory_space<hbm>>) dst(%arg11 : memref<80x128xf32, #tpu.memory_space<vmem>>)
      "tpu.region"() ({
        %run_scoped3A = tpu.sem_alloc : memref<!tpu.dma_semaphore, #tpu.memory_space<semaphore_mem>>
        %dma_start3A_121 = arith.constant 0 : i32
        %dma_start3A_122 = arith.constant 0 : i32
        %dma_start3A_123 = tpu.memref_slice %arg12[%dma_start3A_121, %dma_start3A_122] : memref<10240x128xf32, #tpu.memory_space<vmem_shared>> -> memref<10240x128xf32, #tpu.memory_space<vmem_shared>>
        tpu.enqueue_indirect_dma source(%arg11 : memref<80x128xf32, #tpu.memory_space<vmem>>) target(%dma_start3A_123 : memref<10240x128xf32, #tpu.memory_space<vmem_shared>>) offsets(%arg8 : memref<80xi32, #tpu.memory_space<vmem>>) semaphore(%run_scoped3A : memref<!tpu.dma_semaphore, #tpu.memory_space<semaphore_mem>>) {add = true}
        %dma_wait3A_124 = arith.constant 0 : i32
        %dma_wait3A_125 = arith.constant 0 : i32
        %dma_wait3A_126 = tpu.memref_slice %arg12[%dma_wait3A_124, %dma_wait3A_125] : memref<10240x128xf32, #tpu.memory_space<vmem_shared>> -> memref<10240x128xf32, #tpu.memory_space<vmem_shared>>
        tpu.wait_indirect_dma semaphore(%run_scoped3A : memref<!tpu.dma_semaphore, #tpu.memory_space<semaphore_mem>>) src(%arg11 : memref<80x128xf32, #tpu.memory_space<vmem>>) dst(%dma_wait3A_126 : memref<10240x128xf32, #tpu.memory_space<vmem_shared>>)
        tpu.yield
      }) : () -> ()
    }
    %scan3A_47 = arith.constant 62 : i32
    %dma_wait3A_48 = arith.constant 0 : i32
    %dma_wait3A_49 = tpu.memref_slice %arg3[%dma_wait3A_48] : memref<320160xi32, #tpu.memory_space<hbm>> -> memref<80xi32, #tpu.memory_space<hbm>>
    %dma_wait3A_50 = arith.constant 0 : i32
    %dma_wait3A_51 = tpu.memref_slice %arg3[%dma_wait3A_50] : memref<320160xi32, #tpu.memory_space<hbm>> -> memref<80xi32, #tpu.memory_space<hbm>>
    tpu.wait_dma2 semaphore(%arg15 : memref<!tpu.dma_semaphore, #tpu.memory_space<semaphore_mem>>) src(%dma_wait3A_51 : memref<80xi32, #tpu.memory_space<hbm>>) dst(%arg9 : memref<80xi32, #tpu.memory_space<vmem>>)
    %dma_wait3A_52 = arith.constant 0 : i32
    %dma_wait3A_53 = tpu.memref_slice %arg4[%dma_wait3A_52] : memref<320160xi32, #tpu.memory_space<hbm>> -> memref<80xi32, #tpu.memory_space<hbm>>
    %dma_wait3A_54 = arith.constant 0 : i32
    %dma_wait3A_55 = tpu.memref_slice %arg4[%dma_wait3A_54] : memref<320160xi32, #tpu.memory_space<hbm>> -> memref<80xi32, #tpu.memory_space<hbm>>
    tpu.wait_dma2 semaphore(%arg15 : memref<!tpu.dma_semaphore, #tpu.memory_space<semaphore_mem>>) src(%dma_wait3A_55 : memref<80xi32, #tpu.memory_space<hbm>>) dst(%arg10 : memref<80xi32, #tpu.memory_space<vmem>>)
    %barrier3A_56 = arith.constant 0 : index
    tpu.barrier barrier_id(%barrier3A_56)
    %add3A_57 = arith.constant 0 : i32
    %add3A_58 = arith.addi %mul3A_2, %add3A_57 : i32
    "tpu.region"() ({
      %run_scoped3A = tpu.sem_alloc : memref<!tpu.dma_semaphore, #tpu.memory_space<semaphore_mem>>
      %dma_start3A_73 = arith.constant 0 : i32
      %dma_start3A_74 = tpu.memref_slice %arg12[%add3A_58, %dma_start3A_73] : memref<10240x128xf32, #tpu.memory_space<vmem_shared>> -> memref<80x128xf32, #tpu.memory_space<vmem_shared>>
      %dma_start3A_75 = arith.constant 0 : i32
      %dma_start3A_76 = tpu.memref_slice %arg12[%add3A_58, %dma_start3A_75] : memref<10240x128xf32, #tpu.memory_space<vmem_shared>> -> memref<80x128xf32, #tpu.memory_space<vmem_shared>>
      tpu.enqueue_dma source(%dma_start3A_76 : memref<80x128xf32, #tpu.memory_space<vmem_shared>>) target(%arg11 : memref<80x128xf32, #tpu.memory_space<vmem>>) target_semaphore(%run_scoped3A : memref<!tpu.dma_semaphore, #tpu.memory_space<semaphore_mem>>)
      %dma_wait3A_77 = arith.constant 0 : i32
      %dma_wait3A_78 = tpu.memref_slice %arg12[%add3A_58, %dma_wait3A_77] : memref<10240x128xf32, #tpu.memory_space<vmem_shared>> -> memref<80x128xf32, #tpu.memory_space<vmem_shared>>
      %dma_wait3A_79 = arith.constant 0 : i32
      %dma_wait3A_80 = tpu.memref_slice %arg12[%add3A_58, %dma_wait3A_79] : memref<10240x128xf32, #tpu.memory_space<vmem_shared>> -> memref<80x128xf32, #tpu.memory_space<vmem_shared>>
      tpu.wait_dma2 semaphore(%run_scoped3A : memref<!tpu.dma_semaphore, #tpu.memory_space<semaphore_mem>>) src(%dma_wait3A_80 : memref<80x128xf32, #tpu.memory_space<vmem_shared>>) dst(%arg11 : memref<80x128xf32, #tpu.memory_space<vmem>>)
      tpu.yield
    }) : () -> ()
    "tpu.region"() ({
      %run_scoped3A = tpu.sem_alloc : memref<!tpu.dma_semaphore, #tpu.memory_space<semaphore_mem>>
      %dma_start3A_73 = arith.constant 0 : i32
      %dma_start3A_74 = tpu.memref_slice %arg6[%arg0, %add3A_58, %dma_start3A_73] : memref<2x10240x128xf32, #tpu.memory_space<hbm>> -> memref<1x80x128xf32, #tpu.memory_space<hbm>>
      %dma_start3A_75 = tpu.memref_squeeze %dma_start3A_74 : memref<1x80x128xf32, #tpu.memory_space<hbm>> -> memref<80x128xf32, #tpu.memory_space<hbm>>
      %dma_start3A_76 = arith.constant 0 : i32
      %dma_start3A_77 = tpu.memref_slice %arg6[%arg0, %add3A_58, %dma_start3A_76] : memref<2x10240x128xf32, #tpu.memory_space<hbm>> -> memref<1x80x128xf32, #tpu.memory_space<hbm>>
      %dma_start3A_78 = tpu.memref_squeeze %dma_start3A_77 : memref<1x80x128xf32, #tpu.memory_space<hbm>> -> memref<80x128xf32, #tpu.memory_space<hbm>>
      tpu.enqueue_dma source(%arg11 : memref<80x128xf32, #tpu.memory_space<vmem>>) target(%dma_start3A_78 : memref<80x128xf32, #tpu.memory_space<hbm>>) target_semaphore(%run_scoped3A : memref<!tpu.dma_semaphore, #tpu.memory_space<semaphore_mem>>)
      %dma_wait3A_79 = arith.constant 0 : i32
      %dma_wait3A_80 = tpu.memref_slice %arg6[%arg0, %add3A_58, %dma_wait3A_79] : memref<2x10240x128xf32, #tpu.memory_space<hbm>> -> memref<1x80x128xf32, #tpu.memory_space<hbm>>
      %dma_wait3A_81 = tpu.memref_squeeze %dma_wait3A_80 : memref<1x80x128xf32, #tpu.memory_space<hbm>> -> memref<80x128xf32, #tpu.memory_space<hbm>>
      %dma_wait3A_82 = arith.constant 0 : i32
      %dma_wait3A_83 = tpu.memref_slice %arg6[%arg0, %add3A_58, %dma_wait3A_82] : memref<2x10240x128xf32, #tpu.memory_space<hbm>> -> memref<1x80x128xf32, #tpu.memory_space<hbm>>
      %dma_wait3A_84 = tpu.memref_squeeze %dma_wait3A_83 : memref<1x80x128xf32, #tpu.memory_space<hbm>> -> memref<80x128xf32, #tpu.memory_space<hbm>>
      tpu.wait_dma2 semaphore(%run_scoped3A : memref<!tpu.dma_semaphore, #tpu.memory_space<semaphore_mem>>) src(%arg11 : memref<80x128xf32, #tpu.memory_space<vmem>>) dst(%dma_wait3A_84 : memref<80x128xf32, #tpu.memory_space<hbm>>)
      tpu.yield
    }) : () -> ()
    %add3A_59 = arith.constant 80 : i32
    %add3A_60 = arith.addi %mul3A_2, %add3A_59 : i32
    "tpu.region"() ({
      %run_scoped3A = tpu.sem_alloc : memref<!tpu.dma_semaphore, #tpu.memory_space<semaphore_mem>>
      %dma_start3A_73 = arith.constant 0 : i32
      %dma_start3A_74 = tpu.memref_slice %arg12[%add3A_60, %dma_start3A_73] : memref<10240x128xf32, #tpu.memory_space<vmem_shared>> -> memref<80x128xf32, #tpu.memory_space<vmem_shared>>
      %dma_start3A_75 = arith.constant 0 : i32
      %dma_start3A_76 = tpu.memref_slice %arg12[%add3A_60, %dma_start3A_75] : memref<10240x128xf32, #tpu.memory_space<vmem_shared>> -> memref<80x128xf32, #tpu.memory_space<vmem_shared>>
      tpu.enqueue_dma source(%dma_start3A_76 : memref<80x128xf32, #tpu.memory_space<vmem_shared>>) target(%arg11 : memref<80x128xf32, #tpu.memory_space<vmem>>) target_semaphore(%run_scoped3A : memref<!tpu.dma_semaphore, #tpu.memory_space<semaphore_mem>>)
      %dma_wait3A_77 = arith.constant 0 : i32
      %dma_wait3A_78 = tpu.memref_slice %arg12[%add3A_60, %dma_wait3A_77] : memref<10240x128xf32, #tpu.memory_space<vmem_shared>> -> memref<80x128xf32, #tpu.memory_space<vmem_shared>>
      %dma_wait3A_79 = arith.constant 0 : i32
      %dma_wait3A_80 = tpu.memref_slice %arg12[%add3A_60, %dma_wait3A_79] : memref<10240x128xf32, #tpu.memory_space<vmem_shared>> -> memref<80x128xf32, #tpu.memory_space<vmem_shared>>
      tpu.wait_dma2 semaphore(%run_scoped3A : memref<!tpu.dma_semaphore, #tpu.memory_space<semaphore_mem>>) src(%dma_wait3A_80 : memref<80x128xf32, #tpu.memory_space<vmem_shared>>) dst(%arg11 : memref<80x128xf32, #tpu.memory_space<vmem>>)
      tpu.yield
    }) : () -> ()
    "tpu.region"() ({
      %run_scoped3A = tpu.sem_alloc : memref<!tpu.dma_semaphore, #tpu.memory_space<semaphore_mem>>
      %dma_start3A_73 = arith.constant 0 : i32
      %dma_start3A_74 = tpu.memref_slice %arg6[%arg0, %add3A_60, %dma_start3A_73] : memref<2x10240x128xf32, #tpu.memory_space<hbm>> -> memref<1x80x128xf32, #tpu.memory_space<hbm>>
      %dma_start3A_75 = tpu.memref_squeeze %dma_start3A_74 : memref<1x80x128xf32, #tpu.memory_space<hbm>> -> memref<80x128xf32, #tpu.memory_space<hbm>>
      %dma_start3A_76 = arith.constant 0 : i32
      %dma_start3A_77 = tpu.memref_slice %arg6[%arg0, %add3A_60, %dma_start3A_76] : memref<2x10240x128xf32, #tpu.memory_space<hbm>> -> memref<1x80x128xf32, #tpu.memory_space<hbm>>
      %dma_start3A_78 = tpu.memref_squeeze %dma_start3A_77 : memref<1x80x128xf32, #tpu.memory_space<hbm>> -> memref<80x128xf32, #tpu.memory_space<hbm>>
      tpu.enqueue_dma source(%arg11 : memref<80x128xf32, #tpu.memory_space<vmem>>) target(%dma_start3A_78 : memref<80x128xf32, #tpu.memory_space<hbm>>) target_semaphore(%run_scoped3A : memref<!tpu.dma_semaphore, #tpu.memory_space<semaphore_mem>>)
      %dma_wait3A_79 = arith.constant 0 : i32
      %dma_wait3A_80 = tpu.memref_slice %arg6[%arg0, %add3A_60, %dma_wait3A_79] : memref<2x10240x128xf32, #tpu.memory_space<hbm>> -> memref<1x80x128xf32, #tpu.memory_space<hbm>>
      %dma_wait3A_81 = tpu.memref_squeeze %dma_wait3A_80 : memref<1x80x128xf32, #tpu.memory_space<hbm>> -> memref<80x128xf32, #tpu.memory_space<hbm>>
      %dma_wait3A_82 = arith.constant 0 : i32
      %dma_wait3A_83 = tpu.memref_slice %arg6[%arg0, %add3A_60, %dma_wait3A_82] : memref<2x10240x128xf32, #tpu.memory_space<hbm>> -> memref<1x80x128xf32, #tpu.memory_space<hbm>>
      %dma_wait3A_84 = tpu.memref_squeeze %dma_wait3A_83 : memref<1x80x128xf32, #tpu.memory_space<hbm>> -> memref<80x128xf32, #tpu.memory_space<hbm>>
      tpu.wait_dma2 semaphore(%run_scoped3A : memref<!tpu.dma_semaphore, #tpu.memory_space<semaphore_mem>>) src(%arg11 : memref<80x128xf32, #tpu.memory_space<vmem>>) dst(%dma_wait3A_84 : memref<80x128xf32, #tpu.memory_space<hbm>>)
      tpu.yield
    }) : () -> ()
    %add3A_61 = arith.constant 160 : i32
    %add3A_62 = arith.addi %mul3A_2, %add3A_61 : i32
    "tpu.region"() ({
      %run_scoped3A = tpu.sem_alloc : memref<!tpu.dma_semaphore, #tpu.memory_space<semaphore_mem>>
      %dma_start3A_73 = arith.constant 0 : i32
      %dma_start3A_74 = tpu.memref_slice %arg12[%add3A_62, %dma_start3A_73] : memref<10240x128xf32, #tpu.memory_space<vmem_shared>> -> memref<80x128xf32, #tpu.memory_space<vmem_shared>>
      %dma_start3A_75 = arith.constant 0 : i32
      %dma_start3A_76 = tpu.memref_slice %arg12[%add3A_62, %dma_start3A_75] : memref<10240x128xf32, #tpu.memory_space<vmem_shared>> -> memref<80x128xf32, #tpu.memory_space<vmem_shared>>
      tpu.enqueue_dma source(%dma_start3A_76 : memref<80x128xf32, #tpu.memory_space<vmem_shared>>) target(%arg11 : memref<80x128xf32, #tpu.memory_space<vmem>>) target_semaphore(%run_scoped3A : memref<!tpu.dma_semaphore, #tpu.memory_space<semaphore_mem>>)
      %dma_wait3A_77 = arith.constant 0 : i32
      %dma_wait3A_78 = tpu.memref_slice %arg12[%add3A_62, %dma_wait3A_77] : memref<10240x128xf32, #tpu.memory_space<vmem_shared>> -> memref<80x128xf32, #tpu.memory_space<vmem_shared>>
      %dma_wait3A_79 = arith.constant 0 : i32
      %dma_wait3A_80 = tpu.memref_slice %arg12[%add3A_62, %dma_wait3A_79] : memref<10240x128xf32, #tpu.memory_space<vmem_shared>> -> memref<80x128xf32, #tpu.memory_space<vmem_shared>>
      tpu.wait_dma2 semaphore(%run_scoped3A : memref<!tpu.dma_semaphore, #tpu.memory_space<semaphore_mem>>) src(%dma_wait3A_80 : memref<80x128xf32, #tpu.memory_space<vmem_shared>>) dst(%arg11 : memref<80x128xf32, #tpu.memory_space<vmem>>)
      tpu.yield
    }) : () -> ()
    "tpu.region"() ({
      %run_scoped3A = tpu.sem_alloc : memref<!tpu.dma_semaphore, #tpu.memory_space<semaphore_mem>>
      %dma_start3A_73 = arith.constant 0 : i32
      %dma_start3A_74 = tpu.memref_slice %arg6[%arg0, %add3A_62, %dma_start3A_73] : memref<2x10240x128xf32, #tpu.memory_space<hbm>> -> memref<1x80x128xf32, #tpu.memory_space<hbm>>
      %dma_start3A_75 = tpu.memref_squeeze %dma_start3A_74 : memref<1x80x128xf32, #tpu.memory_space<hbm>> -> memref<80x128xf32, #tpu.memory_space<hbm>>
      %dma_start3A_76 = arith.constant 0 : i32
      %dma_start3A_77 = tpu.memref_slice %arg6[%arg0, %add3A_62, %dma_start3A_76] : memref<2x10240x128xf32, #tpu.memory_space<hbm>> -> memref<1x80x128xf32, #tpu.memory_space<hbm>>
      %dma_start3A_78 = tpu.memref_squeeze %dma_start3A_77 : memref<1x80x128xf32, #tpu.memory_space<hbm>> -> memref<80x128xf32, #tpu.memory_space<hbm>>
      tpu.enqueue_dma source(%arg11 : memref<80x128xf32, #tpu.memory_space<vmem>>) target(%dma_start3A_78 : memref<80x128xf32, #tpu.memory_space<hbm>>) target_semaphore(%run_scoped3A : memref<!tpu.dma_semaphore, #tpu.memory_space<semaphore_mem>>)
      %dma_wait3A_79 = arith.constant 0 : i32
      %dma_wait3A_80 = tpu.memref_slice %arg6[%arg0, %add3A_62, %dma_wait3A_79] : memref<2x10240x128xf32, #tpu.memory_space<hbm>> -> memref<1x80x128xf32, #tpu.memory_space<hbm>>
      %dma_wait3A_81 = tpu.memref_squeeze %dma_wait3A_80 : memref<1x80x128xf32, #tpu.memory_space<hbm>> -> memref<80x128xf32, #tpu.memory_space<hbm>>
      %dma_wait3A_82 = arith.constant 0 : i32
      %dma_wait3A_83 = tpu.memref_slice %arg6[%arg0, %add3A_62, %dma_wait3A_82] : memref<2x10240x128xf32, #tpu.memory_space<hbm>> -> memref<1x80x128xf32, #tpu.memory_space<hbm>>
      %dma_wait3A_84 = tpu.memref_squeeze %dma_wait3A_83 : memref<1x80x128xf32, #tpu.memory_space<hbm>> -> memref<80x128xf32, #tpu.memory_space<hbm>>
      tpu.wait_dma2 semaphore(%run_scoped3A : memref<!tpu.dma_semaphore, #tpu.memory_space<semaphore_mem>>) src(%arg11 : memref<80x128xf32, #tpu.memory_space<vmem>>) dst(%dma_wait3A_84 : memref<80x128xf32, #tpu.memory_space<hbm>>)
      tpu.yield
    }) : () -> ()
    %add3A_63 = arith.constant 240 : i32
    %add3A_64 = arith.addi %mul3A_2, %add3A_63 : i32
    "tpu.region"() ({
      %run_scoped3A = tpu.sem_alloc : memref<!tpu.dma_semaphore, #tpu.memory_space<semaphore_mem>>
      %dma_start3A_73 = arith.constant 0 : i32
      %dma_start3A_74 = tpu.memref_slice %arg12[%add3A_64, %dma_start3A_73] : memref<10240x128xf32, #tpu.memory_space<vmem_shared>> -> memref<80x128xf32, #tpu.memory_space<vmem_shared>>
      %dma_start3A_75 = arith.constant 0 : i32
      %dma_start3A_76 = tpu.memref_slice %arg12[%add3A_64, %dma_start3A_75] : memref<10240x128xf32, #tpu.memory_space<vmem_shared>> -> memref<80x128xf32, #tpu.memory_space<vmem_shared>>
      tpu.enqueue_dma source(%dma_start3A_76 : memref<80x128xf32, #tpu.memory_space<vmem_shared>>) target(%arg11 : memref<80x128xf32, #tpu.memory_space<vmem>>) target_semaphore(%run_scoped3A : memref<!tpu.dma_semaphore, #tpu.memory_space<semaphore_mem>>)
      %dma_wait3A_77 = arith.constant 0 : i32
      %dma_wait3A_78 = tpu.memref_slice %arg12[%add3A_64, %dma_wait3A_77] : memref<10240x128xf32, #tpu.memory_space<vmem_shared>> -> memref<80x128xf32, #tpu.memory_space<vmem_shared>>
      %dma_wait3A_79 = arith.constant 0 : i32
      %dma_wait3A_80 = tpu.memref_slice %arg12[%add3A_64, %dma_wait3A_79] : memref<10240x128xf32, #tpu.memory_space<vmem_shared>> -> memref<80x128xf32, #tpu.memory_space<vmem_shared>>
      tpu.wait_dma2 semaphore(%run_scoped3A : memref<!tpu.dma_semaphore, #tpu.memory_space<semaphore_mem>>) src(%dma_wait3A_80 : memref<80x128xf32, #tpu.memory_space<vmem_shared>>) dst(%arg11 : memref<80x128xf32, #tpu.memory_space<vmem>>)
      tpu.yield
    }) : () -> ()
    "tpu.region"() ({
      %run_scoped3A = tpu.sem_alloc : memref<!tpu.dma_semaphore, #tpu.memory_space<semaphore_mem>>
      %dma_start3A_73 = arith.constant 0 : i32
      %dma_start3A_74 = tpu.memref_slice %arg6[%arg0, %add3A_64, %dma_start3A_73] : memref<2x10240x128xf32, #tpu.memory_space<hbm>> -> memref<1x80x128xf32, #tpu.memory_space<hbm>>
      %dma_start3A_75 = tpu.memref_squeeze %dma_start3A_74 : memref<1x80x128xf32, #tpu.memory_space<hbm>> -> memref<80x128xf32, #tpu.memory_space<hbm>>
      %dma_start3A_76 = arith.constant 0 : i32
      %dma_start3A_77 = tpu.memref_slice %arg6[%arg0, %add3A_64, %dma_start3A_76] : memref<2x10240x128xf32, #tpu.memory_space<hbm>> -> memref<1x80x128xf32, #tpu.memory_space<hbm>>
      %dma_start3A_78 = tpu.memref_squeeze %dma_start3A_77 : memref<1x80x128xf32, #tpu.memory_space<hbm>> -> memref<80x128xf32, #tpu.memory_space<hbm>>
      tpu.enqueue_dma source(%arg11 : memref<80x128xf32, #tpu.memory_space<vmem>>) target(%dma_start3A_78 : memref<80x128xf32, #tpu.memory_space<hbm>>) target_semaphore(%run_scoped3A : memref<!tpu.dma_semaphore, #tpu.memory_space<semaphore_mem>>)
      %dma_wait3A_79 = arith.constant 0 : i32
      %dma_wait3A_80 = tpu.memref_slice %arg6[%arg0, %add3A_64, %dma_wait3A_79] : memref<2x10240x128xf32, #tpu.memory_space<hbm>> -> memref<1x80x128xf32, #tpu.memory_space<hbm>>
      %dma_wait3A_81 = tpu.memref_squeeze %dma_wait3A_80 : memref<1x80x128xf32, #tpu.memory_space<hbm>> -> memref<80x128xf32, #tpu.memory_space<hbm>>
      %dma_wait3A_82 = arith.constant 0 : i32
      %dma_wait3A_83 = tpu.memref_slice %arg6[%arg0, %add3A_64, %dma_wait3A_82] : memref<2x10240x128xf32, #tpu.memory_space<hbm>> -> memref<1x80x128xf32, #tpu.memory_space<hbm>>
      %dma_wait3A_84 = tpu.memref_squeeze %dma_wait3A_83 : memref<1x80x128xf32, #tpu.memory_space<hbm>> -> memref<80x128xf32, #tpu.memory_space<hbm>>
      tpu.wait_dma2 semaphore(%run_scoped3A : memref<!tpu.dma_semaphore, #tpu.memory_space<semaphore_mem>>) src(%arg11 : memref<80x128xf32, #tpu.memory_space<vmem>>) dst(%dma_wait3A_84 : memref<80x128xf32, #tpu.memory_space<hbm>>)
      tpu.yield
    }) : () -> ()
    %add3A_65 = arith.constant 320 : i32
    %add3A_66 = arith.addi %mul3A_2, %add3A_65 : i32
    "tpu.region"() ({
      %run_scoped3A = tpu.sem_alloc : memref<!tpu.dma_semaphore, #tpu.memory_space<semaphore_mem>>
      %dma_start3A_73 = arith.constant 0 : i32
      %dma_start3A_74 = tpu.memref_slice %arg12[%add3A_66, %dma_start3A_73] : memref<10240x128xf32, #tpu.memory_space<vmem_shared>> -> memref<80x128xf32, #tpu.memory_space<vmem_shared>>
      %dma_start3A_75 = arith.constant 0 : i32
      %dma_start3A_76 = tpu.memref_slice %arg12[%add3A_66, %dma_start3A_75] : memref<10240x128xf32, #tpu.memory_space<vmem_shared>> -> memref<80x128xf32, #tpu.memory_space<vmem_shared>>
      tpu.enqueue_dma source(%dma_start3A_76 : memref<80x128xf32, #tpu.memory_space<vmem_shared>>) target(%arg11 : memref<80x128xf32, #tpu.memory_space<vmem>>) target_semaphore(%run_scoped3A : memref<!tpu.dma_semaphore, #tpu.memory_space<semaphore_mem>>)
      %dma_wait3A_77 = arith.constant 0 : i32
      %dma_wait3A_78 = tpu.memref_slice %arg12[%add3A_66, %dma_wait3A_77] : memref<10240x128xf32, #tpu.memory_space<vmem_shared>> -> memref<80x128xf32, #tpu.memory_space<vmem_shared>>
      %dma_wait3A_79 = arith.constant 0 : i32
      %dma_wait3A_80 = tpu.memref_slice %arg12[%add3A_66, %dma_wait3A_79] : memref<10240x128xf32, #tpu.memory_space<vmem_shared>> -> memref<80x128xf32, #tpu.memory_space<vmem_shared>>
      tpu.wait_dma2 semaphore(%run_scoped3A : memref<!tpu.dma_semaphore, #tpu.memory_space<semaphore_mem>>) src(%dma_wait3A_80 : memref<80x128xf32, #tpu.memory_space<vmem_shared>>) dst(%arg11 : memref<80x128xf32, #tpu.memory_space<vmem>>)
      tpu.yield
    }) : () -> ()
    "tpu.region"() ({
      %run_scoped3A = tpu.sem_alloc : memref<!tpu.dma_semaphore, #tpu.memory_space<semaphore_mem>>
      %dma_start3A_73 = arith.constant 0 : i32
      %dma_start3A_74 = tpu.memref_slice %arg6[%arg0, %add3A_66, %dma_start3A_73] : memref<2x10240x128xf32, #tpu.memory_space<hbm>> -> memref<1x80x128xf32, #tpu.memory_space<hbm>>
      %dma_start3A_75 = tpu.memref_squeeze %dma_start3A_74 : memref<1x80x128xf32, #tpu.memory_space<hbm>> -> memref<80x128xf32, #tpu.memory_space<hbm>>
      %dma_start3A_76 = arith.constant 0 : i32
      %dma_start3A_77 = tpu.memref_slice %arg6[%arg0, %add3A_66, %dma_start3A_76] : memref<2x10240x128xf32, #tpu.memory_space<hbm>> -> memref<1x80x128xf32, #tpu.memory_space<hbm>>
      %dma_start3A_78 = tpu.memref_squeeze %dma_start3A_77 : memref<1x80x128xf32, #tpu.memory_space<hbm>> -> memref<80x128xf32, #tpu.memory_space<hbm>>
      tpu.enqueue_dma source(%arg11 : memref<80x128xf32, #tpu.memory_space<vmem>>) target(%dma_start3A_78 : memref<80x128xf32, #tpu.memory_space<hbm>>) target_semaphore(%run_scoped3A : memref<!tpu.dma_semaphore, #tpu.memory_space<semaphore_mem>>)
      %dma_wait3A_79 = arith.constant 0 : i32
      %dma_wait3A_80 = tpu.memref_slice %arg6[%arg0, %add3A_66, %dma_wait3A_79] : memref<2x10240x128xf32, #tpu.memory_space<hbm>> -> memref<1x80x128xf32, #tpu.memory_space<hbm>>
      %dma_wait3A_81 = tpu.memref_squeeze %dma_wait3A_80 : memref<1x80x128xf32, #tpu.memory_space<hbm>> -> memref<80x128xf32, #tpu.memory_space<hbm>>
      %dma_wait3A_82 = arith.constant 0 : i32
      %dma_wait3A_83 = tpu.memref_slice %arg6[%arg0, %add3A_66, %dma_wait3A_82] : memref<2x10240x128xf32, #tpu.memory_space<hbm>> -> memref<1x80x128xf32, #tpu.memory_space<hbm>>
      %dma_wait3A_84 = tpu.memref_squeeze %dma_wait3A_83 : memref<1x80x128xf32, #tpu.memory_space<hbm>> -> memref<80x128xf32, #tpu.memory_space<hbm>>
      tpu.wait_dma2 semaphore(%run_scoped3A : memref<!tpu.dma_semaphore, #tpu.memory_space<semaphore_mem>>) src(%arg11 : memref<80x128xf32, #tpu.memory_space<vmem>>) dst(%dma_wait3A_84 : memref<80x128xf32, #tpu.memory_space<hbm>>)
      tpu.yield
    }) : () -> ()
    %add3A_67 = arith.constant 400 : i32
    %add3A_68 = arith.addi %mul3A_2, %add3A_67 : i32
    "tpu.region"() ({
      %run_scoped3A = tpu.sem_alloc : memref<!tpu.dma_semaphore, #tpu.memory_space<semaphore_mem>>
      %dma_start3A_73 = arith.constant 0 : i32
      %dma_start3A_74 = tpu.memref_slice %arg12[%add3A_68, %dma_start3A_73] : memref<10240x128xf32, #tpu.memory_space<vmem_shared>> -> memref<80x128xf32, #tpu.memory_space<vmem_shared>>
      %dma_start3A_75 = arith.constant 0 : i32
      %dma_start3A_76 = tpu.memref_slice %arg12[%add3A_68, %dma_start3A_75] : memref<10240x128xf32, #tpu.memory_space<vmem_shared>> -> memref<80x128xf32, #tpu.memory_space<vmem_shared>>
      tpu.enqueue_dma source(%dma_start3A_76 : memref<80x128xf32, #tpu.memory_space<vmem_shared>>) target(%arg11 : memref<80x128xf32, #tpu.memory_space<vmem>>) target_semaphore(%run_scoped3A : memref<!tpu.dma_semaphore, #tpu.memory_space<semaphore_mem>>)
      %dma_wait3A_77 = arith.constant 0 : i32
      %dma_wait3A_78 = tpu.memref_slice %arg12[%add3A_68, %dma_wait3A_77] : memref<10240x128xf32, #tpu.memory_space<vmem_shared>> -> memref<80x128xf32, #tpu.memory_space<vmem_shared>>
      %dma_wait3A_79 = arith.constant 0 : i32
      %dma_wait3A_80 = tpu.memref_slice %arg12[%add3A_68, %dma_wait3A_79] : memref<10240x128xf32, #tpu.memory_space<vmem_shared>> -> memref<80x128xf32, #tpu.memory_space<vmem_shared>>
      tpu.wait_dma2 semaphore(%run_scoped3A : memref<!tpu.dma_semaphore, #tpu.memory_space<semaphore_mem>>) src(%dma_wait3A_80 : memref<80x128xf32, #tpu.memory_space<vmem_shared>>) dst(%arg11 : memref<80x128xf32, #tpu.memory_space<vmem>>)
      tpu.yield
    }) : () -> ()
    "tpu.region"() ({
      %run_scoped3A = tpu.sem_alloc : memref<!tpu.dma_semaphore, #tpu.memory_space<semaphore_mem>>
      %dma_start3A_73 = arith.constant 0 : i32
      %dma_start3A_74 = tpu.memref_slice %arg6[%arg0, %add3A_68, %dma_start3A_73] : memref<2x10240x128xf32, #tpu.memory_space<hbm>> -> memref<1x80x128xf32, #tpu.memory_space<hbm>>
      %dma_start3A_75 = tpu.memref_squeeze %dma_start3A_74 : memref<1x80x128xf32, #tpu.memory_space<hbm>> -> memref<80x128xf32, #tpu.memory_space<hbm>>
      %dma_start3A_76 = arith.constant 0 : i32
      %dma_start3A_77 = tpu.memref_slice %arg6[%arg0, %add3A_68, %dma_start3A_76] : memref<2x10240x128xf32, #tpu.memory_space<hbm>> -> memref<1x80x128xf32, #tpu.memory_space<hbm>>
      %dma_start3A_78 = tpu.memref_squeeze %dma_start3A_77 : memref<1x80x128xf32, #tpu.memory_space<hbm>> -> memref<80x128xf32, #tpu.memory_space<hbm>>
      tpu.enqueue_dma source(%arg11 : memref<80x128xf32, #tpu.memory_space<vmem>>) target(%dma_start3A_78 : memref<80x128xf32, #tpu.memory_space<hbm>>) target_semaphore(%run_scoped3A : memref<!tpu.dma_semaphore, #tpu.memory_space<semaphore_mem>>)
      %dma_wait3A_79 = arith.constant 0 : i32
      %dma_wait3A_80 = tpu.memref_slice %arg6[%arg0, %add3A_68, %dma_wait3A_79] : memref<2x10240x128xf32, #tpu.memory_space<hbm>> -> memref<1x80x128xf32, #tpu.memory_space<hbm>>
      %dma_wait3A_81 = tpu.memref_squeeze %dma_wait3A_80 : memref<1x80x128xf32, #tpu.memory_space<hbm>> -> memref<80x128xf32, #tpu.memory_space<hbm>>
      %dma_wait3A_82 = arith.constant 0 : i32
      %dma_wait3A_83 = tpu.memref_slice %arg6[%arg0, %add3A_68, %dma_wait3A_82] : memref<2x10240x128xf32, #tpu.memory_space<hbm>> -> memref<1x80x128xf32, #tpu.memory_space<hbm>>
      %dma_wait3A_84 = tpu.memref_squeeze %dma_wait3A_83 : memref<1x80x128xf32, #tpu.memory_space<hbm>> -> memref<80x128xf32, #tpu.memory_space<hbm>>
      tpu.wait_dma2 semaphore(%run_scoped3A : memref<!tpu.dma_semaphore, #tpu.memory_space<semaphore_mem>>) src(%arg11 : memref<80x128xf32, #tpu.memory_space<vmem>>) dst(%dma_wait3A_84 : memref<80x128xf32, #tpu.memory_space<hbm>>)
      tpu.yield
    }) : () -> ()
    %add3A_69 = arith.constant 480 : i32
    %add3A_70 = arith.addi %mul3A_2, %add3A_69 : i32
    "tpu.region"() ({
      %run_scoped3A = tpu.sem_alloc : memref<!tpu.dma_semaphore, #tpu.memory_space<semaphore_mem>>
      %dma_start3A_73 = arith.constant 0 : i32
      %dma_start3A_74 = tpu.memref_slice %arg12[%add3A_70, %dma_start3A_73] : memref<10240x128xf32, #tpu.memory_space<vmem_shared>> -> memref<80x128xf32, #tpu.memory_space<vmem_shared>>
      %dma_start3A_75 = arith.constant 0 : i32
      %dma_start3A_76 = tpu.memref_slice %arg12[%add3A_70, %dma_start3A_75] : memref<10240x128xf32, #tpu.memory_space<vmem_shared>> -> memref<80x128xf32, #tpu.memory_space<vmem_shared>>
      tpu.enqueue_dma source(%dma_start3A_76 : memref<80x128xf32, #tpu.memory_space<vmem_shared>>) target(%arg11 : memref<80x128xf32, #tpu.memory_space<vmem>>) target_semaphore(%run_scoped3A : memref<!tpu.dma_semaphore, #tpu.memory_space<semaphore_mem>>)
      %dma_wait3A_77 = arith.constant 0 : i32
      %dma_wait3A_78 = tpu.memref_slice %arg12[%add3A_70, %dma_wait3A_77] : memref<10240x128xf32, #tpu.memory_space<vmem_shared>> -> memref<80x128xf32, #tpu.memory_space<vmem_shared>>
      %dma_wait3A_79 = arith.constant 0 : i32
      %dma_wait3A_80 = tpu.memref_slice %arg12[%add3A_70, %dma_wait3A_79] : memref<10240x128xf32, #tpu.memory_space<vmem_shared>> -> memref<80x128xf32, #tpu.memory_space<vmem_shared>>
      tpu.wait_dma2 semaphore(%run_scoped3A : memref<!tpu.dma_semaphore, #tpu.memory_space<semaphore_mem>>) src(%dma_wait3A_80 : memref<80x128xf32, #tpu.memory_space<vmem_shared>>) dst(%arg11 : memref<80x128xf32, #tpu.memory_space<vmem>>)
      tpu.yield
    }) : () -> ()
    "tpu.region"() ({
      %run_scoped3A = tpu.sem_alloc : memref<!tpu.dma_semaphore, #tpu.memory_space<semaphore_mem>>
      %dma_start3A_73 = arith.constant 0 : i32
      %dma_start3A_74 = tpu.memref_slice %arg6[%arg0, %add3A_70, %dma_start3A_73] : memref<2x10240x128xf32, #tpu.memory_space<hbm>> -> memref<1x80x128xf32, #tpu.memory_space<hbm>>
      %dma_start3A_75 = tpu.memref_squeeze %dma_start3A_74 : memref<1x80x128xf32, #tpu.memory_space<hbm>> -> memref<80x128xf32, #tpu.memory_space<hbm>>
      %dma_start3A_76 = arith.constant 0 : i32
      %dma_start3A_77 = tpu.memref_slice %arg6[%arg0, %add3A_70, %dma_start3A_76] : memref<2x10240x128xf32, #tpu.memory_space<hbm>> -> memref<1x80x128xf32, #tpu.memory_space<hbm>>
      %dma_start3A_78 = tpu.memref_squeeze %dma_start3A_77 : memref<1x80x128xf32, #tpu.memory_space<hbm>> -> memref<80x128xf32, #tpu.memory_space<hbm>>
      tpu.enqueue_dma source(%arg11 : memref<80x128xf32, #tpu.memory_space<vmem>>) target(%dma_start3A_78 : memref<80x128xf32, #tpu.memory_space<hbm>>) target_semaphore(%run_scoped3A : memref<!tpu.dma_semaphore, #tpu.memory_space<semaphore_mem>>)
      %dma_wait3A_79 = arith.constant 0 : i32
      %dma_wait3A_80 = tpu.memref_slice %arg6[%arg0, %add3A_70, %dma_wait3A_79] : memref<2x10240x128xf32, #tpu.memory_space<hbm>> -> memref<1x80x128xf32, #tpu.memory_space<hbm>>
      %dma_wait3A_81 = tpu.memref_squeeze %dma_wait3A_80 : memref<1x80x128xf32, #tpu.memory_space<hbm>> -> memref<80x128xf32, #tpu.memory_space<hbm>>
      %dma_wait3A_82 = arith.constant 0 : i32
      %dma_wait3A_83 = tpu.memref_slice %arg6[%arg0, %add3A_70, %dma_wait3A_82] : memref<2x10240x128xf32, #tpu.memory_space<hbm>> -> memref<1x80x128xf32, #tpu.memory_space<hbm>>
      %dma_wait3A_84 = tpu.memref_squeeze %dma_wait3A_83 : memref<1x80x128xf32, #tpu.memory_space<hbm>> -> memref<80x128xf32, #tpu.memory_space<hbm>>
      tpu.wait_dma2 semaphore(%run_scoped3A : memref<!tpu.dma_semaphore, #tpu.memory_space<semaphore_mem>>) src(%arg11 : memref<80x128xf32, #tpu.memory_space<vmem>>) dst(%dma_wait3A_84 : memref<80x128xf32, #tpu.memory_space<hbm>>)
      tpu.yield
    }) : () -> ()
    %add3A_71 = arith.constant 560 : i32
    %add3A_72 = arith.addi %mul3A_2, %add3A_71 : i32
    "tpu.region"() ({
      %run_scoped3A = tpu.sem_alloc : memref<!tpu.dma_semaphore, #tpu.memory_space<semaphore_mem>>
      %dma_start3A_73 = arith.constant 0 : i32
      %dma_start3A_74 = tpu.memref_slice %arg12[%add3A_72, %dma_start3A_73] : memref<10240x128xf32, #tpu.memory_space<vmem_shared>> -> memref<80x128xf32, #tpu.memory_space<vmem_shared>>
      %dma_start3A_75 = arith.constant 0 : i32
      %dma_start3A_76 = tpu.memref_slice %arg12[%add3A_72, %dma_start3A_75] : memref<10240x128xf32, #tpu.memory_space<vmem_shared>> -> memref<80x128xf32, #tpu.memory_space<vmem_shared>>
      tpu.enqueue_dma source(%dma_start3A_76 : memref<80x128xf32, #tpu.memory_space<vmem_shared>>) target(%arg11 : memref<80x128xf32, #tpu.memory_space<vmem>>) target_semaphore(%run_scoped3A : memref<!tpu.dma_semaphore, #tpu.memory_space<semaphore_mem>>)
      %dma_wait3A_77 = arith.constant 0 : i32
      %dma_wait3A_78 = tpu.memref_slice %arg12[%add3A_72, %dma_wait3A_77] : memref<10240x128xf32, #tpu.memory_space<vmem_shared>> -> memref<80x128xf32, #tpu.memory_space<vmem_shared>>
      %dma_wait3A_79 = arith.constant 0 : i32
      %dma_wait3A_80 = tpu.memref_slice %arg12[%add3A_72, %dma_wait3A_79] : memref<10240x128xf32, #tpu.memory_space<vmem_shared>> -> memref<80x128xf32, #tpu.memory_space<vmem_shared>>
      tpu.wait_dma2 semaphore(%run_scoped3A : memref<!tpu.dma_semaphore, #tpu.memory_space<semaphore_mem>>) src(%dma_wait3A_80 : memref<80x128xf32, #tpu.memory_space<vmem_shared>>) dst(%arg11 : memref<80x128xf32, #tpu.memory_space<vmem>>)
      tpu.yield
    }) : () -> ()
    "tpu.region"() ({
      %run_scoped3A = tpu.sem_alloc : memref<!tpu.dma_semaphore, #tpu.memory_space<semaphore_mem>>
      %dma_start3A_73 = arith.constant 0 : i32
      %dma_start3A_74 = tpu.memref_slice %arg6[%arg0, %add3A_72, %dma_start3A_73] : memref<2x10240x128xf32, #tpu.memory_space<hbm>> -> memref<1x80x128xf32, #tpu.memory_space<hbm>>
      %dma_start3A_75 = tpu.memref_squeeze %dma_start3A_74 : memref<1x80x128xf32, #tpu.memory_space<hbm>> -> memref<80x128xf32, #tpu.memory_space<hbm>>
      %dma_start3A_76 = arith.constant 0 : i32
      %dma_start3A_77 = tpu.memref_slice %arg6[%arg0, %add3A_72, %dma_start3A_76] : memref<2x10240x128xf32, #tpu.memory_space<hbm>> -> memref<1x80x128xf32, #tpu.memory_space<hbm>>
      %dma_start3A_78 = tpu.memref_squeeze %dma_start3A_77 : memref<1x80x128xf32, #tpu.memory_space<hbm>> -> memref<80x128xf32, #tpu.memory_space<hbm>>
      tpu.enqueue_dma source(%arg11 : memref<80x128xf32, #tpu.memory_space<vmem>>) target(%dma_start3A_78 : memref<80x128xf32, #tpu.memory_space<hbm>>) target_semaphore(%run_scoped3A : memref<!tpu.dma_semaphore, #tpu.memory_space<semaphore_mem>>)
      %dma_wait3A_79 = arith.constant 0 : i32
      %dma_wait3A_80 = tpu.memref_slice %arg6[%arg0, %add3A_72, %dma_wait3A_79] : memref<2x10240x128xf32, #tpu.memory_space<hbm>> -> memref<1x80x128xf32, #tpu.memory_space<hbm>>
      %dma_wait3A_81 = tpu.memref_squeeze %dma_wait3A_80 : memref<1x80x128xf32, #tpu.memory_space<hbm>> -> memref<80x128xf32, #tpu.memory_space<hbm>>
      %dma_wait3A_82 = arith.constant 0 : i32
      %dma_wait3A_83 = tpu.memref_slice %arg6[%arg0, %add3A_72, %dma_wait3A_82] : memref<2x10240x128xf32, #tpu.memory_space<hbm>> -> memref<1x80x128xf32, #tpu.memory_space<hbm>>
      %dma_wait3A_84 = tpu.memref_squeeze %dma_wait3A_83 : memref<1x80x128xf32, #tpu.memory_space<hbm>> -> memref<80x128xf32, #tpu.memory_space<hbm>>
      tpu.wait_dma2 semaphore(%run_scoped3A : memref<!tpu.dma_semaphore, #tpu.memory_space<semaphore_mem>>) src(%arg11 : memref<80x128xf32, #tpu.memory_space<vmem>>) dst(%dma_wait3A_84 : memref<80x128xf32, #tpu.memory_space<hbm>>)
      tpu.yield
    }) : () -> ()
    return
  }
}

#map = affine_map<(d0, d1) -> (0, 0)>
#map1 = affine_map<(d0, d1) -> (0)>
#map2 = affine_map<(d0, d1) -> (0, 0, 0)>
module attributes {stable_mosaic.version = 14 : i64} {
  func.func @body(%arg0: i32, %arg1: i32, %arg2: memref<10000x128xf32, #tpu.memory_space<hbm>>, %arg3: memref<320160xi32, #tpu.memory_space<hbm>>, %arg4: memref<320160xi32, #tpu.memory_space<hbm>>, %arg5: memref<10240x128xf32, #tpu.memory_space<hbm>>, %arg6: memref<2x10240x128xf32, #tpu.memory_space<hbm>>, %arg7: memref<80xi32, #tpu.memory_space<vmem>>, %arg8: memref<80xi32, #tpu.memory_space<vmem>>, %arg9: memref<80xi32, #tpu.memory_space<vmem>>, %arg10: memref<80xi32, #tpu.memory_space<vmem>>, %arg11: memref<80x128xf32, #tpu.memory_space<vmem>>, %arg12: memref<10240x128xf32, #tpu.memory_space<vmem_shared>>, %arg13: memref<!tpu.dma_semaphore, #tpu.memory_space<semaphore_mem>>, %arg14: memref<!tpu.dma_semaphore, #tpu.memory_space<semaphore_mem>>, %arg15: memref<!tpu.dma_semaphore, #tpu.memory_space<semaphore_mem>>) attributes {dimension_semantics = [#tpu.dimension_semantics<core_parallel>, #tpu.dimension_semantics<subcore_parallel>], iteration_bounds = array<i64: 2, 16>, scalar_prefetch = 0 : i64, scratch_operands = 9 : i64, tpu.core_type = #tpu.core_type<sc_vector_subcore>, window_params = [{transform_indices = #map}, {transform_indices = #map1}, {transform_indices = #map1}, {transform_indices = #map}, {transform_indices = #map2}]} {
    %mul3A = arith.constant 2 : i32
    %mul3A_0 = arith.muli %arg1, %mul3A : i32
    %add3A = arith.addi %mul3A_0, %arg0 : i32
    %mul3A_1 = arith.constant 640 : i32
    %mul3A_2 = arith.muli %arg1, %mul3A_1 : i32
    %add3A_3 = arith.constant 0 : i32
    %add3A_4 = arith.addi %mul3A_2, %add3A_3 : i32
    "tpu.region"() ({
      %run_scoped3A = tpu.sem_alloc : memref<!tpu.dma_semaphore, #tpu.memory_space<semaphore_mem>>
      %dma_start3A_73 = arith.constant 0 : i32
      %dma_start3A_74 = tpu.memref_slice %arg5[%add3A_4, %dma_start3A_73] : memref<10240x128xf32, #tpu.memory_space<hbm>> -> memref<80x128xf32, #tpu.memory_space<hbm>>
      %dma_start3A_75 = arith.constant 0 : i32
      %dma_start3A_76 = tpu.memref_slice %arg5[%add3A_4, %dma_start3A_75] : memref<10240x128xf32, #tpu.memory_space<hbm>> -> memref<80x128xf32, #tpu.memory_space<hbm>>
      tpu.enqueue_dma source(%dma_start3A_76 : memref<80x128xf32, #tpu.memory_space<hbm>>) target(%arg11 : memref<80x128xf32, #tpu.memory_space<vmem>>) target_semaphore(%run_scoped3A : memref<!tpu.dma_semaphore, #tpu.memory_space<semaphore_mem>>)
      %dma_wait3A_77 = arith.constant 0 : i32
      %dma_wait3A_78 = tpu.memref_slice %arg5[%add3A_4, %dma_wait3A_77] : memref<10240x128xf32, #tpu.memory_space<hbm>> -> memref<80x128xf32, #tpu.memory_space<hbm>>
      %dma_wait3A_79 = arith.constant 0 : i32
      %dma_wait3A_80 = tpu.memref_slice %arg5[%add3A_4, %dma_wait3A_79] : memref<10240x128xf32, #tpu.memory_space<hbm>> -> memref<80x128xf32, #tpu.memory_space<hbm>>
      tpu.wait_dma2 semaphore(%run_scoped3A : memref<!tpu.dma_semaphore, #tpu.memory_space<semaphore_mem>>) src(%dma_wait3A_80 : memref<80x128xf32, #tpu.memory_space<hbm>>) dst(%arg11 : memref<80x128xf32, #tpu.memory_space<vmem>>)
      tpu.yield
    }) : () -> ()
    "tpu.region"() ({
      %run_scoped3A = tpu.sem_alloc : memref<!tpu.dma_semaphore, #tpu.memory_space<semaphore_mem>>
      %dma_start3A_73 = arith.constant 0 : i32
      %dma_start3A_74 = tpu.memref_slice %arg12[%add3A_4, %dma_start3A_73] : memref<10240x128xf32, #tpu.memory_space<vmem_shared>> -> memref<80x128xf32, #tpu.memory_space<vmem_shared>>
      %dma_start3A_75 = arith.constant 0 : i32
      %dma_start3A_76 = tpu.memref_slice %arg12[%add3A_4, %dma_start3A_75] : memref<10240x128xf32, #tpu.memory_space<vmem_shared>> -> memref<80x128xf32, #tpu.memory_space<vmem_shared>>
      tpu.enqueue_dma source(%arg11 : memref<80x128xf32, #tpu.memory_space<vmem>>) target(%dma_start3A_76 : memref<80x128xf32, #tpu.memory_space<vmem_shared>>) target_semaphore(%run_scoped3A : memref<!tpu.dma_semaphore, #tpu.memory_space<semaphore_mem>>)
      %dma_wait3A_77 = arith.constant 0 : i32
      %dma_wait3A_78 = tpu.memref_slice %arg12[%add3A_4, %dma_wait3A_77] : memref<10240x128xf32, #tpu.memory_space<vmem_shared>> -> memref<80x128xf32, #tpu.memory_space<vmem_shared>>
      %dma_wait3A_79 = arith.constant 0 : i32
      %dma_wait3A_80 = tpu.memref_slice %arg12[%add3A_4, %dma_wait3A_79] : memref<10240x128xf32, #tpu.memory_space<vmem_shared>> -> memref<80x128xf32, #tpu.memory_space<vmem_shared>>
      tpu.wait_dma2 semaphore(%run_scoped3A : memref<!tpu.dma_semaphore, #tpu.memory_space<semaphore_mem>>) src(%arg11 : memref<80x128xf32, #tpu.memory_space<vmem>>) dst(%dma_wait3A_80 : memref<80x128xf32, #tpu.memory_space<vmem_shared>>)
      tpu.yield
    }) : () -> ()
    %add3A_5 = arith.constant 80 : i32
    %add3A_6 = arith.addi %mul3A_2, %add3A_5 : i32
    "tpu.region"() ({
      %run_scoped3A = tpu.sem_alloc : memref<!tpu.dma_semaphore, #tpu.memory_space<semaphore_mem>>
      %dma_start3A_73 = arith.constant 0 : i32
      %dma_start3A_74 = tpu.memref_slice %arg5[%add3A_6, %dma_start3A_73] : memref<10240x128xf32, #tpu.memory_space<hbm>> -> memref<80x128xf32, #tpu.memory_space<hbm>>
      %dma_start3A_75 = arith.constant 0 : i32
      %dma_start3A_76 = tpu.memref_slice %arg5[%add3A_6, %dma_start3A_75] : memref<10240x128xf32, #tpu.memory_space<hbm>> -> memref<80x128xf32, #tpu.memory_space<hbm>>
      tpu.enqueue_dma source(%dma_start3A_76 : memref<80x128xf32, #tpu.memory_space<hbm>>) target(%arg11 : memref<80x128xf32, #tpu.memory_space<vmem>>) target_semaphore(%run_scoped3A : memref<!tpu.dma_semaphore, #tpu.memory_space<semaphore_mem>>)
      %dma_wait3A_77 = arith.constant 0 : i32
      %dma_wait3A_78 = tpu.memref_slice %arg5[%add3A_6, %dma_wait3A_77] : memref<10240x128xf32, #tpu.memory_space<hbm>> -> memref<80x128xf32, #tpu.memory_space<hbm>>
      %dma_wait3A_79 = arith.constant 0 : i32
      %dma_wait3A_80 = tpu.memref_slice %arg5[%add3A_6, %dma_wait3A_79] : memref<10240x128xf32, #tpu.memory_space<hbm>> -> memref<80x128xf32, #tpu.memory_space<hbm>>
      tpu.wait_dma2 semaphore(%run_scoped3A : memref<!tpu.dma_semaphore, #tpu.memory_space<semaphore_mem>>) src(%dma_wait3A_80 : memref<80x128xf32, #tpu.memory_space<hbm>>) dst(%arg11 : memref<80x128xf32, #tpu.memory_space<vmem>>)
      tpu.yield
    }) : () -> ()
    "tpu.region"() ({
      %run_scoped3A = tpu.sem_alloc : memref<!tpu.dma_semaphore, #tpu.memory_space<semaphore_mem>>
      %dma_start3A_73 = arith.constant 0 : i32
      %dma_start3A_74 = tpu.memref_slice %arg12[%add3A_6, %dma_start3A_73] : memref<10240x128xf32, #tpu.memory_space<vmem_shared>> -> memref<80x128xf32, #tpu.memory_space<vmem_shared>>
      %dma_start3A_75 = arith.constant 0 : i32
      %dma_start3A_76 = tpu.memref_slice %arg12[%add3A_6, %dma_start3A_75] : memref<10240x128xf32, #tpu.memory_space<vmem_shared>> -> memref<80x128xf32, #tpu.memory_space<vmem_shared>>
      tpu.enqueue_dma source(%arg11 : memref<80x128xf32, #tpu.memory_space<vmem>>) target(%dma_start3A_76 : memref<80x128xf32, #tpu.memory_space<vmem_shared>>) target_semaphore(%run_scoped3A : memref<!tpu.dma_semaphore, #tpu.memory_space<semaphore_mem>>)
      %dma_wait3A_77 = arith.constant 0 : i32
      %dma_wait3A_78 = tpu.memref_slice %arg12[%add3A_6, %dma_wait3A_77] : memref<10240x128xf32, #tpu.memory_space<vmem_shared>> -> memref<80x128xf32, #tpu.memory_space<vmem_shared>>
      %dma_wait3A_79 = arith.constant 0 : i32
      %dma_wait3A_80 = tpu.memref_slice %arg12[%add3A_6, %dma_wait3A_79] : memref<10240x128xf32, #tpu.memory_space<vmem_shared>> -> memref<80x128xf32, #tpu.memory_space<vmem_shared>>
      tpu.wait_dma2 semaphore(%run_scoped3A : memref<!tpu.dma_semaphore, #tpu.memory_space<semaphore_mem>>) src(%arg11 : memref<80x128xf32, #tpu.memory_space<vmem>>) dst(%dma_wait3A_80 : memref<80x128xf32, #tpu.memory_space<vmem_shared>>)
      tpu.yield
    }) : () -> ()
    %add3A_7 = arith.constant 160 : i32
    %add3A_8 = arith.addi %mul3A_2, %add3A_7 : i32
    "tpu.region"() ({
      %run_scoped3A = tpu.sem_alloc : memref<!tpu.dma_semaphore, #tpu.memory_space<semaphore_mem>>
      %dma_start3A_73 = arith.constant 0 : i32
      %dma_start3A_74 = tpu.memref_slice %arg5[%add3A_8, %dma_start3A_73] : memref<10240x128xf32, #tpu.memory_space<hbm>> -> memref<80x128xf32, #tpu.memory_space<hbm>>
      %dma_start3A_75 = arith.constant 0 : i32
      %dma_start3A_76 = tpu.memref_slice %arg5[%add3A_8, %dma_start3A_75] : memref<10240x128xf32, #tpu.memory_space<hbm>> -> memref<80x128xf32, #tpu.memory_space<hbm>>
      tpu.enqueue_dma source(%dma_start3A_76 : memref<80x128xf32, #tpu.memory_space<hbm>>) target(%arg11 : memref<80x128xf32, #tpu.memory_space<vmem>>) target_semaphore(%run_scoped3A : memref<!tpu.dma_semaphore, #tpu.memory_space<semaphore_mem>>)
      %dma_wait3A_77 = arith.constant 0 : i32
      %dma_wait3A_78 = tpu.memref_slice %arg5[%add3A_8, %dma_wait3A_77] : memref<10240x128xf32, #tpu.memory_space<hbm>> -> memref<80x128xf32, #tpu.memory_space<hbm>>
      %dma_wait3A_79 = arith.constant 0 : i32
      %dma_wait3A_80 = tpu.memref_slice %arg5[%add3A_8, %dma_wait3A_79] : memref<10240x128xf32, #tpu.memory_space<hbm>> -> memref<80x128xf32, #tpu.memory_space<hbm>>
      tpu.wait_dma2 semaphore(%run_scoped3A : memref<!tpu.dma_semaphore, #tpu.memory_space<semaphore_mem>>) src(%dma_wait3A_80 : memref<80x128xf32, #tpu.memory_space<hbm>>) dst(%arg11 : memref<80x128xf32, #tpu.memory_space<vmem>>)
      tpu.yield
    }) : () -> ()
    "tpu.region"() ({
      %run_scoped3A = tpu.sem_alloc : memref<!tpu.dma_semaphore, #tpu.memory_space<semaphore_mem>>
      %dma_start3A_73 = arith.constant 0 : i32
      %dma_start3A_74 = tpu.memref_slice %arg12[%add3A_8, %dma_start3A_73] : memref<10240x128xf32, #tpu.memory_space<vmem_shared>> -> memref<80x128xf32, #tpu.memory_space<vmem_shared>>
      %dma_start3A_75 = arith.constant 0 : i32
      %dma_start3A_76 = tpu.memref_slice %arg12[%add3A_8, %dma_start3A_75] : memref<10240x128xf32, #tpu.memory_space<vmem_shared>> -> memref<80x128xf32, #tpu.memory_space<vmem_shared>>
      tpu.enqueue_dma source(%arg11 : memref<80x128xf32, #tpu.memory_space<vmem>>) target(%dma_start3A_76 : memref<80x128xf32, #tpu.memory_space<vmem_shared>>) target_semaphore(%run_scoped3A : memref<!tpu.dma_semaphore, #tpu.memory_space<semaphore_mem>>)
      %dma_wait3A_77 = arith.constant 0 : i32
      %dma_wait3A_78 = tpu.memref_slice %arg12[%add3A_8, %dma_wait3A_77] : memref<10240x128xf32, #tpu.memory_space<vmem_shared>> -> memref<80x128xf32, #tpu.memory_space<vmem_shared>>
      %dma_wait3A_79 = arith.constant 0 : i32
      %dma_wait3A_80 = tpu.memref_slice %arg12[%add3A_8, %dma_wait3A_79] : memref<10240x128xf32, #tpu.memory_space<vmem_shared>> -> memref<80x128xf32, #tpu.memory_space<vmem_shared>>
      tpu.wait_dma2 semaphore(%run_scoped3A : memref<!tpu.dma_semaphore, #tpu.memory_space<semaphore_mem>>) src(%arg11 : memref<80x128xf32, #tpu.memory_space<vmem>>) dst(%dma_wait3A_80 : memref<80x128xf32, #tpu.memory_space<vmem_shared>>)
      tpu.yield
    }) : () -> ()
    %add3A_9 = arith.constant 240 : i32
    %add3A_10 = arith.addi %mul3A_2, %add3A_9 : i32
    "tpu.region"() ({
      %run_scoped3A = tpu.sem_alloc : memref<!tpu.dma_semaphore, #tpu.memory_space<semaphore_mem>>
      %dma_start3A_73 = arith.constant 0 : i32
      %dma_start3A_74 = tpu.memref_slice %arg5[%add3A_10, %dma_start3A_73] : memref<10240x128xf32, #tpu.memory_space<hbm>> -> memref<80x128xf32, #tpu.memory_space<hbm>>
      %dma_start3A_75 = arith.constant 0 : i32
      %dma_start3A_76 = tpu.memref_slice %arg5[%add3A_10, %dma_start3A_75] : memref<10240x128xf32, #tpu.memory_space<hbm>> -> memref<80x128xf32, #tpu.memory_space<hbm>>
      tpu.enqueue_dma source(%dma_start3A_76 : memref<80x128xf32, #tpu.memory_space<hbm>>) target(%arg11 : memref<80x128xf32, #tpu.memory_space<vmem>>) target_semaphore(%run_scoped3A : memref<!tpu.dma_semaphore, #tpu.memory_space<semaphore_mem>>)
      %dma_wait3A_77 = arith.constant 0 : i32
      %dma_wait3A_78 = tpu.memref_slice %arg5[%add3A_10, %dma_wait3A_77] : memref<10240x128xf32, #tpu.memory_space<hbm>> -> memref<80x128xf32, #tpu.memory_space<hbm>>
      %dma_wait3A_79 = arith.constant 0 : i32
      %dma_wait3A_80 = tpu.memref_slice %arg5[%add3A_10, %dma_wait3A_79] : memref<10240x128xf32, #tpu.memory_space<hbm>> -> memref<80x128xf32, #tpu.memory_space<hbm>>
      tpu.wait_dma2 semaphore(%run_scoped3A : memref<!tpu.dma_semaphore, #tpu.memory_space<semaphore_mem>>) src(%dma_wait3A_80 : memref<80x128xf32, #tpu.memory_space<hbm>>) dst(%arg11 : memref<80x128xf32, #tpu.memory_space<vmem>>)
      tpu.yield
    }) : () -> ()
    "tpu.region"() ({
      %run_scoped3A = tpu.sem_alloc : memref<!tpu.dma_semaphore, #tpu.memory_space<semaphore_mem>>
      %dma_start3A_73 = arith.constant 0 : i32
      %dma_start3A_74 = tpu.memref_slice %arg12[%add3A_10, %dma_start3A_73] : memref<10240x128xf32, #tpu.memory_space<vmem_shared>> -> memref<80x128xf32, #tpu.memory_space<vmem_shared>>
      %dma_start3A_75 = arith.constant 0 : i32
      %dma_start3A_76 = tpu.memref_slice %arg12[%add3A_10, %dma_start3A_75] : memref<10240x128xf32, #tpu.memory_space<vmem_shared>> -> memref<80x128xf32, #tpu.memory_space<vmem_shared>>
      tpu.enqueue_dma source(%arg11 : memref<80x128xf32, #tpu.memory_space<vmem>>) target(%dma_start3A_76 : memref<80x128xf32, #tpu.memory_space<vmem_shared>>) target_semaphore(%run_scoped3A : memref<!tpu.dma_semaphore, #tpu.memory_space<semaphore_mem>>)
      %dma_wait3A_77 = arith.constant 0 : i32
      %dma_wait3A_78 = tpu.memref_slice %arg12[%add3A_10, %dma_wait3A_77] : memref<10240x128xf32, #tpu.memory_space<vmem_shared>> -> memref<80x128xf32, #tpu.memory_space<vmem_shared>>
      %dma_wait3A_79 = arith.constant 0 : i32
      %dma_wait3A_80 = tpu.memref_slice %arg12[%add3A_10, %dma_wait3A_79] : memref<10240x128xf32, #tpu.memory_space<vmem_shared>> -> memref<80x128xf32, #tpu.memory_space<vmem_shared>>
      tpu.wait_dma2 semaphore(%run_scoped3A : memref<!tpu.dma_semaphore, #tpu.memory_space<semaphore_mem>>) src(%arg11 : memref<80x128xf32, #tpu.memory_space<vmem>>) dst(%dma_wait3A_80 : memref<80x128xf32, #tpu.memory_space<vmem_shared>>)
      tpu.yield
    }) : () -> ()
    %add3A_11 = arith.constant 320 : i32
    %add3A_12 = arith.addi %mul3A_2, %add3A_11 : i32
    "tpu.region"() ({
      %run_scoped3A = tpu.sem_alloc : memref<!tpu.dma_semaphore, #tpu.memory_space<semaphore_mem>>
      %dma_start3A_73 = arith.constant 0 : i32
      %dma_start3A_74 = tpu.memref_slice %arg5[%add3A_12, %dma_start3A_73] : memref<10240x128xf32, #tpu.memory_space<hbm>> -> memref<80x128xf32, #tpu.memory_space<hbm>>
      %dma_start3A_75 = arith.constant 0 : i32
      %dma_start3A_76 = tpu.memref_slice %arg5[%add3A_12, %dma_start3A_75] : memref<10240x128xf32, #tpu.memory_space<hbm>> -> memref<80x128xf32, #tpu.memory_space<hbm>>
      tpu.enqueue_dma source(%dma_start3A_76 : memref<80x128xf32, #tpu.memory_space<hbm>>) target(%arg11 : memref<80x128xf32, #tpu.memory_space<vmem>>) target_semaphore(%run_scoped3A : memref<!tpu.dma_semaphore, #tpu.memory_space<semaphore_mem>>)
      %dma_wait3A_77 = arith.constant 0 : i32
      %dma_wait3A_78 = tpu.memref_slice %arg5[%add3A_12, %dma_wait3A_77] : memref<10240x128xf32, #tpu.memory_space<hbm>> -> memref<80x128xf32, #tpu.memory_space<hbm>>
      %dma_wait3A_79 = arith.constant 0 : i32
      %dma_wait3A_80 = tpu.memref_slice %arg5[%add3A_12, %dma_wait3A_79] : memref<10240x128xf32, #tpu.memory_space<hbm>> -> memref<80x128xf32, #tpu.memory_space<hbm>>
      tpu.wait_dma2 semaphore(%run_scoped3A : memref<!tpu.dma_semaphore, #tpu.memory_space<semaphore_mem>>) src(%dma_wait3A_80 : memref<80x128xf32, #tpu.memory_space<hbm>>) dst(%arg11 : memref<80x128xf32, #tpu.memory_space<vmem>>)
      tpu.yield
    }) : () -> ()
    "tpu.region"() ({
      %run_scoped3A = tpu.sem_alloc : memref<!tpu.dma_semaphore, #tpu.memory_space<semaphore_mem>>
      %dma_start3A_73 = arith.constant 0 : i32
      %dma_start3A_74 = tpu.memref_slice %arg12[%add3A_12, %dma_start3A_73] : memref<10240x128xf32, #tpu.memory_space<vmem_shared>> -> memref<80x128xf32, #tpu.memory_space<vmem_shared>>
      %dma_start3A_75 = arith.constant 0 : i32
      %dma_start3A_76 = tpu.memref_slice %arg12[%add3A_12, %dma_start3A_75] : memref<10240x128xf32, #tpu.memory_space<vmem_shared>> -> memref<80x128xf32, #tpu.memory_space<vmem_shared>>
      tpu.enqueue_dma source(%arg11 : memref<80x128xf32, #tpu.memory_space<vmem>>) target(%dma_start3A_76 : memref<80x128xf32, #tpu.memory_space<vmem_shared>>) target_semaphore(%run_scoped3A : memref<!tpu.dma_semaphore, #tpu.memory_space<semaphore_mem>>)
      %dma_wait3A_77 = arith.constant 0 : i32
      %dma_wait3A_78 = tpu.memref_slice %arg12[%add3A_12, %dma_wait3A_77] : memref<10240x128xf32, #tpu.memory_space<vmem_shared>> -> memref<80x128xf32, #tpu.memory_space<vmem_shared>>
      %dma_wait3A_79 = arith.constant 0 : i32
      %dma_wait3A_80 = tpu.memref_slice %arg12[%add3A_12, %dma_wait3A_79] : memref<10240x128xf32, #tpu.memory_space<vmem_shared>> -> memref<80x128xf32, #tpu.memory_space<vmem_shared>>
      tpu.wait_dma2 semaphore(%run_scoped3A : memref<!tpu.dma_semaphore, #tpu.memory_space<semaphore_mem>>) src(%arg11 : memref<80x128xf32, #tpu.memory_space<vmem>>) dst(%dma_wait3A_80 : memref<80x128xf32, #tpu.memory_space<vmem_shared>>)
      tpu.yield
    }) : () -> ()
    %add3A_13 = arith.constant 400 : i32
    %add3A_14 = arith.addi %mul3A_2, %add3A_13 : i32
    "tpu.region"() ({
      %run_scoped3A = tpu.sem_alloc : memref<!tpu.dma_semaphore, #tpu.memory_space<semaphore_mem>>
      %dma_start3A_73 = arith.constant 0 : i32
      %dma_start3A_74 = tpu.memref_slice %arg5[%add3A_14, %dma_start3A_73] : memref<10240x128xf32, #tpu.memory_space<hbm>> -> memref<80x128xf32, #tpu.memory_space<hbm>>
      %dma_start3A_75 = arith.constant 0 : i32
      %dma_start3A_76 = tpu.memref_slice %arg5[%add3A_14, %dma_start3A_75] : memref<10240x128xf32, #tpu.memory_space<hbm>> -> memref<80x128xf32, #tpu.memory_space<hbm>>
      tpu.enqueue_dma source(%dma_start3A_76 : memref<80x128xf32, #tpu.memory_space<hbm>>) target(%arg11 : memref<80x128xf32, #tpu.memory_space<vmem>>) target_semaphore(%run_scoped3A : memref<!tpu.dma_semaphore, #tpu.memory_space<semaphore_mem>>)
      %dma_wait3A_77 = arith.constant 0 : i32
      %dma_wait3A_78 = tpu.memref_slice %arg5[%add3A_14, %dma_wait3A_77] : memref<10240x128xf32, #tpu.memory_space<hbm>> -> memref<80x128xf32, #tpu.memory_space<hbm>>
      %dma_wait3A_79 = arith.constant 0 : i32
      %dma_wait3A_80 = tpu.memref_slice %arg5[%add3A_14, %dma_wait3A_79] : memref<10240x128xf32, #tpu.memory_space<hbm>> -> memref<80x128xf32, #tpu.memory_space<hbm>>
      tpu.wait_dma2 semaphore(%run_scoped3A : memref<!tpu.dma_semaphore, #tpu.memory_space<semaphore_mem>>) src(%dma_wait3A_80 : memref<80x128xf32, #tpu.memory_space<hbm>>) dst(%arg11 : memref<80x128xf32, #tpu.memory_space<vmem>>)
      tpu.yield
    }) : () -> ()
    "tpu.region"() ({
      %run_scoped3A = tpu.sem_alloc : memref<!tpu.dma_semaphore, #tpu.memory_space<semaphore_mem>>
      %dma_start3A_73 = arith.constant 0 : i32
      %dma_start3A_74 = tpu.memref_slice %arg12[%add3A_14, %dma_start3A_73] : memref<10240x128xf32, #tpu.memory_space<vmem_shared>> -> memref<80x128xf32, #tpu.memory_space<vmem_shared>>
      %dma_start3A_75 = arith.constant 0 : i32
      %dma_start3A_76 = tpu.memref_slice %arg12[%add3A_14, %dma_start3A_75] : memref<10240x128xf32, #tpu.memory_space<vmem_shared>> -> memref<80x128xf32, #tpu.memory_space<vmem_shared>>
      tpu.enqueue_dma source(%arg11 : memref<80x128xf32, #tpu.memory_space<vmem>>) target(%dma_start3A_76 : memref<80x128xf32, #tpu.memory_space<vmem_shared>>) target_semaphore(%run_scoped3A : memref<!tpu.dma_semaphore, #tpu.memory_space<semaphore_mem>>)
      %dma_wait3A_77 = arith.constant 0 : i32
      %dma_wait3A_78 = tpu.memref_slice %arg12[%add3A_14, %dma_wait3A_77] : memref<10240x128xf32, #tpu.memory_space<vmem_shared>> -> memref<80x128xf32, #tpu.memory_space<vmem_shared>>
      %dma_wait3A_79 = arith.constant 0 : i32
      %dma_wait3A_80 = tpu.memref_slice %arg12[%add3A_14, %dma_wait3A_79] : memref<10240x128xf32, #tpu.memory_space<vmem_shared>> -> memref<80x128xf32, #tpu.memory_space<vmem_shared>>
      tpu.wait_dma2 semaphore(%run_scoped3A : memref<!tpu.dma_semaphore, #tpu.memory_space<semaphore_mem>>) src(%arg11 : memref<80x128xf32, #tpu.memory_space<vmem>>) dst(%dma_wait3A_80 : memref<80x128xf32, #tpu.memory_space<vmem_shared>>)
      tpu.yield
    }) : () -> ()
    %add3A_15 = arith.constant 480 : i32
    %add3A_16 = arith.addi %mul3A_2, %add3A_15 : i32
    "tpu.region"() ({
      %run_scoped3A = tpu.sem_alloc : memref<!tpu.dma_semaphore, #tpu.memory_space<semaphore_mem>>
      %dma_start3A_73 = arith.constant 0 : i32
      %dma_start3A_74 = tpu.memref_slice %arg5[%add3A_16, %dma_start3A_73] : memref<10240x128xf32, #tpu.memory_space<hbm>> -> memref<80x128xf32, #tpu.memory_space<hbm>>
      %dma_start3A_75 = arith.constant 0 : i32
      %dma_start3A_76 = tpu.memref_slice %arg5[%add3A_16, %dma_start3A_75] : memref<10240x128xf32, #tpu.memory_space<hbm>> -> memref<80x128xf32, #tpu.memory_space<hbm>>
      tpu.enqueue_dma source(%dma_start3A_76 : memref<80x128xf32, #tpu.memory_space<hbm>>) target(%arg11 : memref<80x128xf32, #tpu.memory_space<vmem>>) target_semaphore(%run_scoped3A : memref<!tpu.dma_semaphore, #tpu.memory_space<semaphore_mem>>)
      %dma_wait3A_77 = arith.constant 0 : i32
      %dma_wait3A_78 = tpu.memref_slice %arg5[%add3A_16, %dma_wait3A_77] : memref<10240x128xf32, #tpu.memory_space<hbm>> -> memref<80x128xf32, #tpu.memory_space<hbm>>
      %dma_wait3A_79 = arith.constant 0 : i32
      %dma_wait3A_80 = tpu.memref_slice %arg5[%add3A_16, %dma_wait3A_79] : memref<10240x128xf32, #tpu.memory_space<hbm>> -> memref<80x128xf32, #tpu.memory_space<hbm>>
      tpu.wait_dma2 semaphore(%run_scoped3A : memref<!tpu.dma_semaphore, #tpu.memory_space<semaphore_mem>>) src(%dma_wait3A_80 : memref<80x128xf32, #tpu.memory_space<hbm>>) dst(%arg11 : memref<80x128xf32, #tpu.memory_space<vmem>>)
      tpu.yield
    }) : () -> ()
    "tpu.region"() ({
      %run_scoped3A = tpu.sem_alloc : memref<!tpu.dma_semaphore, #tpu.memory_space<semaphore_mem>>
      %dma_start3A_73 = arith.constant 0 : i32
      %dma_start3A_74 = tpu.memref_slice %arg12[%add3A_16, %dma_start3A_73] : memref<10240x128xf32, #tpu.memory_space<vmem_shared>> -> memref<80x128xf32, #tpu.memory_space<vmem_shared>>
      %dma_start3A_75 = arith.constant 0 : i32
      %dma_start3A_76 = tpu.memref_slice %arg12[%add3A_16, %dma_start3A_75] : memref<10240x128xf32, #tpu.memory_space<vmem_shared>> -> memref<80x128xf32, #tpu.memory_space<vmem_shared>>
      tpu.enqueue_dma source(%arg11 : memref<80x128xf32, #tpu.memory_space<vmem>>) target(%dma_start3A_76 : memref<80x128xf32, #tpu.memory_space<vmem_shared>>) target_semaphore(%run_scoped3A : memref<!tpu.dma_semaphore, #tpu.memory_space<semaphore_mem>>)
      %dma_wait3A_77 = arith.constant 0 : i32
      %dma_wait3A_78 = tpu.memref_slice %arg12[%add3A_16, %dma_wait3A_77] : memref<10240x128xf32, #tpu.memory_space<vmem_shared>> -> memref<80x128xf32, #tpu.memory_space<vmem_shared>>
      %dma_wait3A_79 = arith.constant 0 : i32
      %dma_wait3A_80 = tpu.memref_slice %arg12[%add3A_16, %dma_wait3A_79] : memref<10240x128xf32, #tpu.memory_space<vmem_shared>> -> memref<80x128xf32, #tpu.memory_space<vmem_shared>>
      tpu.wait_dma2 semaphore(%run_scoped3A : memref<!tpu.dma_semaphore, #tpu.memory_space<semaphore_mem>>) src(%arg11 : memref<80x128xf32, #tpu.memory_space<vmem>>) dst(%dma_wait3A_80 : memref<80x128xf32, #tpu.memory_space<vmem_shared>>)
      tpu.yield
    }) : () -> ()
    %add3A_17 = arith.constant 560 : i32
    %add3A_18 = arith.addi %mul3A_2, %add3A_17 : i32
    "tpu.region"() ({
      %run_scoped3A = tpu.sem_alloc : memref<!tpu.dma_semaphore, #tpu.memory_space<semaphore_mem>>
      %dma_start3A_73 = arith.constant 0 : i32
      %dma_start3A_74 = tpu.memref_slice %arg5[%add3A_18, %dma_start3A_73] : memref<10240x128xf32, #tpu.memory_space<hbm>> -> memref<80x128xf32, #tpu.memory_space<hbm>>
      %dma_start3A_75 = arith.constant 0 : i32
      %dma_start3A_76 = tpu.memref_slice %arg5[%add3A_18, %dma_start3A_75] : memref<10240x128xf32, #tpu.memory_space<hbm>> -> memref<80x128xf32, #tpu.memory_space<hbm>>
      tpu.enqueue_dma source(%dma_start3A_76 : memref<80x128xf32, #tpu.memory_space<hbm>>) target(%arg11 : memref<80x128xf32, #tpu.memory_space<vmem>>) target_semaphore(%run_scoped3A : memref<!tpu.dma_semaphore, #tpu.memory_space<semaphore_mem>>)
      %dma_wait3A_77 = arith.constant 0 : i32
      %dma_wait3A_78 = tpu.memref_slice %arg5[%add3A_18, %dma_wait3A_77] : memref<10240x128xf32, #tpu.memory_space<hbm>> -> memref<80x128xf32, #tpu.memory_space<hbm>>
      %dma_wait3A_79 = arith.constant 0 : i32
      %dma_wait3A_80 = tpu.memref_slice %arg5[%add3A_18, %dma_wait3A_79] : memref<10240x128xf32, #tpu.memory_space<hbm>> -> memref<80x128xf32, #tpu.memory_space<hbm>>
      tpu.wait_dma2 semaphore(%run_scoped3A : memref<!tpu.dma_semaphore, #tpu.memory_space<semaphore_mem>>) src(%dma_wait3A_80 : memref<80x128xf32, #tpu.memory_space<hbm>>) dst(%arg11 : memref<80x128xf32, #tpu.memory_space<vmem>>)
      tpu.yield
    }) : () -> ()
    "tpu.region"() ({
      %run_scoped3A = tpu.sem_alloc : memref<!tpu.dma_semaphore, #tpu.memory_space<semaphore_mem>>
      %dma_start3A_73 = arith.constant 0 : i32
      %dma_start3A_74 = tpu.memref_slice %arg12[%add3A_18, %dma_start3A_73] : memref<10240x128xf32, #tpu.memory_space<vmem_shared>> -> memref<80x128xf32, #tpu.memory_space<vmem_shared>>
      %dma_start3A_75 = arith.constant 0 : i32
      %dma_start3A_76 = tpu.memref_slice %arg12[%add3A_18, %dma_start3A_75] : memref<10240x128xf32, #tpu.memory_space<vmem_shared>> -> memref<80x128xf32, #tpu.memory_space<vmem_shared>>
      tpu.enqueue_dma source(%arg11 : memref<80x128xf32, #tpu.memory_space<vmem>>) target(%dma_start3A_76 : memref<80x128xf32, #tpu.memory_space<vmem_shared>>) target_semaphore(%run_scoped3A : memref<!tpu.dma_semaphore, #tpu.memory_space<semaphore_mem>>)
      %dma_wait3A_77 = arith.constant 0 : i32
      %dma_wait3A_78 = tpu.memref_slice %arg12[%add3A_18, %dma_wait3A_77] : memref<10240x128xf32, #tpu.memory_space<vmem_shared>> -> memref<80x128xf32, #tpu.memory_space<vmem_shared>>
      %dma_wait3A_79 = arith.constant 0 : i32
      %dma_wait3A_80 = tpu.memref_slice %arg12[%add3A_18, %dma_wait3A_79] : memref<10240x128xf32, #tpu.memory_space<vmem_shared>> -> memref<80x128xf32, #tpu.memory_space<vmem_shared>>
      tpu.wait_dma2 semaphore(%run_scoped3A : memref<!tpu.dma_semaphore, #tpu.memory_space<semaphore_mem>>) src(%arg11 : memref<80x128xf32, #tpu.memory_space<vmem>>) dst(%dma_wait3A_80 : memref<80x128xf32, #tpu.memory_space<vmem_shared>>)
      tpu.yield
    }) : () -> ()
    %barrier3A = arith.constant 0 : index
    tpu.barrier barrier_id(%barrier3A)
    %mul3A_19 = arith.constant 10000 : i32
    %mul3A_20 = arith.muli %add3A, %mul3A_19 : i32
    %dma_start3A = tpu.memref_slice %arg3[%mul3A_20] : memref<320160xi32, #tpu.memory_space<hbm>> -> memref<80xi32, #tpu.memory_space<hbm>>
    %dma_start3A_21 = tpu.memref_slice %arg3[%mul3A_20] : memref<320160xi32, #tpu.memory_space<hbm>> -> memref<80xi32, #tpu.memory_space<hbm>>
    tpu.enqueue_dma source(%dma_start3A_21 : memref<80xi32, #tpu.memory_space<hbm>>) target(%arg7 : memref<80xi32, #tpu.memory_space<vmem>>) target_semaphore(%arg14 : memref<!tpu.dma_semaphore, #tpu.memory_space<semaphore_mem>>)
    %dma_start3A_22 = tpu.memref_slice %arg4[%mul3A_20] : memref<320160xi32, #tpu.memory_space<hbm>> -> memref<80xi32, #tpu.memory_space<hbm>>
    %dma_start3A_23 = tpu.memref_slice %arg4[%mul3A_20] : memref<320160xi32, #tpu.memory_space<hbm>> -> memref<80xi32, #tpu.memory_space<hbm>>
    tpu.enqueue_dma source(%dma_start3A_23 : memref<80xi32, #tpu.memory_space<hbm>>) target(%arg8 : memref<80xi32, #tpu.memory_space<vmem>>) target_semaphore(%arg14 : memref<!tpu.dma_semaphore, #tpu.memory_space<semaphore_mem>>)
    %dma_wait3A = arith.constant 0 : i32
    %dma_wait3A_24 = tpu.memref_slice %arg3[%dma_wait3A] : memref<320160xi32, #tpu.memory_space<hbm>> -> memref<80xi32, #tpu.memory_space<hbm>>
    %dma_wait3A_25 = arith.constant 0 : i32
    %dma_wait3A_26 = tpu.memref_slice %arg3[%dma_wait3A_25] : memref<320160xi32, #tpu.memory_space<hbm>> -> memref<80xi32, #tpu.memory_space<hbm>>
    tpu.wait_dma2 semaphore(%arg14 : memref<!tpu.dma_semaphore, #tpu.memory_space<semaphore_mem>>) src(%dma_wait3A_26 : memref<80xi32, #tpu.memory_space<hbm>>) dst(%arg7 : memref<80xi32, #tpu.memory_space<vmem>>)
    %dma_wait3A_27 = arith.constant 0 : i32
    %dma_wait3A_28 = tpu.memref_slice %arg4[%dma_wait3A_27] : memref<320160xi32, #tpu.memory_space<hbm>> -> memref<80xi32, #tpu.memory_space<hbm>>
    %dma_wait3A_29 = arith.constant 0 : i32
    %dma_wait3A_30 = tpu.memref_slice %arg4[%dma_wait3A_29] : memref<320160xi32, #tpu.memory_space<hbm>> -> memref<80xi32, #tpu.memory_space<hbm>>
    tpu.wait_dma2 semaphore(%arg14 : memref<!tpu.dma_semaphore, #tpu.memory_space<semaphore_mem>>) src(%dma_wait3A_30 : memref<80xi32, #tpu.memory_space<hbm>>) dst(%arg8 : memref<80xi32, #tpu.memory_space<vmem>>)
    %add3A_31 = arith.constant 80 : i32
    %add3A_32 = arith.addi %mul3A_20, %add3A_31 : i32
    %dma_start3A_33 = tpu.memref_slice %arg3[%add3A_32] : memref<320160xi32, #tpu.memory_space<hbm>> -> memref<80xi32, #tpu.memory_space<hbm>>
    %dma_start3A_34 = tpu.memref_slice %arg3[%add3A_32] : memref<320160xi32, #tpu.memory_space<hbm>> -> memref<80xi32, #tpu.memory_space<hbm>>
    tpu.enqueue_dma source(%dma_start3A_34 : memref<80xi32, #tpu.memory_space<hbm>>) target(%arg9 : memref<80xi32, #tpu.memory_space<vmem>>) target_semaphore(%arg15 : memref<!tpu.dma_semaphore, #tpu.memory_space<semaphore_mem>>)
    %dma_start3A_35 = tpu.memref_slice %arg4[%add3A_32] : memref<320160xi32, #tpu.memory_space<hbm>> -> memref<80xi32, #tpu.memory_space<hbm>>
    %dma_start3A_36 = tpu.memref_slice %arg4[%add3A_32] : memref<320160xi32, #tpu.memory_space<hbm>> -> memref<80xi32, #tpu.memory_space<hbm>>
    tpu.enqueue_dma source(%dma_start3A_36 : memref<80xi32, #tpu.memory_space<hbm>>) target(%arg10 : memref<80xi32, #tpu.memory_space<vmem>>) target_semaphore(%arg15 : memref<!tpu.dma_semaphore, #tpu.memory_space<semaphore_mem>>)
    %dma_start3A_37 = arith.constant 0 : i32
    %dma_start3A_38 = arith.constant 0 : i32
    %dma_start3A_39 = tpu.memref_slice %arg2[%dma_start3A_37, %dma_start3A_38] : memref<10000x128xf32, #tpu.memory_space<hbm>> -> memref<10000x128xf32, #tpu.memory_space<hbm>>
    tpu.enqueue_indirect_dma source(%dma_start3A_39 : memref<10000x128xf32, #tpu.memory_space<hbm>>) target(%arg11 : memref<80x128xf32, #tpu.memory_space<vmem>>) offsets(%arg7 : memref<80xi32, #tpu.memory_space<vmem>>) semaphore(%arg13 : memref<!tpu.dma_semaphore, #tpu.memory_space<semaphore_mem>>)
    %dma_wait3A_40 = arith.constant 0 : i32
    %dma_wait3A_41 = arith.constant 0 : i32
    %dma_wait3A_42 = tpu.memref_slice %arg2[%dma_wait3A_40, %dma_wait3A_41] : memref<10000x128xf32, #tpu.memory_space<hbm>> -> memref<10000x128xf32, #tpu.memory_space<hbm>>
    tpu.wait_indirect_dma semaphore(%arg13 : memref<!tpu.dma_semaphore, #tpu.memory_space<semaphore_mem>>) src(%dma_wait3A_42 : memref<10000x128xf32, #tpu.memory_space<hbm>>) dst(%arg11 : memref<80x128xf32, #tpu.memory_space<vmem>>)
    "tpu.region"() ({
      %run_scoped3A = tpu.sem_alloc : memref<!tpu.dma_semaphore, #tpu.memory_space<semaphore_mem>>
      %dma_start3A_73 = arith.constant 0 : i32
      %dma_start3A_74 = arith.constant 0 : i32
      %dma_start3A_75 = tpu.memref_slice %arg12[%dma_start3A_73, %dma_start3A_74] : memref<10240x128xf32, #tpu.memory_space<vmem_shared>> -> memref<10240x128xf32, #tpu.memory_space<vmem_shared>>
      tpu.enqueue_indirect_dma source(%arg11 : memref<80x128xf32, #tpu.memory_space<vmem>>) target(%dma_start3A_75 : memref<10240x128xf32, #tpu.memory_space<vmem_shared>>) offsets(%arg8 : memref<80xi32, #tpu.memory_space<vmem>>) semaphore(%run_scoped3A : memref<!tpu.dma_semaphore, #tpu.memory_space<semaphore_mem>>) {add = true}
      %dma_wait3A_76 = arith.constant 0 : i32
      %dma_wait3A_77 = arith.constant 0 : i32
      %dma_wait3A_78 = tpu.memref_slice %arg12[%dma_wait3A_76, %dma_wait3A_77] : memref<10240x128xf32, #tpu.memory_space<vmem_shared>> -> memref<10240x128xf32, #tpu.memory_space<vmem_shared>>
      tpu.wait_indirect_dma semaphore(%run_scoped3A : memref<!tpu.dma_semaphore, #tpu.memory_space<semaphore_mem>>) src(%arg11 : memref<80x128xf32, #tpu.memory_space<vmem>>) dst(%dma_wait3A_78 : memref<10240x128xf32, #tpu.memory_space<vmem_shared>>)
      tpu.yield
    }) : () -> ()
    %scan3A = arith.constant 0 : i32
    %scan3A_43 = arith.constant 0 : i32
    %scan3A_44 = arith.constant 62 : i32
    %scan3A_45 = arith.addi %scan3A_43, %scan3A_44 : i32
    %scan3A_46 = arith.constant 1 : i32
    scf.for %scan3A_73 = %scan3A_43 to %scan3A_45 step %scan3A_46  : i32 {
      %add3A_74 = arith.constant 80 : i32
      %add3A_75 = arith.addi %mul3A_20, %add3A_74 : i32
      %mul3A_76 = arith.constant 2 : i32
      %mul3A_77 = arith.muli %mul3A_76, %scan3A_73 : i32
      %mul3A_78 = arith.constant 80 : i32
      %mul3A_79 = arith.muli %mul3A_77, %mul3A_78 : i32
      %add3A_80 = arith.addi %add3A_75, %mul3A_79 : i32
      %dma_wait3A_81 = arith.constant 0 : i32
      %dma_wait3A_82 = tpu.memref_slice %arg3[%dma_wait3A_81] : memref<320160xi32, #tpu.memory_space<hbm>> -> memref<80xi32, #tpu.memory_space<hbm>>
      %dma_wait3A_83 = arith.constant 0 : i32
      %dma_wait3A_84 = tpu.memref_slice %arg3[%dma_wait3A_83] : memref<320160xi32, #tpu.memory_space<hbm>> -> memref<80xi32, #tpu.memory_space<hbm>>
      tpu.wait_dma2 semaphore(%arg15 : memref<!tpu.dma_semaphore, #tpu.memory_space<semaphore_mem>>) src(%dma_wait3A_84 : memref<80xi32, #tpu.memory_space<hbm>>) dst(%arg9 : memref<80xi32, #tpu.memory_space<vmem>>)
      %dma_wait3A_85 = arith.constant 0 : i32
      %dma_wait3A_86 = tpu.memref_slice %arg4[%dma_wait3A_85] : memref<320160xi32, #tpu.memory_space<hbm>> -> memref<80xi32, #tpu.memory_space<hbm>>
      %dma_wait3A_87 = arith.constant 0 : i32
      %dma_wait3A_88 = tpu.memref_slice %arg4[%dma_wait3A_87] : memref<320160xi32, #tpu.memory_space<hbm>> -> memref<80xi32, #tpu.memory_space<hbm>>
      tpu.wait_dma2 semaphore(%arg15 : memref<!tpu.dma_semaphore, #tpu.memory_space<semaphore_mem>>) src(%dma_wait3A_88 : memref<80xi32, #tpu.memory_space<hbm>>) dst(%arg10 : memref<80xi32, #tpu.memory_space<vmem>>)
      %add3A_89 = arith.constant 80 : i32
      %add3A_90 = arith.addi %add3A_80, %add3A_89 : i32
      %dma_start3A_91 = tpu.memref_slice %arg3[%add3A_90] : memref<320160xi32, #tpu.memory_space<hbm>> -> memref<80xi32, #tpu.memory_space<hbm>>
      %dma_start3A_92 = tpu.memref_slice %arg3[%add3A_90] : memref<320160xi32, #tpu.memory_space<hbm>> -> memref<80xi32, #tpu.memory_space<hbm>>
      tpu.enqueue_dma source(%dma_start3A_92 : memref<80xi32, #tpu.memory_space<hbm>>) target(%arg7 : memref<80xi32, #tpu.memory_space<vmem>>) target_semaphore(%arg14 : memref<!tpu.dma_semaphore, #tpu.memory_space<semaphore_mem>>)
      %dma_start3A_93 = tpu.memref_slice %arg4[%add3A_90] : memref<320160xi32, #tpu.memory_space<hbm>> -> memref<80xi32, #tpu.memory_space<hbm>>
      %dma_start3A_94 = tpu.memref_slice %arg4[%add3A_90] : memref<320160xi32, #tpu.memory_space<hbm>> -> memref<80xi32, #tpu.memory_space<hbm>>
      tpu.enqueue_dma source(%dma_start3A_94 : memref<80xi32, #tpu.memory_space<hbm>>) target(%arg8 : memref<80xi32, #tpu.memory_space<vmem>>) target_semaphore(%arg14 : memref<!tpu.dma_semaphore, #tpu.memory_space<semaphore_mem>>)
      %dma_start3A_95 = arith.constant 0 : i32
      %dma_start3A_96 = arith.constant 0 : i32
      %dma_start3A_97 = tpu.memref_slice %arg2[%dma_start3A_95, %dma_start3A_96] : memref<10000x128xf32, #tpu.memory_space<hbm>> -> memref<10000x128xf32, #tpu.memory_space<hbm>>
      tpu.enqueue_indirect_dma source(%dma_start3A_97 : memref<10000x128xf32, #tpu.memory_space<hbm>>) target(%arg11 : memref<80x128xf32, #tpu.memory_space<vmem>>) offsets(%arg9 : memref<80xi32, #tpu.memory_space<vmem>>) semaphore(%arg13 : memref<!tpu.dma_semaphore, #tpu.memory_space<semaphore_mem>>)
      %dma_wait3A_98 = arith.constant 0 : i32
      %dma_wait3A_99 = arith.constant 0 : i32
      %dma_wait3A_100 = tpu.memref_slice %arg2[%dma_wait3A_98, %dma_wait3A_99] : memref<10000x128xf32, #tpu.memory_space<hbm>> -> memref<10000x128xf32, #tpu.memory_space<hbm>>
      tpu.wait_indirect_dma semaphore(%arg13 : memref<!tpu.dma_semaphore, #tpu.memory_space<semaphore_mem>>) src(%dma_wait3A_100 : memref<10000x128xf32, #tpu.memory_space<hbm>>) dst(%arg11 : memref<80x128xf32, #tpu.memory_space<vmem>>)
      "tpu.region"() ({
        %run_scoped3A = tpu.sem_alloc : memref<!tpu.dma_semaphore, #tpu.memory_space<semaphore_mem>>
        %dma_start3A_121 = arith.constant 0 : i32
        %dma_start3A_122 = arith.constant 0 : i32
        %dma_start3A_123 = tpu.memref_slice %arg12[%dma_start3A_121, %dma_start3A_122] : memref<10240x128xf32, #tpu.memory_space<vmem_shared>> -> memref<10240x128xf32, #tpu.memory_space<vmem_shared>>
        tpu.enqueue_indirect_dma source(%arg11 : memref<80x128xf32, #tpu.memory_space<vmem>>) target(%dma_start3A_123 : memref<10240x128xf32, #tpu.memory_space<vmem_shared>>) offsets(%arg10 : memref<80xi32, #tpu.memory_space<vmem>>) semaphore(%run_scoped3A : memref<!tpu.dma_semaphore, #tpu.memory_space<semaphore_mem>>) {add = true}
        %dma_wait3A_124 = arith.constant 0 : i32
        %dma_wait3A_125 = arith.constant 0 : i32
        %dma_wait3A_126 = tpu.memref_slice %arg12[%dma_wait3A_124, %dma_wait3A_125] : memref<10240x128xf32, #tpu.memory_space<vmem_shared>> -> memref<10240x128xf32, #tpu.memory_space<vmem_shared>>
        tpu.wait_indirect_dma semaphore(%run_scoped3A : memref<!tpu.dma_semaphore, #tpu.memory_space<semaphore_mem>>) src(%arg11 : memref<80x128xf32, #tpu.memory_space<vmem>>) dst(%dma_wait3A_126 : memref<10240x128xf32, #tpu.memory_space<vmem_shared>>)
        tpu.yield
      }) : () -> ()
      %dma_wait3A_101 = arith.constant 0 : i32
      %dma_wait3A_102 = tpu.memref_slice %arg3[%dma_wait3A_101] : memref<320160xi32, #tpu.memory_space<hbm>> -> memref<80xi32, #tpu.memory_space<hbm>>
      %dma_wait3A_103 = arith.constant 0 : i32
      %dma_wait3A_104 = tpu.memref_slice %arg3[%dma_wait3A_103] : memref<320160xi32, #tpu.memory_space<hbm>> -> memref<80xi32, #tpu.memory_space<hbm>>
      tpu.wait_dma2 semaphore(%arg14 : memref<!tpu.dma_semaphore, #tpu.memory_space<semaphore_mem>>) src(%dma_wait3A_104 : memref<80xi32, #tpu.memory_space<hbm>>) dst(%arg7 : memref<80xi32, #tpu.memory_space<vmem>>)
      %dma_wait3A_105 = arith.constant 0 : i32
      %dma_wait3A_106 = tpu.memref_slice %arg4[%dma_wait3A_105] : memref<320160xi32, #tpu.memory_space<hbm>> -> memref<80xi32, #tpu.memory_space<hbm>>
      %dma_wait3A_107 = arith.constant 0 : i32
      %dma_wait3A_108 = tpu.memref_slice %arg4[%dma_wait3A_107] : memref<320160xi32, #tpu.memory_space<hbm>> -> memref<80xi32, #tpu.memory_space<hbm>>
      tpu.wait_dma2 semaphore(%arg14 : memref<!tpu.dma_semaphore, #tpu.memory_space<semaphore_mem>>) src(%dma_wait3A_108 : memref<80xi32, #tpu.memory_space<hbm>>) dst(%arg8 : memref<80xi32, #tpu.memory_space<vmem>>)
      %add3A_109 = arith.constant 160 : i32
      %add3A_110 = arith.addi %add3A_80, %add3A_109 : i32
      %dma_start3A_111 = tpu.memref_slice %arg3[%add3A_110] : memref<320160xi32, #tpu.memory_space<hbm>> -> memref<80xi32, #tpu.memory_space<hbm>>
      %dma_start3A_112 = tpu.memref_slice %arg3[%add3A_110] : memref<320160xi32, #tpu.memory_space<hbm>> -> memref<80xi32, #tpu.memory_space<hbm>>
      tpu.enqueue_dma source(%dma_start3A_112 : memref<80xi32, #tpu.memory_space<hbm>>) target(%arg9 : memref<80xi32, #tpu.memory_space<vmem>>) target_semaphore(%arg15 : memref<!tpu.dma_semaphore, #tpu.memory_space<semaphore_mem>>)
      %dma_start3A_113 = tpu.memref_slice %arg4[%add3A_110] : memref<320160xi32, #tpu.memory_space<hbm>> -> memref<80xi32, #tpu.memory_space<hbm>>
      %dma_start3A_114 = tpu.memref_slice %arg4[%add3A_110] : memref<320160xi32, #tpu.memory_space<hbm>> -> memref<80xi32, #tpu.memory_space<hbm>>
      tpu.enqueue_dma source(%dma_start3A_114 : memref<80xi32, #tpu.memory_space<hbm>>) target(%arg10 : memref<80xi32, #tpu.memory_space<vmem>>) target_semaphore(%arg15 : memref<!tpu.dma_semaphore, #tpu.memory_space<semaphore_mem>>)
      %dma_start3A_115 = arith.constant 0 : i32
      %dma_start3A_116 = arith.constant 0 : i32
      %dma_start3A_117 = tpu.memref_slice %arg2[%dma_start3A_115, %dma_start3A_116] : memref<10000x128xf32, #tpu.memory_space<hbm>> -> memref<10000x128xf32, #tpu.memory_space<hbm>>
      tpu.enqueue_indirect_dma source(%dma_start3A_117 : memref<10000x128xf32, #tpu.memory_space<hbm>>) target(%arg11 : memref<80x128xf32, #tpu.memory_space<vmem>>) offsets(%arg7 : memref<80xi32, #tpu.memory_space<vmem>>) semaphore(%arg13 : memref<!tpu.dma_semaphore, #tpu.memory_space<semaphore_mem>>)
      %dma_wait3A_118 = arith.constant 0 : i32
      %dma_wait3A_119 = arith.constant 0 : i32
      %dma_wait3A_120 = tpu.memref_slice %arg2[%dma_wait3A_118, %dma_wait3A_119] : memref<10000x128xf32, #tpu.memory_space<hbm>> -> memref<10000x128xf32, #tpu.memory_space<hbm>>
      tpu.wait_indirect_dma semaphore(%arg13 : memref<!tpu.dma_semaphore, #tpu.memory_space<semaphore_mem>>) src(%dma_wait3A_120 : memref<10000x128xf32, #tpu.memory_space<hbm>>) dst(%arg11 : memref<80x128xf32, #tpu.memory_space<vmem>>)
      "tpu.region"() ({
        %run_scoped3A = tpu.sem_alloc : memref<!tpu.dma_semaphore, #tpu.memory_space<semaphore_mem>>
        %dma_start3A_121 = arith.constant 0 : i32
        %dma_start3A_122 = arith.constant 0 : i32
        %dma_start3A_123 = tpu.memref_slice %arg12[%dma_start3A_121, %dma_start3A_122] : memref<10240x128xf32, #tpu.memory_space<vmem_shared>> -> memref<10240x128xf32, #tpu.memory_space<vmem_shared>>
        tpu.enqueue_indirect_dma source(%arg11 : memref<80x128xf32, #tpu.memory_space<vmem>>) target(%dma_start3A_123 : memref<10240x128xf32, #tpu.memory_space<vmem_shared>>) offsets(%arg8 : memref<80xi32, #tpu.memory_space<vmem>>) semaphore(%run_scoped3A : memref<!tpu.dma_semaphore, #tpu.memory_space<semaphore_mem>>) {add = true}
        %dma_wait3A_124 = arith.constant 0 : i32
        %dma_wait3A_125 = arith.constant 0 : i32
        %dma_wait3A_126 = tpu.memref_slice %arg12[%dma_wait3A_124, %dma_wait3A_125] : memref<10240x128xf32, #tpu.memory_space<vmem_shared>> -> memref<10240x128xf32, #tpu.memory_space<vmem_shared>>
        tpu.wait_indirect_dma semaphore(%run_scoped3A : memref<!tpu.dma_semaphore, #tpu.memory_space<semaphore_mem>>) src(%arg11 : memref<80x128xf32, #tpu.memory_space<vmem>>) dst(%dma_wait3A_126 : memref<10240x128xf32, #tpu.memory_space<vmem_shared>>)
        tpu.yield
      }) : () -> ()
    }
    %scan3A_47 = arith.constant 62 : i32
    %dma_wait3A_48 = arith.constant 0 : i32
    %dma_wait3A_49 = tpu.memref_slice %arg3[%dma_wait3A_48] : memref<320160xi32, #tpu.memory_space<hbm>> -> memref<80xi32, #tpu.memory_space<hbm>>
    %dma_wait3A_50 = arith.constant 0 : i32
    %dma_wait3A_51 = tpu.memref_slice %arg3[%dma_wait3A_50] : memref<320160xi32, #tpu.memory_space<hbm>> -> memref<80xi32, #tpu.memory_space<hbm>>
    tpu.wait_dma2 semaphore(%arg15 : memref<!tpu.dma_semaphore, #tpu.memory_space<semaphore_mem>>) src(%dma_wait3A_51 : memref<80xi32, #tpu.memory_space<hbm>>) dst(%arg9 : memref<80xi32, #tpu.memory_space<vmem>>)
    %dma_wait3A_52 = arith.constant 0 : i32
    %dma_wait3A_53 = tpu.memref_slice %arg4[%dma_wait3A_52] : memref<320160xi32, #tpu.memory_space<hbm>> -> memref<80xi32, #tpu.memory_space<hbm>>
    %dma_wait3A_54 = arith.constant 0 : i32
    %dma_wait3A_55 = tpu.memref_slice %arg4[%dma_wait3A_54] : memref<320160xi32, #tpu.memory_space<hbm>> -> memref<80xi32, #tpu.memory_space<hbm>>
    tpu.wait_dma2 semaphore(%arg15 : memref<!tpu.dma_semaphore, #tpu.memory_space<semaphore_mem>>) src(%dma_wait3A_55 : memref<80xi32, #tpu.memory_space<hbm>>) dst(%arg10 : memref<80xi32, #tpu.memory_space<vmem>>)
    %barrier3A_56 = arith.constant 0 : index
    tpu.barrier barrier_id(%barrier3A_56)
    %add3A_57 = arith.constant 0 : i32
    %add3A_58 = arith.addi %mul3A_2, %add3A_57 : i32
    "tpu.region"() ({
      %run_scoped3A = tpu.sem_alloc : memref<!tpu.dma_semaphore, #tpu.memory_space<semaphore_mem>>
      %dma_start3A_73 = arith.constant 0 : i32
      %dma_start3A_74 = tpu.memref_slice %arg12[%add3A_58, %dma_start3A_73] : memref<10240x128xf32, #tpu.memory_space<vmem_shared>> -> memref<80x128xf32, #tpu.memory_space<vmem_shared>>
      %dma_start3A_75 = arith.constant 0 : i32
      %dma_start3A_76 = tpu.memref_slice %arg12[%add3A_58, %dma_start3A_75] : memref<10240x128xf32, #tpu.memory_space<vmem_shared>> -> memref<80x128xf32, #tpu.memory_space<vmem_shared>>
      tpu.enqueue_dma source(%dma_start3A_76 : memref<80x128xf32, #tpu.memory_space<vmem_shared>>) target(%arg11 : memref<80x128xf32, #tpu.memory_space<vmem>>) target_semaphore(%run_scoped3A : memref<!tpu.dma_semaphore, #tpu.memory_space<semaphore_mem>>)
      %dma_wait3A_77 = arith.constant 0 : i32
      %dma_wait3A_78 = tpu.memref_slice %arg12[%add3A_58, %dma_wait3A_77] : memref<10240x128xf32, #tpu.memory_space<vmem_shared>> -> memref<80x128xf32, #tpu.memory_space<vmem_shared>>
      %dma_wait3A_79 = arith.constant 0 : i32
      %dma_wait3A_80 = tpu.memref_slice %arg12[%add3A_58, %dma_wait3A_79] : memref<10240x128xf32, #tpu.memory_space<vmem_shared>> -> memref<80x128xf32, #tpu.memory_space<vmem_shared>>
      tpu.wait_dma2 semaphore(%run_scoped3A : memref<!tpu.dma_semaphore, #tpu.memory_space<semaphore_mem>>) src(%dma_wait3A_80 : memref<80x128xf32, #tpu.memory_space<vmem_shared>>) dst(%arg11 : memref<80x128xf32, #tpu.memory_space<vmem>>)
      tpu.yield
    }) : () -> ()
    "tpu.region"() ({
      %run_scoped3A = tpu.sem_alloc : memref<!tpu.dma_semaphore, #tpu.memory_space<semaphore_mem>>
      %dma_start3A_73 = arith.constant 0 : i32
      %dma_start3A_74 = tpu.memref_slice %arg6[%arg0, %add3A_58, %dma_start3A_73] : memref<2x10240x128xf32, #tpu.memory_space<hbm>> -> memref<1x80x128xf32, #tpu.memory_space<hbm>>
      %dma_start3A_75 = tpu.memref_squeeze %dma_start3A_74 : memref<1x80x128xf32, #tpu.memory_space<hbm>> -> memref<80x128xf32, #tpu.memory_space<hbm>>
      %dma_start3A_76 = arith.constant 0 : i32
      %dma_start3A_77 = tpu.memref_slice %arg6[%arg0, %add3A_58, %dma_start3A_76] : memref<2x10240x128xf32, #tpu.memory_space<hbm>> -> memref<1x80x128xf32, #tpu.memory_space<hbm>>
      %dma_start3A_78 = tpu.memref_squeeze %dma_start3A_77 : memref<1x80x128xf32, #tpu.memory_space<hbm>> -> memref<80x128xf32, #tpu.memory_space<hbm>>
      tpu.enqueue_dma source(%arg11 : memref<80x128xf32, #tpu.memory_space<vmem>>) target(%dma_start3A_78 : memref<80x128xf32, #tpu.memory_space<hbm>>) target_semaphore(%run_scoped3A : memref<!tpu.dma_semaphore, #tpu.memory_space<semaphore_mem>>)
      %dma_wait3A_79 = arith.constant 0 : i32
      %dma_wait3A_80 = tpu.memref_slice %arg6[%arg0, %add3A_58, %dma_wait3A_79] : memref<2x10240x128xf32, #tpu.memory_space<hbm>> -> memref<1x80x128xf32, #tpu.memory_space<hbm>>
      %dma_wait3A_81 = tpu.memref_squeeze %dma_wait3A_80 : memref<1x80x128xf32, #tpu.memory_space<hbm>> -> memref<80x128xf32, #tpu.memory_space<hbm>>
      %dma_wait3A_82 = arith.constant 0 : i32
      %dma_wait3A_83 = tpu.memref_slice %arg6[%arg0, %add3A_58, %dma_wait3A_82] : memref<2x10240x128xf32, #tpu.memory_space<hbm>> -> memref<1x80x128xf32, #tpu.memory_space<hbm>>
      %dma_wait3A_84 = tpu.memref_squeeze %dma_wait3A_83 : memref<1x80x128xf32, #tpu.memory_space<hbm>> -> memref<80x128xf32, #tpu.memory_space<hbm>>
      tpu.wait_dma2 semaphore(%run_scoped3A : memref<!tpu.dma_semaphore, #tpu.memory_space<semaphore_mem>>) src(%arg11 : memref<80x128xf32, #tpu.memory_space<vmem>>) dst(%dma_wait3A_84 : memref<80x128xf32, #tpu.memory_space<hbm>>)
      tpu.yield
    }) : () -> ()
    %add3A_59 = arith.constant 80 : i32
    %add3A_60 = arith.addi %mul3A_2, %add3A_59 : i32
    "tpu.region"() ({
      %run_scoped3A = tpu.sem_alloc : memref<!tpu.dma_semaphore, #tpu.memory_space<semaphore_mem>>
      %dma_start3A_73 = arith.constant 0 : i32
      %dma_start3A_74 = tpu.memref_slice %arg12[%add3A_60, %dma_start3A_73] : memref<10240x128xf32, #tpu.memory_space<vmem_shared>> -> memref<80x128xf32, #tpu.memory_space<vmem_shared>>
      %dma_start3A_75 = arith.constant 0 : i32
      %dma_start3A_76 = tpu.memref_slice %arg12[%add3A_60, %dma_start3A_75] : memref<10240x128xf32, #tpu.memory_space<vmem_shared>> -> memref<80x128xf32, #tpu.memory_space<vmem_shared>>
      tpu.enqueue_dma source(%dma_start3A_76 : memref<80x128xf32, #tpu.memory_space<vmem_shared>>) target(%arg11 : memref<80x128xf32, #tpu.memory_space<vmem>>) target_semaphore(%run_scoped3A : memref<!tpu.dma_semaphore, #tpu.memory_space<semaphore_mem>>)
      %dma_wait3A_77 = arith.constant 0 : i32
      %dma_wait3A_78 = tpu.memref_slice %arg12[%add3A_60, %dma_wait3A_77] : memref<10240x128xf32, #tpu.memory_space<vmem_shared>> -> memref<80x128xf32, #tpu.memory_space<vmem_shared>>
      %dma_wait3A_79 = arith.constant 0 : i32
      %dma_wait3A_80 = tpu.memref_slice %arg12[%add3A_60, %dma_wait3A_79] : memref<10240x128xf32, #tpu.memory_space<vmem_shared>> -> memref<80x128xf32, #tpu.memory_space<vmem_shared>>
      tpu.wait_dma2 semaphore(%run_scoped3A : memref<!tpu.dma_semaphore, #tpu.memory_space<semaphore_mem>>) src(%dma_wait3A_80 : memref<80x128xf32, #tpu.memory_space<vmem_shared>>) dst(%arg11 : memref<80x128xf32, #tpu.memory_space<vmem>>)
      tpu.yield
    }) : () -> ()
    "tpu.region"() ({
      %run_scoped3A = tpu.sem_alloc : memref<!tpu.dma_semaphore, #tpu.memory_space<semaphore_mem>>
      %dma_start3A_73 = arith.constant 0 : i32
      %dma_start3A_74 = tpu.memref_slice %arg6[%arg0, %add3A_60, %dma_start3A_73] : memref<2x10240x128xf32, #tpu.memory_space<hbm>> -> memref<1x80x128xf32, #tpu.memory_space<hbm>>
      %dma_start3A_75 = tpu.memref_squeeze %dma_start3A_74 : memref<1x80x128xf32, #tpu.memory_space<hbm>> -> memref<80x128xf32, #tpu.memory_space<hbm>>
      %dma_start3A_76 = arith.constant 0 : i32
      %dma_start3A_77 = tpu.memref_slice %arg6[%arg0, %add3A_60, %dma_start3A_76] : memref<2x10240x128xf32, #tpu.memory_space<hbm>> -> memref<1x80x128xf32, #tpu.memory_space<hbm>>
      %dma_start3A_78 = tpu.memref_squeeze %dma_start3A_77 : memref<1x80x128xf32, #tpu.memory_space<hbm>> -> memref<80x128xf32, #tpu.memory_space<hbm>>
      tpu.enqueue_dma source(%arg11 : memref<80x128xf32, #tpu.memory_space<vmem>>) target(%dma_start3A_78 : memref<80x128xf32, #tpu.memory_space<hbm>>) target_semaphore(%run_scoped3A : memref<!tpu.dma_semaphore, #tpu.memory_space<semaphore_mem>>)
      %dma_wait3A_79 = arith.constant 0 : i32
      %dma_wait3A_80 = tpu.memref_slice %arg6[%arg0, %add3A_60, %dma_wait3A_79] : memref<2x10240x128xf32, #tpu.memory_space<hbm>> -> memref<1x80x128xf32, #tpu.memory_space<hbm>>
      %dma_wait3A_81 = tpu.memref_squeeze %dma_wait3A_80 : memref<1x80x128xf32, #tpu.memory_space<hbm>> -> memref<80x128xf32, #tpu.memory_space<hbm>>
      %dma_wait3A_82 = arith.constant 0 : i32
      %dma_wait3A_83 = tpu.memref_slice %arg6[%arg0, %add3A_60, %dma_wait3A_82] : memref<2x10240x128xf32, #tpu.memory_space<hbm>> -> memref<1x80x128xf32, #tpu.memory_space<hbm>>
      %dma_wait3A_84 = tpu.memref_squeeze %dma_wait3A_83 : memref<1x80x128xf32, #tpu.memory_space<hbm>> -> memref<80x128xf32, #tpu.memory_space<hbm>>
      tpu.wait_dma2 semaphore(%run_scoped3A : memref<!tpu.dma_semaphore, #tpu.memory_space<semaphore_mem>>) src(%arg11 : memref<80x128xf32, #tpu.memory_space<vmem>>) dst(%dma_wait3A_84 : memref<80x128xf32, #tpu.memory_space<hbm>>)
      tpu.yield
    }) : () -> ()
    %add3A_61 = arith.constant 160 : i32
    %add3A_62 = arith.addi %mul3A_2, %add3A_61 : i32
    "tpu.region"() ({
      %run_scoped3A = tpu.sem_alloc : memref<!tpu.dma_semaphore, #tpu.memory_space<semaphore_mem>>
      %dma_start3A_73 = arith.constant 0 : i32
      %dma_start3A_74 = tpu.memref_slice %arg12[%add3A_62, %dma_start3A_73] : memref<10240x128xf32, #tpu.memory_space<vmem_shared>> -> memref<80x128xf32, #tpu.memory_space<vmem_shared>>
      %dma_start3A_75 = arith.constant 0 : i32
      %dma_start3A_76 = tpu.memref_slice %arg12[%add3A_62, %dma_start3A_75] : memref<10240x128xf32, #tpu.memory_space<vmem_shared>> -> memref<80x128xf32, #tpu.memory_space<vmem_shared>>
      tpu.enqueue_dma source(%dma_start3A_76 : memref<80x128xf32, #tpu.memory_space<vmem_shared>>) target(%arg11 : memref<80x128xf32, #tpu.memory_space<vmem>>) target_semaphore(%run_scoped3A : memref<!tpu.dma_semaphore, #tpu.memory_space<semaphore_mem>>)
      %dma_wait3A_77 = arith.constant 0 : i32
      %dma_wait3A_78 = tpu.memref_slice %arg12[%add3A_62, %dma_wait3A_77] : memref<10240x128xf32, #tpu.memory_space<vmem_shared>> -> memref<80x128xf32, #tpu.memory_space<vmem_shared>>
      %dma_wait3A_79 = arith.constant 0 : i32
      %dma_wait3A_80 = tpu.memref_slice %arg12[%add3A_62, %dma_wait3A_79] : memref<10240x128xf32, #tpu.memory_space<vmem_shared>> -> memref<80x128xf32, #tpu.memory_space<vmem_shared>>
      tpu.wait_dma2 semaphore(%run_scoped3A : memref<!tpu.dma_semaphore, #tpu.memory_space<semaphore_mem>>) src(%dma_wait3A_80 : memref<80x128xf32, #tpu.memory_space<vmem_shared>>) dst(%arg11 : memref<80x128xf32, #tpu.memory_space<vmem>>)
      tpu.yield
    }) : () -> ()
    "tpu.region"() ({
      %run_scoped3A = tpu.sem_alloc : memref<!tpu.dma_semaphore, #tpu.memory_space<semaphore_mem>>
      %dma_start3A_73 = arith.constant 0 : i32
      %dma_start3A_74 = tpu.memref_slice %arg6[%arg0, %add3A_62, %dma_start3A_73] : memref<2x10240x128xf32, #tpu.memory_space<hbm>> -> memref<1x80x128xf32, #tpu.memory_space<hbm>>
      %dma_start3A_75 = tpu.memref_squeeze %dma_start3A_74 : memref<1x80x128xf32, #tpu.memory_space<hbm>> -> memref<80x128xf32, #tpu.memory_space<hbm>>
      %dma_start3A_76 = arith.constant 0 : i32
      %dma_start3A_77 = tpu.memref_slice %arg6[%arg0, %add3A_62, %dma_start3A_76] : memref<2x10240x128xf32, #tpu.memory_space<hbm>> -> memref<1x80x128xf32, #tpu.memory_space<hbm>>
      %dma_start3A_78 = tpu.memref_squeeze %dma_start3A_77 : memref<1x80x128xf32, #tpu.memory_space<hbm>> -> memref<80x128xf32, #tpu.memory_space<hbm>>
      tpu.enqueue_dma source(%arg11 : memref<80x128xf32, #tpu.memory_space<vmem>>) target(%dma_start3A_78 : memref<80x128xf32, #tpu.memory_space<hbm>>) target_semaphore(%run_scoped3A : memref<!tpu.dma_semaphore, #tpu.memory_space<semaphore_mem>>)
      %dma_wait3A_79 = arith.constant 0 : i32
      %dma_wait3A_80 = tpu.memref_slice %arg6[%arg0, %add3A_62, %dma_wait3A_79] : memref<2x10240x128xf32, #tpu.memory_space<hbm>> -> memref<1x80x128xf32, #tpu.memory_space<hbm>>
      %dma_wait3A_81 = tpu.memref_squeeze %dma_wait3A_80 : memref<1x80x128xf32, #tpu.memory_space<hbm>> -> memref<80x128xf32, #tpu.memory_space<hbm>>
      %dma_wait3A_82 = arith.constant 0 : i32
      %dma_wait3A_83 = tpu.memref_slice %arg6[%arg0, %add3A_62, %dma_wait3A_82] : memref<2x10240x128xf32, #tpu.memory_space<hbm>> -> memref<1x80x128xf32, #tpu.memory_space<hbm>>
      %dma_wait3A_84 = tpu.memref_squeeze %dma_wait3A_83 : memref<1x80x128xf32, #tpu.memory_space<hbm>> -> memref<80x128xf32, #tpu.memory_space<hbm>>
      tpu.wait_dma2 semaphore(%run_scoped3A : memref<!tpu.dma_semaphore, #tpu.memory_space<semaphore_mem>>) src(%arg11 : memref<80x128xf32, #tpu.memory_space<vmem>>) dst(%dma_wait3A_84 : memref<80x128xf32, #tpu.memory_space<hbm>>)
      tpu.yield
    }) : () -> ()
    %add3A_63 = arith.constant 240 : i32
    %add3A_64 = arith.addi %mul3A_2, %add3A_63 : i32
    "tpu.region"() ({
      %run_scoped3A = tpu.sem_alloc : memref<!tpu.dma_semaphore, #tpu.memory_space<semaphore_mem>>
      %dma_start3A_73 = arith.constant 0 : i32
      %dma_start3A_74 = tpu.memref_slice %arg12[%add3A_64, %dma_start3A_73] : memref<10240x128xf32, #tpu.memory_space<vmem_shared>> -> memref<80x128xf32, #tpu.memory_space<vmem_shared>>
      %dma_start3A_75 = arith.constant 0 : i32
      %dma_start3A_76 = tpu.memref_slice %arg12[%add3A_64, %dma_start3A_75] : memref<10240x128xf32, #tpu.memory_space<vmem_shared>> -> memref<80x128xf32, #tpu.memory_space<vmem_shared>>
      tpu.enqueue_dma source(%dma_start3A_76 : memref<80x128xf32, #tpu.memory_space<vmem_shared>>) target(%arg11 : memref<80x128xf32, #tpu.memory_space<vmem>>) target_semaphore(%run_scoped3A : memref<!tpu.dma_semaphore, #tpu.memory_space<semaphore_mem>>)
      %dma_wait3A_77 = arith.constant 0 : i32
      %dma_wait3A_78 = tpu.memref_slice %arg12[%add3A_64, %dma_wait3A_77] : memref<10240x128xf32, #tpu.memory_space<vmem_shared>> -> memref<80x128xf32, #tpu.memory_space<vmem_shared>>
      %dma_wait3A_79 = arith.constant 0 : i32
      %dma_wait3A_80 = tpu.memref_slice %arg12[%add3A_64, %dma_wait3A_79] : memref<10240x128xf32, #tpu.memory_space<vmem_shared>> -> memref<80x128xf32, #tpu.memory_space<vmem_shared>>
      tpu.wait_dma2 semaphore(%run_scoped3A : memref<!tpu.dma_semaphore, #tpu.memory_space<semaphore_mem>>) src(%dma_wait3A_80 : memref<80x128xf32, #tpu.memory_space<vmem_shared>>) dst(%arg11 : memref<80x128xf32, #tpu.memory_space<vmem>>)
      tpu.yield
    }) : () -> ()
    "tpu.region"() ({
      %run_scoped3A = tpu.sem_alloc : memref<!tpu.dma_semaphore, #tpu.memory_space<semaphore_mem>>
      %dma_start3A_73 = arith.constant 0 : i32
      %dma_start3A_74 = tpu.memref_slice %arg6[%arg0, %add3A_64, %dma_start3A_73] : memref<2x10240x128xf32, #tpu.memory_space<hbm>> -> memref<1x80x128xf32, #tpu.memory_space<hbm>>
      %dma_start3A_75 = tpu.memref_squeeze %dma_start3A_74 : memref<1x80x128xf32, #tpu.memory_space<hbm>> -> memref<80x128xf32, #tpu.memory_space<hbm>>
      %dma_start3A_76 = arith.constant 0 : i32
      %dma_start3A_77 = tpu.memref_slice %arg6[%arg0, %add3A_64, %dma_start3A_76] : memref<2x10240x128xf32, #tpu.memory_space<hbm>> -> memref<1x80x128xf32, #tpu.memory_space<hbm>>
      %dma_start3A_78 = tpu.memref_squeeze %dma_start3A_77 : memref<1x80x128xf32, #tpu.memory_space<hbm>> -> memref<80x128xf32, #tpu.memory_space<hbm>>
      tpu.enqueue_dma source(%arg11 : memref<80x128xf32, #tpu.memory_space<vmem>>) target(%dma_start3A_78 : memref<80x128xf32, #tpu.memory_space<hbm>>) target_semaphore(%run_scoped3A : memref<!tpu.dma_semaphore, #tpu.memory_space<semaphore_mem>>)
      %dma_wait3A_79 = arith.constant 0 : i32
      %dma_wait3A_80 = tpu.memref_slice %arg6[%arg0, %add3A_64, %dma_wait3A_79] : memref<2x10240x128xf32, #tpu.memory_space<hbm>> -> memref<1x80x128xf32, #tpu.memory_space<hbm>>
      %dma_wait3A_81 = tpu.memref_squeeze %dma_wait3A_80 : memref<1x80x128xf32, #tpu.memory_space<hbm>> -> memref<80x128xf32, #tpu.memory_space<hbm>>
      %dma_wait3A_82 = arith.constant 0 : i32
      %dma_wait3A_83 = tpu.memref_slice %arg6[%arg0, %add3A_64, %dma_wait3A_82] : memref<2x10240x128xf32, #tpu.memory_space<hbm>> -> memref<1x80x128xf32, #tpu.memory_space<hbm>>
      %dma_wait3A_84 = tpu.memref_squeeze %dma_wait3A_83 : memref<1x80x128xf32, #tpu.memory_space<hbm>> -> memref<80x128xf32, #tpu.memory_space<hbm>>
      tpu.wait_dma2 semaphore(%run_scoped3A : memref<!tpu.dma_semaphore, #tpu.memory_space<semaphore_mem>>) src(%arg11 : memref<80x128xf32, #tpu.memory_space<vmem>>) dst(%dma_wait3A_84 : memref<80x128xf32, #tpu.memory_space<hbm>>)
      tpu.yield
    }) : () -> ()
    %add3A_65 = arith.constant 320 : i32
    %add3A_66 = arith.addi %mul3A_2, %add3A_65 : i32
    "tpu.region"() ({
      %run_scoped3A = tpu.sem_alloc : memref<!tpu.dma_semaphore, #tpu.memory_space<semaphore_mem>>
      %dma_start3A_73 = arith.constant 0 : i32
      %dma_start3A_74 = tpu.memref_slice %arg12[%add3A_66, %dma_start3A_73] : memref<10240x128xf32, #tpu.memory_space<vmem_shared>> -> memref<80x128xf32, #tpu.memory_space<vmem_shared>>
      %dma_start3A_75 = arith.constant 0 : i32
      %dma_start3A_76 = tpu.memref_slice %arg12[%add3A_66, %dma_start3A_75] : memref<10240x128xf32, #tpu.memory_space<vmem_shared>> -> memref<80x128xf32, #tpu.memory_space<vmem_shared>>
      tpu.enqueue_dma source(%dma_start3A_76 : memref<80x128xf32, #tpu.memory_space<vmem_shared>>) target(%arg11 : memref<80x128xf32, #tpu.memory_space<vmem>>) target_semaphore(%run_scoped3A : memref<!tpu.dma_semaphore, #tpu.memory_space<semaphore_mem>>)
      %dma_wait3A_77 = arith.constant 0 : i32
      %dma_wait3A_78 = tpu.memref_slice %arg12[%add3A_66, %dma_wait3A_77] : memref<10240x128xf32, #tpu.memory_space<vmem_shared>> -> memref<80x128xf32, #tpu.memory_space<vmem_shared>>
      %dma_wait3A_79 = arith.constant 0 : i32
      %dma_wait3A_80 = tpu.memref_slice %arg12[%add3A_66, %dma_wait3A_79] : memref<10240x128xf32, #tpu.memory_space<vmem_shared>> -> memref<80x128xf32, #tpu.memory_space<vmem_shared>>
      tpu.wait_dma2 semaphore(%run_scoped3A : memref<!tpu.dma_semaphore, #tpu.memory_space<semaphore_mem>>) src(%dma_wait3A_80 : memref<80x128xf32, #tpu.memory_space<vmem_shared>>) dst(%arg11 : memref<80x128xf32, #tpu.memory_space<vmem>>)
      tpu.yield
    }) : () -> ()
    "tpu.region"() ({
      %run_scoped3A = tpu.sem_alloc : memref<!tpu.dma_semaphore, #tpu.memory_space<semaphore_mem>>
      %dma_start3A_73 = arith.constant 0 : i32
      %dma_start3A_74 = tpu.memref_slice %arg6[%arg0, %add3A_66, %dma_start3A_73] : memref<2x10240x128xf32, #tpu.memory_space<hbm>> -> memref<1x80x128xf32, #tpu.memory_space<hbm>>
      %dma_start3A_75 = tpu.memref_squeeze %dma_start3A_74 : memref<1x80x128xf32, #tpu.memory_space<hbm>> -> memref<80x128xf32, #tpu.memory_space<hbm>>
      %dma_start3A_76 = arith.constant 0 : i32
      %dma_start3A_77 = tpu.memref_slice %arg6[%arg0, %add3A_66, %dma_start3A_76] : memref<2x10240x128xf32, #tpu.memory_space<hbm>> -> memref<1x80x128xf32, #tpu.memory_space<hbm>>
      %dma_start3A_78 = tpu.memref_squeeze %dma_start3A_77 : memref<1x80x128xf32, #tpu.memory_space<hbm>> -> memref<80x128xf32, #tpu.memory_space<hbm>>
      tpu.enqueue_dma source(%arg11 : memref<80x128xf32, #tpu.memory_space<vmem>>) target(%dma_start3A_78 : memref<80x128xf32, #tpu.memory_space<hbm>>) target_semaphore(%run_scoped3A : memref<!tpu.dma_semaphore, #tpu.memory_space<semaphore_mem>>)
      %dma_wait3A_79 = arith.constant 0 : i32
      %dma_wait3A_80 = tpu.memref_slice %arg6[%arg0, %add3A_66, %dma_wait3A_79] : memref<2x10240x128xf32, #tpu.memory_space<hbm>> -> memref<1x80x128xf32, #tpu.memory_space<hbm>>
      %dma_wait3A_81 = tpu.memref_squeeze %dma_wait3A_80 : memref<1x80x128xf32, #tpu.memory_space<hbm>> -> memref<80x128xf32, #tpu.memory_space<hbm>>
      %dma_wait3A_82 = arith.constant 0 : i32
      %dma_wait3A_83 = tpu.memref_slice %arg6[%arg0, %add3A_66, %dma_wait3A_82] : memref<2x10240x128xf32, #tpu.memory_space<hbm>> -> memref<1x80x128xf32, #tpu.memory_space<hbm>>
      %dma_wait3A_84 = tpu.memref_squeeze %dma_wait3A_83 : memref<1x80x128xf32, #tpu.memory_space<hbm>> -> memref<80x128xf32, #tpu.memory_space<hbm>>
      tpu.wait_dma2 semaphore(%run_scoped3A : memref<!tpu.dma_semaphore, #tpu.memory_space<semaphore_mem>>) src(%arg11 : memref<80x128xf32, #tpu.memory_space<vmem>>) dst(%dma_wait3A_84 : memref<80x128xf32, #tpu.memory_space<hbm>>)
      tpu.yield
    }) : () -> ()
    %add3A_67 = arith.constant 400 : i32
    %add3A_68 = arith.addi %mul3A_2, %add3A_67 : i32
    "tpu.region"() ({
      %run_scoped3A = tpu.sem_alloc : memref<!tpu.dma_semaphore, #tpu.memory_space<semaphore_mem>>
      %dma_start3A_73 = arith.constant 0 : i32
      %dma_start3A_74 = tpu.memref_slice %arg12[%add3A_68, %dma_start3A_73] : memref<10240x128xf32, #tpu.memory_space<vmem_shared>> -> memref<80x128xf32, #tpu.memory_space<vmem_shared>>
      %dma_start3A_75 = arith.constant 0 : i32
      %dma_start3A_76 = tpu.memref_slice %arg12[%add3A_68, %dma_start3A_75] : memref<10240x128xf32, #tpu.memory_space<vmem_shared>> -> memref<80x128xf32, #tpu.memory_space<vmem_shared>>
      tpu.enqueue_dma source(%dma_start3A_76 : memref<80x128xf32, #tpu.memory_space<vmem_shared>>) target(%arg11 : memref<80x128xf32, #tpu.memory_space<vmem>>) target_semaphore(%run_scoped3A : memref<!tpu.dma_semaphore, #tpu.memory_space<semaphore_mem>>)
      %dma_wait3A_77 = arith.constant 0 : i32
      %dma_wait3A_78 = tpu.memref_slice %arg12[%add3A_68, %dma_wait3A_77] : memref<10240x128xf32, #tpu.memory_space<vmem_shared>> -> memref<80x128xf32, #tpu.memory_space<vmem_shared>>
      %dma_wait3A_79 = arith.constant 0 : i32
      %dma_wait3A_80 = tpu.memref_slice %arg12[%add3A_68, %dma_wait3A_79] : memref<10240x128xf32, #tpu.memory_space<vmem_shared>> -> memref<80x128xf32, #tpu.memory_space<vmem_shared>>
      tpu.wait_dma2 semaphore(%run_scoped3A : memref<!tpu.dma_semaphore, #tpu.memory_space<semaphore_mem>>) src(%dma_wait3A_80 : memref<80x128xf32, #tpu.memory_space<vmem_shared>>) dst(%arg11 : memref<80x128xf32, #tpu.memory_space<vmem>>)
      tpu.yield
    }) : () -> ()
    "tpu.region"() ({
      %run_scoped3A = tpu.sem_alloc : memref<!tpu.dma_semaphore, #tpu.memory_space<semaphore_mem>>
      %dma_start3A_73 = arith.constant 0 : i32
      %dma_start3A_74 = tpu.memref_slice %arg6[%arg0, %add3A_68, %dma_start3A_73] : memref<2x10240x128xf32, #tpu.memory_space<hbm>> -> memref<1x80x128xf32, #tpu.memory_space<hbm>>
      %dma_start3A_75 = tpu.memref_squeeze %dma_start3A_74 : memref<1x80x128xf32, #tpu.memory_space<hbm>> -> memref<80x128xf32, #tpu.memory_space<hbm>>
      %dma_start3A_76 = arith.constant 0 : i32
      %dma_start3A_77 = tpu.memref_slice %arg6[%arg0, %add3A_68, %dma_start3A_76] : memref<2x10240x128xf32, #tpu.memory_space<hbm>> -> memref<1x80x128xf32, #tpu.memory_space<hbm>>
      %dma_start3A_78 = tpu.memref_squeeze %dma_start3A_77 : memref<1x80x128xf32, #tpu.memory_space<hbm>> -> memref<80x128xf32, #tpu.memory_space<hbm>>
      tpu.enqueue_dma source(%arg11 : memref<80x128xf32, #tpu.memory_space<vmem>>) target(%dma_start3A_78 : memref<80x128xf32, #tpu.memory_space<hbm>>) target_semaphore(%run_scoped3A : memref<!tpu.dma_semaphore, #tpu.memory_space<semaphore_mem>>)
      %dma_wait3A_79 = arith.constant 0 : i32
      %dma_wait3A_80 = tpu.memref_slice %arg6[%arg0, %add3A_68, %dma_wait3A_79] : memref<2x10240x128xf32, #tpu.memory_space<hbm>> -> memref<1x80x128xf32, #tpu.memory_space<hbm>>
      %dma_wait3A_81 = tpu.memref_squeeze %dma_wait3A_80 : memref<1x80x128xf32, #tpu.memory_space<hbm>> -> memref<80x128xf32, #tpu.memory_space<hbm>>
      %dma_wait3A_82 = arith.constant 0 : i32
      %dma_wait3A_83 = tpu.memref_slice %arg6[%arg0, %add3A_68, %dma_wait3A_82] : memref<2x10240x128xf32, #tpu.memory_space<hbm>> -> memref<1x80x128xf32, #tpu.memory_space<hbm>>
      %dma_wait3A_84 = tpu.memref_squeeze %dma_wait3A_83 : memref<1x80x128xf32, #tpu.memory_space<hbm>> -> memref<80x128xf32, #tpu.memory_space<hbm>>
      tpu.wait_dma2 semaphore(%run_scoped3A : memref<!tpu.dma_semaphore, #tpu.memory_space<semaphore_mem>>) src(%arg11 : memref<80x128xf32, #tpu.memory_space<vmem>>) dst(%dma_wait3A_84 : memref<80x128xf32, #tpu.memory_space<hbm>>)
      tpu.yield
    }) : () -> ()
    %add3A_69 = arith.constant 480 : i32
    %add3A_70 = arith.addi %mul3A_2, %add3A_69 : i32
    "tpu.region"() ({
      %run_scoped3A = tpu.sem_alloc : memref<!tpu.dma_semaphore, #tpu.memory_space<semaphore_mem>>
      %dma_start3A_73 = arith.constant 0 : i32
      %dma_start3A_74 = tpu.memref_slice %arg12[%add3A_70, %dma_start3A_73] : memref<10240x128xf32, #tpu.memory_space<vmem_shared>> -> memref<80x128xf32, #tpu.memory_space<vmem_shared>>
      %dma_start3A_75 = arith.constant 0 : i32
      %dma_start3A_76 = tpu.memref_slice %arg12[%add3A_70, %dma_start3A_75] : memref<10240x128xf32, #tpu.memory_space<vmem_shared>> -> memref<80x128xf32, #tpu.memory_space<vmem_shared>>
      tpu.enqueue_dma source(%dma_start3A_76 : memref<80x128xf32, #tpu.memory_space<vmem_shared>>) target(%arg11 : memref<80x128xf32, #tpu.memory_space<vmem>>) target_semaphore(%run_scoped3A : memref<!tpu.dma_semaphore, #tpu.memory_space<semaphore_mem>>)
      %dma_wait3A_77 = arith.constant 0 : i32
      %dma_wait3A_78 = tpu.memref_slice %arg12[%add3A_70, %dma_wait3A_77] : memref<10240x128xf32, #tpu.memory_space<vmem_shared>> -> memref<80x128xf32, #tpu.memory_space<vmem_shared>>
      %dma_wait3A_79 = arith.constant 0 : i32
      %dma_wait3A_80 = tpu.memref_slice %arg12[%add3A_70, %dma_wait3A_79] : memref<10240x128xf32, #tpu.memory_space<vmem_shared>> -> memref<80x128xf32, #tpu.memory_space<vmem_shared>>
      tpu.wait_dma2 semaphore(%run_scoped3A : memref<!tpu.dma_semaphore, #tpu.memory_space<semaphore_mem>>) src(%dma_wait3A_80 : memref<80x128xf32, #tpu.memory_space<vmem_shared>>) dst(%arg11 : memref<80x128xf32, #tpu.memory_space<vmem>>)
      tpu.yield
    }) : () -> ()
    "tpu.region"() ({
      %run_scoped3A = tpu.sem_alloc : memref<!tpu.dma_semaphore, #tpu.memory_space<semaphore_mem>>
      %dma_start3A_73 = arith.constant 0 : i32
      %dma_start3A_74 = tpu.memref_slice %arg6[%arg0, %add3A_70, %dma_start3A_73] : memref<2x10240x128xf32, #tpu.memory_space<hbm>> -> memref<1x80x128xf32, #tpu.memory_space<hbm>>
      %dma_start3A_75 = tpu.memref_squeeze %dma_start3A_74 : memref<1x80x128xf32, #tpu.memory_space<hbm>> -> memref<80x128xf32, #tpu.memory_space<hbm>>
      %dma_start3A_76 = arith.constant 0 : i32
      %dma_start3A_77 = tpu.memref_slice %arg6[%arg0, %add3A_70, %dma_start3A_76] : memref<2x10240x128xf32, #tpu.memory_space<hbm>> -> memref<1x80x128xf32, #tpu.memory_space<hbm>>
      %dma_start3A_78 = tpu.memref_squeeze %dma_start3A_77 : memref<1x80x128xf32, #tpu.memory_space<hbm>> -> memref<80x128xf32, #tpu.memory_space<hbm>>
      tpu.enqueue_dma source(%arg11 : memref<80x128xf32, #tpu.memory_space<vmem>>) target(%dma_start3A_78 : memref<80x128xf32, #tpu.memory_space<hbm>>) target_semaphore(%run_scoped3A : memref<!tpu.dma_semaphore, #tpu.memory_space<semaphore_mem>>)
      %dma_wait3A_79 = arith.constant 0 : i32
      %dma_wait3A_80 = tpu.memref_slice %arg6[%arg0, %add3A_70, %dma_wait3A_79] : memref<2x10240x128xf32, #tpu.memory_space<hbm>> -> memref<1x80x128xf32, #tpu.memory_space<hbm>>
      %dma_wait3A_81 = tpu.memref_squeeze %dma_wait3A_80 : memref<1x80x128xf32, #tpu.memory_space<hbm>> -> memref<80x128xf32, #tpu.memory_space<hbm>>
      %dma_wait3A_82 = arith.constant 0 : i32
      %dma_wait3A_83 = tpu.memref_slice %arg6[%arg0, %add3A_70, %dma_wait3A_82] : memref<2x10240x128xf32, #tpu.memory_space<hbm>> -> memref<1x80x128xf32, #tpu.memory_space<hbm>>
      %dma_wait3A_84 = tpu.memref_squeeze %dma_wait3A_83 : memref<1x80x128xf32, #tpu.memory_space<hbm>> -> memref<80x128xf32, #tpu.memory_space<hbm>>
      tpu.wait_dma2 semaphore(%run_scoped3A : memref<!tpu.dma_semaphore, #tpu.memory_space<semaphore_mem>>) src(%arg11 : memref<80x128xf32, #tpu.memory_space<vmem>>) dst(%dma_wait3A_84 : memref<80x128xf32, #tpu.memory_space<hbm>>)
      tpu.yield
    }) : () -> ()
    %add3A_71 = arith.constant 560 : i32
    %add3A_72 = arith.addi %mul3A_2, %add3A_71 : i32
    "tpu.region"() ({
      %run_scoped3A = tpu.sem_alloc : memref<!tpu.dma_semaphore, #tpu.memory_space<semaphore_mem>>
      %dma_start3A_73 = arith.constant 0 : i32
      %dma_start3A_74 = tpu.memref_slice %arg12[%add3A_72, %dma_start3A_73] : memref<10240x128xf32, #tpu.memory_space<vmem_shared>> -> memref<80x128xf32, #tpu.memory_space<vmem_shared>>
      %dma_start3A_75 = arith.constant 0 : i32
      %dma_start3A_76 = tpu.memref_slice %arg12[%add3A_72, %dma_start3A_75] : memref<10240x128xf32, #tpu.memory_space<vmem_shared>> -> memref<80x128xf32, #tpu.memory_space<vmem_shared>>
      tpu.enqueue_dma source(%dma_start3A_76 : memref<80x128xf32, #tpu.memory_space<vmem_shared>>) target(%arg11 : memref<80x128xf32, #tpu.memory_space<vmem>>) target_semaphore(%run_scoped3A : memref<!tpu.dma_semaphore, #tpu.memory_space<semaphore_mem>>)
      %dma_wait3A_77 = arith.constant 0 : i32
      %dma_wait3A_78 = tpu.memref_slice %arg12[%add3A_72, %dma_wait3A_77] : memref<10240x128xf32, #tpu.memory_space<vmem_shared>> -> memref<80x128xf32, #tpu.memory_space<vmem_shared>>
      %dma_wait3A_79 = arith.constant 0 : i32
      %dma_wait3A_80 = tpu.memref_slice %arg12[%add3A_72, %dma_wait3A_79] : memref<10240x128xf32, #tpu.memory_space<vmem_shared>> -> memref<80x128xf32, #tpu.memory_space<vmem_shared>>
      tpu.wait_dma2 semaphore(%run_scoped3A : memref<!tpu.dma_semaphore, #tpu.memory_space<semaphore_mem>>) src(%dma_wait3A_80 : memref<80x128xf32, #tpu.memory_space<vmem_shared>>) dst(%arg11 : memref<80x128xf32, #tpu.memory_space<vmem>>)
      tpu.yield
    }) : () -> ()
    "tpu.region"() ({
      %run_scoped3A = tpu.sem_alloc : memref<!tpu.dma_semaphore, #tpu.memory_space<semaphore_mem>>
      %dma_start3A_73 = arith.constant 0 : i32
      %dma_start3A_74 = tpu.memref_slice %arg6[%arg0, %add3A_72, %dma_start3A_73] : memref<2x10240x128xf32, #tpu.memory_space<hbm>> -> memref<1x80x128xf32, #tpu.memory_space<hbm>>
      %dma_start3A_75 = tpu.memref_squeeze %dma_start3A_74 : memref<1x80x128xf32, #tpu.memory_space<hbm>> -> memref<80x128xf32, #tpu.memory_space<hbm>>
      %dma_start3A_76 = arith.constant 0 : i32
      %dma_start3A_77 = tpu.memref_slice %arg6[%arg0, %add3A_72, %dma_start3A_76] : memref<2x10240x128xf32, #tpu.memory_space<hbm>> -> memref<1x80x128xf32, #tpu.memory_space<hbm>>
      %dma_start3A_78 = tpu.memref_squeeze %dma_start3A_77 : memref<1x80x128xf32, #tpu.memory_space<hbm>> -> memref<80x128xf32, #tpu.memory_space<hbm>>
      tpu.enqueue_dma source(%arg11 : memref<80x128xf32, #tpu.memory_space<vmem>>) target(%dma_start3A_78 : memref<80x128xf32, #tpu.memory_space<hbm>>) target_semaphore(%run_scoped3A : memref<!tpu.dma_semaphore, #tpu.memory_space<semaphore_mem>>)
      %dma_wait3A_79 = arith.constant 0 : i32
      %dma_wait3A_80 = tpu.memref_slice %arg6[%arg0, %add3A_72, %dma_wait3A_79] : memref<2x10240x128xf32, #tpu.memory_space<hbm>> -> memref<1x80x128xf32, #tpu.memory_space<hbm>>
      %dma_wait3A_81 = tpu.memref_squeeze %dma_wait3A_80 : memref<1x80x128xf32, #tpu.memory_space<hbm>> -> memref<80x128xf32, #tpu.memory_space<hbm>>
      %dma_wait3A_82 = arith.constant 0 : i32
      %dma_wait3A_83 = tpu.memref_slice %arg6[%arg0, %add3A_72, %dma_wait3A_82] : memref<2x10240x128xf32, #tpu.memory_space<hbm>> -> memref<1x80x128xf32, #tpu.memory_space<hbm>>
      %dma_wait3A_84 = tpu.memref_squeeze %dma_wait3A_83 : memref<1x80x128xf32, #tpu.memory_space<hbm>> -> memref<80x128xf32, #tpu.memory_space<hbm>>
      tpu.wait_dma2 semaphore(%run_scoped3A : memref<!tpu.dma_semaphore, #tpu.memory_space<semaphore_mem>>) src(%arg11 : memref<80x128xf32, #tpu.memory_space<vmem>>) dst(%dma_wait3A_84 : memref<80x128xf32, #tpu.memory_space<hbm>>)
      tpu.yield
    }) : () -> ()
    return
  }
}

#map = affine_map<(d0, d1) -> (0, 0)>
#map1 = affine_map<(d0, d1) -> (0)>
#map2 = affine_map<(d0, d1) -> (0, 0, 0)>
module attributes {stable_mosaic.version = 14 : i64} {
  func.func @body(%arg0: i32, %arg1: i32, %arg2: memref<10000x128xf32, #tpu.memory_space<hbm>>, %arg3: memref<320160xi32, #tpu.memory_space<hbm>>, %arg4: memref<320160xi32, #tpu.memory_space<hbm>>, %arg5: memref<10240x128xf32, #tpu.memory_space<hbm>>, %arg6: memref<2x10240x128xf32, #tpu.memory_space<hbm>>, %arg7: memref<80xi32, #tpu.memory_space<vmem>>, %arg8: memref<80xi32, #tpu.memory_space<vmem>>, %arg9: memref<80xi32, #tpu.memory_space<vmem>>, %arg10: memref<80xi32, #tpu.memory_space<vmem>>, %arg11: memref<80x128xf32, #tpu.memory_space<vmem>>, %arg12: memref<10240x128xf32, #tpu.memory_space<vmem_shared>>, %arg13: memref<!tpu.dma_semaphore, #tpu.memory_space<semaphore_mem>>, %arg14: memref<!tpu.dma_semaphore, #tpu.memory_space<semaphore_mem>>, %arg15: memref<!tpu.dma_semaphore, #tpu.memory_space<semaphore_mem>>) attributes {dimension_semantics = [#tpu.dimension_semantics<core_parallel>, #tpu.dimension_semantics<subcore_parallel>], iteration_bounds = array<i64: 2, 16>, scalar_prefetch = 0 : i64, scratch_operands = 9 : i64, tpu.core_type = #tpu.core_type<sc_vector_subcore>, window_params = [{transform_indices = #map}, {transform_indices = #map1}, {transform_indices = #map1}, {transform_indices = #map}, {transform_indices = #map2}]} {
    %mul3A = arith.constant 2 : i32
    %mul3A_0 = arith.muli %arg1, %mul3A : i32
    %add3A = arith.addi %mul3A_0, %arg0 : i32
    %mul3A_1 = arith.constant 640 : i32
    %mul3A_2 = arith.muli %arg1, %mul3A_1 : i32
    %add3A_3 = arith.constant 0 : i32
    %add3A_4 = arith.addi %mul3A_2, %add3A_3 : i32
    "tpu.region"() ({
      %run_scoped3A = tpu.sem_alloc : memref<!tpu.dma_semaphore, #tpu.memory_space<semaphore_mem>>
      %dma_start3A_73 = arith.constant 0 : i32
      %dma_start3A_74 = tpu.memref_slice %arg5[%add3A_4, %dma_start3A_73] : memref<10240x128xf32, #tpu.memory_space<hbm>> -> memref<80x128xf32, #tpu.memory_space<hbm>>
      %dma_start3A_75 = arith.constant 0 : i32
      %dma_start3A_76 = tpu.memref_slice %arg5[%add3A_4, %dma_start3A_75] : memref<10240x128xf32, #tpu.memory_space<hbm>> -> memref<80x128xf32, #tpu.memory_space<hbm>>
      tpu.enqueue_dma source(%dma_start3A_76 : memref<80x128xf32, #tpu.memory_space<hbm>>) target(%arg11 : memref<80x128xf32, #tpu.memory_space<vmem>>) target_semaphore(%run_scoped3A : memref<!tpu.dma_semaphore, #tpu.memory_space<semaphore_mem>>)
      %dma_wait3A_77 = arith.constant 0 : i32
      %dma_wait3A_78 = tpu.memref_slice %arg5[%add3A_4, %dma_wait3A_77] : memref<10240x128xf32, #tpu.memory_space<hbm>> -> memref<80x128xf32, #tpu.memory_space<hbm>>
      %dma_wait3A_79 = arith.constant 0 : i32
      %dma_wait3A_80 = tpu.memref_slice %arg5[%add3A_4, %dma_wait3A_79] : memref<10240x128xf32, #tpu.memory_space<hbm>> -> memref<80x128xf32, #tpu.memory_space<hbm>>
      tpu.wait_dma2 semaphore(%run_scoped3A : memref<!tpu.dma_semaphore, #tpu.memory_space<semaphore_mem>>) src(%dma_wait3A_80 : memref<80x128xf32, #tpu.memory_space<hbm>>) dst(%arg11 : memref<80x128xf32, #tpu.memory_space<vmem>>)
      tpu.yield
    }) : () -> ()
    "tpu.region"() ({
      %run_scoped3A = tpu.sem_alloc : memref<!tpu.dma_semaphore, #tpu.memory_space<semaphore_mem>>
      %dma_start3A_73 = arith.constant 0 : i32
      %dma_start3A_74 = tpu.memref_slice %arg12[%add3A_4, %dma_start3A_73] : memref<10240x128xf32, #tpu.memory_space<vmem_shared>> -> memref<80x128xf32, #tpu.memory_space<vmem_shared>>
      %dma_start3A_75 = arith.constant 0 : i32
      %dma_start3A_76 = tpu.memref_slice %arg12[%add3A_4, %dma_start3A_75] : memref<10240x128xf32, #tpu.memory_space<vmem_shared>> -> memref<80x128xf32, #tpu.memory_space<vmem_shared>>
      tpu.enqueue_dma source(%arg11 : memref<80x128xf32, #tpu.memory_space<vmem>>) target(%dma_start3A_76 : memref<80x128xf32, #tpu.memory_space<vmem_shared>>) target_semaphore(%run_scoped3A : memref<!tpu.dma_semaphore, #tpu.memory_space<semaphore_mem>>)
      %dma_wait3A_77 = arith.constant 0 : i32
      %dma_wait3A_78 = tpu.memref_slice %arg12[%add3A_4, %dma_wait3A_77] : memref<10240x128xf32, #tpu.memory_space<vmem_shared>> -> memref<80x128xf32, #tpu.memory_space<vmem_shared>>
      %dma_wait3A_79 = arith.constant 0 : i32
      %dma_wait3A_80 = tpu.memref_slice %arg12[%add3A_4, %dma_wait3A_79] : memref<10240x128xf32, #tpu.memory_space<vmem_shared>> -> memref<80x128xf32, #tpu.memory_space<vmem_shared>>
      tpu.wait_dma2 semaphore(%run_scoped3A : memref<!tpu.dma_semaphore, #tpu.memory_space<semaphore_mem>>) src(%arg11 : memref<80x128xf32, #tpu.memory_space<vmem>>) dst(%dma_wait3A_80 : memref<80x128xf32, #tpu.memory_space<vmem_shared>>)
      tpu.yield
    }) : () -> ()
    %add3A_5 = arith.constant 80 : i32
    %add3A_6 = arith.addi %mul3A_2, %add3A_5 : i32
    "tpu.region"() ({
      %run_scoped3A = tpu.sem_alloc : memref<!tpu.dma_semaphore, #tpu.memory_space<semaphore_mem>>
      %dma_start3A_73 = arith.constant 0 : i32
      %dma_start3A_74 = tpu.memref_slice %arg5[%add3A_6, %dma_start3A_73] : memref<10240x128xf32, #tpu.memory_space<hbm>> -> memref<80x128xf32, #tpu.memory_space<hbm>>
      %dma_start3A_75 = arith.constant 0 : i32
      %dma_start3A_76 = tpu.memref_slice %arg5[%add3A_6, %dma_start3A_75] : memref<10240x128xf32, #tpu.memory_space<hbm>> -> memref<80x128xf32, #tpu.memory_space<hbm>>
      tpu.enqueue_dma source(%dma_start3A_76 : memref<80x128xf32, #tpu.memory_space<hbm>>) target(%arg11 : memref<80x128xf32, #tpu.memory_space<vmem>>) target_semaphore(%run_scoped3A : memref<!tpu.dma_semaphore, #tpu.memory_space<semaphore_mem>>)
      %dma_wait3A_77 = arith.constant 0 : i32
      %dma_wait3A_78 = tpu.memref_slice %arg5[%add3A_6, %dma_wait3A_77] : memref<10240x128xf32, #tpu.memory_space<hbm>> -> memref<80x128xf32, #tpu.memory_space<hbm>>
      %dma_wait3A_79 = arith.constant 0 : i32
      %dma_wait3A_80 = tpu.memref_slice %arg5[%add3A_6, %dma_wait3A_79] : memref<10240x128xf32, #tpu.memory_space<hbm>> -> memref<80x128xf32, #tpu.memory_space<hbm>>
      tpu.wait_dma2 semaphore(%run_scoped3A : memref<!tpu.dma_semaphore, #tpu.memory_space<semaphore_mem>>) src(%dma_wait3A_80 : memref<80x128xf32, #tpu.memory_space<hbm>>) dst(%arg11 : memref<80x128xf32, #tpu.memory_space<vmem>>)
      tpu.yield
    }) : () -> ()
    "tpu.region"() ({
      %run_scoped3A = tpu.sem_alloc : memref<!tpu.dma_semaphore, #tpu.memory_space<semaphore_mem>>
      %dma_start3A_73 = arith.constant 0 : i32
      %dma_start3A_74 = tpu.memref_slice %arg12[%add3A_6, %dma_start3A_73] : memref<10240x128xf32, #tpu.memory_space<vmem_shared>> -> memref<80x128xf32, #tpu.memory_space<vmem_shared>>
      %dma_start3A_75 = arith.constant 0 : i32
      %dma_start3A_76 = tpu.memref_slice %arg12[%add3A_6, %dma_start3A_75] : memref<10240x128xf32, #tpu.memory_space<vmem_shared>> -> memref<80x128xf32, #tpu.memory_space<vmem_shared>>
      tpu.enqueue_dma source(%arg11 : memref<80x128xf32, #tpu.memory_space<vmem>>) target(%dma_start3A_76 : memref<80x128xf32, #tpu.memory_space<vmem_shared>>) target_semaphore(%run_scoped3A : memref<!tpu.dma_semaphore, #tpu.memory_space<semaphore_mem>>)
      %dma_wait3A_77 = arith.constant 0 : i32
      %dma_wait3A_78 = tpu.memref_slice %arg12[%add3A_6, %dma_wait3A_77] : memref<10240x128xf32, #tpu.memory_space<vmem_shared>> -> memref<80x128xf32, #tpu.memory_space<vmem_shared>>
      %dma_wait3A_79 = arith.constant 0 : i32
      %dma_wait3A_80 = tpu.memref_slice %arg12[%add3A_6, %dma_wait3A_79] : memref<10240x128xf32, #tpu.memory_space<vmem_shared>> -> memref<80x128xf32, #tpu.memory_space<vmem_shared>>
      tpu.wait_dma2 semaphore(%run_scoped3A : memref<!tpu.dma_semaphore, #tpu.memory_space<semaphore_mem>>) src(%arg11 : memref<80x128xf32, #tpu.memory_space<vmem>>) dst(%dma_wait3A_80 : memref<80x128xf32, #tpu.memory_space<vmem_shared>>)
      tpu.yield
    }) : () -> ()
    %add3A_7 = arith.constant 160 : i32
    %add3A_8 = arith.addi %mul3A_2, %add3A_7 : i32
    "tpu.region"() ({
      %run_scoped3A = tpu.sem_alloc : memref<!tpu.dma_semaphore, #tpu.memory_space<semaphore_mem>>
      %dma_start3A_73 = arith.constant 0 : i32
      %dma_start3A_74 = tpu.memref_slice %arg5[%add3A_8, %dma_start3A_73] : memref<10240x128xf32, #tpu.memory_space<hbm>> -> memref<80x128xf32, #tpu.memory_space<hbm>>
      %dma_start3A_75 = arith.constant 0 : i32
      %dma_start3A_76 = tpu.memref_slice %arg5[%add3A_8, %dma_start3A_75] : memref<10240x128xf32, #tpu.memory_space<hbm>> -> memref<80x128xf32, #tpu.memory_space<hbm>>
      tpu.enqueue_dma source(%dma_start3A_76 : memref<80x128xf32, #tpu.memory_space<hbm>>) target(%arg11 : memref<80x128xf32, #tpu.memory_space<vmem>>) target_semaphore(%run_scoped3A : memref<!tpu.dma_semaphore, #tpu.memory_space<semaphore_mem>>)
      %dma_wait3A_77 = arith.constant 0 : i32
      %dma_wait3A_78 = tpu.memref_slice %arg5[%add3A_8, %dma_wait3A_77] : memref<10240x128xf32, #tpu.memory_space<hbm>> -> memref<80x128xf32, #tpu.memory_space<hbm>>
      %dma_wait3A_79 = arith.constant 0 : i32
      %dma_wait3A_80 = tpu.memref_slice %arg5[%add3A_8, %dma_wait3A_79] : memref<10240x128xf32, #tpu.memory_space<hbm>> -> memref<80x128xf32, #tpu.memory_space<hbm>>
      tpu.wait_dma2 semaphore(%run_scoped3A : memref<!tpu.dma_semaphore, #tpu.memory_space<semaphore_mem>>) src(%dma_wait3A_80 : memref<80x128xf32, #tpu.memory_space<hbm>>) dst(%arg11 : memref<80x128xf32, #tpu.memory_space<vmem>>)
      tpu.yield
    }) : () -> ()
    "tpu.region"() ({
      %run_scoped3A = tpu.sem_alloc : memref<!tpu.dma_semaphore, #tpu.memory_space<semaphore_mem>>
      %dma_start3A_73 = arith.constant 0 : i32
      %dma_start3A_74 = tpu.memref_slice %arg12[%add3A_8, %dma_start3A_73] : memref<10240x128xf32, #tpu.memory_space<vmem_shared>> -> memref<80x128xf32, #tpu.memory_space<vmem_shared>>
      %dma_start3A_75 = arith.constant 0 : i32
      %dma_start3A_76 = tpu.memref_slice %arg12[%add3A_8, %dma_start3A_75] : memref<10240x128xf32, #tpu.memory_space<vmem_shared>> -> memref<80x128xf32, #tpu.memory_space<vmem_shared>>
      tpu.enqueue_dma source(%arg11 : memref<80x128xf32, #tpu.memory_space<vmem>>) target(%dma_start3A_76 : memref<80x128xf32, #tpu.memory_space<vmem_shared>>) target_semaphore(%run_scoped3A : memref<!tpu.dma_semaphore, #tpu.memory_space<semaphore_mem>>)
      %dma_wait3A_77 = arith.constant 0 : i32
      %dma_wait3A_78 = tpu.memref_slice %arg12[%add3A_8, %dma_wait3A_77] : memref<10240x128xf32, #tpu.memory_space<vmem_shared>> -> memref<80x128xf32, #tpu.memory_space<vmem_shared>>
      %dma_wait3A_79 = arith.constant 0 : i32
      %dma_wait3A_80 = tpu.memref_slice %arg12[%add3A_8, %dma_wait3A_79] : memref<10240x128xf32, #tpu.memory_space<vmem_shared>> -> memref<80x128xf32, #tpu.memory_space<vmem_shared>>
      tpu.wait_dma2 semaphore(%run_scoped3A : memref<!tpu.dma_semaphore, #tpu.memory_space<semaphore_mem>>) src(%arg11 : memref<80x128xf32, #tpu.memory_space<vmem>>) dst(%dma_wait3A_80 : memref<80x128xf32, #tpu.memory_space<vmem_shared>>)
      tpu.yield
    }) : () -> ()
    %add3A_9 = arith.constant 240 : i32
    %add3A_10 = arith.addi %mul3A_2, %add3A_9 : i32
    "tpu.region"() ({
      %run_scoped3A = tpu.sem_alloc : memref<!tpu.dma_semaphore, #tpu.memory_space<semaphore_mem>>
      %dma_start3A_73 = arith.constant 0 : i32
      %dma_start3A_74 = tpu.memref_slice %arg5[%add3A_10, %dma_start3A_73] : memref<10240x128xf32, #tpu.memory_space<hbm>> -> memref<80x128xf32, #tpu.memory_space<hbm>>
      %dma_start3A_75 = arith.constant 0 : i32
      %dma_start3A_76 = tpu.memref_slice %arg5[%add3A_10, %dma_start3A_75] : memref<10240x128xf32, #tpu.memory_space<hbm>> -> memref<80x128xf32, #tpu.memory_space<hbm>>
      tpu.enqueue_dma source(%dma_start3A_76 : memref<80x128xf32, #tpu.memory_space<hbm>>) target(%arg11 : memref<80x128xf32, #tpu.memory_space<vmem>>) target_semaphore(%run_scoped3A : memref<!tpu.dma_semaphore, #tpu.memory_space<semaphore_mem>>)
      %dma_wait3A_77 = arith.constant 0 : i32
      %dma_wait3A_78 = tpu.memref_slice %arg5[%add3A_10, %dma_wait3A_77] : memref<10240x128xf32, #tpu.memory_space<hbm>> -> memref<80x128xf32, #tpu.memory_space<hbm>>
      %dma_wait3A_79 = arith.constant 0 : i32
      %dma_wait3A_80 = tpu.memref_slice %arg5[%add3A_10, %dma_wait3A_79] : memref<10240x128xf32, #tpu.memory_space<hbm>> -> memref<80x128xf32, #tpu.memory_space<hbm>>
      tpu.wait_dma2 semaphore(%run_scoped3A : memref<!tpu.dma_semaphore, #tpu.memory_space<semaphore_mem>>) src(%dma_wait3A_80 : memref<80x128xf32, #tpu.memory_space<hbm>>) dst(%arg11 : memref<80x128xf32, #tpu.memory_space<vmem>>)
      tpu.yield
    }) : () -> ()
    "tpu.region"() ({
      %run_scoped3A = tpu.sem_alloc : memref<!tpu.dma_semaphore, #tpu.memory_space<semaphore_mem>>
      %dma_start3A_73 = arith.constant 0 : i32
      %dma_start3A_74 = tpu.memref_slice %arg12[%add3A_10, %dma_start3A_73] : memref<10240x128xf32, #tpu.memory_space<vmem_shared>> -> memref<80x128xf32, #tpu.memory_space<vmem_shared>>
      %dma_start3A_75 = arith.constant 0 : i32
      %dma_start3A_76 = tpu.memref_slice %arg12[%add3A_10, %dma_start3A_75] : memref<10240x128xf32, #tpu.memory_space<vmem_shared>> -> memref<80x128xf32, #tpu.memory_space<vmem_shared>>
      tpu.enqueue_dma source(%arg11 : memref<80x128xf32, #tpu.memory_space<vmem>>) target(%dma_start3A_76 : memref<80x128xf32, #tpu.memory_space<vmem_shared>>) target_semaphore(%run_scoped3A : memref<!tpu.dma_semaphore, #tpu.memory_space<semaphore_mem>>)
      %dma_wait3A_77 = arith.constant 0 : i32
      %dma_wait3A_78 = tpu.memref_slice %arg12[%add3A_10, %dma_wait3A_77] : memref<10240x128xf32, #tpu.memory_space<vmem_shared>> -> memref<80x128xf32, #tpu.memory_space<vmem_shared>>
      %dma_wait3A_79 = arith.constant 0 : i32
      %dma_wait3A_80 = tpu.memref_slice %arg12[%add3A_10, %dma_wait3A_79] : memref<10240x128xf32, #tpu.memory_space<vmem_shared>> -> memref<80x128xf32, #tpu.memory_space<vmem_shared>>
      tpu.wait_dma2 semaphore(%run_scoped3A : memref<!tpu.dma_semaphore, #tpu.memory_space<semaphore_mem>>) src(%arg11 : memref<80x128xf32, #tpu.memory_space<vmem>>) dst(%dma_wait3A_80 : memref<80x128xf32, #tpu.memory_space<vmem_shared>>)
      tpu.yield
    }) : () -> ()
    %add3A_11 = arith.constant 320 : i32
    %add3A_12 = arith.addi %mul3A_2, %add3A_11 : i32
    "tpu.region"() ({
      %run_scoped3A = tpu.sem_alloc : memref<!tpu.dma_semaphore, #tpu.memory_space<semaphore_mem>>
      %dma_start3A_73 = arith.constant 0 : i32
      %dma_start3A_74 = tpu.memref_slice %arg5[%add3A_12, %dma_start3A_73] : memref<10240x128xf32, #tpu.memory_space<hbm>> -> memref<80x128xf32, #tpu.memory_space<hbm>>
      %dma_start3A_75 = arith.constant 0 : i32
      %dma_start3A_76 = tpu.memref_slice %arg5[%add3A_12, %dma_start3A_75] : memref<10240x128xf32, #tpu.memory_space<hbm>> -> memref<80x128xf32, #tpu.memory_space<hbm>>
      tpu.enqueue_dma source(%dma_start3A_76 : memref<80x128xf32, #tpu.memory_space<hbm>>) target(%arg11 : memref<80x128xf32, #tpu.memory_space<vmem>>) target_semaphore(%run_scoped3A : memref<!tpu.dma_semaphore, #tpu.memory_space<semaphore_mem>>)
      %dma_wait3A_77 = arith.constant 0 : i32
      %dma_wait3A_78 = tpu.memref_slice %arg5[%add3A_12, %dma_wait3A_77] : memref<10240x128xf32, #tpu.memory_space<hbm>> -> memref<80x128xf32, #tpu.memory_space<hbm>>
      %dma_wait3A_79 = arith.constant 0 : i32
      %dma_wait3A_80 = tpu.memref_slice %arg5[%add3A_12, %dma_wait3A_79] : memref<10240x128xf32, #tpu.memory_space<hbm>> -> memref<80x128xf32, #tpu.memory_space<hbm>>
      tpu.wait_dma2 semaphore(%run_scoped3A : memref<!tpu.dma_semaphore, #tpu.memory_space<semaphore_mem>>) src(%dma_wait3A_80 : memref<80x128xf32, #tpu.memory_space<hbm>>) dst(%arg11 : memref<80x128xf32, #tpu.memory_space<vmem>>)
      tpu.yield
    }) : () -> ()
    "tpu.region"() ({
      %run_scoped3A = tpu.sem_alloc : memref<!tpu.dma_semaphore, #tpu.memory_space<semaphore_mem>>
      %dma_start3A_73 = arith.constant 0 : i32
      %dma_start3A_74 = tpu.memref_slice %arg12[%add3A_12, %dma_start3A_73] : memref<10240x128xf32, #tpu.memory_space<vmem_shared>> -> memref<80x128xf32, #tpu.memory_space<vmem_shared>>
      %dma_start3A_75 = arith.constant 0 : i32
      %dma_start3A_76 = tpu.memref_slice %arg12[%add3A_12, %dma_start3A_75] : memref<10240x128xf32, #tpu.memory_space<vmem_shared>> -> memref<80x128xf32, #tpu.memory_space<vmem_shared>>
      tpu.enqueue_dma source(%arg11 : memref<80x128xf32, #tpu.memory_space<vmem>>) target(%dma_start3A_76 : memref<80x128xf32, #tpu.memory_space<vmem_shared>>) target_semaphore(%run_scoped3A : memref<!tpu.dma_semaphore, #tpu.memory_space<semaphore_mem>>)
      %dma_wait3A_77 = arith.constant 0 : i32
      %dma_wait3A_78 = tpu.memref_slice %arg12[%add3A_12, %dma_wait3A_77] : memref<10240x128xf32, #tpu.memory_space<vmem_shared>> -> memref<80x128xf32, #tpu.memory_space<vmem_shared>>
      %dma_wait3A_79 = arith.constant 0 : i32
      %dma_wait3A_80 = tpu.memref_slice %arg12[%add3A_12, %dma_wait3A_79] : memref<10240x128xf32, #tpu.memory_space<vmem_shared>> -> memref<80x128xf32, #tpu.memory_space<vmem_shared>>
      tpu.wait_dma2 semaphore(%run_scoped3A : memref<!tpu.dma_semaphore, #tpu.memory_space<semaphore_mem>>) src(%arg11 : memref<80x128xf32, #tpu.memory_space<vmem>>) dst(%dma_wait3A_80 : memref<80x128xf32, #tpu.memory_space<vmem_shared>>)
      tpu.yield
    }) : () -> ()
    %add3A_13 = arith.constant 400 : i32
    %add3A_14 = arith.addi %mul3A_2, %add3A_13 : i32
    "tpu.region"() ({
      %run_scoped3A = tpu.sem_alloc : memref<!tpu.dma_semaphore, #tpu.memory_space<semaphore_mem>>
      %dma_start3A_73 = arith.constant 0 : i32
      %dma_start3A_74 = tpu.memref_slice %arg5[%add3A_14, %dma_start3A_73] : memref<10240x128xf32, #tpu.memory_space<hbm>> -> memref<80x128xf32, #tpu.memory_space<hbm>>
      %dma_start3A_75 = arith.constant 0 : i32
      %dma_start3A_76 = tpu.memref_slice %arg5[%add3A_14, %dma_start3A_75] : memref<10240x128xf32, #tpu.memory_space<hbm>> -> memref<80x128xf32, #tpu.memory_space<hbm>>
      tpu.enqueue_dma source(%dma_start3A_76 : memref<80x128xf32, #tpu.memory_space<hbm>>) target(%arg11 : memref<80x128xf32, #tpu.memory_space<vmem>>) target_semaphore(%run_scoped3A : memref<!tpu.dma_semaphore, #tpu.memory_space<semaphore_mem>>)
      %dma_wait3A_77 = arith.constant 0 : i32
      %dma_wait3A_78 = tpu.memref_slice %arg5[%add3A_14, %dma_wait3A_77] : memref<10240x128xf32, #tpu.memory_space<hbm>> -> memref<80x128xf32, #tpu.memory_space<hbm>>
      %dma_wait3A_79 = arith.constant 0 : i32
      %dma_wait3A_80 = tpu.memref_slice %arg5[%add3A_14, %dma_wait3A_79] : memref<10240x128xf32, #tpu.memory_space<hbm>> -> memref<80x128xf32, #tpu.memory_space<hbm>>
      tpu.wait_dma2 semaphore(%run_scoped3A : memref<!tpu.dma_semaphore, #tpu.memory_space<semaphore_mem>>) src(%dma_wait3A_80 : memref<80x128xf32, #tpu.memory_space<hbm>>) dst(%arg11 : memref<80x128xf32, #tpu.memory_space<vmem>>)
      tpu.yield
    }) : () -> ()
    "tpu.region"() ({
      %run_scoped3A = tpu.sem_alloc : memref<!tpu.dma_semaphore, #tpu.memory_space<semaphore_mem>>
      %dma_start3A_73 = arith.constant 0 : i32
      %dma_start3A_74 = tpu.memref_slice %arg12[%add3A_14, %dma_start3A_73] : memref<10240x128xf32, #tpu.memory_space<vmem_shared>> -> memref<80x128xf32, #tpu.memory_space<vmem_shared>>
      %dma_start3A_75 = arith.constant 0 : i32
      %dma_start3A_76 = tpu.memref_slice %arg12[%add3A_14, %dma_start3A_75] : memref<10240x128xf32, #tpu.memory_space<vmem_shared>> -> memref<80x128xf32, #tpu.memory_space<vmem_shared>>
      tpu.enqueue_dma source(%arg11 : memref<80x128xf32, #tpu.memory_space<vmem>>) target(%dma_start3A_76 : memref<80x128xf32, #tpu.memory_space<vmem_shared>>) target_semaphore(%run_scoped3A : memref<!tpu.dma_semaphore, #tpu.memory_space<semaphore_mem>>)
      %dma_wait3A_77 = arith.constant 0 : i32
      %dma_wait3A_78 = tpu.memref_slice %arg12[%add3A_14, %dma_wait3A_77] : memref<10240x128xf32, #tpu.memory_space<vmem_shared>> -> memref<80x128xf32, #tpu.memory_space<vmem_shared>>
      %dma_wait3A_79 = arith.constant 0 : i32
      %dma_wait3A_80 = tpu.memref_slice %arg12[%add3A_14, %dma_wait3A_79] : memref<10240x128xf32, #tpu.memory_space<vmem_shared>> -> memref<80x128xf32, #tpu.memory_space<vmem_shared>>
      tpu.wait_dma2 semaphore(%run_scoped3A : memref<!tpu.dma_semaphore, #tpu.memory_space<semaphore_mem>>) src(%arg11 : memref<80x128xf32, #tpu.memory_space<vmem>>) dst(%dma_wait3A_80 : memref<80x128xf32, #tpu.memory_space<vmem_shared>>)
      tpu.yield
    }) : () -> ()
    %add3A_15 = arith.constant 480 : i32
    %add3A_16 = arith.addi %mul3A_2, %add3A_15 : i32
    "tpu.region"() ({
      %run_scoped3A = tpu.sem_alloc : memref<!tpu.dma_semaphore, #tpu.memory_space<semaphore_mem>>
      %dma_start3A_73 = arith.constant 0 : i32
      %dma_start3A_74 = tpu.memref_slice %arg5[%add3A_16, %dma_start3A_73] : memref<10240x128xf32, #tpu.memory_space<hbm>> -> memref<80x128xf32, #tpu.memory_space<hbm>>
      %dma_start3A_75 = arith.constant 0 : i32
      %dma_start3A_76 = tpu.memref_slice %arg5[%add3A_16, %dma_start3A_75] : memref<10240x128xf32, #tpu.memory_space<hbm>> -> memref<80x128xf32, #tpu.memory_space<hbm>>
      tpu.enqueue_dma source(%dma_start3A_76 : memref<80x128xf32, #tpu.memory_space<hbm>>) target(%arg11 : memref<80x128xf32, #tpu.memory_space<vmem>>) target_semaphore(%run_scoped3A : memref<!tpu.dma_semaphore, #tpu.memory_space<semaphore_mem>>)
      %dma_wait3A_77 = arith.constant 0 : i32
      %dma_wait3A_78 = tpu.memref_slice %arg5[%add3A_16, %dma_wait3A_77] : memref<10240x128xf32, #tpu.memory_space<hbm>> -> memref<80x128xf32, #tpu.memory_space<hbm>>
      %dma_wait3A_79 = arith.constant 0 : i32
      %dma_wait3A_80 = tpu.memref_slice %arg5[%add3A_16, %dma_wait3A_79] : memref<10240x128xf32, #tpu.memory_space<hbm>> -> memref<80x128xf32, #tpu.memory_space<hbm>>
      tpu.wait_dma2 semaphore(%run_scoped3A : memref<!tpu.dma_semaphore, #tpu.memory_space<semaphore_mem>>) src(%dma_wait3A_80 : memref<80x128xf32, #tpu.memory_space<hbm>>) dst(%arg11 : memref<80x128xf32, #tpu.memory_space<vmem>>)
      tpu.yield
    }) : () -> ()
    "tpu.region"() ({
      %run_scoped3A = tpu.sem_alloc : memref<!tpu.dma_semaphore, #tpu.memory_space<semaphore_mem>>
      %dma_start3A_73 = arith.constant 0 : i32
      %dma_start3A_74 = tpu.memref_slice %arg12[%add3A_16, %dma_start3A_73] : memref<10240x128xf32, #tpu.memory_space<vmem_shared>> -> memref<80x128xf32, #tpu.memory_space<vmem_shared>>
      %dma_start3A_75 = arith.constant 0 : i32
      %dma_start3A_76 = tpu.memref_slice %arg12[%add3A_16, %dma_start3A_75] : memref<10240x128xf32, #tpu.memory_space<vmem_shared>> -> memref<80x128xf32, #tpu.memory_space<vmem_shared>>
      tpu.enqueue_dma source(%arg11 : memref<80x128xf32, #tpu.memory_space<vmem>>) target(%dma_start3A_76 : memref<80x128xf32, #tpu.memory_space<vmem_shared>>) target_semaphore(%run_scoped3A : memref<!tpu.dma_semaphore, #tpu.memory_space<semaphore_mem>>)
      %dma_wait3A_77 = arith.constant 0 : i32
      %dma_wait3A_78 = tpu.memref_slice %arg12[%add3A_16, %dma_wait3A_77] : memref<10240x128xf32, #tpu.memory_space<vmem_shared>> -> memref<80x128xf32, #tpu.memory_space<vmem_shared>>
      %dma_wait3A_79 = arith.constant 0 : i32
      %dma_wait3A_80 = tpu.memref_slice %arg12[%add3A_16, %dma_wait3A_79] : memref<10240x128xf32, #tpu.memory_space<vmem_shared>> -> memref<80x128xf32, #tpu.memory_space<vmem_shared>>
      tpu.wait_dma2 semaphore(%run_scoped3A : memref<!tpu.dma_semaphore, #tpu.memory_space<semaphore_mem>>) src(%arg11 : memref<80x128xf32, #tpu.memory_space<vmem>>) dst(%dma_wait3A_80 : memref<80x128xf32, #tpu.memory_space<vmem_shared>>)
      tpu.yield
    }) : () -> ()
    %add3A_17 = arith.constant 560 : i32
    %add3A_18 = arith.addi %mul3A_2, %add3A_17 : i32
    "tpu.region"() ({
      %run_scoped3A = tpu.sem_alloc : memref<!tpu.dma_semaphore, #tpu.memory_space<semaphore_mem>>
      %dma_start3A_73 = arith.constant 0 : i32
      %dma_start3A_74 = tpu.memref_slice %arg5[%add3A_18, %dma_start3A_73] : memref<10240x128xf32, #tpu.memory_space<hbm>> -> memref<80x128xf32, #tpu.memory_space<hbm>>
      %dma_start3A_75 = arith.constant 0 : i32
      %dma_start3A_76 = tpu.memref_slice %arg5[%add3A_18, %dma_start3A_75] : memref<10240x128xf32, #tpu.memory_space<hbm>> -> memref<80x128xf32, #tpu.memory_space<hbm>>
      tpu.enqueue_dma source(%dma_start3A_76 : memref<80x128xf32, #tpu.memory_space<hbm>>) target(%arg11 : memref<80x128xf32, #tpu.memory_space<vmem>>) target_semaphore(%run_scoped3A : memref<!tpu.dma_semaphore, #tpu.memory_space<semaphore_mem>>)
      %dma_wait3A_77 = arith.constant 0 : i32
      %dma_wait3A_78 = tpu.memref_slice %arg5[%add3A_18, %dma_wait3A_77] : memref<10240x128xf32, #tpu.memory_space<hbm>> -> memref<80x128xf32, #tpu.memory_space<hbm>>
      %dma_wait3A_79 = arith.constant 0 : i32
      %dma_wait3A_80 = tpu.memref_slice %arg5[%add3A_18, %dma_wait3A_79] : memref<10240x128xf32, #tpu.memory_space<hbm>> -> memref<80x128xf32, #tpu.memory_space<hbm>>
      tpu.wait_dma2 semaphore(%run_scoped3A : memref<!tpu.dma_semaphore, #tpu.memory_space<semaphore_mem>>) src(%dma_wait3A_80 : memref<80x128xf32, #tpu.memory_space<hbm>>) dst(%arg11 : memref<80x128xf32, #tpu.memory_space<vmem>>)
      tpu.yield
    }) : () -> ()
    "tpu.region"() ({
      %run_scoped3A = tpu.sem_alloc : memref<!tpu.dma_semaphore, #tpu.memory_space<semaphore_mem>>
      %dma_start3A_73 = arith.constant 0 : i32
      %dma_start3A_74 = tpu.memref_slice %arg12[%add3A_18, %dma_start3A_73] : memref<10240x128xf32, #tpu.memory_space<vmem_shared>> -> memref<80x128xf32, #tpu.memory_space<vmem_shared>>
      %dma_start3A_75 = arith.constant 0 : i32
      %dma_start3A_76 = tpu.memref_slice %arg12[%add3A_18, %dma_start3A_75] : memref<10240x128xf32, #tpu.memory_space<vmem_shared>> -> memref<80x128xf32, #tpu.memory_space<vmem_shared>>
      tpu.enqueue_dma source(%arg11 : memref<80x128xf32, #tpu.memory_space<vmem>>) target(%dma_start3A_76 : memref<80x128xf32, #tpu.memory_space<vmem_shared>>) target_semaphore(%run_scoped3A : memref<!tpu.dma_semaphore, #tpu.memory_space<semaphore_mem>>)
      %dma_wait3A_77 = arith.constant 0 : i32
      %dma_wait3A_78 = tpu.memref_slice %arg12[%add3A_18, %dma_wait3A_77] : memref<10240x128xf32, #tpu.memory_space<vmem_shared>> -> memref<80x128xf32, #tpu.memory_space<vmem_shared>>
      %dma_wait3A_79 = arith.constant 0 : i32
      %dma_wait3A_80 = tpu.memref_slice %arg12[%add3A_18, %dma_wait3A_79] : memref<10240x128xf32, #tpu.memory_space<vmem_shared>> -> memref<80x128xf32, #tpu.memory_space<vmem_shared>>
      tpu.wait_dma2 semaphore(%run_scoped3A : memref<!tpu.dma_semaphore, #tpu.memory_space<semaphore_mem>>) src(%arg11 : memref<80x128xf32, #tpu.memory_space<vmem>>) dst(%dma_wait3A_80 : memref<80x128xf32, #tpu.memory_space<vmem_shared>>)
      tpu.yield
    }) : () -> ()
    %barrier3A = arith.constant 0 : index
    tpu.barrier barrier_id(%barrier3A)
    %mul3A_19 = arith.constant 10000 : i32
    %mul3A_20 = arith.muli %add3A, %mul3A_19 : i32
    %dma_start3A = tpu.memref_slice %arg3[%mul3A_20] : memref<320160xi32, #tpu.memory_space<hbm>> -> memref<80xi32, #tpu.memory_space<hbm>>
    %dma_start3A_21 = tpu.memref_slice %arg3[%mul3A_20] : memref<320160xi32, #tpu.memory_space<hbm>> -> memref<80xi32, #tpu.memory_space<hbm>>
    tpu.enqueue_dma source(%dma_start3A_21 : memref<80xi32, #tpu.memory_space<hbm>>) target(%arg7 : memref<80xi32, #tpu.memory_space<vmem>>) target_semaphore(%arg14 : memref<!tpu.dma_semaphore, #tpu.memory_space<semaphore_mem>>)
    %dma_start3A_22 = tpu.memref_slice %arg4[%mul3A_20] : memref<320160xi32, #tpu.memory_space<hbm>> -> memref<80xi32, #tpu.memory_space<hbm>>
    %dma_start3A_23 = tpu.memref_slice %arg4[%mul3A_20] : memref<320160xi32, #tpu.memory_space<hbm>> -> memref<80xi32, #tpu.memory_space<hbm>>
    tpu.enqueue_dma source(%dma_start3A_23 : memref<80xi32, #tpu.memory_space<hbm>>) target(%arg8 : memref<80xi32, #tpu.memory_space<vmem>>) target_semaphore(%arg14 : memref<!tpu.dma_semaphore, #tpu.memory_space<semaphore_mem>>)
    %dma_wait3A = arith.constant 0 : i32
    %dma_wait3A_24 = tpu.memref_slice %arg3[%dma_wait3A] : memref<320160xi32, #tpu.memory_space<hbm>> -> memref<80xi32, #tpu.memory_space<hbm>>
    %dma_wait3A_25 = arith.constant 0 : i32
    %dma_wait3A_26 = tpu.memref_slice %arg3[%dma_wait3A_25] : memref<320160xi32, #tpu.memory_space<hbm>> -> memref<80xi32, #tpu.memory_space<hbm>>
    tpu.wait_dma2 semaphore(%arg14 : memref<!tpu.dma_semaphore, #tpu.memory_space<semaphore_mem>>) src(%dma_wait3A_26 : memref<80xi32, #tpu.memory_space<hbm>>) dst(%arg7 : memref<80xi32, #tpu.memory_space<vmem>>)
    %dma_wait3A_27 = arith.constant 0 : i32
    %dma_wait3A_28 = tpu.memref_slice %arg4[%dma_wait3A_27] : memref<320160xi32, #tpu.memory_space<hbm>> -> memref<80xi32, #tpu.memory_space<hbm>>
    %dma_wait3A_29 = arith.constant 0 : i32
    %dma_wait3A_30 = tpu.memref_slice %arg4[%dma_wait3A_29] : memref<320160xi32, #tpu.memory_space<hbm>> -> memref<80xi32, #tpu.memory_space<hbm>>
    tpu.wait_dma2 semaphore(%arg14 : memref<!tpu.dma_semaphore, #tpu.memory_space<semaphore_mem>>) src(%dma_wait3A_30 : memref<80xi32, #tpu.memory_space<hbm>>) dst(%arg8 : memref<80xi32, #tpu.memory_space<vmem>>)
    %add3A_31 = arith.constant 80 : i32
    %add3A_32 = arith.addi %mul3A_20, %add3A_31 : i32
    %dma_start3A_33 = tpu.memref_slice %arg3[%add3A_32] : memref<320160xi32, #tpu.memory_space<hbm>> -> memref<80xi32, #tpu.memory_space<hbm>>
    %dma_start3A_34 = tpu.memref_slice %arg3[%add3A_32] : memref<320160xi32, #tpu.memory_space<hbm>> -> memref<80xi32, #tpu.memory_space<hbm>>
    tpu.enqueue_dma source(%dma_start3A_34 : memref<80xi32, #tpu.memory_space<hbm>>) target(%arg9 : memref<80xi32, #tpu.memory_space<vmem>>) target_semaphore(%arg15 : memref<!tpu.dma_semaphore, #tpu.memory_space<semaphore_mem>>)
    %dma_start3A_35 = tpu.memref_slice %arg4[%add3A_32] : memref<320160xi32, #tpu.memory_space<hbm>> -> memref<80xi32, #tpu.memory_space<hbm>>
    %dma_start3A_36 = tpu.memref_slice %arg4[%add3A_32] : memref<320160xi32, #tpu.memory_space<hbm>> -> memref<80xi32, #tpu.memory_space<hbm>>
    tpu.enqueue_dma source(%dma_start3A_36 : memref<80xi32, #tpu.memory_space<hbm>>) target(%arg10 : memref<80xi32, #tpu.memory_space<vmem>>) target_semaphore(%arg15 : memref<!tpu.dma_semaphore, #tpu.memory_space<semaphore_mem>>)
    %dma_start3A_37 = arith.constant 0 : i32
    %dma_start3A_38 = arith.constant 0 : i32
    %dma_start3A_39 = tpu.memref_slice %arg2[%dma_start3A_37, %dma_start3A_38] : memref<10000x128xf32, #tpu.memory_space<hbm>> -> memref<10000x128xf32, #tpu.memory_space<hbm>>
    tpu.enqueue_indirect_dma source(%dma_start3A_39 : memref<10000x128xf32, #tpu.memory_space<hbm>>) target(%arg11 : memref<80x128xf32, #tpu.memory_space<vmem>>) offsets(%arg7 : memref<80xi32, #tpu.memory_space<vmem>>) semaphore(%arg13 : memref<!tpu.dma_semaphore, #tpu.memory_space<semaphore_mem>>)
    %dma_wait3A_40 = arith.constant 0 : i32
    %dma_wait3A_41 = arith.constant 0 : i32
    %dma_wait3A_42 = tpu.memref_slice %arg2[%dma_wait3A_40, %dma_wait3A_41] : memref<10000x128xf32, #tpu.memory_space<hbm>> -> memref<10000x128xf32, #tpu.memory_space<hbm>>
    tpu.wait_indirect_dma semaphore(%arg13 : memref<!tpu.dma_semaphore, #tpu.memory_space<semaphore_mem>>) src(%dma_wait3A_42 : memref<10000x128xf32, #tpu.memory_space<hbm>>) dst(%arg11 : memref<80x128xf32, #tpu.memory_space<vmem>>)
    "tpu.region"() ({
      %run_scoped3A = tpu.sem_alloc : memref<!tpu.dma_semaphore, #tpu.memory_space<semaphore_mem>>
      %dma_start3A_73 = arith.constant 0 : i32
      %dma_start3A_74 = arith.constant 0 : i32
      %dma_start3A_75 = tpu.memref_slice %arg12[%dma_start3A_73, %dma_start3A_74] : memref<10240x128xf32, #tpu.memory_space<vmem_shared>> -> memref<10240x128xf32, #tpu.memory_space<vmem_shared>>
      tpu.enqueue_indirect_dma source(%arg11 : memref<80x128xf32, #tpu.memory_space<vmem>>) target(%dma_start3A_75 : memref<10240x128xf32, #tpu.memory_space<vmem_shared>>) offsets(%arg8 : memref<80xi32, #tpu.memory_space<vmem>>) semaphore(%run_scoped3A : memref<!tpu.dma_semaphore, #tpu.memory_space<semaphore_mem>>) {add = true}
      %dma_wait3A_76 = arith.constant 0 : i32
      %dma_wait3A_77 = arith.constant 0 : i32
      %dma_wait3A_78 = tpu.memref_slice %arg12[%dma_wait3A_76, %dma_wait3A_77] : memref<10240x128xf32, #tpu.memory_space<vmem_shared>> -> memref<10240x128xf32, #tpu.memory_space<vmem_shared>>
      tpu.wait_indirect_dma semaphore(%run_scoped3A : memref<!tpu.dma_semaphore, #tpu.memory_space<semaphore_mem>>) src(%arg11 : memref<80x128xf32, #tpu.memory_space<vmem>>) dst(%dma_wait3A_78 : memref<10240x128xf32, #tpu.memory_space<vmem_shared>>)
      tpu.yield
    }) : () -> ()
    %scan3A = arith.constant 0 : i32
    %scan3A_43 = arith.constant 0 : i32
    %scan3A_44 = arith.constant 62 : i32
    %scan3A_45 = arith.addi %scan3A_43, %scan3A_44 : i32
    %scan3A_46 = arith.constant 1 : i32
    scf.for %scan3A_73 = %scan3A_43 to %scan3A_45 step %scan3A_46  : i32 {
      %add3A_74 = arith.constant 80 : i32
      %add3A_75 = arith.addi %mul3A_20, %add3A_74 : i32
      %mul3A_76 = arith.constant 2 : i32
      %mul3A_77 = arith.muli %mul3A_76, %scan3A_73 : i32
      %mul3A_78 = arith.constant 80 : i32
      %mul3A_79 = arith.muli %mul3A_77, %mul3A_78 : i32
      %add3A_80 = arith.addi %add3A_75, %mul3A_79 : i32
      %dma_wait3A_81 = arith.constant 0 : i32
      %dma_wait3A_82 = tpu.memref_slice %arg3[%dma_wait3A_81] : memref<320160xi32, #tpu.memory_space<hbm>> -> memref<80xi32, #tpu.memory_space<hbm>>
      %dma_wait3A_83 = arith.constant 0 : i32
      %dma_wait3A_84 = tpu.memref_slice %arg3[%dma_wait3A_83] : memref<320160xi32, #tpu.memory_space<hbm>> -> memref<80xi32, #tpu.memory_space<hbm>>
      tpu.wait_dma2 semaphore(%arg15 : memref<!tpu.dma_semaphore, #tpu.memory_space<semaphore_mem>>) src(%dma_wait3A_84 : memref<80xi32, #tpu.memory_space<hbm>>) dst(%arg9 : memref<80xi32, #tpu.memory_space<vmem>>)
      %dma_wait3A_85 = arith.constant 0 : i32
      %dma_wait3A_86 = tpu.memref_slice %arg4[%dma_wait3A_85] : memref<320160xi32, #tpu.memory_space<hbm>> -> memref<80xi32, #tpu.memory_space<hbm>>
      %dma_wait3A_87 = arith.constant 0 : i32
      %dma_wait3A_88 = tpu.memref_slice %arg4[%dma_wait3A_87] : memref<320160xi32, #tpu.memory_space<hbm>> -> memref<80xi32, #tpu.memory_space<hbm>>
      tpu.wait_dma2 semaphore(%arg15 : memref<!tpu.dma_semaphore, #tpu.memory_space<semaphore_mem>>) src(%dma_wait3A_88 : memref<80xi32, #tpu.memory_space<hbm>>) dst(%arg10 : memref<80xi32, #tpu.memory_space<vmem>>)
      %add3A_89 = arith.constant 80 : i32
      %add3A_90 = arith.addi %add3A_80, %add3A_89 : i32
      %dma_start3A_91 = tpu.memref_slice %arg3[%add3A_90] : memref<320160xi32, #tpu.memory_space<hbm>> -> memref<80xi32, #tpu.memory_space<hbm>>
      %dma_start3A_92 = tpu.memref_slice %arg3[%add3A_90] : memref<320160xi32, #tpu.memory_space<hbm>> -> memref<80xi32, #tpu.memory_space<hbm>>
      tpu.enqueue_dma source(%dma_start3A_92 : memref<80xi32, #tpu.memory_space<hbm>>) target(%arg7 : memref<80xi32, #tpu.memory_space<vmem>>) target_semaphore(%arg14 : memref<!tpu.dma_semaphore, #tpu.memory_space<semaphore_mem>>)
      %dma_start3A_93 = tpu.memref_slice %arg4[%add3A_90] : memref<320160xi32, #tpu.memory_space<hbm>> -> memref<80xi32, #tpu.memory_space<hbm>>
      %dma_start3A_94 = tpu.memref_slice %arg4[%add3A_90] : memref<320160xi32, #tpu.memory_space<hbm>> -> memref<80xi32, #tpu.memory_space<hbm>>
      tpu.enqueue_dma source(%dma_start3A_94 : memref<80xi32, #tpu.memory_space<hbm>>) target(%arg8 : memref<80xi32, #tpu.memory_space<vmem>>) target_semaphore(%arg14 : memref<!tpu.dma_semaphore, #tpu.memory_space<semaphore_mem>>)
      %dma_start3A_95 = arith.constant 0 : i32
      %dma_start3A_96 = arith.constant 0 : i32
      %dma_start3A_97 = tpu.memref_slice %arg2[%dma_start3A_95, %dma_start3A_96] : memref<10000x128xf32, #tpu.memory_space<hbm>> -> memref<10000x128xf32, #tpu.memory_space<hbm>>
      tpu.enqueue_indirect_dma source(%dma_start3A_97 : memref<10000x128xf32, #tpu.memory_space<hbm>>) target(%arg11 : memref<80x128xf32, #tpu.memory_space<vmem>>) offsets(%arg9 : memref<80xi32, #tpu.memory_space<vmem>>) semaphore(%arg13 : memref<!tpu.dma_semaphore, #tpu.memory_space<semaphore_mem>>)
      %dma_wait3A_98 = arith.constant 0 : i32
      %dma_wait3A_99 = arith.constant 0 : i32
      %dma_wait3A_100 = tpu.memref_slice %arg2[%dma_wait3A_98, %dma_wait3A_99] : memref<10000x128xf32, #tpu.memory_space<hbm>> -> memref<10000x128xf32, #tpu.memory_space<hbm>>
      tpu.wait_indirect_dma semaphore(%arg13 : memref<!tpu.dma_semaphore, #tpu.memory_space<semaphore_mem>>) src(%dma_wait3A_100 : memref<10000x128xf32, #tpu.memory_space<hbm>>) dst(%arg11 : memref<80x128xf32, #tpu.memory_space<vmem>>)
      "tpu.region"() ({
        %run_scoped3A = tpu.sem_alloc : memref<!tpu.dma_semaphore, #tpu.memory_space<semaphore_mem>>
        %dma_start3A_121 = arith.constant 0 : i32
        %dma_start3A_122 = arith.constant 0 : i32
        %dma_start3A_123 = tpu.memref_slice %arg12[%dma_start3A_121, %dma_start3A_122] : memref<10240x128xf32, #tpu.memory_space<vmem_shared>> -> memref<10240x128xf32, #tpu.memory_space<vmem_shared>>
        tpu.enqueue_indirect_dma source(%arg11 : memref<80x128xf32, #tpu.memory_space<vmem>>) target(%dma_start3A_123 : memref<10240x128xf32, #tpu.memory_space<vmem_shared>>) offsets(%arg10 : memref<80xi32, #tpu.memory_space<vmem>>) semaphore(%run_scoped3A : memref<!tpu.dma_semaphore, #tpu.memory_space<semaphore_mem>>) {add = true}
        %dma_wait3A_124 = arith.constant 0 : i32
        %dma_wait3A_125 = arith.constant 0 : i32
        %dma_wait3A_126 = tpu.memref_slice %arg12[%dma_wait3A_124, %dma_wait3A_125] : memref<10240x128xf32, #tpu.memory_space<vmem_shared>> -> memref<10240x128xf32, #tpu.memory_space<vmem_shared>>
        tpu.wait_indirect_dma semaphore(%run_scoped3A : memref<!tpu.dma_semaphore, #tpu.memory_space<semaphore_mem>>) src(%arg11 : memref<80x128xf32, #tpu.memory_space<vmem>>) dst(%dma_wait3A_126 : memref<10240x128xf32, #tpu.memory_space<vmem_shared>>)
        tpu.yield
      }) : () -> ()
      %dma_wait3A_101 = arith.constant 0 : i32
      %dma_wait3A_102 = tpu.memref_slice %arg3[%dma_wait3A_101] : memref<320160xi32, #tpu.memory_space<hbm>> -> memref<80xi32, #tpu.memory_space<hbm>>
      %dma_wait3A_103 = arith.constant 0 : i32
      %dma_wait3A_104 = tpu.memref_slice %arg3[%dma_wait3A_103] : memref<320160xi32, #tpu.memory_space<hbm>> -> memref<80xi32, #tpu.memory_space<hbm>>
      tpu.wait_dma2 semaphore(%arg14 : memref<!tpu.dma_semaphore, #tpu.memory_space<semaphore_mem>>) src(%dma_wait3A_104 : memref<80xi32, #tpu.memory_space<hbm>>) dst(%arg7 : memref<80xi32, #tpu.memory_space<vmem>>)
      %dma_wait3A_105 = arith.constant 0 : i32
      %dma_wait3A_106 = tpu.memref_slice %arg4[%dma_wait3A_105] : memref<320160xi32, #tpu.memory_space<hbm>> -> memref<80xi32, #tpu.memory_space<hbm>>
      %dma_wait3A_107 = arith.constant 0 : i32
      %dma_wait3A_108 = tpu.memref_slice %arg4[%dma_wait3A_107] : memref<320160xi32, #tpu.memory_space<hbm>> -> memref<80xi32, #tpu.memory_space<hbm>>
      tpu.wait_dma2 semaphore(%arg14 : memref<!tpu.dma_semaphore, #tpu.memory_space<semaphore_mem>>) src(%dma_wait3A_108 : memref<80xi32, #tpu.memory_space<hbm>>) dst(%arg8 : memref<80xi32, #tpu.memory_space<vmem>>)
      %add3A_109 = arith.constant 160 : i32
      %add3A_110 = arith.addi %add3A_80, %add3A_109 : i32
      %dma_start3A_111 = tpu.memref_slice %arg3[%add3A_110] : memref<320160xi32, #tpu.memory_space<hbm>> -> memref<80xi32, #tpu.memory_space<hbm>>
      %dma_start3A_112 = tpu.memref_slice %arg3[%add3A_110] : memref<320160xi32, #tpu.memory_space<hbm>> -> memref<80xi32, #tpu.memory_space<hbm>>
      tpu.enqueue_dma source(%dma_start3A_112 : memref<80xi32, #tpu.memory_space<hbm>>) target(%arg9 : memref<80xi32, #tpu.memory_space<vmem>>) target_semaphore(%arg15 : memref<!tpu.dma_semaphore, #tpu.memory_space<semaphore_mem>>)
      %dma_start3A_113 = tpu.memref_slice %arg4[%add3A_110] : memref<320160xi32, #tpu.memory_space<hbm>> -> memref<80xi32, #tpu.memory_space<hbm>>
      %dma_start3A_114 = tpu.memref_slice %arg4[%add3A_110] : memref<320160xi32, #tpu.memory_space<hbm>> -> memref<80xi32, #tpu.memory_space<hbm>>
      tpu.enqueue_dma source(%dma_start3A_114 : memref<80xi32, #tpu.memory_space<hbm>>) target(%arg10 : memref<80xi32, #tpu.memory_space<vmem>>) target_semaphore(%arg15 : memref<!tpu.dma_semaphore, #tpu.memory_space<semaphore_mem>>)
      %dma_start3A_115 = arith.constant 0 : i32
      %dma_start3A_116 = arith.constant 0 : i32
      %dma_start3A_117 = tpu.memref_slice %arg2[%dma_start3A_115, %dma_start3A_116] : memref<10000x128xf32, #tpu.memory_space<hbm>> -> memref<10000x128xf32, #tpu.memory_space<hbm>>
      tpu.enqueue_indirect_dma source(%dma_start3A_117 : memref<10000x128xf32, #tpu.memory_space<hbm>>) target(%arg11 : memref<80x128xf32, #tpu.memory_space<vmem>>) offsets(%arg7 : memref<80xi32, #tpu.memory_space<vmem>>) semaphore(%arg13 : memref<!tpu.dma_semaphore, #tpu.memory_space<semaphore_mem>>)
      %dma_wait3A_118 = arith.constant 0 : i32
      %dma_wait3A_119 = arith.constant 0 : i32
      %dma_wait3A_120 = tpu.memref_slice %arg2[%dma_wait3A_118, %dma_wait3A_119] : memref<10000x128xf32, #tpu.memory_space<hbm>> -> memref<10000x128xf32, #tpu.memory_space<hbm>>
      tpu.wait_indirect_dma semaphore(%arg13 : memref<!tpu.dma_semaphore, #tpu.memory_space<semaphore_mem>>) src(%dma_wait3A_120 : memref<10000x128xf32, #tpu.memory_space<hbm>>) dst(%arg11 : memref<80x128xf32, #tpu.memory_space<vmem>>)
      "tpu.region"() ({
        %run_scoped3A = tpu.sem_alloc : memref<!tpu.dma_semaphore, #tpu.memory_space<semaphore_mem>>
        %dma_start3A_121 = arith.constant 0 : i32
        %dma_start3A_122 = arith.constant 0 : i32
        %dma_start3A_123 = tpu.memref_slice %arg12[%dma_start3A_121, %dma_start3A_122] : memref<10240x128xf32, #tpu.memory_space<vmem_shared>> -> memref<10240x128xf32, #tpu.memory_space<vmem_shared>>
        tpu.enqueue_indirect_dma source(%arg11 : memref<80x128xf32, #tpu.memory_space<vmem>>) target(%dma_start3A_123 : memref<10240x128xf32, #tpu.memory_space<vmem_shared>>) offsets(%arg8 : memref<80xi32, #tpu.memory_space<vmem>>) semaphore(%run_scoped3A : memref<!tpu.dma_semaphore, #tpu.memory_space<semaphore_mem>>) {add = true}
        %dma_wait3A_124 = arith.constant 0 : i32
        %dma_wait3A_125 = arith.constant 0 : i32
        %dma_wait3A_126 = tpu.memref_slice %arg12[%dma_wait3A_124, %dma_wait3A_125] : memref<10240x128xf32, #tpu.memory_space<vmem_shared>> -> memref<10240x128xf32, #tpu.memory_space<vmem_shared>>
        tpu.wait_indirect_dma semaphore(%run_scoped3A : memref<!tpu.dma_semaphore, #tpu.memory_space<semaphore_mem>>) src(%arg11 : memref<80x128xf32, #tpu.memory_space<vmem>>) dst(%dma_wait3A_126 : memref<10240x128xf32, #tpu.memory_space<vmem_shared>>)
        tpu.yield
      }) : () -> ()
    }
    %scan3A_47 = arith.constant 62 : i32
    %dma_wait3A_48 = arith.constant 0 : i32
    %dma_wait3A_49 = tpu.memref_slice %arg3[%dma_wait3A_48] : memref<320160xi32, #tpu.memory_space<hbm>> -> memref<80xi32, #tpu.memory_space<hbm>>
    %dma_wait3A_50 = arith.constant 0 : i32
    %dma_wait3A_51 = tpu.memref_slice %arg3[%dma_wait3A_50] : memref<320160xi32, #tpu.memory_space<hbm>> -> memref<80xi32, #tpu.memory_space<hbm>>
    tpu.wait_dma2 semaphore(%arg15 : memref<!tpu.dma_semaphore, #tpu.memory_space<semaphore_mem>>) src(%dma_wait3A_51 : memref<80xi32, #tpu.memory_space<hbm>>) dst(%arg9 : memref<80xi32, #tpu.memory_space<vmem>>)
    %dma_wait3A_52 = arith.constant 0 : i32
    %dma_wait3A_53 = tpu.memref_slice %arg4[%dma_wait3A_52] : memref<320160xi32, #tpu.memory_space<hbm>> -> memref<80xi32, #tpu.memory_space<hbm>>
    %dma_wait3A_54 = arith.constant 0 : i32
    %dma_wait3A_55 = tpu.memref_slice %arg4[%dma_wait3A_54] : memref<320160xi32, #tpu.memory_space<hbm>> -> memref<80xi32, #tpu.memory_space<hbm>>
    tpu.wait_dma2 semaphore(%arg15 : memref<!tpu.dma_semaphore, #tpu.memory_space<semaphore_mem>>) src(%dma_wait3A_55 : memref<80xi32, #tpu.memory_space<hbm>>) dst(%arg10 : memref<80xi32, #tpu.memory_space<vmem>>)
    %barrier3A_56 = arith.constant 0 : index
    tpu.barrier barrier_id(%barrier3A_56)
    %add3A_57 = arith.constant 0 : i32
    %add3A_58 = arith.addi %mul3A_2, %add3A_57 : i32
    "tpu.region"() ({
      %run_scoped3A = tpu.sem_alloc : memref<!tpu.dma_semaphore, #tpu.memory_space<semaphore_mem>>
      %dma_start3A_73 = arith.constant 0 : i32
      %dma_start3A_74 = tpu.memref_slice %arg12[%add3A_58, %dma_start3A_73] : memref<10240x128xf32, #tpu.memory_space<vmem_shared>> -> memref<80x128xf32, #tpu.memory_space<vmem_shared>>
      %dma_start3A_75 = arith.constant 0 : i32
      %dma_start3A_76 = tpu.memref_slice %arg12[%add3A_58, %dma_start3A_75] : memref<10240x128xf32, #tpu.memory_space<vmem_shared>> -> memref<80x128xf32, #tpu.memory_space<vmem_shared>>
      tpu.enqueue_dma source(%dma_start3A_76 : memref<80x128xf32, #tpu.memory_space<vmem_shared>>) target(%arg11 : memref<80x128xf32, #tpu.memory_space<vmem>>) target_semaphore(%run_scoped3A : memref<!tpu.dma_semaphore, #tpu.memory_space<semaphore_mem>>)
      %dma_wait3A_77 = arith.constant 0 : i32
      %dma_wait3A_78 = tpu.memref_slice %arg12[%add3A_58, %dma_wait3A_77] : memref<10240x128xf32, #tpu.memory_space<vmem_shared>> -> memref<80x128xf32, #tpu.memory_space<vmem_shared>>
      %dma_wait3A_79 = arith.constant 0 : i32
      %dma_wait3A_80 = tpu.memref_slice %arg12[%add3A_58, %dma_wait3A_79] : memref<10240x128xf32, #tpu.memory_space<vmem_shared>> -> memref<80x128xf32, #tpu.memory_space<vmem_shared>>
      tpu.wait_dma2 semaphore(%run_scoped3A : memref<!tpu.dma_semaphore, #tpu.memory_space<semaphore_mem>>) src(%dma_wait3A_80 : memref<80x128xf32, #tpu.memory_space<vmem_shared>>) dst(%arg11 : memref<80x128xf32, #tpu.memory_space<vmem>>)
      tpu.yield
    }) : () -> ()
    "tpu.region"() ({
      %run_scoped3A = tpu.sem_alloc : memref<!tpu.dma_semaphore, #tpu.memory_space<semaphore_mem>>
      %dma_start3A_73 = arith.constant 0 : i32
      %dma_start3A_74 = tpu.memref_slice %arg6[%arg0, %add3A_58, %dma_start3A_73] : memref<2x10240x128xf32, #tpu.memory_space<hbm>> -> memref<1x80x128xf32, #tpu.memory_space<hbm>>
      %dma_start3A_75 = tpu.memref_squeeze %dma_start3A_74 : memref<1x80x128xf32, #tpu.memory_space<hbm>> -> memref<80x128xf32, #tpu.memory_space<hbm>>
      %dma_start3A_76 = arith.constant 0 : i32
      %dma_start3A_77 = tpu.memref_slice %arg6[%arg0, %add3A_58, %dma_start3A_76] : memref<2x10240x128xf32, #tpu.memory_space<hbm>> -> memref<1x80x128xf32, #tpu.memory_space<hbm>>
      %dma_start3A_78 = tpu.memref_squeeze %dma_start3A_77 : memref<1x80x128xf32, #tpu.memory_space<hbm>> -> memref<80x128xf32, #tpu.memory_space<hbm>>
      tpu.enqueue_dma source(%arg11 : memref<80x128xf32, #tpu.memory_space<vmem>>) target(%dma_start3A_78 : memref<80x128xf32, #tpu.memory_space<hbm>>) target_semaphore(%run_scoped3A : memref<!tpu.dma_semaphore, #tpu.memory_space<semaphore_mem>>)
      %dma_wait3A_79 = arith.constant 0 : i32
      %dma_wait3A_80 = tpu.memref_slice %arg6[%arg0, %add3A_58, %dma_wait3A_79] : memref<2x10240x128xf32, #tpu.memory_space<hbm>> -> memref<1x80x128xf32, #tpu.memory_space<hbm>>
      %dma_wait3A_81 = tpu.memref_squeeze %dma_wait3A_80 : memref<1x80x128xf32, #tpu.memory_space<hbm>> -> memref<80x128xf32, #tpu.memory_space<hbm>>
      %dma_wait3A_82 = arith.constant 0 : i32
      %dma_wait3A_83 = tpu.memref_slice %arg6[%arg0, %add3A_58, %dma_wait3A_82] : memref<2x10240x128xf32, #tpu.memory_space<hbm>> -> memref<1x80x128xf32, #tpu.memory_space<hbm>>
      %dma_wait3A_84 = tpu.memref_squeeze %dma_wait3A_83 : memref<1x80x128xf32, #tpu.memory_space<hbm>> -> memref<80x128xf32, #tpu.memory_space<hbm>>
      tpu.wait_dma2 semaphore(%run_scoped3A : memref<!tpu.dma_semaphore, #tpu.memory_space<semaphore_mem>>) src(%arg11 : memref<80x128xf32, #tpu.memory_space<vmem>>) dst(%dma_wait3A_84 : memref<80x128xf32, #tpu.memory_space<hbm>>)
      tpu.yield
    }) : () -> ()
    %add3A_59 = arith.constant 80 : i32
    %add3A_60 = arith.addi %mul3A_2, %add3A_59 : i32
    "tpu.region"() ({
      %run_scoped3A = tpu.sem_alloc : memref<!tpu.dma_semaphore, #tpu.memory_space<semaphore_mem>>
      %dma_start3A_73 = arith.constant 0 : i32
      %dma_start3A_74 = tpu.memref_slice %arg12[%add3A_60, %dma_start3A_73] : memref<10240x128xf32, #tpu.memory_space<vmem_shared>> -> memref<80x128xf32, #tpu.memory_space<vmem_shared>>
      %dma_start3A_75 = arith.constant 0 : i32
      %dma_start3A_76 = tpu.memref_slice %arg12[%add3A_60, %dma_start3A_75] : memref<10240x128xf32, #tpu.memory_space<vmem_shared>> -> memref<80x128xf32, #tpu.memory_space<vmem_shared>>
      tpu.enqueue_dma source(%dma_start3A_76 : memref<80x128xf32, #tpu.memory_space<vmem_shared>>) target(%arg11 : memref<80x128xf32, #tpu.memory_space<vmem>>) target_semaphore(%run_scoped3A : memref<!tpu.dma_semaphore, #tpu.memory_space<semaphore_mem>>)
      %dma_wait3A_77 = arith.constant 0 : i32
      %dma_wait3A_78 = tpu.memref_slice %arg12[%add3A_60, %dma_wait3A_77] : memref<10240x128xf32, #tpu.memory_space<vmem_shared>> -> memref<80x128xf32, #tpu.memory_space<vmem_shared>>
      %dma_wait3A_79 = arith.constant 0 : i32
      %dma_wait3A_80 = tpu.memref_slice %arg12[%add3A_60, %dma_wait3A_79] : memref<10240x128xf32, #tpu.memory_space<vmem_shared>> -> memref<80x128xf32, #tpu.memory_space<vmem_shared>>
      tpu.wait_dma2 semaphore(%run_scoped3A : memref<!tpu.dma_semaphore, #tpu.memory_space<semaphore_mem>>) src(%dma_wait3A_80 : memref<80x128xf32, #tpu.memory_space<vmem_shared>>) dst(%arg11 : memref<80x128xf32, #tpu.memory_space<vmem>>)
      tpu.yield
    }) : () -> ()
    "tpu.region"() ({
      %run_scoped3A = tpu.sem_alloc : memref<!tpu.dma_semaphore, #tpu.memory_space<semaphore_mem>>
      %dma_start3A_73 = arith.constant 0 : i32
      %dma_start3A_74 = tpu.memref_slice %arg6[%arg0, %add3A_60, %dma_start3A_73] : memref<2x10240x128xf32, #tpu.memory_space<hbm>> -> memref<1x80x128xf32, #tpu.memory_space<hbm>>
      %dma_start3A_75 = tpu.memref_squeeze %dma_start3A_74 : memref<1x80x128xf32, #tpu.memory_space<hbm>> -> memref<80x128xf32, #tpu.memory_space<hbm>>
      %dma_start3A_76 = arith.constant 0 : i32
      %dma_start3A_77 = tpu.memref_slice %arg6[%arg0, %add3A_60, %dma_start3A_76] : memref<2x10240x128xf32, #tpu.memory_space<hbm>> -> memref<1x80x128xf32, #tpu.memory_space<hbm>>
      %dma_start3A_78 = tpu.memref_squeeze %dma_start3A_77 : memref<1x80x128xf32, #tpu.memory_space<hbm>> -> memref<80x128xf32, #tpu.memory_space<hbm>>
      tpu.enqueue_dma source(%arg11 : memref<80x128xf32, #tpu.memory_space<vmem>>) target(%dma_start3A_78 : memref<80x128xf32, #tpu.memory_space<hbm>>) target_semaphore(%run_scoped3A : memref<!tpu.dma_semaphore, #tpu.memory_space<semaphore_mem>>)
      %dma_wait3A_79 = arith.constant 0 : i32
      %dma_wait3A_80 = tpu.memref_slice %arg6[%arg0, %add3A_60, %dma_wait3A_79] : memref<2x10240x128xf32, #tpu.memory_space<hbm>> -> memref<1x80x128xf32, #tpu.memory_space<hbm>>
      %dma_wait3A_81 = tpu.memref_squeeze %dma_wait3A_80 : memref<1x80x128xf32, #tpu.memory_space<hbm>> -> memref<80x128xf32, #tpu.memory_space<hbm>>
      %dma_wait3A_82 = arith.constant 0 : i32
      %dma_wait3A_83 = tpu.memref_slice %arg6[%arg0, %add3A_60, %dma_wait3A_82] : memref<2x10240x128xf32, #tpu.memory_space<hbm>> -> memref<1x80x128xf32, #tpu.memory_space<hbm>>
      %dma_wait3A_84 = tpu.memref_squeeze %dma_wait3A_83 : memref<1x80x128xf32, #tpu.memory_space<hbm>> -> memref<80x128xf32, #tpu.memory_space<hbm>>
      tpu.wait_dma2 semaphore(%run_scoped3A : memref<!tpu.dma_semaphore, #tpu.memory_space<semaphore_mem>>) src(%arg11 : memref<80x128xf32, #tpu.memory_space<vmem>>) dst(%dma_wait3A_84 : memref<80x128xf32, #tpu.memory_space<hbm>>)
      tpu.yield
    }) : () -> ()
    %add3A_61 = arith.constant 160 : i32
    %add3A_62 = arith.addi %mul3A_2, %add3A_61 : i32
    "tpu.region"() ({
      %run_scoped3A = tpu.sem_alloc : memref<!tpu.dma_semaphore, #tpu.memory_space<semaphore_mem>>
      %dma_start3A_73 = arith.constant 0 : i32
      %dma_start3A_74 = tpu.memref_slice %arg12[%add3A_62, %dma_start3A_73] : memref<10240x128xf32, #tpu.memory_space<vmem_shared>> -> memref<80x128xf32, #tpu.memory_space<vmem_shared>>
      %dma_start3A_75 = arith.constant 0 : i32
      %dma_start3A_76 = tpu.memref_slice %arg12[%add3A_62, %dma_start3A_75] : memref<10240x128xf32, #tpu.memory_space<vmem_shared>> -> memref<80x128xf32, #tpu.memory_space<vmem_shared>>
      tpu.enqueue_dma source(%dma_start3A_76 : memref<80x128xf32, #tpu.memory_space<vmem_shared>>) target(%arg11 : memref<80x128xf32, #tpu.memory_space<vmem>>) target_semaphore(%run_scoped3A : memref<!tpu.dma_semaphore, #tpu.memory_space<semaphore_mem>>)
      %dma_wait3A_77 = arith.constant 0 : i32
      %dma_wait3A_78 = tpu.memref_slice %arg12[%add3A_62, %dma_wait3A_77] : memref<10240x128xf32, #tpu.memory_space<vmem_shared>> -> memref<80x128xf32, #tpu.memory_space<vmem_shared>>
      %dma_wait3A_79 = arith.constant 0 : i32
      %dma_wait3A_80 = tpu.memref_slice %arg12[%add3A_62, %dma_wait3A_79] : memref<10240x128xf32, #tpu.memory_space<vmem_shared>> -> memref<80x128xf32, #tpu.memory_space<vmem_shared>>
      tpu.wait_dma2 semaphore(%run_scoped3A : memref<!tpu.dma_semaphore, #tpu.memory_space<semaphore_mem>>) src(%dma_wait3A_80 : memref<80x128xf32, #tpu.memory_space<vmem_shared>>) dst(%arg11 : memref<80x128xf32, #tpu.memory_space<vmem>>)
      tpu.yield
    }) : () -> ()
    "tpu.region"() ({
      %run_scoped3A = tpu.sem_alloc : memref<!tpu.dma_semaphore, #tpu.memory_space<semaphore_mem>>
      %dma_start3A_73 = arith.constant 0 : i32
      %dma_start3A_74 = tpu.memref_slice %arg6[%arg0, %add3A_62, %dma_start3A_73] : memref<2x10240x128xf32, #tpu.memory_space<hbm>> -> memref<1x80x128xf32, #tpu.memory_space<hbm>>
      %dma_start3A_75 = tpu.memref_squeeze %dma_start3A_74 : memref<1x80x128xf32, #tpu.memory_space<hbm>> -> memref<80x128xf32, #tpu.memory_space<hbm>>
      %dma_start3A_76 = arith.constant 0 : i32
      %dma_start3A_77 = tpu.memref_slice %arg6[%arg0, %add3A_62, %dma_start3A_76] : memref<2x10240x128xf32, #tpu.memory_space<hbm>> -> memref<1x80x128xf32, #tpu.memory_space<hbm>>
      %dma_start3A_78 = tpu.memref_squeeze %dma_start3A_77 : memref<1x80x128xf32, #tpu.memory_space<hbm>> -> memref<80x128xf32, #tpu.memory_space<hbm>>
      tpu.enqueue_dma source(%arg11 : memref<80x128xf32, #tpu.memory_space<vmem>>) target(%dma_start3A_78 : memref<80x128xf32, #tpu.memory_space<hbm>>) target_semaphore(%run_scoped3A : memref<!tpu.dma_semaphore, #tpu.memory_space<semaphore_mem>>)
      %dma_wait3A_79 = arith.constant 0 : i32
      %dma_wait3A_80 = tpu.memref_slice %arg6[%arg0, %add3A_62, %dma_wait3A_79] : memref<2x10240x128xf32, #tpu.memory_space<hbm>> -> memref<1x80x128xf32, #tpu.memory_space<hbm>>
      %dma_wait3A_81 = tpu.memref_squeeze %dma_wait3A_80 : memref<1x80x128xf32, #tpu.memory_space<hbm>> -> memref<80x128xf32, #tpu.memory_space<hbm>>
      %dma_wait3A_82 = arith.constant 0 : i32
      %dma_wait3A_83 = tpu.memref_slice %arg6[%arg0, %add3A_62, %dma_wait3A_82] : memref<2x10240x128xf32, #tpu.memory_space<hbm>> -> memref<1x80x128xf32, #tpu.memory_space<hbm>>
      %dma_wait3A_84 = tpu.memref_squeeze %dma_wait3A_83 : memref<1x80x128xf32, #tpu.memory_space<hbm>> -> memref<80x128xf32, #tpu.memory_space<hbm>>
      tpu.wait_dma2 semaphore(%run_scoped3A : memref<!tpu.dma_semaphore, #tpu.memory_space<semaphore_mem>>) src(%arg11 : memref<80x128xf32, #tpu.memory_space<vmem>>) dst(%dma_wait3A_84 : memref<80x128xf32, #tpu.memory_space<hbm>>)
      tpu.yield
    }) : () -> ()
    %add3A_63 = arith.constant 240 : i32
    %add3A_64 = arith.addi %mul3A_2, %add3A_63 : i32
    "tpu.region"() ({
      %run_scoped3A = tpu.sem_alloc : memref<!tpu.dma_semaphore, #tpu.memory_space<semaphore_mem>>
      %dma_start3A_73 = arith.constant 0 : i32
      %dma_start3A_74 = tpu.memref_slice %arg12[%add3A_64, %dma_start3A_73] : memref<10240x128xf32, #tpu.memory_space<vmem_shared>> -> memref<80x128xf32, #tpu.memory_space<vmem_shared>>
      %dma_start3A_75 = arith.constant 0 : i32
      %dma_start3A_76 = tpu.memref_slice %arg12[%add3A_64, %dma_start3A_75] : memref<10240x128xf32, #tpu.memory_space<vmem_shared>> -> memref<80x128xf32, #tpu.memory_space<vmem_shared>>
      tpu.enqueue_dma source(%dma_start3A_76 : memref<80x128xf32, #tpu.memory_space<vmem_shared>>) target(%arg11 : memref<80x128xf32, #tpu.memory_space<vmem>>) target_semaphore(%run_scoped3A : memref<!tpu.dma_semaphore, #tpu.memory_space<semaphore_mem>>)
      %dma_wait3A_77 = arith.constant 0 : i32
      %dma_wait3A_78 = tpu.memref_slice %arg12[%add3A_64, %dma_wait3A_77] : memref<10240x128xf32, #tpu.memory_space<vmem_shared>> -> memref<80x128xf32, #tpu.memory_space<vmem_shared>>
      %dma_wait3A_79 = arith.constant 0 : i32
      %dma_wait3A_80 = tpu.memref_slice %arg12[%add3A_64, %dma_wait3A_79] : memref<10240x128xf32, #tpu.memory_space<vmem_shared>> -> memref<80x128xf32, #tpu.memory_space<vmem_shared>>
      tpu.wait_dma2 semaphore(%run_scoped3A : memref<!tpu.dma_semaphore, #tpu.memory_space<semaphore_mem>>) src(%dma_wait3A_80 : memref<80x128xf32, #tpu.memory_space<vmem_shared>>) dst(%arg11 : memref<80x128xf32, #tpu.memory_space<vmem>>)
      tpu.yield
    }) : () -> ()
    "tpu.region"() ({
      %run_scoped3A = tpu.sem_alloc : memref<!tpu.dma_semaphore, #tpu.memory_space<semaphore_mem>>
      %dma_start3A_73 = arith.constant 0 : i32
      %dma_start3A_74 = tpu.memref_slice %arg6[%arg0, %add3A_64, %dma_start3A_73] : memref<2x10240x128xf32, #tpu.memory_space<hbm>> -> memref<1x80x128xf32, #tpu.memory_space<hbm>>
      %dma_start3A_75 = tpu.memref_squeeze %dma_start3A_74 : memref<1x80x128xf32, #tpu.memory_space<hbm>> -> memref<80x128xf32, #tpu.memory_space<hbm>>
      %dma_start3A_76 = arith.constant 0 : i32
      %dma_start3A_77 = tpu.memref_slice %arg6[%arg0, %add3A_64, %dma_start3A_76] : memref<2x10240x128xf32, #tpu.memory_space<hbm>> -> memref<1x80x128xf32, #tpu.memory_space<hbm>>
      %dma_start3A_78 = tpu.memref_squeeze %dma_start3A_77 : memref<1x80x128xf32, #tpu.memory_space<hbm>> -> memref<80x128xf32, #tpu.memory_space<hbm>>
      tpu.enqueue_dma source(%arg11 : memref<80x128xf32, #tpu.memory_space<vmem>>) target(%dma_start3A_78 : memref<80x128xf32, #tpu.memory_space<hbm>>) target_semaphore(%run_scoped3A : memref<!tpu.dma_semaphore, #tpu.memory_space<semaphore_mem>>)
      %dma_wait3A_79 = arith.constant 0 : i32
      %dma_wait3A_80 = tpu.memref_slice %arg6[%arg0, %add3A_64, %dma_wait3A_79] : memref<2x10240x128xf32, #tpu.memory_space<hbm>> -> memref<1x80x128xf32, #tpu.memory_space<hbm>>
      %dma_wait3A_81 = tpu.memref_squeeze %dma_wait3A_80 : memref<1x80x128xf32, #tpu.memory_space<hbm>> -> memref<80x128xf32, #tpu.memory_space<hbm>>
      %dma_wait3A_82 = arith.constant 0 : i32
      %dma_wait3A_83 = tpu.memref_slice %arg6[%arg0, %add3A_64, %dma_wait3A_82] : memref<2x10240x128xf32, #tpu.memory_space<hbm>> -> memref<1x80x128xf32, #tpu.memory_space<hbm>>
      %dma_wait3A_84 = tpu.memref_squeeze %dma_wait3A_83 : memref<1x80x128xf32, #tpu.memory_space<hbm>> -> memref<80x128xf32, #tpu.memory_space<hbm>>
      tpu.wait_dma2 semaphore(%run_scoped3A : memref<!tpu.dma_semaphore, #tpu.memory_space<semaphore_mem>>) src(%arg11 : memref<80x128xf32, #tpu.memory_space<vmem>>) dst(%dma_wait3A_84 : memref<80x128xf32, #tpu.memory_space<hbm>>)
      tpu.yield
    }) : () -> ()
    %add3A_65 = arith.constant 320 : i32
    %add3A_66 = arith.addi %mul3A_2, %add3A_65 : i32
    "tpu.region"() ({
      %run_scoped3A = tpu.sem_alloc : memref<!tpu.dma_semaphore, #tpu.memory_space<semaphore_mem>>
      %dma_start3A_73 = arith.constant 0 : i32
      %dma_start3A_74 = tpu.memref_slice %arg12[%add3A_66, %dma_start3A_73] : memref<10240x128xf32, #tpu.memory_space<vmem_shared>> -> memref<80x128xf32, #tpu.memory_space<vmem_shared>>
      %dma_start3A_75 = arith.constant 0 : i32
      %dma_start3A_76 = tpu.memref_slice %arg12[%add3A_66, %dma_start3A_75] : memref<10240x128xf32, #tpu.memory_space<vmem_shared>> -> memref<80x128xf32, #tpu.memory_space<vmem_shared>>
      tpu.enqueue_dma source(%dma_start3A_76 : memref<80x128xf32, #tpu.memory_space<vmem_shared>>) target(%arg11 : memref<80x128xf32, #tpu.memory_space<vmem>>) target_semaphore(%run_scoped3A : memref<!tpu.dma_semaphore, #tpu.memory_space<semaphore_mem>>)
      %dma_wait3A_77 = arith.constant 0 : i32
      %dma_wait3A_78 = tpu.memref_slice %arg12[%add3A_66, %dma_wait3A_77] : memref<10240x128xf32, #tpu.memory_space<vmem_shared>> -> memref<80x128xf32, #tpu.memory_space<vmem_shared>>
      %dma_wait3A_79 = arith.constant 0 : i32
      %dma_wait3A_80 = tpu.memref_slice %arg12[%add3A_66, %dma_wait3A_79] : memref<10240x128xf32, #tpu.memory_space<vmem_shared>> -> memref<80x128xf32, #tpu.memory_space<vmem_shared>>
      tpu.wait_dma2 semaphore(%run_scoped3A : memref<!tpu.dma_semaphore, #tpu.memory_space<semaphore_mem>>) src(%dma_wait3A_80 : memref<80x128xf32, #tpu.memory_space<vmem_shared>>) dst(%arg11 : memref<80x128xf32, #tpu.memory_space<vmem>>)
      tpu.yield
    }) : () -> ()
    "tpu.region"() ({
      %run_scoped3A = tpu.sem_alloc : memref<!tpu.dma_semaphore, #tpu.memory_space<semaphore_mem>>
      %dma_start3A_73 = arith.constant 0 : i32
      %dma_start3A_74 = tpu.memref_slice %arg6[%arg0, %add3A_66, %dma_start3A_73] : memref<2x10240x128xf32, #tpu.memory_space<hbm>> -> memref<1x80x128xf32, #tpu.memory_space<hbm>>
      %dma_start3A_75 = tpu.memref_squeeze %dma_start3A_74 : memref<1x80x128xf32, #tpu.memory_space<hbm>> -> memref<80x128xf32, #tpu.memory_space<hbm>>
      %dma_start3A_76 = arith.constant 0 : i32
      %dma_start3A_77 = tpu.memref_slice %arg6[%arg0, %add3A_66, %dma_start3A_76] : memref<2x10240x128xf32, #tpu.memory_space<hbm>> -> memref<1x80x128xf32, #tpu.memory_space<hbm>>
      %dma_start3A_78 = tpu.memref_squeeze %dma_start3A_77 : memref<1x80x128xf32, #tpu.memory_space<hbm>> -> memref<80x128xf32, #tpu.memory_space<hbm>>
      tpu.enqueue_dma source(%arg11 : memref<80x128xf32, #tpu.memory_space<vmem>>) target(%dma_start3A_78 : memref<80x128xf32, #tpu.memory_space<hbm>>) target_semaphore(%run_scoped3A : memref<!tpu.dma_semaphore, #tpu.memory_space<semaphore_mem>>)
      %dma_wait3A_79 = arith.constant 0 : i32
      %dma_wait3A_80 = tpu.memref_slice %arg6[%arg0, %add3A_66, %dma_wait3A_79] : memref<2x10240x128xf32, #tpu.memory_space<hbm>> -> memref<1x80x128xf32, #tpu.memory_space<hbm>>
      %dma_wait3A_81 = tpu.memref_squeeze %dma_wait3A_80 : memref<1x80x128xf32, #tpu.memory_space<hbm>> -> memref<80x128xf32, #tpu.memory_space<hbm>>
      %dma_wait3A_82 = arith.constant 0 : i32
      %dma_wait3A_83 = tpu.memref_slice %arg6[%arg0, %add3A_66, %dma_wait3A_82] : memref<2x10240x128xf32, #tpu.memory_space<hbm>> -> memref<1x80x128xf32, #tpu.memory_space<hbm>>
      %dma_wait3A_84 = tpu.memref_squeeze %dma_wait3A_83 : memref<1x80x128xf32, #tpu.memory_space<hbm>> -> memref<80x128xf32, #tpu.memory_space<hbm>>
      tpu.wait_dma2 semaphore(%run_scoped3A : memref<!tpu.dma_semaphore, #tpu.memory_space<semaphore_mem>>) src(%arg11 : memref<80x128xf32, #tpu.memory_space<vmem>>) dst(%dma_wait3A_84 : memref<80x128xf32, #tpu.memory_space<hbm>>)
      tpu.yield
    }) : () -> ()
    %add3A_67 = arith.constant 400 : i32
    %add3A_68 = arith.addi %mul3A_2, %add3A_67 : i32
    "tpu.region"() ({
      %run_scoped3A = tpu.sem_alloc : memref<!tpu.dma_semaphore, #tpu.memory_space<semaphore_mem>>
      %dma_start3A_73 = arith.constant 0 : i32
      %dma_start3A_74 = tpu.memref_slice %arg12[%add3A_68, %dma_start3A_73] : memref<10240x128xf32, #tpu.memory_space<vmem_shared>> -> memref<80x128xf32, #tpu.memory_space<vmem_shared>>
      %dma_start3A_75 = arith.constant 0 : i32
      %dma_start3A_76 = tpu.memref_slice %arg12[%add3A_68, %dma_start3A_75] : memref<10240x128xf32, #tpu.memory_space<vmem_shared>> -> memref<80x128xf32, #tpu.memory_space<vmem_shared>>
      tpu.enqueue_dma source(%dma_start3A_76 : memref<80x128xf32, #tpu.memory_space<vmem_shared>>) target(%arg11 : memref<80x128xf32, #tpu.memory_space<vmem>>) target_semaphore(%run_scoped3A : memref<!tpu.dma_semaphore, #tpu.memory_space<semaphore_mem>>)
      %dma_wait3A_77 = arith.constant 0 : i32
      %dma_wait3A_78 = tpu.memref_slice %arg12[%add3A_68, %dma_wait3A_77] : memref<10240x128xf32, #tpu.memory_space<vmem_shared>> -> memref<80x128xf32, #tpu.memory_space<vmem_shared>>
      %dma_wait3A_79 = arith.constant 0 : i32
      %dma_wait3A_80 = tpu.memref_slice %arg12[%add3A_68, %dma_wait3A_79] : memref<10240x128xf32, #tpu.memory_space<vmem_shared>> -> memref<80x128xf32, #tpu.memory_space<vmem_shared>>
      tpu.wait_dma2 semaphore(%run_scoped3A : memref<!tpu.dma_semaphore, #tpu.memory_space<semaphore_mem>>) src(%dma_wait3A_80 : memref<80x128xf32, #tpu.memory_space<vmem_shared>>) dst(%arg11 : memref<80x128xf32, #tpu.memory_space<vmem>>)
      tpu.yield
    }) : () -> ()
    "tpu.region"() ({
      %run_scoped3A = tpu.sem_alloc : memref<!tpu.dma_semaphore, #tpu.memory_space<semaphore_mem>>
      %dma_start3A_73 = arith.constant 0 : i32
      %dma_start3A_74 = tpu.memref_slice %arg6[%arg0, %add3A_68, %dma_start3A_73] : memref<2x10240x128xf32, #tpu.memory_space<hbm>> -> memref<1x80x128xf32, #tpu.memory_space<hbm>>
      %dma_start3A_75 = tpu.memref_squeeze %dma_start3A_74 : memref<1x80x128xf32, #tpu.memory_space<hbm>> -> memref<80x128xf32, #tpu.memory_space<hbm>>
      %dma_start3A_76 = arith.constant 0 : i32
      %dma_start3A_77 = tpu.memref_slice %arg6[%arg0, %add3A_68, %dma_start3A_76] : memref<2x10240x128xf32, #tpu.memory_space<hbm>> -> memref<1x80x128xf32, #tpu.memory_space<hbm>>
      %dma_start3A_78 = tpu.memref_squeeze %dma_start3A_77 : memref<1x80x128xf32, #tpu.memory_space<hbm>> -> memref<80x128xf32, #tpu.memory_space<hbm>>
      tpu.enqueue_dma source(%arg11 : memref<80x128xf32, #tpu.memory_space<vmem>>) target(%dma_start3A_78 : memref<80x128xf32, #tpu.memory_space<hbm>>) target_semaphore(%run_scoped3A : memref<!tpu.dma_semaphore, #tpu.memory_space<semaphore_mem>>)
      %dma_wait3A_79 = arith.constant 0 : i32
      %dma_wait3A_80 = tpu.memref_slice %arg6[%arg0, %add3A_68, %dma_wait3A_79] : memref<2x10240x128xf32, #tpu.memory_space<hbm>> -> memref<1x80x128xf32, #tpu.memory_space<hbm>>
      %dma_wait3A_81 = tpu.memref_squeeze %dma_wait3A_80 : memref<1x80x128xf32, #tpu.memory_space<hbm>> -> memref<80x128xf32, #tpu.memory_space<hbm>>
      %dma_wait3A_82 = arith.constant 0 : i32
      %dma_wait3A_83 = tpu.memref_slice %arg6[%arg0, %add3A_68, %dma_wait3A_82] : memref<2x10240x128xf32, #tpu.memory_space<hbm>> -> memref<1x80x128xf32, #tpu.memory_space<hbm>>
      %dma_wait3A_84 = tpu.memref_squeeze %dma_wait3A_83 : memref<1x80x128xf32, #tpu.memory_space<hbm>> -> memref<80x128xf32, #tpu.memory_space<hbm>>
      tpu.wait_dma2 semaphore(%run_scoped3A : memref<!tpu.dma_semaphore, #tpu.memory_space<semaphore_mem>>) src(%arg11 : memref<80x128xf32, #tpu.memory_space<vmem>>) dst(%dma_wait3A_84 : memref<80x128xf32, #tpu.memory_space<hbm>>)
      tpu.yield
    }) : () -> ()
    %add3A_69 = arith.constant 480 : i32
    %add3A_70 = arith.addi %mul3A_2, %add3A_69 : i32
    "tpu.region"() ({
      %run_scoped3A = tpu.sem_alloc : memref<!tpu.dma_semaphore, #tpu.memory_space<semaphore_mem>>
      %dma_start3A_73 = arith.constant 0 : i32
      %dma_start3A_74 = tpu.memref_slice %arg12[%add3A_70, %dma_start3A_73] : memref<10240x128xf32, #tpu.memory_space<vmem_shared>> -> memref<80x128xf32, #tpu.memory_space<vmem_shared>>
      %dma_start3A_75 = arith.constant 0 : i32
      %dma_start3A_76 = tpu.memref_slice %arg12[%add3A_70, %dma_start3A_75] : memref<10240x128xf32, #tpu.memory_space<vmem_shared>> -> memref<80x128xf32, #tpu.memory_space<vmem_shared>>
      tpu.enqueue_dma source(%dma_start3A_76 : memref<80x128xf32, #tpu.memory_space<vmem_shared>>) target(%arg11 : memref<80x128xf32, #tpu.memory_space<vmem>>) target_semaphore(%run_scoped3A : memref<!tpu.dma_semaphore, #tpu.memory_space<semaphore_mem>>)
      %dma_wait3A_77 = arith.constant 0 : i32
      %dma_wait3A_78 = tpu.memref_slice %arg12[%add3A_70, %dma_wait3A_77] : memref<10240x128xf32, #tpu.memory_space<vmem_shared>> -> memref<80x128xf32, #tpu.memory_space<vmem_shared>>
      %dma_wait3A_79 = arith.constant 0 : i32
      %dma_wait3A_80 = tpu.memref_slice %arg12[%add3A_70, %dma_wait3A_79] : memref<10240x128xf32, #tpu.memory_space<vmem_shared>> -> memref<80x128xf32, #tpu.memory_space<vmem_shared>>
      tpu.wait_dma2 semaphore(%run_scoped3A : memref<!tpu.dma_semaphore, #tpu.memory_space<semaphore_mem>>) src(%dma_wait3A_80 : memref<80x128xf32, #tpu.memory_space<vmem_shared>>) dst(%arg11 : memref<80x128xf32, #tpu.memory_space<vmem>>)
      tpu.yield
    }) : () -> ()
    "tpu.region"() ({
      %run_scoped3A = tpu.sem_alloc : memref<!tpu.dma_semaphore, #tpu.memory_space<semaphore_mem>>
      %dma_start3A_73 = arith.constant 0 : i32
      %dma_start3A_74 = tpu.memref_slice %arg6[%arg0, %add3A_70, %dma_start3A_73] : memref<2x10240x128xf32, #tpu.memory_space<hbm>> -> memref<1x80x128xf32, #tpu.memory_space<hbm>>
      %dma_start3A_75 = tpu.memref_squeeze %dma_start3A_74 : memref<1x80x128xf32, #tpu.memory_space<hbm>> -> memref<80x128xf32, #tpu.memory_space<hbm>>
      %dma_start3A_76 = arith.constant 0 : i32
      %dma_start3A_77 = tpu.memref_slice %arg6[%arg0, %add3A_70, %dma_start3A_76] : memref<2x10240x128xf32, #tpu.memory_space<hbm>> -> memref<1x80x128xf32, #tpu.memory_space<hbm>>
      %dma_start3A_78 = tpu.memref_squeeze %dma_start3A_77 : memref<1x80x128xf32, #tpu.memory_space<hbm>> -> memref<80x128xf32, #tpu.memory_space<hbm>>
      tpu.enqueue_dma source(%arg11 : memref<80x128xf32, #tpu.memory_space<vmem>>) target(%dma_start3A_78 : memref<80x128xf32, #tpu.memory_space<hbm>>) target_semaphore(%run_scoped3A : memref<!tpu.dma_semaphore, #tpu.memory_space<semaphore_mem>>)
      %dma_wait3A_79 = arith.constant 0 : i32
      %dma_wait3A_80 = tpu.memref_slice %arg6[%arg0, %add3A_70, %dma_wait3A_79] : memref<2x10240x128xf32, #tpu.memory_space<hbm>> -> memref<1x80x128xf32, #tpu.memory_space<hbm>>
      %dma_wait3A_81 = tpu.memref_squeeze %dma_wait3A_80 : memref<1x80x128xf32, #tpu.memory_space<hbm>> -> memref<80x128xf32, #tpu.memory_space<hbm>>
      %dma_wait3A_82 = arith.constant 0 : i32
      %dma_wait3A_83 = tpu.memref_slice %arg6[%arg0, %add3A_70, %dma_wait3A_82] : memref<2x10240x128xf32, #tpu.memory_space<hbm>> -> memref<1x80x128xf32, #tpu.memory_space<hbm>>
      %dma_wait3A_84 = tpu.memref_squeeze %dma_wait3A_83 : memref<1x80x128xf32, #tpu.memory_space<hbm>> -> memref<80x128xf32, #tpu.memory_space<hbm>>
      tpu.wait_dma2 semaphore(%run_scoped3A : memref<!tpu.dma_semaphore, #tpu.memory_space<semaphore_mem>>) src(%arg11 : memref<80x128xf32, #tpu.memory_space<vmem>>) dst(%dma_wait3A_84 : memref<80x128xf32, #tpu.memory_space<hbm>>)
      tpu.yield
    }) : () -> ()
    %add3A_71 = arith.constant 560 : i32
    %add3A_72 = arith.addi %mul3A_2, %add3A_71 : i32
    "tpu.region"() ({
      %run_scoped3A = tpu.sem_alloc : memref<!tpu.dma_semaphore, #tpu.memory_space<semaphore_mem>>
      %dma_start3A_73 = arith.constant 0 : i32
      %dma_start3A_74 = tpu.memref_slice %arg12[%add3A_72, %dma_start3A_73] : memref<10240x128xf32, #tpu.memory_space<vmem_shared>> -> memref<80x128xf32, #tpu.memory_space<vmem_shared>>
      %dma_start3A_75 = arith.constant 0 : i32
      %dma_start3A_76 = tpu.memref_slice %arg12[%add3A_72, %dma_start3A_75] : memref<10240x128xf32, #tpu.memory_space<vmem_shared>> -> memref<80x128xf32, #tpu.memory_space<vmem_shared>>
      tpu.enqueue_dma source(%dma_start3A_76 : memref<80x128xf32, #tpu.memory_space<vmem_shared>>) target(%arg11 : memref<80x128xf32, #tpu.memory_space<vmem>>) target_semaphore(%run_scoped3A : memref<!tpu.dma_semaphore, #tpu.memory_space<semaphore_mem>>)
      %dma_wait3A_77 = arith.constant 0 : i32
      %dma_wait3A_78 = tpu.memref_slice %arg12[%add3A_72, %dma_wait3A_77] : memref<10240x128xf32, #tpu.memory_space<vmem_shared>> -> memref<80x128xf32, #tpu.memory_space<vmem_shared>>
      %dma_wait3A_79 = arith.constant 0 : i32
      %dma_wait3A_80 = tpu.memref_slice %arg12[%add3A_72, %dma_wait3A_79] : memref<10240x128xf32, #tpu.memory_space<vmem_shared>> -> memref<80x128xf32, #tpu.memory_space<vmem_shared>>
      tpu.wait_dma2 semaphore(%run_scoped3A : memref<!tpu.dma_semaphore, #tpu.memory_space<semaphore_mem>>) src(%dma_wait3A_80 : memref<80x128xf32, #tpu.memory_space<vmem_shared>>) dst(%arg11 : memref<80x128xf32, #tpu.memory_space<vmem>>)
      tpu.yield
    }) : () -> ()
    "tpu.region"() ({
      %run_scoped3A = tpu.sem_alloc : memref<!tpu.dma_semaphore, #tpu.memory_space<semaphore_mem>>
      %dma_start3A_73 = arith.constant 0 : i32
      %dma_start3A_74 = tpu.memref_slice %arg6[%arg0, %add3A_72, %dma_start3A_73] : memref<2x10240x128xf32, #tpu.memory_space<hbm>> -> memref<1x80x128xf32, #tpu.memory_space<hbm>>
      %dma_start3A_75 = tpu.memref_squeeze %dma_start3A_74 : memref<1x80x128xf32, #tpu.memory_space<hbm>> -> memref<80x128xf32, #tpu.memory_space<hbm>>
      %dma_start3A_76 = arith.constant 0 : i32
      %dma_start3A_77 = tpu.memref_slice %arg6[%arg0, %add3A_72, %dma_start3A_76] : memref<2x10240x128xf32, #tpu.memory_space<hbm>> -> memref<1x80x128xf32, #tpu.memory_space<hbm>>
      %dma_start3A_78 = tpu.memref_squeeze %dma_start3A_77 : memref<1x80x128xf32, #tpu.memory_space<hbm>> -> memref<80x128xf32, #tpu.memory_space<hbm>>
      tpu.enqueue_dma source(%arg11 : memref<80x128xf32, #tpu.memory_space<vmem>>) target(%dma_start3A_78 : memref<80x128xf32, #tpu.memory_space<hbm>>) target_semaphore(%run_scoped3A : memref<!tpu.dma_semaphore, #tpu.memory_space<semaphore_mem>>)
      %dma_wait3A_79 = arith.constant 0 : i32
      %dma_wait3A_80 = tpu.memref_slice %arg6[%arg0, %add3A_72, %dma_wait3A_79] : memref<2x10240x128xf32, #tpu.memory_space<hbm>> -> memref<1x80x128xf32, #tpu.memory_space<hbm>>
      %dma_wait3A_81 = tpu.memref_squeeze %dma_wait3A_80 : memref<1x80x128xf32, #tpu.memory_space<hbm>> -> memref<80x128xf32, #tpu.memory_space<hbm>>
      %dma_wait3A_82 = arith.constant 0 : i32
      %dma_wait3A_83 = tpu.memref_slice %arg6[%arg0, %add3A_72, %dma_wait3A_82] : memref<2x10240x128xf32, #tpu.memory_space<hbm>> -> memref<1x80x128xf32, #tpu.memory_space<hbm>>
      %dma_wait3A_84 = tpu.memref_squeeze %dma_wait3A_83 : memref<1x80x128xf32, #tpu.memory_space<hbm>> -> memref<80x128xf32, #tpu.memory_space<hbm>>
      tpu.wait_dma2 semaphore(%run_scoped3A : memref<!tpu.dma_semaphore, #tpu.memory_space<semaphore_mem>>) src(%arg11 : memref<80x128xf32, #tpu.memory_space<vmem>>) dst(%dma_wait3A_84 : memref<80x128xf32, #tpu.memory_space<hbm>>)
      tpu.yield
    }) : () -> ()
    return
  }
}

module attributes {stable_mosaic.version = 14 : i64} {
  func.func @_tc_layer_body(%arg0: i32, %arg1: memref<1000x128xf32, #tpu.memory_space<vmem>>, %arg2: memref<1x1000x128xf32, #tpu.memory_space<vmem>>, %arg3: memref<1x1000x128xf32, #tpu.memory_space<vmem>>, %arg4: memref<1x1000x128xf32, #tpu.memory_space<vmem>>, %arg5: memref<1x1000x128xf32, #tpu.memory_space<vmem>>, %arg6: memref<128x128xf32, #tpu.memory_space<vmem>>, %arg7: memref<128x128xf32, #tpu.memory_space<vmem>>, %arg8: memref<1x128xf32, #tpu.memory_space<vmem>>, %arg9: memref<1000x128xf32, #tpu.memory_space<vmem>>) attributes {dimension_semantics = [#tpu.dimension_semantics<arbitrary>], iteration_bounds = array<i64: 10>, scalar_prefetch = 0 : i64, scratch_operands = 0 : i64, tpu.core_type = #tpu.core_type<tc>, window_params = [{transform_indices = @transform_0, window_bounds = array<i64: 1000, 128>}, {transform_indices = @transform_1, window_bounds = array<i64: 1, 1000, 128>}, {transform_indices = @transform_2, window_bounds = array<i64: 1, 1000, 128>}, {transform_indices = @transform_3, window_bounds = array<i64: 1, 1000, 128>}, {transform_indices = @transform_4, window_bounds = array<i64: 1, 1000, 128>}, {pipeline_mode = #tpu.pipeline_mode<synchronous>, transform_indices = @transform_5, window_bounds = array<i64: 128, 128>}, {pipeline_mode = #tpu.pipeline_mode<synchronous>, transform_indices = @transform_6, window_bounds = array<i64: 128, 128>}, {pipeline_mode = #tpu.pipeline_mode<synchronous>, transform_indices = @transform_7, window_bounds = array<i64: 1, 128>}, {transform_indices = @transform_8, window_bounds = array<i64: 1000, 128>}]} {
    %get3A = arith.constant 0 : index
    %get3A_0 = arith.constant 0 : index
    %get3A_1 = arith.constant 0 : index
    %get3A_2 = vector.load %arg4[%get3A, %get3A_0, %get3A_1] : memref<1x1000x128xf32, #tpu.memory_space<vmem>>, vector<1x1000x1xf32>
    %get3A_3 = vector.shape_cast %get3A_2 : vector<1x1000x1xf32> to vector<1000x1xf32>
    %get3A_4 = arith.constant 0 : index
    %get3A_5 = arith.constant 0 : index
    %get3A_6 = arith.constant 0 : index
    %get3A_7 = vector.load %arg5[%get3A_4, %get3A_5, %get3A_6] : memref<1x1000x128xf32, #tpu.memory_space<vmem>>, vector<1x1000x1xf32>
    %get3A_8 = vector.shape_cast %get3A_7 : vector<1x1000x1xf32> to vector<1000x1xf32>
    %add3A = arith.addf %get3A_3, %get3A_8 : vector<1000x1xf32>
    %max3A = arith.constant 1.000000e+00 : f32
    %max3A_9 = vector.broadcast %max3A : f32 to vector<1000x1xf32>
    %max3A_10 = arith.maximumf %add3A, %max3A_9 : vector<1000x1xf32>
    %get3A_11 = arith.constant 0 : index
    %get3A_12 = arith.constant 0 : index
    %get3A_13 = arith.constant 0 : index
    %get3A_14 = vector.load %arg2[%get3A_11, %get3A_12, %get3A_13] : memref<1x1000x128xf32, #tpu.memory_space<vmem>>, vector<1x1000x128xf32>
    %get3A_15 = vector.shape_cast %get3A_14 : vector<1x1000x128xf32> to vector<1000x128xf32>
    %get3A_16 = arith.constant 0 : index
    %get3A_17 = arith.constant 0 : index
    %get3A_18 = arith.constant 0 : index
    %get3A_19 = vector.load %arg3[%get3A_16, %get3A_17, %get3A_18] : memref<1x1000x128xf32, #tpu.memory_space<vmem>>, vector<1x1000x128xf32>
    %get3A_20 = vector.shape_cast %get3A_19 : vector<1x1000x128xf32> to vector<1000x128xf32>
    %add3A_21 = arith.addf %get3A_15, %get3A_20 : vector<1000x128xf32>
    %div3A = vector.broadcast %max3A_10 : vector<1000x1xf32> to vector<1000x128xf32>
    %div3A_22 = arith.divf %add3A_21, %div3A : vector<1000x128xf32>
    %get3A_23 = arith.constant 0 : index
    %get3A_24 = arith.constant 0 : index
    %get3A_25 = vector.load %arg1[%get3A_23, %get3A_24] : memref<1000x128xf32, #tpu.memory_space<vmem>>, vector<1000x128xf32>
    %get3A_26 = arith.constant 0 : index
    %get3A_27 = arith.constant 0 : index
    %get3A_28 = vector.load %arg6[%get3A_26, %get3A_27] : memref<128x128xf32, #tpu.memory_space<vmem>>, vector<128x128xf32>
    %dot_general3A = arith.constant dense<0.000000e+00> : vector<1000x128xf32>
    %dot_general3A_29 = tpu.matmul %get3A_25, %get3A_28, %dot_general3A {dimension_numbers = #tpu.dot_dimension_numbers<[1], [0], [0], [1], [0, 0, 1, 1], [], []>, transpose_lhs_hint = false} : vector<1000x128xf32>, vector<128x128xf32>, vector<1000x128xf32> -> vector<1000x128xf32>
    %get3A_30 = arith.constant 0 : index
    %get3A_31 = arith.constant 0 : index
    %get3A_32 = vector.load %arg7[%get3A_30, %get3A_31] : memref<128x128xf32, #tpu.memory_space<vmem>>, vector<128x128xf32>
    %dot_general3A_33 = arith.constant dense<0.000000e+00> : vector<1000x128xf32>
    %dot_general3A_34 = tpu.matmul %div3A_22, %get3A_32, %dot_general3A_33 {dimension_numbers = #tpu.dot_dimension_numbers<[1], [0], [0], [1], [0, 0, 1, 1], [], []>, transpose_lhs_hint = false} : vector<1000x128xf32>, vector<128x128xf32>, vector<1000x128xf32> -> vector<1000x128xf32>
    %add3A_35 = arith.addf %dot_general3A_29, %dot_general3A_34 : vector<1000x128xf32>
    %get3A_36 = arith.constant 0 : index
    %get3A_37 = arith.constant 0 : index
    %get3A_38 = vector.load %arg8[%get3A_36, %get3A_37] : memref<1x128xf32, #tpu.memory_space<vmem>>, vector<1x128xf32>
    %add3A_39 = vector.broadcast %get3A_38 : vector<1x128xf32> to vector<1000x128xf32>
    %add3A_40 = arith.addf %add3A_35, %add3A_39 : vector<1000x128xf32>
    %mul3A = arith.constant 0.00999999977 : f32
    %mul3A_41 = vector.broadcast %mul3A : f32 to vector<1000x128xf32>
    %mul3A_42 = arith.mulf %mul3A_41, %add3A_40 : vector<1000x128xf32>
    %max3A_43 = arith.maximumf %add3A_40, %mul3A_42 : vector<1000x128xf32>
    %swap3A = arith.constant 0 : index
    %swap3A_44 = arith.constant 0 : index
    %swap3A_45 = vector.load %arg9[%swap3A, %swap3A_44] : memref<1000x128xf32, #tpu.memory_space<vmem>>, vector<1000x128xf32>
    tpu.vector_store %arg9[%swap3A, %swap3A_44], %max3A_43 {strides = array<i32>} : memref<1000x128xf32, #tpu.memory_space<vmem>>, vector<1000x128xf32>,
    return
  }
  func.func @transform_0(%arg0: i32) -> (i32, i32) {
    %c0_i32 = arith.constant 0 : i32
    %c0_i32_0 = arith.constant 0 : i32
    return %arg0, %c0_i32 : i32, i32
  }
  func.func @transform_1(%arg0: i32) -> (i32, i32, i32) {
    %c0_i32 = arith.constant 0 : i32
    %c0_i32_0 = arith.constant 0 : i32
    %c0_i32_1 = arith.constant 0 : i32
    return %c0_i32, %arg0, %c0_i32_0 : i32, i32, i32
  }
  func.func @transform_2(%arg0: i32) -> (i32, i32, i32) {
    %c1_i32 = arith.constant 1 : i32
    %c0_i32 = arith.constant 0 : i32
    %c0_i32_0 = arith.constant 0 : i32
    return %c1_i32, %arg0, %c0_i32 : i32, i32, i32
  }
  func.func @transform_3(%arg0: i32) -> (i32, i32, i32) {
    %c0_i32 = arith.constant 0 : i32
    %c0_i32_0 = arith.constant 0 : i32
    %c0_i32_1 = arith.constant 0 : i32
    return %c0_i32, %arg0, %c0_i32_0 : i32, i32, i32
  }
  func.func @transform_4(%arg0: i32) -> (i32, i32, i32) {
    %c1_i32 = arith.constant 1 : i32
    %c0_i32 = arith.constant 0 : i32
    %c0_i32_0 = arith.constant 0 : i32
    return %c1_i32, %arg0, %c0_i32 : i32, i32, i32
  }
  func.func @transform_5(%arg0: i32) -> (i32, i32) {
    %c0_i32 = arith.constant 0 : i32
    %c0_i32_0 = arith.constant 0 : i32
    %c0_i32_1 = arith.constant 0 : i32
    return %c0_i32, %c0_i32_0 : i32, i32
  }
  func.func @transform_6(%arg0: i32) -> (i32, i32) {
    %c0_i32 = arith.constant 0 : i32
    %c0_i32_0 = arith.constant 0 : i32
    %c0_i32_1 = arith.constant 0 : i32
    return %c0_i32, %c0_i32_0 : i32, i32
  }
  func.func @transform_7(%arg0: i32) -> (i32, i32) {
    %c0_i32 = arith.constant 0 : i32
    %c0_i32_0 = arith.constant 0 : i32
    %c0_i32_1 = arith.constant 0 : i32
    return %c0_i32, %c0_i32_0 : i32, i32
  }
  func.func @transform_8(%arg0: i32) -> (i32, i32) {
    %c0_i32 = arith.constant 0 : i32
    %c0_i32_0 = arith.constant 0 : i32
    return %arg0, %c0_i32 : i32, i32
  }
}

module attributes {stable_mosaic.version = 14 : i64} {
  func.func @_tc_layer_body(%arg0: i32, %arg1: memref<1000x128xf32, #tpu.memory_space<vmem>>, %arg2: memref<1x1000x128xf32, #tpu.memory_space<vmem>>, %arg3: memref<1x1000x128xf32, #tpu.memory_space<vmem>>, %arg4: memref<1x1000x128xf32, #tpu.memory_space<vmem>>, %arg5: memref<1x1000x128xf32, #tpu.memory_space<vmem>>, %arg6: memref<128x128xf32, #tpu.memory_space<vmem>>, %arg7: memref<128x128xf32, #tpu.memory_space<vmem>>, %arg8: memref<1x128xf32, #tpu.memory_space<vmem>>, %arg9: memref<1000x128xf32, #tpu.memory_space<vmem>>) attributes {dimension_semantics = [#tpu.dimension_semantics<arbitrary>], iteration_bounds = array<i64: 10>, scalar_prefetch = 0 : i64, scratch_operands = 0 : i64, tpu.core_type = #tpu.core_type<tc>, window_params = [{transform_indices = @transform_0, window_bounds = array<i64: 1000, 128>}, {transform_indices = @transform_1, window_bounds = array<i64: 1, 1000, 128>}, {transform_indices = @transform_2, window_bounds = array<i64: 1, 1000, 128>}, {transform_indices = @transform_3, window_bounds = array<i64: 1, 1000, 128>}, {transform_indices = @transform_4, window_bounds = array<i64: 1, 1000, 128>}, {pipeline_mode = #tpu.pipeline_mode<synchronous>, transform_indices = @transform_5, window_bounds = array<i64: 128, 128>}, {pipeline_mode = #tpu.pipeline_mode<synchronous>, transform_indices = @transform_6, window_bounds = array<i64: 128, 128>}, {pipeline_mode = #tpu.pipeline_mode<synchronous>, transform_indices = @transform_7, window_bounds = array<i64: 1, 128>}, {transform_indices = @transform_8, window_bounds = array<i64: 1000, 128>}]} {
    %get3A = arith.constant 0 : index
    %get3A_0 = arith.constant 0 : index
    %get3A_1 = arith.constant 0 : index
    %get3A_2 = vector.load %arg4[%get3A, %get3A_0, %get3A_1] : memref<1x1000x128xf32, #tpu.memory_space<vmem>>, vector<1x1000x1xf32>
    %get3A_3 = vector.shape_cast %get3A_2 : vector<1x1000x1xf32> to vector<1000x1xf32>
    %get3A_4 = arith.constant 0 : index
    %get3A_5 = arith.constant 0 : index
    %get3A_6 = arith.constant 0 : index
    %get3A_7 = vector.load %arg5[%get3A_4, %get3A_5, %get3A_6] : memref<1x1000x128xf32, #tpu.memory_space<vmem>>, vector<1x1000x1xf32>
    %get3A_8 = vector.shape_cast %get3A_7 : vector<1x1000x1xf32> to vector<1000x1xf32>
    %add3A = arith.addf %get3A_3, %get3A_8 : vector<1000x1xf32>
    %max3A = arith.constant 1.000000e+00 : f32
    %max3A_9 = vector.broadcast %max3A : f32 to vector<1000x1xf32>
    %max3A_10 = arith.maximumf %add3A, %max3A_9 : vector<1000x1xf32>
    %get3A_11 = arith.constant 0 : index
    %get3A_12 = arith.constant 0 : index
    %get3A_13 = arith.constant 0 : index
    %get3A_14 = vector.load %arg2[%get3A_11, %get3A_12, %get3A_13] : memref<1x1000x128xf32, #tpu.memory_space<vmem>>, vector<1x1000x128xf32>
    %get3A_15 = vector.shape_cast %get3A_14 : vector<1x1000x128xf32> to vector<1000x128xf32>
    %get3A_16 = arith.constant 0 : index
    %get3A_17 = arith.constant 0 : index
    %get3A_18 = arith.constant 0 : index
    %get3A_19 = vector.load %arg3[%get3A_16, %get3A_17, %get3A_18] : memref<1x1000x128xf32, #tpu.memory_space<vmem>>, vector<1x1000x128xf32>
    %get3A_20 = vector.shape_cast %get3A_19 : vector<1x1000x128xf32> to vector<1000x128xf32>
    %add3A_21 = arith.addf %get3A_15, %get3A_20 : vector<1000x128xf32>
    %div3A = vector.broadcast %max3A_10 : vector<1000x1xf32> to vector<1000x128xf32>
    %div3A_22 = arith.divf %add3A_21, %div3A : vector<1000x128xf32>
    %get3A_23 = arith.constant 0 : index
    %get3A_24 = arith.constant 0 : index
    %get3A_25 = vector.load %arg1[%get3A_23, %get3A_24] : memref<1000x128xf32, #tpu.memory_space<vmem>>, vector<1000x128xf32>
    %get3A_26 = arith.constant 0 : index
    %get3A_27 = arith.constant 0 : index
    %get3A_28 = vector.load %arg6[%get3A_26, %get3A_27] : memref<128x128xf32, #tpu.memory_space<vmem>>, vector<128x128xf32>
    %dot_general3A = arith.constant dense<0.000000e+00> : vector<1000x128xf32>
    %dot_general3A_29 = tpu.matmul %get3A_25, %get3A_28, %dot_general3A {dimension_numbers = #tpu.dot_dimension_numbers<[1], [0], [0], [1], [0, 0, 1, 1], [], []>, transpose_lhs_hint = false} : vector<1000x128xf32>, vector<128x128xf32>, vector<1000x128xf32> -> vector<1000x128xf32>
    %get3A_30 = arith.constant 0 : index
    %get3A_31 = arith.constant 0 : index
    %get3A_32 = vector.load %arg7[%get3A_30, %get3A_31] : memref<128x128xf32, #tpu.memory_space<vmem>>, vector<128x128xf32>
    %dot_general3A_33 = arith.constant dense<0.000000e+00> : vector<1000x128xf32>
    %dot_general3A_34 = tpu.matmul %div3A_22, %get3A_32, %dot_general3A_33 {dimension_numbers = #tpu.dot_dimension_numbers<[1], [0], [0], [1], [0, 0, 1, 1], [], []>, transpose_lhs_hint = false} : vector<1000x128xf32>, vector<128x128xf32>, vector<1000x128xf32> -> vector<1000x128xf32>
    %add3A_35 = arith.addf %dot_general3A_29, %dot_general3A_34 : vector<1000x128xf32>
    %get3A_36 = arith.constant 0 : index
    %get3A_37 = arith.constant 0 : index
    %get3A_38 = vector.load %arg8[%get3A_36, %get3A_37] : memref<1x128xf32, #tpu.memory_space<vmem>>, vector<1x128xf32>
    %add3A_39 = vector.broadcast %get3A_38 : vector<1x128xf32> to vector<1000x128xf32>
    %add3A_40 = arith.addf %add3A_35, %add3A_39 : vector<1000x128xf32>
    %mul3A = arith.constant 0.00999999977 : f32
    %mul3A_41 = vector.broadcast %mul3A : f32 to vector<1000x128xf32>
    %mul3A_42 = arith.mulf %mul3A_41, %add3A_40 : vector<1000x128xf32>
    %max3A_43 = arith.maximumf %add3A_40, %mul3A_42 : vector<1000x128xf32>
    %swap3A = arith.constant 0 : index
    %swap3A_44 = arith.constant 0 : index
    %swap3A_45 = vector.load %arg9[%swap3A, %swap3A_44] : memref<1000x128xf32, #tpu.memory_space<vmem>>, vector<1000x128xf32>
    tpu.vector_store %arg9[%swap3A, %swap3A_44], %max3A_43 {strides = array<i32>} : memref<1000x128xf32, #tpu.memory_space<vmem>>, vector<1000x128xf32>,
    return
  }
  func.func @transform_0(%arg0: i32) -> (i32, i32) {
    %c0_i32 = arith.constant 0 : i32
    %c0_i32_0 = arith.constant 0 : i32
    return %arg0, %c0_i32 : i32, i32
  }
  func.func @transform_1(%arg0: i32) -> (i32, i32, i32) {
    %c0_i32 = arith.constant 0 : i32
    %c0_i32_0 = arith.constant 0 : i32
    %c0_i32_1 = arith.constant 0 : i32
    return %c0_i32, %arg0, %c0_i32_0 : i32, i32, i32
  }
  func.func @transform_2(%arg0: i32) -> (i32, i32, i32) {
    %c1_i32 = arith.constant 1 : i32
    %c0_i32 = arith.constant 0 : i32
    %c0_i32_0 = arith.constant 0 : i32
    return %c1_i32, %arg0, %c0_i32 : i32, i32, i32
  }
  func.func @transform_3(%arg0: i32) -> (i32, i32, i32) {
    %c0_i32 = arith.constant 0 : i32
    %c0_i32_0 = arith.constant 0 : i32
    %c0_i32_1 = arith.constant 0 : i32
    return %c0_i32, %arg0, %c0_i32_0 : i32, i32, i32
  }
  func.func @transform_4(%arg0: i32) -> (i32, i32, i32) {
    %c1_i32 = arith.constant 1 : i32
    %c0_i32 = arith.constant 0 : i32
    %c0_i32_0 = arith.constant 0 : i32
    return %c1_i32, %arg0, %c0_i32 : i32, i32, i32
  }
  func.func @transform_5(%arg0: i32) -> (i32, i32) {
    %c0_i32 = arith.constant 0 : i32
    %c0_i32_0 = arith.constant 0 : i32
    %c0_i32_1 = arith.constant 0 : i32
    return %c0_i32, %c0_i32_0 : i32, i32
  }
  func.func @transform_6(%arg0: i32) -> (i32, i32) {
    %c0_i32 = arith.constant 0 : i32
    %c0_i32_0 = arith.constant 0 : i32
    %c0_i32_1 = arith.constant 0 : i32
    return %c0_i32, %c0_i32_0 : i32, i32
  }
  func.func @transform_7(%arg0: i32) -> (i32, i32) {
    %c0_i32 = arith.constant 0 : i32
    %c0_i32_0 = arith.constant 0 : i32
    %c0_i32_1 = arith.constant 0 : i32
    return %c0_i32, %c0_i32_0 : i32, i32
  }
  func.func @transform_8(%arg0: i32) -> (i32, i32) {
    %c0_i32 = arith.constant 0 : i32
    %c0_i32_0 = arith.constant 0 : i32
    return %arg0, %c0_i32 : i32, i32
  }
}

</mosaic_0001>

<sc_bundles>
// kernel: kernel.12.cloned.1.call-start
scs
__scs_entry_jumppad:
0x0: {  	(pc) =	sbr.rel $0x88, $3  }
0x1: {  	(tag) =	ssettag $0x0;
	lr =	simm.s32 $0x1  }
0x2: {  	[smem:$0x3F96] =	sst lr;
	_ =	strace $0xD0000000  }
0x3: {  	_ = 	snop  }
0x4: {  	_ = 	snop  }
0x5: {  	_ = 	snop  }
0x6: {  	_ = 	snop  }
0x7: {  	_ = 	snop  }
__scs_overlays_trampoline_lowered:
0x8: {  	[smem:$0x3FA5] =	sst s0  }
0x9: {  	[smem:$0x3FA6] =	sst s1  }
0xa: {  	[smem:$0x3FA7] =	sst s2  }
0xb: {  	[smem:$0x3FA8] =	sst s3  }
0xc: {  	[smem:$0x3FA9] =	sst s4  }
0xd: {  	[smem:$0x3FAA] =	sst s5  }
0xe: {  	[smem:$0x3FAB] =	sst s6  }
0xf: {  	[smem:$0x3FAC] =	sst s7  }
0x10: {  	[smem:$0x3FAD] =	sst s8  }
0x11: {  	[smem:$0x3FAE] =	sst s9;
	s0 =	simm.s32 @!p0 $0x0  }
0x12: {  	s1 =	sld [smem:$0x3F94];
	s0 =	simm.s32 @p0 $0x1  }
0x13: {  	[smem:$0x3FAF] =	sst s0;
	s0 =	simm.s32 @!p1 $0x0  }
0x14: {  	s2 =	sld [smem:$0x3F93];
	s0 =	simm.s32 @p1 $0x1  }
0x15: {  	[smem:$0x3FB0] =	sst s0;
	s0 =	simm.s32 @!p2 $0x0  }
0x16: {  	s3 =	sld [smem:$0x3FDB];
	s0 =	simm.s32 @p2 $0x1  }
0x17: {  	s4 =	simm.s32 $0x1BF5;
	[smem:$0x3FB2] =	sst s0  }
0x18: {  	s0 =	sld [smem:$0x3F95];
	_ =	swait.ge [sflag:s4], $0x0  }
0x19: {  	s7 =	sld [smem:$0x3F96]  }
0x1a: {  	s8 =	sadd.s32 $0xFFFFE003, lr  }
0x1b: {  	s9 =	sadd.s32 $0xFFFFFEF7, lr;
	s5 =	simm.s32 $0xFFFFFFFF;
	p2 =	slt.u32 s8, $0xFFFFF086  }
0x1c: {  	p1 =	slt.u32 s9, $0xF7A;
	s5 =	simm.s32 @!p2 $0x0  }
0x1d: {  	s5 =	simm.s32 @p1 $0x1;
	p0 =	seq.s32 s7, s2  }
0x1e: {  	s7 =	smul.u32 @!p0 $0xF7A, s2;
	p2 =	seq.s32 @!p0 s5, $0x0  }
0x1f: {  	s9 =	smul.u32 $0xF7A, s1;
	s8 =	simm.s32 @!p0 $0x1BF5;
	p2 =	por !p2, p0  }
0x20: {  	[sflag:s8] =	ssyncset.s32 @!p0 $0xFFFFF086;
	s6 =	sadd.s32 @!p0 s3, s7;
	s7 =	simm.s32 @!p0 $0x108  }
0x21: {  	s3 =	sadd.s32 s3, s9;
	s6 =	sadd.s32 @!p0 $0x88, s6;
	s7 =	simm.s32 @p2 $0x1082  }
0x22: {  	[simem:s7], [sflag:s8] =	dma.local @!p0 [hbm:s6], $0xF7A  }
0x23: {  	s9 =	sor.u32 $0xD0000000, s2;
	s6 =	simm.s32 $0x108;
	_ =	swait.ge @!p0 [sflag:s8], $0x0  }
0x24: {  	s3 =	sadd.s32 $0x88, s3;
	s6 =	simm.s32 @!p1 $0x1082;
	[sflag:s4] =	ssyncset.s32 $0xFFFFF086  }
0x25: {  	[simem:s6], [sflag:s4] =	dma.local [hbm:s3], $0xF7A  }
0x26: {  	[smem:$0x3F96] =	sst s1;
	(tag) =	ssettag s2;
	_ =	strace s9  }
0x27: {  	s1 =	sld [smem:$0x3FA6]  }
0x28: {  	s2 =	sld [smem:$0x3FA7]  }
0x29: {  	s4 =	sld [smem:$0x3FA9]  }
0x2a: {  	p0 =	seq.s32 s5, $0x0;
	s5 =	sld [smem:$0x3FAA]  }
0x2b: {  	s6 =	sld [smem:$0x3FAB]  }
0x2c: {  	s7 =	sld [smem:$0x3FAC]  }
0x2d: {  	s3 =	simm.s32 $0x108;
	s8 =	sld [smem:$0x3FAD]  }
0x2e: {  	s3 =	simm.s32 @!p0 $0x1082;
	s9 =	sld [smem:$0x3FAE]  }
0x2f: {  	lr =	sadd.s32 s0, s3;
	s0 =	sld [smem:$0x3FA5]  }
0x30: {  	s3 =	sld [smem:$0x3FA8]  }
0x31: {  	[smem:$0x3FB1] =	sst s10  }
0x32: {  	s10 =	sld [smem:$0x3FAF];
	_ =	sdelay $0x3  }
0x33: {  	p0 =	seq.s32 s10, $0x1;
	s10 =	sld [smem:$0x3FB1];
	_ =	sdelay $0x3  }
0x34: {  	[smem:$0x3FB1] =	sst s10  }
0x35: {  	s10 =	sld [smem:$0x3FB0];
	_ =	sdelay $0x3  }
0x36: {  	p1 =	seq.s32 s10, $0x1;
	s10 =	sld [smem:$0x3FB1];
	_ =	sdelay $0x3  }
0x37: {  	[smem:$0x3FB1] =	sst s10  }
0x38: {  	s10 =	sld [smem:$0x3FB2]  }
0x39: {  	_ = 	snop;
	(pc) =	sbr.ind lr, $3  }
0x3a: {  	_ = 	snop  }
0x3b: {  	_ = 	snop  }
0x3c: {  	p2 =	seq.s32 s10, $0x1;
	s10 =	sld [smem:$0x3FB1]  }
0x3d: {  	_ =	shalt  }
0x3e: {  	_ =	shalt  }
0x3f: {  	_ =	shalt  }
0x40: {  	_ =	shalt  }
0x41: {  	_ =	shalt  }
0x42: {  	_ =	shalt  }
0x43: {  	_ =	shalt  }
0x44: {  	_ =	shalt  }
0x45: {  	_ =	shalt  }
0x46: {  	_ =	shalt  }
0x47: {  	_ =	shalt  }
0x48: {  	_ =	shalt  }
0x49: {  	_ =	shalt  }
0x4a: {  	_ =	shalt  }
0x4b: {  	_ =	shalt  }
0x4c: {  	_ =	shalt  }
0x4d: {  	_ =	shalt  }
0x4e: {  	_ =	shalt  }
0x4f: {  	_ =	shalt  }
0x50: {  	_ =	shalt  }
0x51: {  	_ =	shalt  }
0x52: {  	_ =	shalt  }
0x53: {  	_ =	shalt  }
0x54: {  	_ =	shalt  }
0x55: {  	_ =	shalt  }
0x56: {  	_ =	shalt  }
0x57: {  	_ =	shalt  }
0x58: {  	_ =	shalt  }
0x59: {  	_ =	shalt  }
0x5a: {  	_ =	shalt  }
0x5b: {  	_ =	shalt  }
0x5c: {  	_ =	shalt  }
0x5d: {  	_ =	shalt  }
0x5e: {  	_ =	shalt  }
0x5f: {  	_ =	shalt  }
0x60: {  	_ =	shalt  }
0x61: {  	_ =	shalt  }
0x62: {  	_ =	shalt  }
0x63: {  	_ =	shalt  }
0x64: {  	_ =	shalt  }
0x65: {  	_ =	shalt  }
0x66: {  	_ =	shalt  }
0x67: {  	_ =	shalt  }
0x68: {  	_ =	shalt  }
0x69: {  	_ =	shalt  }
0x6a: {  	_ =	shalt  }
0x6b: {  	_ =	shalt  }
0x6c: {  	_ =	shalt  }
0x6d: {  	_ =	shalt  }
0x6e: {  	_ =	shalt  }
0x6f: {  	_ =	shalt  }
0x70: {  	_ =	shalt  }
0x71: {  	_ =	shalt  }
0x72: {  	_ =	shalt  }
0x73: {  	_ =	shalt  }
0x74: {  	_ =	shalt  }
0x75: {  	_ =	shalt  }
0x76: {  	_ =	shalt  }
0x77: {  	_ =	shalt  }
0x78: {  	_ =	shalt  }
0x79: {  	_ =	shalt  }
0x7a: {  	_ =	shalt  }
0x7b: {  	_ =	shalt  }
0x7c: {  	_ =	shalt  }
0x7d: {  	_ =	shalt  }
0x7e: {  	_ =	shalt  }
0x7f: {  	_ =	shalt  }
0x80: {  	_ =	shalt  }
0x81: {  	_ =	shalt  }
0x82: {  	_ =	shalt  }
0x83: {  	_ =	shalt  }
0x84: {  	_ =	shalt  }
0x85: {  	_ =	shalt  }
0x86: {  	_ =	shalt  }
0x87: {  	_ =	shalt  }
.Lfunc_end0:
.L_simem_size_0:
called_computation.1_lowered:
.L_overlay_start_0:
0x88: {  	s2 =	sld [smem:$0x3FD9]  }
0x89: {  	s3 =	sld [smem:$0x3FFE];
	_ =	sdelay $0x1  }
0x8a: {  	s1 =	srdreg.scid  }
0x8b: {  	s0 =	sand.u32 $0x1, s1  }
0x8c: {  	s17 =	sshll.u32 s0, $0xA;
	s2 =	sadd.s32 s3, s2  }
0x8d: {  	s2 =	sadd.s32 s2, s17  }
0x8e: {  	[smem:$0x3FBD] =	sst s2  }
0x8f: {  	_ = 	snop  }
0x90: {  	s18 =	sld [smem:$0x3FC9];
	(tm) =	ssettm $0x1  }
0x91: {  	s19 =	sld [smem:$0x3FFB];
	_ =	sdelay $0x3  }
0x92: {  	_ =	strace s19  }
0x93: {  	s2 =	sld [smem:$0x3FFC];
	_ =	sdelay $0x3  }
0x94: {  	_ =	strace s2  }
0x95: {  	s2 =	sld [smem:$0x3FFD];
	_ =	sdelay $0x3  }
0x96: {  	_ =	strace s2  }
0x97: {  	_ =	strace $0x8FFFFFFF  }
0x98: {  	s20 =	sld [smem:$0x3FDB];
	_ =	sdelay $0x1  }
0x99: {  	s4 =	simm.s32 $_scs_section_size  }
0x9a: {  	s5 =	simm.s32 $_size__tile_overlayer_lowered;
	s6 =	simm.s32 $_tile_overlayer_lowered  }
0x9b: {  	s7 =	simm.s32 $0x1BFF;
	s21 =	sshll.u32 s6, $0x1;
	s4 =	sadd.s32 s4, s20  }
0x9c: {  	s22 =	simm.s32 $0x0;
	s5 =	sshll.u32 s5, $0x1;
	s6 =	sadd.s32 s21, s4  }
0x9d: {  	[timem:s22], [sflag:s7] =	dma.local [hbm:s6], s5  }
0x9e: {  	_ =	swait.ge [sflag:s7], s5  }
0x9f: {  	s5 =	ssub.s32 $0x0, s5;
	[sflag:s7] =	ssyncset.done $0x0  }
0xa0: {  	[sflag:s7] =	ssyncadd.s32 s5;
	_ =	sdelay $0x1  }
0xa1: {  	s23 =	simm.s32 $0x1B8B  }
0xa2: {  	_ =	swait.ge [sflag:s23], $0x1  }
0xa3: {  	[sflag:s23] =	ssyncset.done $0x0  }
0xa4: {  	[sflag:s23] =	ssyncadd.s32 $0xFFFFFFFF  }
0xa5: {  	s5 =	sld [smem:$0x0]  }
0xa6: {  	s6 =	sand.u32 $0xFFFFFFFE, s1  }
0xa7: {  	p0 =	sne.s32 s1, s6  }
0xa8: {  	s6 =	sshll.u32 @p0 s6, $0xE  }
0xa9: {  	s6 =	sadd.s32 @p0 $0x11B8D, s6;
	s7 =	sshll.u32 @p0 s5, $0x11  }
0xaa: {  	s6 =	sor.u32 @p0 s7, s6  }
0xab: {  	[sflag:s6] =	ssyncadd.remote.s32 @p0 $0x1;
	_ =	sdelay $0x1  }
0xac: {  	s6 =	simm.s32 @p0 $0x1B8D  }
0xad: {  	_ =	swait.eq @p0 [sflag:s6], $0x1  }
0xae: {  	[sflag:s6] =	ssyncadd.s32 @p0 $0xFFFFFFFF  }
0xaf: {  	s7 =	sshll.u32 @!p0 s1, $0xE  }
0xb0: {  	s7 =	sor.u32 @!p0 $0x4000, s7;
	s6 =	simm.s32 @!p0 $0x1B8D  }
0xb1: {  	s5 =	sshll.u32 @!p0 s5, $0x11;
	s7 =	sadd.s32 @!p0 $0x11B8D, s7;
	_ =	swait.eq @!p0 [sflag:s6], $0x1  }
0xb2: {  	s5 =	sor.u32 @!p0 s5, s7;
	[sflag:s6] =	ssyncadd.s32 @!p0 $0xFFFFFFFF  }
0xb3: {  	s25 =	simm.s32 $0x1B8E;
	s24 =	sld [smem:$0x3FFE];
	[sflag:s5] =	ssyncadd.remote.s32 @!p0 $0x1  }
0xb4: {  	s26 =	simm.s32 $execute0_lowered;
	[smem:$0x3FD2] =	sst s25  }
0xb5: {  	s6 =	sshll.u32 s26, $0x1;
	_ =	strace $0x80000049;
	[dreg:$0x1] =	wrdreg $0xFFFFFFFF  }
0xb6: {  	s28 =	simm.s32 $_size_execute0_lowered;
	s4 =	sadd.s32 s4, s6;
	[dreg:$0x0] =	wrdreg $0x0  }
0xb7: {  	s6 =	sshll.u32 s28, $0x1;
	[dreg:$0x2] =	wrdreg s4  }
0xb8: {  	[dreg:$0x3] =	wrdreg s6  }
0xb9: {  	[dreg:$0x4] =	wrdreg $0xC0  }
0xba: {  	_ =	task [dreg:s22], $0x5FFFF  }
0xbb: {  	[dreg:$0x1] =	wrdreg $0xFFFFFFFF  }
0xbc: {  	[dreg:$0x0] =	wrdreg $0x60  }
0xbd: {  	[dreg:$0x2] =	wrdreg s18  }
0xbe: {  	[dreg:$0x3] =	wrdreg s24  }
0xbf: {  	[dreg:$0x4] =	wrdreg $0x2A000  }
0xc0: {  	[dreg:$0x5] =	wrdreg $0xA  }
0xc1: {  	_ =	task.clear_ibuf [dreg:s22], $0x6FFFF;
	_ =	strace $0x90000049  }
0xc2: {  	s29 =	simm.s32 $0xA;
	_ =	strace $0x8000004B  }
0xc3: {  	_ =	swait.ge [sflag:s29], $0x1  }
0xc4: {  	[sflag:s29] =	ssyncadd.s32 $0xFFFFFFFF  }
0xc5: {  	_ =	strace $0x9000004B  }
0xc6: {  	_ =	sfence  }
0xc7: {  	s30 =	sld [smem:$0x0];
	_ =	sdelay $0x2  }
0xc8: {  	s31 =	sshll.u32 s1, $0xD;
	s1 =	sshrl.u32 s1, $0x2  }
0xc9: {  	s4 =	sand.u32 $0x4000, s31;
	s1 =	sadd.s32 s1, s30  }
0xca: {  	s0 =	sor.u32 s4, s0;
	s1 =	sshll.u32 s1, $0x11  }
0xcb: {  	s0 =	sor.u32 s1, s0  }
0xcc: {  	s0 =	sadd.s32 $0x8F2B, s0  }
0xcd: {  	[sflag:s0] =	ssyncadd.remote.s32 $0x1  }
0xce: {  	_ =	sfence.sel $0xFFFF  }
0xcf: {  	[dreg:$0x0] =	wrdreg $0xFFFFFFFF;
	(pc) =	sbr.abs _section_cstart, $3  }
0xd0: {  	[dreg:$0x1] =	wrdreg $0xFFFFFFFF  }
0xd1: {  	_ =	task.clear_ibuf [dreg:s22], $0x2FFFF;
	_ =	strace $0x9FFFFFFF  }
0xd2: {  	(tm) =	ssettm $0x7FFFFFFF  }
0xd3: {  	_ =	shalt  }
tec
execute0_lowered:
.L_overlay_start_1:
0x0: {  	(tag) =	ssettag $0x1  }
0x1: {  	s1 =	srdreg.scid  }
0x2: {  	s0 =	rddreg [dreg:$0x1];
	s17 =	stileid.u32  }
0x3: {  	s5 =	sand.u32 $0x1, s1;
	s1 =	simm.s32 $0x0;
	s7 =	smul.u32 $0x280, s17  }
0x4: {  	s8 =	smul.u32 $0x14000, s17;
	s9 =	sadd.s32 $0xCE00, s0;
	s3 =	sadd.s32 $0x8EC00, s0  }
0x5: {  	s15 =	sshll.u32 s17, $0x1;
	s2 =	ssub.s32 $0x2, s5;
	[smem:$0x7FF] =	sst s1  }
0x6: {  	s4 =	sshrl.u32 s2, $0x1;
	s6 =	sshrl.u32 s8, $0x3;
	s10 =	sor.u32 $0x50, s7  }
0x7: {  	s18 =	sadd.s32 $0xA0, s7;
	s12 =	sadd.s32 $0xF0, s7;
	s13 =	sadd.s32 $0x140, s7  }
0x8: {  	s21 =	sadd.s32 $0x190, s7;
	s4 =	ssub.s32 s2, s4;
	s2 =	sor.u32 s5, s15  }
0x9: {  	s6 =	sadd.s32 s9, s6;
	s11 =	sshll.u32 s10, $0x4;
	s19 =	sshll.u32 s12, $0x4  }
0xa: {  	s12 =	sshll.u32 s12, $0x7;
	s20 =	sshll.u32 s13, $0x4;
	s13 =	sshll.u32 s13, $0x7  }
0xb: {  	s14 =	sshll.u32 s21, $0x7;
	s15 =	sadd.s32 $0x1E0, s7;
	s7 =	sadd.s32 $0x230, s7  }
0xc: {  	[dreg:$0x4] =	wrdreg s6;
	s6 =	sshll.u32 s10, $0x7;
	s16 =	sadd.s32 s9, s11  }
0xd: {  	s11 =	sshll.u32 s18, $0x7;
	s10 =	sshll.u32 s18, $0x4;
	s22 =	sshll.u32 s15, $0x4  }
0xe: {  	s15 =	sshll.u32 s15, $0x7;
	[dreg:$0x5] =	wrdreg s16;
	s10 =	sadd.s32 s9, s10  }
0xf: {  	s16 =	smul.u32 $0x140000, s5;
	[dreg:$0x6] =	wrdreg s10;
	s10 =	sadd.s32 s9, s19  }
0x10: {  	s5 =	smul.u32 $0x2710, s5;
	[dreg:$0x7] =	wrdreg s10;
	s10 =	sadd.s32 s9, s20  }
0x11: {  	s8 =	sadd.s32 s8, s16;
	s24 =	sadd.s32 s16, s6;
	s26 =	sadd.s32 s16, s11  }
0x12: {  	s19 =	sadd.s32 s16, s13;
	[dreg:$0x8] =	wrdreg s10;
	s10 =	sshll.u32 s21, $0x4  }
0x13: {  	s23 =	sshrl.u32 s8, $0x3;
	s25 =	sshrl.u32 s24, $0x3;
	s8 =	sshrl.u32 s26, $0x3  }
0x14: {  	s20 =	sshrl.u32 s19, $0x3;
	s21 =	sadd.s32 s16, s14;
	s10 =	sadd.s32 s9, s10  }
0x15: {  	s26 =	smul.u32 $0x50000, s17;
	[dreg:$0x9] =	wrdreg s10;
	s10 =	sadd.s32 s9, s22  }
0x16: {  	[dreg:$0xa] =	wrdreg s10;
	s10 =	sshll.u32 s7, $0x7;
	s7 =	sshll.u32 s7, $0x4  }
0x17: {  	s17 =	smul.u32 $0x4E20, s17;
	s22 =	sshrl.u32 s21, $0x3;
	s7 =	sadd.s32 s9, s7  }
0x18: {  	s21 =	sadd.s32 $0x84E00, s0;
	[dreg:$0xb] =	wrdreg s7;
	s7 =	sadd.s32 s3, s23  }
0x19: {  	s9 =	sadd.s32 s16, s12;
	s23 =	sadd.s32 s16, s15;
	[dreg:$0xc] =	wrdreg s7  }
0x1a: {  	s7 =	sadd.s32 s3, s25;
	s25 =	sadd.s32 s16, s10;
	s16 =	rddreg [dreg:$0x0]  }
0x1b: {  	s18 =	sshrl.u32 s9, $0x3;
	[dreg:$0xd] =	wrdreg s7;
	s7 =	sadd.s32 s3, s8  }
0x1c: {  	s9 =	sshrl.u32 s26, $0x2;
	s24 =	sshrl.u32 s23, $0x3;
	[dreg:$0xe] =	wrdreg s7  }
0x1d: {  	s8 =	sshrl.u32 s25, $0x3;
	s7 =	sadd.s32 s3, s18;
	s18 =	rddreg [dreg:$0x2]  }
0x1e: {  	[dreg:$0xf] =	wrdreg s7;
	s7 =	sadd.s32 s3, s20;
	s23 =	sadd.s32 s9, s18  }
0x1f: {  	s25 =	sadd.s32 s11, s18;
	s11 =	smul.u32 $0x2710, s2;
	s26 =	sadd.s32 s12, s18  }
0x20: {  	s28 =	sadd.s32 s13, s18;
	s29 =	sadd.s32 s14, s18;
	s30 =	sadd.s32 s15, s18  }
0x21: {  	s31 =	sadd.s32 s10, s18;
	s20 =	smax.u32 s4, $0x1;
	s9 =	simm.s32 $0x4  }
0x22: {  	s10 =	simm.s32 $0x80;
	[dreg:$0x10] =	wrdreg s7;
	s7 =	sadd.s32 s3, s22  }
0x23: {  	s22 =	sadd.s32 $0x3000, s0;
	[dreg:$0x11] =	wrdreg s7;
	s7 =	sadd.s32 s3, s24  }
0x24: {  	s3 =	sadd.s32 s3, s8;
	s8 =	sadd.s32 s5, s17;
	[dreg:$0x12] =	wrdreg s7  }
0x25: {  	s24 =	sadd.s32 s6, s18;
	s0 =	sshrl.u32 s11, $0x3;
	[dreg:$0x13] =	wrdreg s3  }
0x26: {  	s12 =	sadd.s32 s21, s0;
	s13 =	sadd.s32 $0xA, s0;
	s14 =	sadd.s32 $0xF0, s8  }
0x27: {  	s0 =	sadd.s32 s22, s0;
	_ =	strace $0x8000004A;
	[dreg:$0x14] =	wrdreg s12  }
0x28: {  	s11 =	simm.s32 $0x2;
	[dreg:$0x15] =	wrdreg s0;
	s15 =	sshrl.u32 s14, $0x3  }
0x29: {  	s17 =	sadd.s32 s21, s13;
	s19 =	sadd.s32 s22, s13;
	[dreg:$0x18] =	wrdreg s20  }
0x2a: {  	s0 =	sadd.s32 $0xA0, s8;
	s8 =	simm.s32 $0x200;
	s12 =	simm.s32 $0x100  }
0x2b: {  	s13 =	simm.s32 $0x180;
	s14 =	simm.s32 $0x50;
	[dreg:$0x16] =	wrdreg s17  }
0x2c: {  	s20 =	simm.s32 $0x0;
	[dreg:$0x17] =	wrdreg s19;
	s5 =	sadd.s32 s15, s22  }
0x2d: {  	s6 =	sadd.s32 s15, s21;
	s15 =	simm.s32 $0x1;
	s19 =	simm.s32 $0x3  }
.LBB2_1:
0x2e: {  	s2 =	rddreg [dreg:$0x4]  }
0x2f: {  	[tilespmem:s8], [sflag:$0x4] =	stream.linear.gather [hbm4b:s2+s1], $0x2800, $0x38;
	[tilespmem:$0x16A00] =	vst v63  }
0x30: {  	_ =	swait.ge [sflag:s9], $0x2800  }
0x31: {  	[sflag:s9] =	ssyncset.done $0x0  }
0x32: {  	[sflag:s9] =	ssyncadd.s32 $0xFFFFD800  }
0x33: {  	[spmem:s23] =	stream.linear.scatter [tilespmem:s8], [sflag:$0x4], $0x2800, $0x38;
	[tilespmem:$0x16A00] =	vst v63  }
0x34: {  	_ =	swait.ge [sflag:s9], $0x2800  }
0x35: {  	[sflag:s9] =	ssyncset.done $0x0  }
0x36: {  	s7 =	rddreg [dreg:$0x5];
	[sflag:s9] =	ssyncadd.s32 $0xFFFFD800  }
0x37: {  	[tilespmem:s8], [sflag:$0x4] =	stream.linear.gather [hbm4b:s7+s1], $0x2800, $0x38;
	[tilespmem:$0x16A00] =	vst v63  }
0x38: {  	_ =	swait.ge [sflag:s9], $0x2800  }
0x39: {  	[sflag:s9] =	ssyncset.done $0x0  }
0x3a: {  	[sflag:s9] =	ssyncadd.s32 $0xFFFFD800  }
0x3b: {  	[spmem:s24] =	stream.linear.scatter [tilespmem:s8], [sflag:$0x4], $0x2800, $0x38;
	[tilespmem:$0x16A00] =	vst v63  }
0x3c: {  	_ =	swait.ge [sflag:s9], $0x2800  }
0x3d: {  	[sflag:s9] =	ssyncset.done $0x0  }
0x3e: {  	s17 =	rddreg [dreg:$0x6];
	[sflag:s9] =	ssyncadd.s32 $0xFFFFD800  }
0x3f: {  	[tilespmem:s8], [sflag:$0x4] =	stream.linear.gather [hbm4b:s17+s1], $0x2800, $0x38;
	[tilespmem:$0x16A00] =	vst v63  }
0x40: {  	_ =	swait.ge [sflag:s9], $0x2800  }
0x41: {  	[sflag:s9] =	ssyncset.done $0x0  }
0x42: {  	[sflag:s9] =	ssyncadd.s32 $0xFFFFD800  }
0x43: {  	[spmem:s25] =	stream.linear.scatter [tilespmem:s8], [sflag:$0x4], $0x2800, $0x38;
	[tilespmem:$0x16A00] =	vst v63  }
0x44: {  	_ =	swait.ge [sflag:s9], $0x2800  }
0x45: {  	[sflag:s9] =	ssyncset.done $0x0  }
0x46: {  	s3 =	rddreg [dreg:$0x7];
	[sflag:s9] =	ssyncadd.s32 $0xFFFFD800  }
0x47: {  	[tilespmem:s8], [sflag:$0x4] =	stream.linear.gather [hbm4b:s3+s1], $0x2800, $0x38;
	[tilespmem:$0x16A00] =	vst v63  }
0x48: {  	_ =	swait.ge [sflag:s9], $0x2800  }
0x49: {  	[sflag:s9] =	ssyncset.done $0x0  }
0x4a: {  	[sflag:s9] =	ssyncadd.s32 $0xFFFFD800  }
0x4b: {  	[spmem:s26] =	stream.linear.scatter [tilespmem:s8], [sflag:$0x4], $0x2800, $0x38;
	[tilespmem:$0x16A00] =	vst v63  }
0x4c: {  	_ =	swait.ge [sflag:s9], $0x2800  }
0x4d: {  	[sflag:s9] =	ssyncset.done $0x0  }
0x4e: {  	s4 =	rddreg [dreg:$0x8];
	[sflag:s9] =	ssyncadd.s32 $0xFFFFD800  }
0x4f: {  	[tilespmem:s8], [sflag:$0x4] =	stream.linear.gather [hbm4b:s4+s1], $0x2800, $0x38;
	[tilespmem:$0x16A00] =	vst v63  }
0x50: {  	_ =	swait.ge [sflag:s9], $0x2800  }
0x51: {  	[sflag:s9] =	ssyncset.done $0x0  }
0x52: {  	[sflag:s9] =	ssyncadd.s32 $0xFFFFD800  }
0x53: {  	[spmem:s28] =	stream.linear.scatter [tilespmem:s8], [sflag:$0x4], $0x2800, $0x38;
	[tilespmem:$0x16A00] =	vst v63  }
0x54: {  	_ =	swait.ge [sflag:s9], $0x2800  }
0x55: {  	[sflag:s9] =	ssyncset.done $0x0  }
0x56: {  	s7 =	rddreg [dreg:$0x9];
	[sflag:s9] =	ssyncadd.s32 $0xFFFFD800  }
0x57: {  	[tilespmem:s8], [sflag:$0x4] =	stream.linear.gather [hbm4b:s7+s1], $0x2800, $0x38;
	[tilespmem:$0x16A00] =	vst v63  }
0x58: {  	_ =	swait.ge [sflag:s9], $0x2800  }
0x59: {  	[sflag:s9] =	ssyncset.done $0x0  }
0x5a: {  	[sflag:s9] =	ssyncadd.s32 $0xFFFFD800  }
0x5b: {  	[spmem:s29] =	stream.linear.scatter [tilespmem:s8], [sflag:$0x4], $0x2800, $0x38;
	[tilespmem:$0x16A00] =	vst v63  }
0x5c: {  	_ =	swait.ge [sflag:s9], $0x2800  }
0x5d: {  	[sflag:s9] =	ssyncset.done $0x0  }
0x5e: {  	s17 =	rddreg [dreg:$0xa];
	[sflag:s9] =	ssyncadd.s32 $0xFFFFD800  }
0x5f: {  	[tilespmem:s8], [sflag:$0x4] =	stream.linear.gather [hbm4b:s17+s1], $0x2800, $0x38;
	[tilespmem:$0x16A00] =	vst v63  }
0x60: {  	_ =	swait.ge [sflag:s9], $0x2800  }
0x61: {  	[sflag:s9] =	ssyncset.done $0x0  }
0x62: {  	[sflag:s9] =	ssyncadd.s32 $0xFFFFD800  }
0x63: {  	[spmem:s30] =	stream.linear.scatter [tilespmem:s8], [sflag:$0x4], $0x2800, $0x38;
	[tilespmem:$0x16A00] =	vst v63  }
0x64: {  	_ =	swait.ge [sflag:s9], $0x2800  }
0x65: {  	[sflag:s9] =	ssyncset.done $0x0  }
0x66: {  	s3 =	rddreg [dreg:$0xb];
	[sflag:s9] =	ssyncadd.s32 $0xFFFFD800  }
0x67: {  	[tilespmem:s8], [sflag:$0x4] =	stream.linear.gather [hbm4b:s3+s1], $0x2800, $0x38;
	[tilespmem:$0x16A00] =	vst v63  }
0x68: {  	_ =	swait.ge [sflag:s9], $0x2800  }
0x69: {  	[sflag:s9] =	ssyncset.done $0x0  }
0x6a: {  	[sflag:s9] =	ssyncadd.s32 $0xFFFFD800  }
0x6b: {  	[spmem:s31] =	stream.linear.scatter [tilespmem:s8], [sflag:$0x4], $0x2800, $0x38;
	[tilespmem:$0x16A00] =	vst v63  }
0x6c: {  	_ =	swait.ge [sflag:s9], $0x2800  }
0x6d: {  	[sflag:s9] =	ssyncset.done $0x0  }
0x6e: {  	[sflag:s9] =	ssyncadd.s32 $0xFFFFD800  }
0x6f: {  	[bflag:$0x0] =	sbarrier.arrive $0xFFFF  }
0x70: {  	s4 =	rddreg [dreg:$0x14]  }
0x71: {  	[tilespmem:s1], [sflag:$0x2] =	stream.linear.gather [hbm4b:s4+s1], $0x50, $0x38;
	[tilespmem:$0x16A00] =	vst v63  }
0x72: {  	s7 =	rddreg [dreg:$0x15]  }
0x73: {  	[tilespmem:s10], [sflag:$0x2] =	stream.linear.gather [hbm4b:s7+s1], $0x50, $0x38;
	[tilespmem:$0x16A00] =	vst v63  }
0x74: {  	_ =	swait.ge [sflag:s11], $0x50  }
0x75: {  	[sflag:s11] =	ssyncset.done $0x0  }
0x76: {  	[sflag:s11] =	ssyncadd.s32 $0xFFFFFFB0  }
0x77: {  	_ =	swait.ge [sflag:s11], $0x50  }
0x78: {  	[sflag:s11] =	ssyncset.done $0x0  }
0x79: {  	s17 =	rddreg [dreg:$0x16];
	[sflag:s11] =	ssyncadd.s32 $0xFFFFFFB0  }
0x7a: {  	[tilespmem:s12], [sflag:$0x3] =	stream.linear.gather [hbm4b:s17+s1], $0x50, $0x38;
	[tilespmem:$0x16A00] =	vst v63  }
0x7b: {  	s3 =	rddreg [dreg:$0x17]  }
0x7c: {  	[tilespmem:s13], [sflag:$0x3] =	stream.linear.gather [hbm4b:s3+s1], $0x50, $0x38;
	[tilespmem:$0x16A00] =	vst v63  }
0x7d: {  	_ = 	snop  }
0x7e: {  	[tilespmem:s8], [sflag:$0x1] =	stream.indirect.gather [hbm4b:s16+s14], $0x80, s1, s14, $0xb8;
	[tilespmem:$0x16A00] =	vst v63  }
0x7f: {  	_ =	swait.ge [sflag:s15], $0x2800  }
0x80: {  	[sflag:s15] =	ssyncset.done $0x0  }
0x81: {  	[sflag:s15] =	ssyncadd.s32 $0xFFFFD800  }
0x82: {  	[spmem:s18] =	stream.indirect.scatter.add.f32 [tilespmem:s8], [sflag:$0x4], $0x80, s10, s14, $0xb8;
	[tilespmem:$0x16A00] =	vst v63  }
0x83: {  	_ =	swait.ge [sflag:s9], $0x2800  }
0x84: {  	[sflag:s9] =	ssyncset.done $0x0  }
0x85: {  	[sflag:s9] =	ssyncadd.s32 $0xFFFFD800  }
0x86: {  	_ =	swait.ge [sflag:s19], $0x50  }
0x87: {  	[sflag:s19] =	ssyncset.done $0x0  }
0x88: {  	[sflag:s19] =	ssyncadd.s32 $0xFFFFFFB0  }
0x89: {  	_ =	swait.ge [sflag:s19], $0x50  }
0x8a: {  	s7 =	sshrl.u32 s0, $0x3;
	[sflag:s19] =	ssyncset.done $0x0  }
0x8b: {  	s17 =	sadd.s32 s21, s7;
	[sflag:s19] =	ssyncadd.s32 $0xFFFFFFB0  }
0x8c: {  	[tilespmem:s1], [sflag:$0x2] =	stream.linear.gather [hbm4b:s17+s1], $0x50, $0x38;
	[tilespmem:$0x16A00] =	vst v63  }
0x8d: {  	s7 =	sadd.s32 s22, s7  }
0x8e: {  	[tilespmem:s10], [sflag:$0x2] =	stream.linear.gather [hbm4b:s7+s1], $0x50, $0x38;
	[tilespmem:$0x16A00] =	vst v63  }
0x8f: {  	_ = 	snop  }
0x90: {  	[tilespmem:s8], [sflag:$0x1] =	stream.indirect.gather [hbm4b:s16+s14], $0x80, s12, s14, $0xb8;
	[tilespmem:$0x16A00] =	vst v63  }
0x91: {  	_ =	swait.ge [sflag:s15], $0x2800  }
0x92: {  	[sflag:s15] =	ssyncset.done $0x0  }
0x93: {  	[sflag:s15] =	ssyncadd.s32 $0xFFFFD800  }
0x94: {  	[spmem:s18] =	stream.indirect.scatter.add.f32 [tilespmem:s8], [sflag:$0x4], $0x80, s13, s14, $0xb8;
	[tilespmem:$0x16A00] =	vst v63  }
0x95: {  	_ =	swait.ge [sflag:s9], $0x2800  }
0x96: {  	[sflag:s9] =	ssyncset.done $0x0  }
0x97: {  	[sflag:s9] =	ssyncadd.s32 $0xFFFFD800  }
0x98: {  	_ =	swait.ge [sflag:s11], $0x50  }
0x99: {  	[sflag:s11] =	ssyncset.done $0x0  }
0x9a: {  	[sflag:s11] =	ssyncadd.s32 $0xFFFFFFB0  }
0x9b: {  	_ =	swait.ge [sflag:s11], $0x50  }
0x9c: {  	[sflag:s11] =	ssyncset.done $0x0  }
0x9d: {  	s4 =	sadd.s32 $0x0, s6;
	[sflag:s11] =	ssyncadd.s32 $0xFFFFFFB0  }
0x9e: {  	[tilespmem:s12], [sflag:$0x3] =	stream.linear.gather [hbm4b:s4+s1], $0x50, $0x38;
	[tilespmem:$0x16A00] =	vst v63  }
0x9f: {  	s17 =	sadd.s32 $0x0, s5  }
0xa0: {  	[tilespmem:s13], [sflag:$0x3] =	stream.linear.gather [hbm4b:s17+s1], $0x50, $0x38;
	[tilespmem:$0x16A00] =	vst v63  }
0xa1: {  	_ = 	snop  }
0xa2: {  	[tilespmem:s8], [sflag:$0x1] =	stream.indirect.gather [hbm4b:s16+s14], $0x80, s1, s14, $0xb8;
	[tilespmem:$0x16A00] =	vst v63  }
0xa3: {  	_ =	swait.ge [sflag:s15], $0x2800  }
0xa4: {  	[sflag:s15] =	ssyncset.done $0x0  }
0xa5: {  	[sflag:s15] =	ssyncadd.s32 $0xFFFFD800  }
0xa6: {  	[spmem:s18] =	stream.indirect.scatter.add.f32 [tilespmem:s8], [sflag:$0x4], $0x80, s10, s14, $0xb8;
	[tilespmem:$0x16A00] =	vst v63  }
0xa7: {  	_ =	swait.ge [sflag:s9], $0x2800  }
0xa8: {  	s7 =	smov.u32 s0;
	s17 =	simm.s32 $0x14;
	[sflag:s9] =	ssyncset.done $0x0  }
.LBB2_2:
0xa9: {  	p0 =	sne.s32 s17, $0x4C4;
	[sflag:s9] =	ssyncadd.s32 $0xFFFFD800;
	s7 =	sadd.s32 $0xA0, s7  }
0xaa: {  	s2 =	smov.u32 s17;
	s17 =	sadd.s32 $0x14, s17;
	_ =	swait.ge [sflag:s19], $0x50  }
0xab: {  	[sflag:s19] =	ssyncset.done $0x0  }
0xac: {  	[sflag:s19] =	ssyncadd.s32 $0xFFFFFFB0  }
0xad: {  	_ =	swait.ge [sflag:s19], $0x50  }
0xae: {  	s3 =	sshrl.u32 s7, $0x3;
	[sflag:s19] =	ssyncset.done $0x0  }
0xaf: {  	s4 =	sadd.s32 s21, s3;
	[sflag:s19] =	ssyncadd.s32 $0xFFFFFFB0  }
0xb0: {  	[tilespmem:s1], [sflag:$0x2] =	stream.linear.gather [hbm4b:s4+s1], $0x50, $0x38;
	[tilespmem:$0x16A00] =	vst v63  }
0xb1: {  	s3 =	sadd.s32 s22, s3  }
0xb2: {  	[tilespmem:s10], [sflag:$0x2] =	stream.linear.gather [hbm4b:s3+s1], $0x50, $0x38;
	[tilespmem:$0x16A00] =	vst v63  }
0xb3: {  	_ = 	snop  }
0xb4: {  	[tilespmem:s8], [sflag:$0x1] =	stream.indirect.gather [hbm4b:s16+s14], $0x80, s12, s14, $0xb8;
	[tilespmem:$0x16A00] =	vst v63  }
0xb5: {  	_ =	swait.ge [sflag:s15], $0x2800  }
0xb6: {  	[sflag:s15] =	ssyncset.done $0x0  }
0xb7: {  	[sflag:s15] =	ssyncadd.s32 $0xFFFFD800  }
0xb8: {  	[spmem:s18] =	stream.indirect.scatter.add.f32 [tilespmem:s8], [sflag:$0x4], $0x80, s13, s14, $0xb8;
	[tilespmem:$0x16A00] =	vst v63  }
0xb9: {  	_ =	swait.ge [sflag:s9], $0x2800  }
0xba: {  	[sflag:s9] =	ssyncset.done $0x0  }
0xbb: {  	[sflag:s9] =	ssyncadd.s32 $0xFFFFD800  }
0xbc: {  	_ =	swait.ge [sflag:s11], $0x50  }
0xbd: {  	[sflag:s11] =	ssyncset.done $0x0  }
0xbe: {  	[sflag:s11] =	ssyncadd.s32 $0xFFFFFFB0  }
0xbf: {  	_ =	swait.ge [sflag:s11], $0x50  }
0xc0: {  	[sflag:s11] =	ssyncset.done $0x0  }
0xc1: {  	s3 =	sadd.s32 s2, s6;
	[sflag:s11] =	ssyncadd.s32 $0xFFFFFFB0  }
0xc2: {  	[tilespmem:s12], [sflag:$0x3] =	stream.linear.gather [hbm4b:s3+s1], $0x50, $0x38;
	[tilespmem:$0x16A00] =	vst v63  }
0xc3: {  	s2 =	sadd.s32 s2, s5  }
0xc4: {  	[tilespmem:s13], [sflag:$0x3] =	stream.linear.gather [hbm4b:s2+s1], $0x50, $0x38;
	[tilespmem:$0x16A00] =	vst v63  }
0xc5: {  	_ = 	snop  }
0xc6: {  	[tilespmem:s8], [sflag:$0x1] =	stream.indirect.gather [hbm4b:s16+s14], $0x80, s1, s14, $0xb8;
	[tilespmem:$0x16A00] =	vst v63  }
0xc7: {  	_ =	swait.ge [sflag:s15], $0x2800  }
.Ltmp0:
0xc8: {  	[sflag:s15] =	ssyncset.done $0x0;
	(pc) =	sbr.rel @p0 .LBB2_2-.Ltmp0, $4  }
0xc9: {  	[sflag:s15] =	ssyncadd.s32 $0xFFFFD800  }
0xca: {  	[spmem:s18] =	stream.indirect.scatter.add.f32 [tilespmem:s8], [sflag:$0x4], $0x80, s10, s14, $0xb8;
	[tilespmem:$0x16A00] =	vst v63  }
0xcb: {  	_ =	swait.ge [sflag:s9], $0x2800  }
0xcc: {  	[sflag:s9] =	ssyncset.done $0x0  }
0xcd: {  	[sflag:s9] =	ssyncadd.s32 $0xFFFFD800  }
0xce: {  	_ =	swait.ge [sflag:s19], $0x50  }
0xcf: {  	[sflag:s19] =	ssyncset.done $0x0  }
0xd0: {  	[sflag:s19] =	ssyncadd.s32 $0xFFFFFFB0  }
0xd1: {  	_ =	swait.ge [sflag:s19], $0x50  }
0xd2: {  	[sflag:s19] =	ssyncset.done $0x0  }
0xd3: {  	[sflag:s19] =	ssyncadd.s32 $0xFFFFFFB0  }
0xd4: {  	[bflag:$0x0] =	sbarrier.arrive $0xFFFF  }
0xd5: {  	[tilespmem:s8], [sflag:$0x4] =	stream.linear.gather [spmem:s23], $0x2800, $0x38;
	[tilespmem:$0x16A00] =	vst v63  }
0xd6: {  	_ =	swait.ge [sflag:s9], $0x2800  }
0xd7: {  	[sflag:s9] =	ssyncset.done $0x0  }
0xd8: {  	s2 =	rddreg [dreg:$0xc];
	[sflag:s9] =	ssyncadd.s32 $0xFFFFD800  }
0xd9: {  	[hbm4b:s2+s1] =	stream.linear.scatter [tilespmem:s8], [sflag:$0x4], $0x2800, $0x38;
	[tilespmem:$0x16A00] =	vst v63  }
0xda: {  	_ =	swait.ge [sflag:s9], $0x2800  }
0xdb: {  	[sflag:s9] =	ssyncset.done $0x0  }
0xdc: {  	[sflag:s9] =	ssyncadd.s32 $0xFFFFD800  }
0xdd: {  	[tilespmem:s8], [sflag:$0x4] =	stream.linear.gather [spmem:s24], $0x2800, $0x38;
	[tilespmem:$0x16A00] =	vst v63  }
0xde: {  	_ =	swait.ge [sflag:s9], $0x2800  }
0xdf: {  	[sflag:s9] =	ssyncset.done $0x0  }
0xe0: {  	s3 =	rddreg [dreg:$0xd];
	[sflag:s9] =	ssyncadd.s32 $0xFFFFD800  }
0xe1: {  	[hbm4b:s3+s1] =	stream.linear.scatter [tilespmem:s8], [sflag:$0x4], $0x2800, $0x38;
	[tilespmem:$0x16A00] =	vst v63  }
0xe2: {  	_ =	swait.ge [sflag:s9], $0x2800  }
0xe3: {  	[sflag:s9] =	ssyncset.done $0x0  }
0xe4: {  	[sflag:s9] =	ssyncadd.s32 $0xFFFFD800  }
0xe5: {  	[tilespmem:s8], [sflag:$0x4] =	stream.linear.gather [spmem:s25], $0x2800, $0x38;
	[tilespmem:$0x16A00] =	vst v63  }
0xe6: {  	_ =	swait.ge [sflag:s9], $0x2800  }
0xe7: {  	[sflag:s9] =	ssyncset.done $0x0  }
0xe8: {  	s4 =	rddreg [dreg:$0xe];
	[sflag:s9] =	ssyncadd.s32 $0xFFFFD800  }
0xe9: {  	[hbm4b:s4+s1] =	stream.linear.scatter [tilespmem:s8], [sflag:$0x4], $0x2800, $0x38;
	[tilespmem:$0x16A00] =	vst v63  }
0xea: {  	_ =	swait.ge [sflag:s9], $0x2800  }
0xeb: {  	[sflag:s9] =	ssyncset.done $0x0  }
0xec: {  	[sflag:s9] =	ssyncadd.s32 $0xFFFFD800  }
0xed: {  	[tilespmem:s8], [sflag:$0x4] =	stream.linear.gather [spmem:s26], $0x2800, $0x38;
	[tilespmem:$0x16A00] =	vst v63  }
0xee: {  	_ =	swait.ge [sflag:s9], $0x2800  }
0xef: {  	[sflag:s9] =	ssyncset.done $0x0  }
0xf0: {  	s7 =	rddreg [dreg:$0xf];
	[sflag:s9] =	ssyncadd.s32 $0xFFFFD800  }
0xf1: {  	[hbm4b:s7+s1] =	stream.linear.scatter [tilespmem:s8], [sflag:$0x4], $0x2800, $0x38;
	[tilespmem:$0x16A00] =	vst v63  }
0xf2: {  	_ =	swait.ge [sflag:s9], $0x2800  }
0xf3: {  	[sflag:s9] =	ssyncset.done $0x0  }
0xf4: {  	[sflag:s9] =	ssyncadd.s32 $0xFFFFD800  }
0xf5: {  	[tilespmem:s8], [sflag:$0x4] =	stream.linear.gather [spmem:s28], $0x2800, $0x38;
	[tilespmem:$0x16A00] =	vst v63  }
0xf6: {  	_ =	swait.ge [sflag:s9], $0x2800  }
0xf7: {  	[sflag:s9] =	ssyncset.done $0x0  }
0xf8: {  	s17 =	rddreg [dreg:$0x10];
	[sflag:s9] =	ssyncadd.s32 $0xFFFFD800  }
0xf9: {  	[hbm4b:s17+s1] =	stream.linear.scatter [tilespmem:s8], [sflag:$0x4], $0x2800, $0x38;
	[tilespmem:$0x16A00] =	vst v63  }
0xfa: {  	_ =	swait.ge [sflag:s9], $0x2800  }
0xfb: {  	[sflag:s9] =	ssyncset.done $0x0  }
0xfc: {  	[sflag:s9] =	ssyncadd.s32 $0xFFFFD800  }
0xfd: {  	[tilespmem:s8], [sflag:$0x4] =	stream.linear.gather [spmem:s29], $0x2800, $0x38;
	[tilespmem:$0x16A00] =	vst v63  }
0xfe: {  	_ =	swait.ge [sflag:s9], $0x2800  }
0xff: {  	[sflag:s9] =	ssyncset.done $0x0  }
0x100: {  	s3 =	rddreg [dreg:$0x11];
	[sflag:s9] =	ssyncadd.s32 $0xFFFFD800  }
0x101: {  	[hbm4b:s3+s1] =	stream.linear.scatter [tilespmem:s8], [sflag:$0x4], $0x2800, $0x38;
	[tilespmem:$0x16A00] =	vst v63  }
0x102: {  	_ =	swait.ge [sflag:s9], $0x2800  }
0x103: {  	[sflag:s9] =	ssyncset.done $0x0  }
0x104: {  	[sflag:s9] =	ssyncadd.s32 $0xFFFFD800  }
0x105: {  	[tilespmem:s8], [sflag:$0x4] =	stream.linear.gather [spmem:s30], $0x2800, $0x38;
	[tilespmem:$0x16A00] =	vst v63  }
0x106: {  	_ =	swait.ge [sflag:s9], $0x2800  }
0x107: {  	[sflag:s9] =	ssyncset.done $0x0  }
0x108: {  	s4 =	rddreg [dreg:$0x12];
	[sflag:s9] =	ssyncadd.s32 $0xFFFFD800  }
0x109: {  	[hbm4b:s4+s1] =	stream.linear.scatter [tilespmem:s8], [sflag:$0x4], $0x2800, $0x38;
	[tilespmem:$0x16A00] =	vst v63  }
0x10a: {  	_ =	swait.ge [sflag:s9], $0x2800  }
0x10b: {  	[sflag:s9] =	ssyncset.done $0x0  }
0x10c: {  	[sflag:s9] =	ssyncadd.s32 $0xFFFFD800  }
0x10d: {  	[tilespmem:s8], [sflag:$0x4] =	stream.linear.gather [spmem:s31], $0x2800, $0x38;
	[tilespmem:$0x16A00] =	vst v63  }
0x10e: {  	_ =	swait.ge [sflag:s9], $0x2800  }
0x10f: {  	[sflag:s9] =	ssyncset.done $0x0  }
0x110: {  	s7 =	rddreg [dreg:$0x13];
	[sflag:s9] =	ssyncadd.s32 $0xFFFFD800  }
0x111: {  	[hbm4b:s7+s1] =	stream.linear.scatter [tilespmem:s8], [sflag:$0x4], $0x2800, $0x38;
	[tilespmem:$0x16A00] =	vst v63  }
0x112: {  	_ =	swait.ge [sflag:s9], $0x2800  }
0x113: {  	s20 =	sadd.s32 $0x1, s20;
	s17 =	rddreg [dreg:$0x18]  }
0x114: {  	p0 =	sne.s32 s20, s17  }
.Ltmp1:
0x115: {  	_ = 	snop;
	(pc) =	sbr.rel @p0 .LBB2_1-.Ltmp1, $3  }
0x116: {  	_ =	sdelay $0x1  }
0x117: {  	[sflag:s9] =	ssyncset.done $0x0  }
0x118: {  	[sflag:s9] =	ssyncadd.s32 $0xFFFFD800  }
0x119: {  	_ =	sfence.sel $0x180000  }
0x11a: {  	[bflag:$0x0] =	sbarrier.arrive $0xFFFF  }
0x11b: {  	_ =	strace $0x9000004A  }
0x11c: {  	s0 =	stileid.u32;
	[bflag:$0x2] =	sbarrier.arrive $0xFFFF  }
0x11d: {  	p0 =	sne.s32 s0, $0x0;
	s0 =	rddreg [dreg:$0x3]  }
0x11e: {  	s0 =	sadd.s32 @!p0 $0x100000, s0  }
0x11f: {  	[sflag:s0] =	ssyncadd.tile.s32 @!p0 $0x1;
	_ =	shalt  }
.Lfunc_end2:
_tile_overlayer_lowered:
.L_overlay_start_2:
0x120: {  	(tag) =	ssettag $0x2  }
0x121: {  	s0 =	rddreg [dreg:$0x0];
	s2 =	stileid.u32  }
0x122: {  	s1 =	rddreg [dreg:$0x1];
	p0 =	sne.s32 s2, $0x0  }
0x123: {  	s3 =	rddreg [dreg:$0x2];
	[bflag:$0x3] =	sbarrier.arrive $0xFFFF;
	s2 =	simm.s32 @!p0 $0x1C04  }
0x124: {  	[timem:s3], [sflag:s2] =	dma.local @!p0 [hbm:s0], s1  }
0x125: {  	s0 =	simm.s32 @!p0 $0x4  }
0x126: {  	_ =	swait.ge @!p0 [sflag:s0], s1  }
0x127: {  	s1 =	ssub.s32 @!p0 $0x0, s1;
	[sflag:s0] =	ssyncset.done @!p0 $0x0  }
0x128: {  	[sflag:s0] =	ssyncadd.s32 @!p0 s1  }
0x129: {  	[bflag:$0x3] =	sbarrier.arrive $0xFFFF  }
0x12a: {  	_ =	shalt  }

// kernel: kernel.15.cloned.1.call-start
scs
__scs_entry_jumppad:
0x0: {  	(pc) =	sbr.rel $0x88, $3  }
0x1: {  	(tag) =	ssettag $0x0;
	lr =	simm.s32 $0x1  }
0x2: {  	[smem:$0x3F96] =	sst lr;
	_ =	strace $0xD0000000  }
0x3: {  	_ = 	snop  }
0x4: {  	_ = 	snop  }
0x5: {  	_ = 	snop  }
0x6: {  	_ = 	snop  }
0x7: {  	_ = 	snop  }
__scs_overlays_trampoline_lowered:
0x8: {  	[smem:$0x3FA5] =	sst s0  }
0x9: {  	[smem:$0x3FA6] =	sst s1  }
0xa: {  	[smem:$0x3FA7] =	sst s2  }
0xb: {  	[smem:$0x3FA8] =	sst s3  }
0xc: {  	[smem:$0x3FA9] =	sst s4  }
0xd: {  	[smem:$0x3FAA] =	sst s5  }
0xe: {  	[smem:$0x3FAB] =	sst s6  }
0xf: {  	[smem:$0x3FAC] =	sst s7  }
0x10: {  	[smem:$0x3FAD] =	sst s8  }
0x11: {  	[smem:$0x3FAE] =	sst s9;
	s0 =	simm.s32 @!p0 $0x0  }
0x12: {  	s1 =	sld [smem:$0x3F94];
	s0 =	simm.s32 @p0 $0x1  }
0x13: {  	[smem:$0x3FAF] =	sst s0;
	s0 =	simm.s32 @!p1 $0x0  }
0x14: {  	s2 =	sld [smem:$0x3F93];
	s0 =	simm.s32 @p1 $0x1  }
0x15: {  	[smem:$0x3FB0] =	sst s0;
	s0 =	simm.s32 @!p2 $0x0  }
0x16: {  	s3 =	sld [smem:$0x3FDB];
	s0 =	simm.s32 @p2 $0x1  }
0x17: {  	s4 =	simm.s32 $0x1BF5;
	[smem:$0x3FB2] =	sst s0  }
0x18: {  	s0 =	sld [smem:$0x3F95];
	_ =	swait.ge [sflag:s4], $0x0  }
0x19: {  	s7 =	sld [smem:$0x3F96]  }
0x1a: {  	s8 =	sadd.s32 $0xFFFFE003, lr  }
0x1b: {  	s9 =	sadd.s32 $0xFFFFFEF7, lr;
	s5 =	simm.s32 $0xFFFFFFFF;
	p2 =	slt.u32 s8, $0xFFFFF086  }
0x1c: {  	p1 =	slt.u32 s9, $0xF7A;
	s5 =	simm.s32 @!p2 $0x0  }
0x1d: {  	s5 =	simm.s32 @p1 $0x1;
	p0 =	seq.s32 s7, s2  }
0x1e: {  	s7 =	smul.u32 @!p0 $0xF7A, s2;
	p2 =	seq.s32 @!p0 s5, $0x0  }
0x1f: {  	s9 =	smul.u32 $0xF7A, s1;
	s8 =	simm.s32 @!p0 $0x1BF5;
	p2 =	por !p2, p0  }
0x20: {  	[sflag:s8] =	ssyncset.s32 @!p0 $0xFFFFF086;
	s6 =	sadd.s32 @!p0 s3, s7;
	s7 =	simm.s32 @!p0 $0x108  }
0x21: {  	s3 =	sadd.s32 s3, s9;
	s6 =	sadd.s32 @!p0 $0x88, s6;
	s7 =	simm.s32 @p2 $0x1082  }
0x22: {  	[simem:s7], [sflag:s8] =	dma.local @!p0 [hbm:s6], $0xF7A  }
0x23: {  	s9 =	sor.u32 $0xD0000000, s2;
	s6 =	simm.s32 $0x108;
	_ =	swait.ge @!p0 [sflag:s8], $0x0  }
0x24: {  	s3 =	sadd.s32 $0x88, s3;
	s6 =	simm.s32 @!p1 $0x1082;
	[sflag:s4] =	ssyncset.s32 $0xFFFFF086  }
0x25: {  	[simem:s6], [sflag:s4] =	dma.local [hbm:s3], $0xF7A  }
0x26: {  	[smem:$0x3F96] =	sst s1;
	(tag) =	ssettag s2;
	_ =	strace s9  }
0x27: {  	s1 =	sld [smem:$0x3FA6]  }
0x28: {  	s2 =	sld [smem:$0x3FA7]  }
0x29: {  	s4 =	sld [smem:$0x3FA9]  }
0x2a: {  	p0 =	seq.s32 s5, $0x0;
	s5 =	sld [smem:$0x3FAA]  }
0x2b: {  	s6 =	sld [smem:$0x3FAB]  }
0x2c: {  	s7 =	sld [smem:$0x3FAC]  }
0x2d: {  	s3 =	simm.s32 $0x108;
	s8 =	sld [smem:$0x3FAD]  }
0x2e: {  	s3 =	simm.s32 @!p0 $0x1082;
	s9 =	sld [smem:$0x3FAE]  }
0x2f: {  	lr =	sadd.s32 s0, s3;
	s0 =	sld [smem:$0x3FA5]  }
0x30: {  	s3 =	sld [smem:$0x3FA8]  }
0x31: {  	[smem:$0x3FB1] =	sst s10  }
0x32: {  	s10 =	sld [smem:$0x3FAF];
	_ =	sdelay $0x3  }
0x33: {  	p0 =	seq.s32 s10, $0x1;
	s10 =	sld [smem:$0x3FB1];
	_ =	sdelay $0x3  }
0x34: {  	[smem:$0x3FB1] =	sst s10  }
0x35: {  	s10 =	sld [smem:$0x3FB0];
	_ =	sdelay $0x3  }
0x36: {  	p1 =	seq.s32 s10, $0x1;
	s10 =	sld [smem:$0x3FB1];
	_ =	sdelay $0x3  }
0x37: {  	[smem:$0x3FB1] =	sst s10  }
0x38: {  	s10 =	sld [smem:$0x3FB2]  }
0x39: {  	_ = 	snop;
	(pc) =	sbr.ind lr, $3  }
0x3a: {  	_ = 	snop  }
0x3b: {  	_ = 	snop  }
0x3c: {  	p2 =	seq.s32 s10, $0x1;
	s10 =	sld [smem:$0x3FB1]  }
0x3d: {  	_ =	shalt  }
0x3e: {  	_ =	shalt  }
0x3f: {  	_ =	shalt  }
0x40: {  	_ =	shalt  }
0x41: {  	_ =	shalt  }
0x42: {  	_ =	shalt  }
0x43: {  	_ =	shalt  }
0x44: {  	_ =	shalt  }
0x45: {  	_ =	shalt  }
0x46: {  	_ =	shalt  }
0x47: {  	_ =	shalt  }
0x48: {  	_ =	shalt  }
0x49: {  	_ =	shalt  }
0x4a: {  	_ =	shalt  }
0x4b: {  	_ =	shalt  }
0x4c: {  	_ =	shalt  }
0x4d: {  	_ =	shalt  }
0x4e: {  	_ =	shalt  }
0x4f: {  	_ =	shalt  }
0x50: {  	_ =	shalt  }
0x51: {  	_ =	shalt  }
0x52: {  	_ =	shalt  }
0x53: {  	_ =	shalt  }
0x54: {  	_ =	shalt  }
0x55: {  	_ =	shalt  }
0x56: {  	_ =	shalt  }
0x57: {  	_ =	shalt  }
0x58: {  	_ =	shalt  }
0x59: {  	_ =	shalt  }
0x5a: {  	_ =	shalt  }
0x5b: {  	_ =	shalt  }
0x5c: {  	_ =	shalt  }
0x5d: {  	_ =	shalt  }
0x5e: {  	_ =	shalt  }
0x5f: {  	_ =	shalt  }
0x60: {  	_ =	shalt  }
0x61: {  	_ =	shalt  }
0x62: {  	_ =	shalt  }
0x63: {  	_ =	shalt  }
0x64: {  	_ =	shalt  }
0x65: {  	_ =	shalt  }
0x66: {  	_ =	shalt  }
0x67: {  	_ =	shalt  }
0x68: {  	_ =	shalt  }
0x69: {  	_ =	shalt  }
0x6a: {  	_ =	shalt  }
0x6b: {  	_ =	shalt  }
0x6c: {  	_ =	shalt  }
0x6d: {  	_ =	shalt  }
0x6e: {  	_ =	shalt  }
0x6f: {  	_ =	shalt  }
0x70: {  	_ =	shalt  }
0x71: {  	_ =	shalt  }
0x72: {  	_ =	shalt  }
0x73: {  	_ =	shalt  }
0x74: {  	_ =	shalt  }
0x75: {  	_ =	shalt  }
0x76: {  	_ =	shalt  }
0x77: {  	_ =	shalt  }
0x78: {  	_ =	shalt  }
0x79: {  	_ =	shalt  }
0x7a: {  	_ =	shalt  }
0x7b: {  	_ =	shalt  }
0x7c: {  	_ =	shalt  }
0x7d: {  	_ =	shalt  }
0x7e: {  	_ =	shalt  }
0x7f: {  	_ =	shalt  }
0x80: {  	_ =	shalt  }
0x81: {  	_ =	shalt  }
0x82: {  	_ =	shalt  }
0x83: {  	_ =	shalt  }
0x84: {  	_ =	shalt  }
0x85: {  	_ =	shalt  }
0x86: {  	_ =	shalt  }
0x87: {  	_ =	shalt  }
.Lfunc_end0:
.L_simem_size_0:
called_computation.2_lowered:
.L_overlay_start_0:
0x88: {  	s2 =	sld [smem:$0x3FD9]  }
0x89: {  	s3 =	sld [smem:$0x3FFE];
	_ =	sdelay $0x1  }
0x8a: {  	s1 =	srdreg.scid  }
0x8b: {  	s0 =	sand.u32 $0x1, s1  }
0x8c: {  	s17 =	sshll.u32 s0, $0xA;
	s2 =	sadd.s32 s3, s2  }
0x8d: {  	s2 =	sadd.s32 s2, s17  }
0x8e: {  	[smem:$0x3FBD] =	sst s2  }
0x8f: {  	_ = 	snop  }
0x90: {  	s2 =	sld [smem:$0x3FD0];
	(tm) =	ssettm $0x1  }
0x91: {  	s18 =	sld [smem:$0x3FFB];
	_ =	sdelay $0x3  }
0x92: {  	_ =	strace s18  }
0x93: {  	s3 =	sld [smem:$0x3FFC];
	_ =	sdelay $0x3  }
0x94: {  	_ =	strace s3  }
0x95: {  	s3 =	sld [smem:$0x3FFD];
	_ =	sdelay $0x3  }
0x96: {  	_ =	strace s3  }
0x97: {  	_ =	strace $0x8FFFFFFF  }
0x98: {  	s19 =	sld [smem:$0x3FDB];
	_ =	sdelay $0x1  }
0x99: {  	s4 =	simm.s32 $_scs_section_size  }
0x9a: {  	s5 =	simm.s32 $_size__tile_overlayer_lowered;
	s6 =	simm.s32 $_tile_overlayer_lowered  }
0x9b: {  	s22 =	simm.s32 $0x1BFF;
	s21 =	sshll.u32 s6, $0x1;
	s3 =	sadd.s32 s4, s19  }
0x9c: {  	s7 =	simm.s32 $0x0;
	s20 =	sshll.u32 s5, $0x1;
	s5 =	sadd.s32 s21, s3  }
0x9d: {  	[timem:s7], [sflag:s22] =	dma.local [hbm:s5], s20  }
0x9e: {  	_ =	swait.ge [sflag:s22], s20  }
0x9f: {  	s4 =	ssub.s32 $0x0, s20;
	[sflag:s22] =	ssyncset.done $0x0  }
0xa0: {  	[sflag:s22] =	ssyncadd.s32 s4;
	_ =	sdelay $0x1  }
0xa1: {  	s23 =	simm.s32 $0x1B8B  }
0xa2: {  	_ =	swait.ge [sflag:s23], $0x1  }
0xa3: {  	[sflag:s23] =	ssyncset.done $0x0  }
0xa4: {  	s25 =	simm.s32 $0x1B8E;
	s24 =	sld [smem:$0x3FFE];
	[sflag:s23] =	ssyncadd.s32 $0xFFFFFFFF  }
0xa5: {  	s26 =	simm.s32 $execute0_lowered;
	[smem:$0x3FD2] =	sst s25  }
0xa6: {  	s5 =	sshll.u32 s26, $0x1;
	_ =	strace $0x8000004C;
	[dreg:$0x1] =	wrdreg $0xFFFFFFFF  }
0xa7: {  	s28 =	simm.s32 $_size_execute0_lowered;
	s3 =	sadd.s32 s3, s5;
	[dreg:$0x0] =	wrdreg $0x0  }
0xa8: {  	s5 =	sshll.u32 s28, $0x1;
	[dreg:$0x2] =	wrdreg s3  }
0xa9: {  	[dreg:$0x3] =	wrdreg s5  }
0xaa: {  	[dreg:$0x4] =	wrdreg $0xC0  }
0xab: {  	_ =	task [dreg:s7], $0x5FFFF  }
0xac: {  	[dreg:$0x1] =	wrdreg $0xFFFFFFFF  }
0xad: {  	[dreg:$0x0] =	wrdreg $0x60  }
0xae: {  	[dreg:$0x2] =	wrdreg s2  }
0xaf: {  	[dreg:$0x3] =	wrdreg s24  }
0xb0: {  	[dreg:$0x4] =	wrdreg $0x2A000  }
0xb1: {  	[dreg:$0x5] =	wrdreg $0x9  }
0xb2: {  	_ =	task.clear_ibuf [dreg:s7], $0x6FFFF;
	_ =	strace $0x9000004C  }
0xb3: {  	s29 =	simm.s32 $0x9;
	_ =	strace $0x8000004E  }
0xb4: {  	_ =	swait.ge [sflag:s29], $0x1  }
0xb5: {  	[sflag:s29] =	ssyncadd.s32 $0xFFFFFFFF  }
0xb6: {  	_ =	strace $0x9000004E  }
0xb7: {  	_ =	sfence  }
0xb8: {  	s30 =	sld [smem:$0x0];
	_ =	sdelay $0x2  }
0xb9: {  	s31 =	sshll.u32 s1, $0xD;
	s1 =	sshrl.u32 s1, $0x2  }
0xba: {  	s3 =	sand.u32 $0x4000, s31;
	s1 =	sadd.s32 s1, s30  }
0xbb: {  	s0 =	sor.u32 s3, s0;
	s1 =	sshll.u32 s1, $0x11  }
0xbc: {  	s0 =	sor.u32 s1, s0  }
0xbd: {  	s0 =	sadd.s32 $0x8F2B, s0  }
0xbe: {  	[sflag:s0] =	ssyncadd.remote.s32 $0x1  }
0xbf: {  	_ =	sfence.sel $0xFFFF  }
0xc0: {  	[dreg:$0x0] =	wrdreg $0xFFFFFFFF;
	(pc) =	sbr.abs _section_cstart, $3  }
0xc1: {  	[dreg:$0x1] =	wrdreg $0xFFFFFFFF  }
0xc2: {  	_ =	task.clear_ibuf [dreg:s7], $0x2FFFF;
	_ =	strace $0x9FFFFFFF  }
0xc3: {  	(tm) =	ssettm $0x7FFFFFFF  }
tec
execute0_lowered:
.L_overlay_start_1:
0x0: {  	(tag) =	ssettag $0x1  }
0x1: {  	s1 =	srdreg.scid  }
0x2: {  	s0 =	rddreg [dreg:$0x1];
	s17 =	stileid.u32  }
0x3: {  	s5 =	sand.u32 $0x1, s1;
	s1 =	simm.s32 $0x0;
	s7 =	smul.u32 $0x280, s17  }
0x4: {  	s8 =	smul.u32 $0x14000, s17;
	s9 =	sadd.s32 $0xCE00, s0;
	s3 =	sadd.s32 $0x8EC00, s0  }
0x5: {  	s15 =	sshll.u32 s17, $0x1;
	s2 =	ssub.s32 $0x2, s5;
	[smem:$0x7FF] =	sst s1  }
0x6: {  	s4 =	sshrl.u32 s2, $0x1;
	s6 =	sshrl.u32 s8, $0x3;
	s10 =	sor.u32 $0x50, s7  }
0x7: {  	s18 =	sadd.s32 $0xA0, s7;
	s12 =	sadd.s32 $0xF0, s7;
	s13 =	sadd.s32 $0x140, s7  }
0x8: {  	s21 =	sadd.s32 $0x190, s7;
	s4 =	ssub.s32 s2, s4;
	s2 =	sor.u32 s5, s15  }
0x9: {  	s6 =	sadd.s32 s9, s6;
	s11 =	sshll.u32 s10, $0x4;
	s19 =	sshll.u32 s12, $0x4  }
0xa: {  	s12 =	sshll.u32 s12, $0x7;
	s20 =	sshll.u32 s13, $0x4;
	s13 =	sshll.u32 s13, $0x7  }
0xb: {  	s14 =	sshll.u32 s21, $0x7;
	s15 =	sadd.s32 $0x1E0, s7;
	s7 =	sadd.s32 $0x230, s7  }
0xc: {  	[dreg:$0x4] =	wrdreg s6;
	s6 =	sshll.u32 s10, $0x7;
	s16 =	sadd.s32 s9, s11  }
0xd: {  	s11 =	sshll.u32 s18, $0x7;
	s10 =	sshll.u32 s18, $0x4;
	s22 =	sshll.u32 s15, $0x4  }
0xe: {  	s15 =	sshll.u32 s15, $0x7;
	[dreg:$0x5] =	wrdreg s16;
	s10 =	sadd.s32 s9, s10  }
0xf: {  	s16 =	smul.u32 $0x140000, s5;
	[dreg:$0x6] =	wrdreg s10;
	s10 =	sadd.s32 s9, s19  }
0x10: {  	s5 =	smul.u32 $0x2710, s5;
	[dreg:$0x7] =	wrdreg s10;
	s10 =	sadd.s32 s9, s20  }
0x11: {  	s8 =	sadd.s32 s8, s16;
	s24 =	sadd.s32 s16, s6;
	s26 =	sadd.s32 s16, s11  }
0x12: {  	s19 =	sadd.s32 s16, s13;
	[dreg:$0x8] =	wrdreg s10;
	s10 =	sshll.u32 s21, $0x4  }
0x13: {  	s23 =	sshrl.u32 s8, $0x3;
	s25 =	sshrl.u32 s24, $0x3;
	s8 =	sshrl.u32 s26, $0x3  }
0x14: {  	s20 =	sshrl.u32 s19, $0x3;
	s21 =	sadd.s32 s16, s14;
	s10 =	sadd.s32 s9, s10  }
0x15: {  	s26 =	smul.u32 $0x50000, s17;
	[dreg:$0x9] =	wrdreg s10;
	s10 =	sadd.s32 s9, s22  }
0x16: {  	[dreg:$0xa] =	wrdreg s10;
	s10 =	sshll.u32 s7, $0x7;
	s7 =	sshll.u32 s7, $0x4  }
0x17: {  	s17 =	smul.u32 $0x4E20, s17;
	s22 =	sshrl.u32 s21, $0x3;
	s7 =	sadd.s32 s9, s7  }
0x18: {  	s21 =	sadd.s32 $0x84E00, s0;
	[dreg:$0xb] =	wrdreg s7;
	s7 =	sadd.s32 s3, s23  }
0x19: {  	s9 =	sadd.s32 s16, s12;
	s23 =	sadd.s32 s16, s15;
	[dreg:$0xc] =	wrdreg s7  }
0x1a: {  	s7 =	sadd.s32 s3, s25;
	s25 =	sadd.s32 s16, s10;
	s16 =	rddreg [dreg:$0x0]  }
0x1b: {  	s18 =	sshrl.u32 s9, $0x3;
	[dreg:$0xd] =	wrdreg s7;
	s7 =	sadd.s32 s3, s8  }
0x1c: {  	s9 =	sshrl.u32 s26, $0x2;
	s24 =	sshrl.u32 s23, $0x3;
	[dreg:$0xe] =	wrdreg s7  }
0x1d: {  	s8 =	sshrl.u32 s25, $0x3;
	s7 =	sadd.s32 s3, s18;
	s18 =	rddreg [dreg:$0x2]  }
0x1e: {  	[dreg:$0xf] =	wrdreg s7;
	s7 =	sadd.s32 s3, s20;
	s23 =	sadd.s32 s9, s18  }
0x1f: {  	s25 =	sadd.s32 s11, s18;
	s11 =	smul.u32 $0x2710, s2;
	s26 =	sadd.s32 s12, s18  }
0x20: {  	s28 =	sadd.s32 s13, s18;
	s29 =	sadd.s32 s14, s18;
	s30 =	sadd.s32 s15, s18  }
0x21: {  	s31 =	sadd.s32 s10, s18;
	s20 =	smax.u32 s4, $0x1;
	s9 =	simm.s32 $0x4  }
0x22: {  	s10 =	simm.s32 $0x80;
	[dreg:$0x10] =	wrdreg s7;
	s7 =	sadd.s32 s3, s22  }
0x23: {  	s22 =	sadd.s32 $0x3000, s0;
	[dreg:$0x11] =	wrdreg s7;
	s7 =	sadd.s32 s3, s24  }
0x24: {  	s3 =	sadd.s32 s3, s8;
	s8 =	sadd.s32 s5, s17;
	[dreg:$0x12] =	wrdreg s7  }
0x25: {  	s24 =	sadd.s32 s6, s18;
	s0 =	sshrl.u32 s11, $0x3;
	[dreg:$0x13] =	wrdreg s3  }
0x26: {  	s12 =	sadd.s32 s21, s0;
	s13 =	sadd.s32 $0xA, s0;
	s14 =	sadd.s32 $0xF0, s8  }
0x27: {  	s0 =	sadd.s32 s22, s0;
	_ =	strace $0x8000004D;
	[dreg:$0x14] =	wrdreg s12  }
0x28: {  	s11 =	simm.s32 $0x2;
	[dreg:$0x15] =	wrdreg s0;
	s15 =	sshrl.u32 s14, $0x3  }
0x29: {  	s17 =	sadd.s32 s21, s13;
	s19 =	sadd.s32 s22, s13;
	[dreg:$0x18] =	wrdreg s20  }
0x2a: {  	s0 =	sadd.s32 $0xA0, s8;
	s8 =	simm.s32 $0x200;
	s12 =	simm.s32 $0x100  }
0x2b: {  	s13 =	simm.s32 $0x180;
	s14 =	simm.s32 $0x50;
	[dreg:$0x16] =	wrdreg s17  }
0x2c: {  	s20 =	simm.s32 $0x0;
	[dreg:$0x17] =	wrdreg s19;
	s5 =	sadd.s32 s15, s22  }
0x2d: {  	s6 =	sadd.s32 s15, s21;
	s15 =	simm.s32 $0x1;
	s19 =	simm.s32 $0x3  }
.LBB2_1:
0x2e: {  	s2 =	rddreg [dreg:$0x4]  }
0x2f: {  	[tilespmem:s8], [sflag:$0x4] =	stream.linear.gather [hbm4b:s2+s1], $0x2800, $0x38;
	[tilespmem:$0x16A00] =	vst v63  }
0x30: {  	_ =	swait.ge [sflag:s9], $0x2800  }
0x31: {  	[sflag:s9] =	ssyncset.done $0x0  }
0x32: {  	[sflag:s9] =	ssyncadd.s32 $0xFFFFD800  }
0x33: {  	[spmem:s23] =	stream.linear.scatter [tilespmem:s8], [sflag:$0x4], $0x2800, $0x38;
	[tilespmem:$0x16A00] =	vst v63  }
0x34: {  	_ =	swait.ge [sflag:s9], $0x2800  }
0x35: {  	[sflag:s9] =	ssyncset.done $0x0  }
0x36: {  	s7 =	rddreg [dreg:$0x5];
	[sflag:s9] =	ssyncadd.s32 $0xFFFFD800  }
0x37: {  	[tilespmem:s8], [sflag:$0x4] =	stream.linear.gather [hbm4b:s7+s1], $0x2800, $0x38;
	[tilespmem:$0x16A00] =	vst v63  }
0x38: {  	_ =	swait.ge [sflag:s9], $0x2800  }
0x39: {  	[sflag:s9] =	ssyncset.done $0x0  }
0x3a: {  	[sflag:s9] =	ssyncadd.s32 $0xFFFFD800  }
0x3b: {  	[spmem:s24] =	stream.linear.scatter [tilespmem:s8], [sflag:$0x4], $0x2800, $0x38;
	[tilespmem:$0x16A00] =	vst v63  }
0x3c: {  	_ =	swait.ge [sflag:s9], $0x2800  }
0x3d: {  	[sflag:s9] =	ssyncset.done $0x0  }
0x3e: {  	s17 =	rddreg [dreg:$0x6];
	[sflag:s9] =	ssyncadd.s32 $0xFFFFD800  }
0x3f: {  	[tilespmem:s8], [sflag:$0x4] =	stream.linear.gather [hbm4b:s17+s1], $0x2800, $0x38;
	[tilespmem:$0x16A00] =	vst v63  }
0x40: {  	_ =	swait.ge [sflag:s9], $0x2800  }
0x41: {  	[sflag:s9] =	ssyncset.done $0x0  }
0x42: {  	[sflag:s9] =	ssyncadd.s32 $0xFFFFD800  }
0x43: {  	[spmem:s25] =	stream.linear.scatter [tilespmem:s8], [sflag:$0x4], $0x2800, $0x38;
	[tilespmem:$0x16A00] =	vst v63  }
0x44: {  	_ =	swait.ge [sflag:s9], $0x2800  }
0x45: {  	[sflag:s9] =	ssyncset.done $0x0  }
0x46: {  	s3 =	rddreg [dreg:$0x7];
	[sflag:s9] =	ssyncadd.s32 $0xFFFFD800  }
0x47: {  	[tilespmem:s8], [sflag:$0x4] =	stream.linear.gather [hbm4b:s3+s1], $0x2800, $0x38;
	[tilespmem:$0x16A00] =	vst v63  }
0x48: {  	_ =	swait.ge [sflag:s9], $0x2800  }
0x49: {  	[sflag:s9] =	ssyncset.done $0x0  }
0x4a: {  	[sflag:s9] =	ssyncadd.s32 $0xFFFFD800  }
0x4b: {  	[spmem:s26] =	stream.linear.scatter [tilespmem:s8], [sflag:$0x4], $0x2800, $0x38;
	[tilespmem:$0x16A00] =	vst v63  }
0x4c: {  	_ =	swait.ge [sflag:s9], $0x2800  }
0x4d: {  	[sflag:s9] =	ssyncset.done $0x0  }
0x4e: {  	s4 =	rddreg [dreg:$0x8];
	[sflag:s9] =	ssyncadd.s32 $0xFFFFD800  }
0x4f: {  	[tilespmem:s8], [sflag:$0x4] =	stream.linear.gather [hbm4b:s4+s1], $0x2800, $0x38;
	[tilespmem:$0x16A00] =	vst v63  }
0x50: {  	_ =	swait.ge [sflag:s9], $0x2800  }
0x51: {  	[sflag:s9] =	ssyncset.done $0x0  }
0x52: {  	[sflag:s9] =	ssyncadd.s32 $0xFFFFD800  }
0x53: {  	[spmem:s28] =	stream.linear.scatter [tilespmem:s8], [sflag:$0x4], $0x2800, $0x38;
	[tilespmem:$0x16A00] =	vst v63  }
0x54: {  	_ =	swait.ge [sflag:s9], $0x2800  }
0x55: {  	[sflag:s9] =	ssyncset.done $0x0  }
0x56: {  	s7 =	rddreg [dreg:$0x9];
	[sflag:s9] =	ssyncadd.s32 $0xFFFFD800  }
0x57: {  	[tilespmem:s8], [sflag:$0x4] =	stream.linear.gather [hbm4b:s7+s1], $0x2800, $0x38;
	[tilespmem:$0x16A00] =	vst v63  }
0x58: {  	_ =	swait.ge [sflag:s9], $0x2800  }
0x59: {  	[sflag:s9] =	ssyncset.done $0x0  }
0x5a: {  	[sflag:s9] =	ssyncadd.s32 $0xFFFFD800  }
0x5b: {  	[spmem:s29] =	stream.linear.scatter [tilespmem:s8], [sflag:$0x4], $0x2800, $0x38;
	[tilespmem:$0x16A00] =	vst v63  }
0x5c: {  	_ =	swait.ge [sflag:s9], $0x2800  }
0x5d: {  	[sflag:s9] =	ssyncset.done $0x0  }
0x5e: {  	s17 =	rddreg [dreg:$0xa];
	[sflag:s9] =	ssyncadd.s32 $0xFFFFD800  }
0x5f: {  	[tilespmem:s8], [sflag:$0x4] =	stream.linear.gather [hbm4b:s17+s1], $0x2800, $0x38;
	[tilespmem:$0x16A00] =	vst v63  }
0x60: {  	_ =	swait.ge [sflag:s9], $0x2800  }
0x61: {  	[sflag:s9] =	ssyncset.done $0x0  }
0x62: {  	[sflag:s9] =	ssyncadd.s32 $0xFFFFD800  }
0x63: {  	[spmem:s30] =	stream.linear.scatter [tilespmem:s8], [sflag:$0x4], $0x2800, $0x38;
	[tilespmem:$0x16A00] =	vst v63  }
0x64: {  	_ =	swait.ge [sflag:s9], $0x2800  }
0x65: {  	[sflag:s9] =	ssyncset.done $0x0  }
0x66: {  	s3 =	rddreg [dreg:$0xb];
	[sflag:s9] =	ssyncadd.s32 $0xFFFFD800  }
0x67: {  	[tilespmem:s8], [sflag:$0x4] =	stream.linear.gather [hbm4b:s3+s1], $0x2800, $0x38;
	[tilespmem:$0x16A00] =	vst v63  }
0x68: {  	_ =	swait.ge [sflag:s9], $0x2800  }
0x69: {  	[sflag:s9] =	ssyncset.done $0x0  }
0x6a: {  	[sflag:s9] =	ssyncadd.s32 $0xFFFFD800  }
0x6b: {  	[spmem:s31] =	stream.linear.scatter [tilespmem:s8], [sflag:$0x4], $0x2800, $0x38;
	[tilespmem:$0x16A00] =	vst v63  }
0x6c: {  	_ =	swait.ge [sflag:s9], $0x2800  }
0x6d: {  	[sflag:s9] =	ssyncset.done $0x0  }
0x6e: {  	[sflag:s9] =	ssyncadd.s32 $0xFFFFD800  }
0x6f: {  	[bflag:$0x0] =	sbarrier.arrive $0xFFFF  }
0x70: {  	s4 =	rddreg [dreg:$0x14]  }
0x71: {  	[tilespmem:s1], [sflag:$0x2] =	stream.linear.gather [hbm4b:s4+s1], $0x50, $0x38;
	[tilespmem:$0x16A00] =	vst v63  }
0x72: {  	s7 =	rddreg [dreg:$0x15]  }
0x73: {  	[tilespmem:s10], [sflag:$0x2] =	stream.linear.gather [hbm4b:s7+s1], $0x50, $0x38;
	[tilespmem:$0x16A00] =	vst v63  }
0x74: {  	_ =	swait.ge [sflag:s11], $0x50  }
0x75: {  	[sflag:s11] =	ssyncset.done $0x0  }
0x76: {  	[sflag:s11] =	ssyncadd.s32 $0xFFFFFFB0  }
0x77: {  	_ =	swait.ge [sflag:s11], $0x50  }
0x78: {  	[sflag:s11] =	ssyncset.done $0x0  }
0x79: {  	s17 =	rddreg [dreg:$0x16];
	[sflag:s11] =	ssyncadd.s32 $0xFFFFFFB0  }
0x7a: {  	[tilespmem:s12], [sflag:$0x3] =	stream.linear.gather [hbm4b:s17+s1], $0x50, $0x38;
	[tilespmem:$0x16A00] =	vst v63  }
0x7b: {  	s3 =	rddreg [dreg:$0x17]  }
0x7c: {  	[tilespmem:s13], [sflag:$0x3] =	stream.linear.gather [hbm4b:s3+s1], $0x50, $0x38;
	[tilespmem:$0x16A00] =	vst v63  }
0x7d: {  	_ = 	snop  }
0x7e: {  	[tilespmem:s8], [sflag:$0x1] =	stream.indirect.gather [hbm4b:s16+s14], $0x80, s1, s14, $0xb8;
	[tilespmem:$0x16A00] =	vst v63  }
0x7f: {  	_ =	swait.ge [sflag:s15], $0x2800  }
0x80: {  	[sflag:s15] =	ssyncset.done $0x0  }
0x81: {  	[sflag:s15] =	ssyncadd.s32 $0xFFFFD800  }
0x82: {  	[spmem:s18] =	stream.indirect.scatter.add.f32 [tilespmem:s8], [sflag:$0x4], $0x80, s10, s14, $0xb8;
	[tilespmem:$0x16A00] =	vst v63  }
0x83: {  	_ =	swait.ge [sflag:s9], $0x2800  }
0x84: {  	[sflag:s9] =	ssyncset.done $0x0  }
0x85: {  	[sflag:s9] =	ssyncadd.s32 $0xFFFFD800  }
0x86: {  	_ =	swait.ge [sflag:s19], $0x50  }
0x87: {  	[sflag:s19] =	ssyncset.done $0x0  }
0x88: {  	[sflag:s19] =	ssyncadd.s32 $0xFFFFFFB0  }
0x89: {  	_ =	swait.ge [sflag:s19], $0x50  }
0x8a: {  	s7 =	sshrl.u32 s0, $0x3;
	[sflag:s19] =	ssyncset.done $0x0  }
0x8b: {  	s17 =	sadd.s32 s21, s7;
	[sflag:s19] =	ssyncadd.s32 $0xFFFFFFB0  }
0x8c: {  	[tilespmem:s1], [sflag:$0x2] =	stream.linear.gather [hbm4b:s17+s1], $0x50, $0x38;
	[tilespmem:$0x16A00] =	vst v63  }
0x8d: {  	s7 =	sadd.s32 s22, s7  }
0x8e: {  	[tilespmem:s10], [sflag:$0x2] =	stream.linear.gather [hbm4b:s7+s1], $0x50, $0x38;
	[tilespmem:$0x16A00] =	vst v63  }
0x8f: {  	_ = 	snop  }
0x90: {  	[tilespmem:s8], [sflag:$0x1] =	stream.indirect.gather [hbm4b:s16+s14], $0x80, s12, s14, $0xb8;
	[tilespmem:$0x16A00] =	vst v63  }
0x91: {  	_ =	swait.ge [sflag:s15], $0x2800  }
0x92: {  	[sflag:s15] =	ssyncset.done $0x0  }
0x93: {  	[sflag:s15] =	ssyncadd.s32 $0xFFFFD800  }
0x94: {  	[spmem:s18] =	stream.indirect.scatter.add.f32 [tilespmem:s8], [sflag:$0x4], $0x80, s13, s14, $0xb8;
	[tilespmem:$0x16A00] =	vst v63  }
0x95: {  	_ =	swait.ge [sflag:s9], $0x2800  }
0x96: {  	[sflag:s9] =	ssyncset.done $0x0  }
0x97: {  	[sflag:s9] =	ssyncadd.s32 $0xFFFFD800  }
0x98: {  	_ =	swait.ge [sflag:s11], $0x50  }
0x99: {  	[sflag:s11] =	ssyncset.done $0x0  }
0x9a: {  	[sflag:s11] =	ssyncadd.s32 $0xFFFFFFB0  }
0x9b: {  	_ =	swait.ge [sflag:s11], $0x50  }
0x9c: {  	[sflag:s11] =	ssyncset.done $0x0  }
0x9d: {  	s4 =	sadd.s32 $0x0, s6;
	[sflag:s11] =	ssyncadd.s32 $0xFFFFFFB0  }
0x9e: {  	[tilespmem:s12], [sflag:$0x3] =	stream.linear.gather [hbm4b:s4+s1], $0x50, $0x38;
	[tilespmem:$0x16A00] =	vst v63  }
0x9f: {  	s17 =	sadd.s32 $0x0, s5  }
0xa0: {  	[tilespmem:s13], [sflag:$0x3] =	stream.linear.gather [hbm4b:s17+s1], $0x50, $0x38;
	[tilespmem:$0x16A00] =	vst v63  }
0xa1: {  	_ = 	snop  }
0xa2: {  	[tilespmem:s8], [sflag:$0x1] =	stream.indirect.gather [hbm4b:s16+s14], $0x80, s1, s14, $0xb8;
	[tilespmem:$0x16A00] =	vst v63  }
0xa3: {  	_ =	swait.ge [sflag:s15], $0x2800  }
0xa4: {  	[sflag:s15] =	ssyncset.done $0x0  }
0xa5: {  	[sflag:s15] =	ssyncadd.s32 $0xFFFFD800  }
0xa6: {  	[spmem:s18] =	stream.indirect.scatter.add.f32 [tilespmem:s8], [sflag:$0x4], $0x80, s10, s14, $0xb8;
	[tilespmem:$0x16A00] =	vst v63  }
0xa7: {  	_ =	swait.ge [sflag:s9], $0x2800  }
0xa8: {  	s7 =	smov.u32 s0;
	s17 =	simm.s32 $0x14;
	[sflag:s9] =	ssyncset.done $0x0  }
.LBB2_2:
0xa9: {  	p0 =	sne.s32 s17, $0x4C4;
	[sflag:s9] =	ssyncadd.s32 $0xFFFFD800;
	s7 =	sadd.s32 $0xA0, s7  }
0xaa: {  	s2 =	smov.u32 s17;
	s17 =	sadd.s32 $0x14, s17;
	_ =	swait.ge [sflag:s19], $0x50  }
0xab: {  	[sflag:s19] =	ssyncset.done $0x0  }
0xac: {  	[sflag:s19] =	ssyncadd.s32 $0xFFFFFFB0  }
0xad: {  	_ =	swait.ge [sflag:s19], $0x50  }
0xae: {  	s3 =	sshrl.u32 s7, $0x3;
	[sflag:s19] =	ssyncset.done $0x0  }
0xaf: {  	s4 =	sadd.s32 s21, s3;
	[sflag:s19] =	ssyncadd.s32 $0xFFFFFFB0  }
0xb0: {  	[tilespmem:s1], [sflag:$0x2] =	stream.linear.gather [hbm4b:s4+s1], $0x50, $0x38;
	[tilespmem:$0x16A00] =	vst v63  }
0xb1: {  	s3 =	sadd.s32 s22, s3  }
0xb2: {  	[tilespmem:s10], [sflag:$0x2] =	stream.linear.gather [hbm4b:s3+s1], $0x50, $0x38;
	[tilespmem:$0x16A00] =	vst v63  }
0xb3: {  	_ = 	snop  }
0xb4: {  	[tilespmem:s8], [sflag:$0x1] =	stream.indirect.gather [hbm4b:s16+s14], $0x80, s12, s14, $0xb8;
	[tilespmem:$0x16A00] =	vst v63  }
0xb5: {  	_ =	swait.ge [sflag:s15], $0x2800  }
0xb6: {  	[sflag:s15] =	ssyncset.done $0x0  }
0xb7: {  	[sflag:s15] =	ssyncadd.s32 $0xFFFFD800  }
0xb8: {  	[spmem:s18] =	stream.indirect.scatter.add.f32 [tilespmem:s8], [sflag:$0x4], $0x80, s13, s14, $0xb8;
	[tilespmem:$0x16A00] =	vst v63  }
0xb9: {  	_ =	swait.ge [sflag:s9], $0x2800  }
0xba: {  	[sflag:s9] =	ssyncset.done $0x0  }
0xbb: {  	[sflag:s9] =	ssyncadd.s32 $0xFFFFD800  }
0xbc: {  	_ =	swait.ge [sflag:s11], $0x50  }
0xbd: {  	[sflag:s11] =	ssyncset.done $0x0  }
0xbe: {  	[sflag:s11] =	ssyncadd.s32 $0xFFFFFFB0  }
0xbf: {  	_ =	swait.ge [sflag:s11], $0x50  }
0xc0: {  	[sflag:s11] =	ssyncset.done $0x0  }
0xc1: {  	s3 =	sadd.s32 s2, s6;
	[sflag:s11] =	ssyncadd.s32 $0xFFFFFFB0  }
0xc2: {  	[tilespmem:s12], [sflag:$0x3] =	stream.linear.gather [hbm4b:s3+s1], $0x50, $0x38;
	[tilespmem:$0x16A00] =	vst v63  }
0xc3: {  	s2 =	sadd.s32 s2, s5  }
0xc4: {  	[tilespmem:s13], [sflag:$0x3] =	stream.linear.gather [hbm4b:s2+s1], $0x50, $0x38;
	[tilespmem:$0x16A00] =	vst v63  }
0xc5: {  	_ = 	snop  }
0xc6: {  	[tilespmem:s8], [sflag:$0x1] =	stream.indirect.gather [hbm4b:s16+s14], $0x80, s1, s14, $0xb8;
	[tilespmem:$0x16A00] =	vst v63  }
0xc7: {  	_ =	swait.ge [sflag:s15], $0x2800  }
.Ltmp0:
0xc8: {  	[sflag:s15] =	ssyncset.done $0x0;
	(pc) =	sbr.rel @p0 .LBB2_2-.Ltmp0, $4  }
0xc9: {  	[sflag:s15] =	ssyncadd.s32 $0xFFFFD800  }
0xca: {  	[spmem:s18] =	stream.indirect.scatter.add.f32 [tilespmem:s8], [sflag:$0x4], $0x80, s10, s14, $0xb8;
	[tilespmem:$0x16A00] =	vst v63  }
0xcb: {  	_ =	swait.ge [sflag:s9], $0x2800  }
0xcc: {  	[sflag:s9] =	ssyncset.done $0x0  }
0xcd: {  	[sflag:s9] =	ssyncadd.s32 $0xFFFFD800  }
0xce: {  	_ =	swait.ge [sflag:s19], $0x50  }
0xcf: {  	[sflag:s19] =	ssyncset.done $0x0  }
0xd0: {  	[sflag:s19] =	ssyncadd.s32 $0xFFFFFFB0  }
0xd1: {  	_ =	swait.ge [sflag:s19], $0x50  }
0xd2: {  	[sflag:s19] =	ssyncset.done $0x0  }
0xd3: {  	[sflag:s19] =	ssyncadd.s32 $0xFFFFFFB0  }
0xd4: {  	[bflag:$0x0] =	sbarrier.arrive $0xFFFF  }
0xd5: {  	[tilespmem:s8], [sflag:$0x4] =	stream.linear.gather [spmem:s23], $0x2800, $0x38;
	[tilespmem:$0x16A00] =	vst v63  }
0xd6: {  	_ =	swait.ge [sflag:s9], $0x2800  }
0xd7: {  	[sflag:s9] =	ssyncset.done $0x0  }
0xd8: {  	s2 =	rddreg [dreg:$0xc];
	[sflag:s9] =	ssyncadd.s32 $0xFFFFD800  }
0xd9: {  	[hbm4b:s2+s1] =	stream.linear.scatter [tilespmem:s8], [sflag:$0x4], $0x2800, $0x38;
	[tilespmem:$0x16A00] =	vst v63  }
0xda: {  	_ =	swait.ge [sflag:s9], $0x2800  }
0xdb: {  	[sflag:s9] =	ssyncset.done $0x0  }
0xdc: {  	[sflag:s9] =	ssyncadd.s32 $0xFFFFD800  }
0xdd: {  	[tilespmem:s8], [sflag:$0x4] =	stream.linear.gather [spmem:s24], $0x2800, $0x38;
	[tilespmem:$0x16A00] =	vst v63  }
0xde: {  	_ =	swait.ge [sflag:s9], $0x2800  }
0xdf: {  	[sflag:s9] =	ssyncset.done $0x0  }
0xe0: {  	s3 =	rddreg [dreg:$0xd];
	[sflag:s9] =	ssyncadd.s32 $0xFFFFD800  }
0xe1: {  	[hbm4b:s3+s1] =	stream.linear.scatter [tilespmem:s8], [sflag:$0x4], $0x2800, $0x38;
	[tilespmem:$0x16A00] =	vst v63  }
0xe2: {  	_ =	swait.ge [sflag:s9], $0x2800  }
0xe3: {  	[sflag:s9] =	ssyncset.done $0x0  }
0xe4: {  	[sflag:s9] =	ssyncadd.s32 $0xFFFFD800  }
0xe5: {  	[tilespmem:s8], [sflag:$0x4] =	stream.linear.gather [spmem:s25], $0x2800, $0x38;
	[tilespmem:$0x16A00] =	vst v63  }
0xe6: {  	_ =	swait.ge [sflag:s9], $0x2800  }
0xe7: {  	[sflag:s9] =	ssyncset.done $0x0  }
0xe8: {  	s4 =	rddreg [dreg:$0xe];
	[sflag:s9] =	ssyncadd.s32 $0xFFFFD800  }
0xe9: {  	[hbm4b:s4+s1] =	stream.linear.scatter [tilespmem:s8], [sflag:$0x4], $0x2800, $0x38;
	[tilespmem:$0x16A00] =	vst v63  }
0xea: {  	_ =	swait.ge [sflag:s9], $0x2800  }
0xeb: {  	[sflag:s9] =	ssyncset.done $0x0  }
0xec: {  	[sflag:s9] =	ssyncadd.s32 $0xFFFFD800  }
0xed: {  	[tilespmem:s8], [sflag:$0x4] =	stream.linear.gather [spmem:s26], $0x2800, $0x38;
	[tilespmem:$0x16A00] =	vst v63  }
0xee: {  	_ =	swait.ge [sflag:s9], $0x2800  }
0xef: {  	[sflag:s9] =	ssyncset.done $0x0  }
0xf0: {  	s7 =	rddreg [dreg:$0xf];
	[sflag:s9] =	ssyncadd.s32 $0xFFFFD800  }
0xf1: {  	[hbm4b:s7+s1] =	stream.linear.scatter [tilespmem:s8], [sflag:$0x4], $0x2800, $0x38;
	[tilespmem:$0x16A00] =	vst v63  }
0xf2: {  	_ =	swait.ge [sflag:s9], $0x2800  }
0xf3: {  	[sflag:s9] =	ssyncset.done $0x0  }
0xf4: {  	[sflag:s9] =	ssyncadd.s32 $0xFFFFD800  }
0xf5: {  	[tilespmem:s8], [sflag:$0x4] =	stream.linear.gather [spmem:s28], $0x2800, $0x38;
	[tilespmem:$0x16A00] =	vst v63  }
0xf6: {  	_ =	swait.ge [sflag:s9], $0x2800  }
0xf7: {  	[sflag:s9] =	ssyncset.done $0x0  }
0xf8: {  	s17 =	rddreg [dreg:$0x10];
	[sflag:s9] =	ssyncadd.s32 $0xFFFFD800  }
0xf9: {  	[hbm4b:s17+s1] =	stream.linear.scatter [tilespmem:s8], [sflag:$0x4], $0x2800, $0x38;
	[tilespmem:$0x16A00] =	vst v63  }
0xfa: {  	_ =	swait.ge [sflag:s9], $0x2800  }
0xfb: {  	[sflag:s9] =	ssyncset.done $0x0  }
0xfc: {  	[sflag:s9] =	ssyncadd.s32 $0xFFFFD800  }
0xfd: {  	[tilespmem:s8], [sflag:$0x4] =	stream.linear.gather [spmem:s29], $0x2800, $0x38;
	[tilespmem:$0x16A00] =	vst v63  }
0xfe: {  	_ =	swait.ge [sflag:s9], $0x2800  }
0xff: {  	[sflag:s9] =	ssyncset.done $0x0  }
0x100: {  	s3 =	rddreg [dreg:$0x11];
	[sflag:s9] =	ssyncadd.s32 $0xFFFFD800  }
0x101: {  	[hbm4b:s3+s1] =	stream.linear.scatter [tilespmem:s8], [sflag:$0x4], $0x2800, $0x38;
	[tilespmem:$0x16A00] =	vst v63  }
0x102: {  	_ =	swait.ge [sflag:s9], $0x2800  }
0x103: {  	[sflag:s9] =	ssyncset.done $0x0  }
0x104: {  	[sflag:s9] =	ssyncadd.s32 $0xFFFFD800  }
0x105: {  	[tilespmem:s8], [sflag:$0x4] =	stream.linear.gather [spmem:s30], $0x2800, $0x38;
	[tilespmem:$0x16A00] =	vst v63  }
0x106: {  	_ =	swait.ge [sflag:s9], $0x2800  }
0x107: {  	[sflag:s9] =	ssyncset.done $0x0  }
0x108: {  	s4 =	rddreg [dreg:$0x12];
	[sflag:s9] =	ssyncadd.s32 $0xFFFFD800  }
0x109: {  	[hbm4b:s4+s1] =	stream.linear.scatter [tilespmem:s8], [sflag:$0x4], $0x2800, $0x38;
	[tilespmem:$0x16A00] =	vst v63  }
0x10a: {  	_ =	swait.ge [sflag:s9], $0x2800  }
0x10b: {  	[sflag:s9] =	ssyncset.done $0x0  }
0x10c: {  	[sflag:s9] =	ssyncadd.s32 $0xFFFFD800  }
0x10d: {  	[tilespmem:s8], [sflag:$0x4] =	stream.linear.gather [spmem:s31], $0x2800, $0x38;
	[tilespmem:$0x16A00] =	vst v63  }
0x10e: {  	_ =	swait.ge [sflag:s9], $0x2800  }
0x10f: {  	[sflag:s9] =	ssyncset.done $0x0  }
0x110: {  	s7 =	rddreg [dreg:$0x13];
	[sflag:s9] =	ssyncadd.s32 $0xFFFFD800  }
0x111: {  	[hbm4b:s7+s1] =	stream.linear.scatter [tilespmem:s8], [sflag:$0x4], $0x2800, $0x38;
	[tilespmem:$0x16A00] =	vst v63  }
0x112: {  	_ =	swait.ge [sflag:s9], $0x2800  }
0x113: {  	s20 =	sadd.s32 $0x1, s20;
	s17 =	rddreg [dreg:$0x18]  }
0x114: {  	p0 =	sne.s32 s20, s17  }
.Ltmp1:
0x115: {  	_ = 	snop;
	(pc) =	sbr.rel @p0 .LBB2_1-.Ltmp1, $3  }
0x116: {  	_ =	sdelay $0x1  }
0x117: {  	[sflag:s9] =	ssyncset.done $0x0  }
0x118: {  	[sflag:s9] =	ssyncadd.s32 $0xFFFFD800  }
0x119: {  	_ =	sfence.sel $0x180000  }
0x11a: {  	[bflag:$0x0] =	sbarrier.arrive $0xFFFF  }
0x11b: {  	_ =	strace $0x9000004D  }
0x11c: {  	s0 =	stileid.u32;
	[bflag:$0x2] =	sbarrier.arrive $0xFFFF  }
0x11d: {  	p0 =	sne.s32 s0, $0x0;
	s0 =	rddreg [dreg:$0x3]  }
0x11e: {  	s0 =	sadd.s32 @!p0 $0x100000, s0  }
0x11f: {  	[sflag:s0] =	ssyncadd.tile.s32 @!p0 $0x1;
	_ =	shalt  }
.Lfunc_end2:
_tile_overlayer_lowered:
.L_overlay_start_2:
0x120: {  	(tag) =	ssettag $0x2  }
0x121: {  	s0 =	rddreg [dreg:$0x0];
	s2 =	stileid.u32  }
0x122: {  	s1 =	rddreg [dreg:$0x1];
	p0 =	sne.s32 s2, $0x0  }
0x123: {  	s3 =	rddreg [dreg:$0x2];
	[bflag:$0x3] =	sbarrier.arrive $0xFFFF;
	s2 =	simm.s32 @!p0 $0x1C04  }
0x124: {  	[timem:s3], [sflag:s2] =	dma.local @!p0 [hbm:s0], s1  }
0x125: {  	s0 =	simm.s32 @!p0 $0x4  }
0x126: {  	_ =	swait.ge @!p0 [sflag:s0], s1  }
0x127: {  	s1 =	ssub.s32 @!p0 $0x0, s1;
	[sflag:s0] =	ssyncset.done @!p0 $0x0  }
0x128: {  	[sflag:s0] =	ssyncadd.s32 @!p0 s1  }
0x129: {  	[bflag:$0x3] =	sbarrier.arrive $0xFFFF  }
0x12a: {  	_ =	shalt  }

// kernel: kernel.18.cloned.1.call-start
scs
__scs_entry_jumppad:
0x0: {  	(pc) =	sbr.rel $0x88, $3  }
0x1: {  	(tag) =	ssettag $0x0;
	lr =	simm.s32 $0x1  }
0x2: {  	[smem:$0x3F96] =	sst lr;
	_ =	strace $0xD0000000  }
0x3: {  	_ = 	snop  }
0x4: {  	_ = 	snop  }
0x5: {  	_ = 	snop  }
0x6: {  	_ = 	snop  }
0x7: {  	_ = 	snop  }
__scs_overlays_trampoline_lowered:
0x8: {  	[smem:$0x3FA5] =	sst s0  }
0x9: {  	[smem:$0x3FA6] =	sst s1  }
0xa: {  	[smem:$0x3FA7] =	sst s2  }
0xb: {  	[smem:$0x3FA8] =	sst s3  }
0xc: {  	[smem:$0x3FA9] =	sst s4  }
0xd: {  	[smem:$0x3FAA] =	sst s5  }
0xe: {  	[smem:$0x3FAB] =	sst s6  }
0xf: {  	[smem:$0x3FAC] =	sst s7  }
0x10: {  	[smem:$0x3FAD] =	sst s8  }
0x11: {  	[smem:$0x3FAE] =	sst s9;
	s0 =	simm.s32 @!p0 $0x0  }
0x12: {  	s1 =	sld [smem:$0x3F94];
	s0 =	simm.s32 @p0 $0x1  }
0x13: {  	[smem:$0x3FAF] =	sst s0;
	s0 =	simm.s32 @!p1 $0x0  }
0x14: {  	s2 =	sld [smem:$0x3F93];
	s0 =	simm.s32 @p1 $0x1  }
0x15: {  	[smem:$0x3FB0] =	sst s0;
	s0 =	simm.s32 @!p2 $0x0  }
0x16: {  	s3 =	sld [smem:$0x3FDB];
	s0 =	simm.s32 @p2 $0x1  }
0x17: {  	s4 =	simm.s32 $0x1BF5;
	[smem:$0x3FB2] =	sst s0  }
0x18: {  	s0 =	sld [smem:$0x3F95];
	_ =	swait.ge [sflag:s4], $0x0  }
0x19: {  	s7 =	sld [smem:$0x3F96]  }
0x1a: {  	s8 =	sadd.s32 $0xFFFFE003, lr  }
0x1b: {  	s9 =	sadd.s32 $0xFFFFFEF7, lr;
	s5 =	simm.s32 $0xFFFFFFFF;
	p2 =	slt.u32 s8, $0xFFFFF086  }
0x1c: {  	p1 =	slt.u32 s9, $0xF7A;
	s5 =	simm.s32 @!p2 $0x0  }
0x1d: {  	s5 =	simm.s32 @p1 $0x1;
	p0 =	seq.s32 s7, s2  }
0x1e: {  	s7 =	smul.u32 @!p0 $0xF7A, s2;
	p2 =	seq.s32 @!p0 s5, $0x0  }
0x1f: {  	s9 =	smul.u32 $0xF7A, s1;
	s8 =	simm.s32 @!p0 $0x1BF5;
	p2 =	por !p2, p0  }
0x20: {  	[sflag:s8] =	ssyncset.s32 @!p0 $0xFFFFF086;
	s6 =	sadd.s32 @!p0 s3, s7;
	s7 =	simm.s32 @!p0 $0x108  }
0x21: {  	s3 =	sadd.s32 s3, s9;
	s6 =	sadd.s32 @!p0 $0x88, s6;
	s7 =	simm.s32 @p2 $0x1082  }
0x22: {  	[simem:s7], [sflag:s8] =	dma.local @!p0 [hbm:s6], $0xF7A  }
0x23: {  	s9 =	sor.u32 $0xD0000000, s2;
	s6 =	simm.s32 $0x108;
	_ =	swait.ge @!p0 [sflag:s8], $0x0  }
0x24: {  	s3 =	sadd.s32 $0x88, s3;
	s6 =	simm.s32 @!p1 $0x1082;
	[sflag:s4] =	ssyncset.s32 $0xFFFFF086  }
0x25: {  	[simem:s6], [sflag:s4] =	dma.local [hbm:s3], $0xF7A  }
0x26: {  	[smem:$0x3F96] =	sst s1;
	(tag) =	ssettag s2;
	_ =	strace s9  }
0x27: {  	s1 =	sld [smem:$0x3FA6]  }
0x28: {  	s2 =	sld [smem:$0x3FA7]  }
0x29: {  	s4 =	sld [smem:$0x3FA9]  }
0x2a: {  	p0 =	seq.s32 s5, $0x0;
	s5 =	sld [smem:$0x3FAA]  }
0x2b: {  	s6 =	sld [smem:$0x3FAB]  }
0x2c: {  	s7 =	sld [smem:$0x3FAC]  }
0x2d: {  	s3 =	simm.s32 $0x108;
	s8 =	sld [smem:$0x3FAD]  }
0x2e: {  	s3 =	simm.s32 @!p0 $0x1082;
	s9 =	sld [smem:$0x3FAE]  }
0x2f: {  	lr =	sadd.s32 s0, s3;
	s0 =	sld [smem:$0x3FA5]  }
0x30: {  	s3 =	sld [smem:$0x3FA8]  }
0x31: {  	[smem:$0x3FB1] =	sst s10  }
0x32: {  	s10 =	sld [smem:$0x3FAF];
	_ =	sdelay $0x3  }
0x33: {  	p0 =	seq.s32 s10, $0x1;
	s10 =	sld [smem:$0x3FB1];
	_ =	sdelay $0x3  }
0x34: {  	[smem:$0x3FB1] =	sst s10  }
0x35: {  	s10 =	sld [smem:$0x3FB0];
	_ =	sdelay $0x3  }
0x36: {  	p1 =	seq.s32 s10, $0x1;
	s10 =	sld [smem:$0x3FB1];
	_ =	sdelay $0x3  }
0x37: {  	[smem:$0x3FB1] =	sst s10  }
0x38: {  	s10 =	sld [smem:$0x3FB2]  }
0x39: {  	_ = 	snop;
	(pc) =	sbr.ind lr, $3  }
0x3a: {  	_ = 	snop  }
0x3b: {  	_ = 	snop  }
0x3c: {  	p2 =	seq.s32 s10, $0x1;
	s10 =	sld [smem:$0x3FB1]  }
0x3d: {  	_ =	shalt  }
0x3e: {  	_ =	shalt  }
0x3f: {  	_ =	shalt  }
0x40: {  	_ =	shalt  }
0x41: {  	_ =	shalt  }
0x42: {  	_ =	shalt  }
0x43: {  	_ =	shalt  }
0x44: {  	_ =	shalt  }
0x45: {  	_ =	shalt  }
0x46: {  	_ =	shalt  }
0x47: {  	_ =	shalt  }
0x48: {  	_ =	shalt  }
0x49: {  	_ =	shalt  }
0x4a: {  	_ =	shalt  }
0x4b: {  	_ =	shalt  }
0x4c: {  	_ =	shalt  }
0x4d: {  	_ =	shalt  }
0x4e: {  	_ =	shalt  }
0x4f: {  	_ =	shalt  }
0x50: {  	_ =	shalt  }
0x51: {  	_ =	shalt  }
0x52: {  	_ =	shalt  }
0x53: {  	_ =	shalt  }
0x54: {  	_ =	shalt  }
0x55: {  	_ =	shalt  }
0x56: {  	_ =	shalt  }
0x57: {  	_ =	shalt  }
0x58: {  	_ =	shalt  }
0x59: {  	_ =	shalt  }
0x5a: {  	_ =	shalt  }
0x5b: {  	_ =	shalt  }
0x5c: {  	_ =	shalt  }
0x5d: {  	_ =	shalt  }
0x5e: {  	_ =	shalt  }
0x5f: {  	_ =	shalt  }
0x60: {  	_ =	shalt  }
0x61: {  	_ =	shalt  }
0x62: {  	_ =	shalt  }
0x63: {  	_ =	shalt  }
0x64: {  	_ =	shalt  }
0x65: {  	_ =	shalt  }
0x66: {  	_ =	shalt  }
0x67: {  	_ =	shalt  }
0x68: {  	_ =	shalt  }
0x69: {  	_ =	shalt  }
0x6a: {  	_ =	shalt  }
0x6b: {  	_ =	shalt  }
0x6c: {  	_ =	shalt  }
0x6d: {  	_ =	shalt  }
0x6e: {  	_ =	shalt  }
0x6f: {  	_ =	shalt  }
0x70: {  	_ =	shalt  }
0x71: {  	_ =	shalt  }
0x72: {  	_ =	shalt  }
0x73: {  	_ =	shalt  }
0x74: {  	_ =	shalt  }
0x75: {  	_ =	shalt  }
0x76: {  	_ =	shalt  }
0x77: {  	_ =	shalt  }
0x78: {  	_ =	shalt  }
0x79: {  	_ =	shalt  }
0x7a: {  	_ =	shalt  }
0x7b: {  	_ =	shalt  }
0x7c: {  	_ =	shalt  }
0x7d: {  	_ =	shalt  }
0x7e: {  	_ =	shalt  }
0x7f: {  	_ =	shalt  }
0x80: {  	_ =	shalt  }
0x81: {  	_ =	shalt  }
0x82: {  	_ =	shalt  }
0x83: {  	_ =	shalt  }
0x84: {  	_ =	shalt  }
0x85: {  	_ =	shalt  }
0x86: {  	_ =	shalt  }
0x87: {  	_ =	shalt  }
.Lfunc_end0:
.L_simem_size_0:
called_computation.3_lowered:
.L_overlay_start_0:
0x88: {  	s2 =	sld [smem:$0x3FD9]  }
0x89: {  	s3 =	sld [smem:$0x3FFE];
	_ =	sdelay $0x1  }
0x8a: {  	s1 =	srdreg.scid  }
0x8b: {  	s0 =	sand.u32 $0x1, s1  }
0x8c: {  	s17 =	sshll.u32 s0, $0xA;
	s2 =	sadd.s32 s3, s2  }
0x8d: {  	s2 =	sadd.s32 s2, s17  }
0x8e: {  	[smem:$0x3FBD] =	sst s2  }
0x8f: {  	_ = 	snop  }
0x90: {  	s2 =	sld [smem:$0x3FD0];
	(tm) =	ssettm $0x1  }
0x91: {  	s18 =	sld [smem:$0x3FFB];
	_ =	sdelay $0x3  }
0x92: {  	_ =	strace s18  }
0x93: {  	s3 =	sld [smem:$0x3FFC];
	_ =	sdelay $0x3  }
0x94: {  	_ =	strace s3  }
0x95: {  	s3 =	sld [smem:$0x3FFD];
	_ =	sdelay $0x3  }
0x96: {  	_ =	strace s3  }
0x97: {  	_ =	strace $0x8FFFFFFF  }
0x98: {  	s19 =	sld [smem:$0x3FDB];
	_ =	sdelay $0x1  }
0x99: {  	s4 =	simm.s32 $_scs_section_size  }
0x9a: {  	s5 =	simm.s32 $_size__tile_overlayer_lowered;
	s6 =	simm.s32 $_tile_overlayer_lowered  }
0x9b: {  	s22 =	simm.s32 $0x1BFF;
	s21 =	sshll.u32 s6, $0x1;
	s3 =	sadd.s32 s4, s19  }
0x9c: {  	s7 =	simm.s32 $0x0;
	s20 =	sshll.u32 s5, $0x1;
	s5 =	sadd.s32 s21, s3  }
0x9d: {  	[timem:s7], [sflag:s22] =	dma.local [hbm:s5], s20  }
0x9e: {  	_ =	swait.ge [sflag:s22], s20  }
0x9f: {  	s4 =	ssub.s32 $0x0, s20;
	[sflag:s22] =	ssyncset.done $0x0  }
0xa0: {  	[sflag:s22] =	ssyncadd.s32 s4;
	_ =	sdelay $0x1  }
0xa1: {  	s23 =	simm.s32 $0x1B8B  }
0xa2: {  	_ =	swait.ge [sflag:s23], $0x1  }
0xa3: {  	[sflag:s23] =	ssyncset.done $0x0  }
0xa4: {  	s25 =	simm.s32 $0x1B8E;
	s24 =	sld [smem:$0x3FFE];
	[sflag:s23] =	ssyncadd.s32 $0xFFFFFFFF  }
0xa5: {  	s26 =	simm.s32 $execute0_lowered;
	[smem:$0x3FD2] =	sst s25  }
0xa6: {  	s5 =	sshll.u32 s26, $0x1;
	_ =	strace $0x8000004F;
	[dreg:$0x1] =	wrdreg $0xFFFFFFFF  }
0xa7: {  	s28 =	simm.s32 $_size_execute0_lowered;
	s3 =	sadd.s32 s3, s5;
	[dreg:$0x0] =	wrdreg $0x0  }
0xa8: {  	s5 =	sshll.u32 s28, $0x1;
	[dreg:$0x2] =	wrdreg s3  }
0xa9: {  	[dreg:$0x3] =	wrdreg s5  }
0xaa: {  	[dreg:$0x4] =	wrdreg $0xC0  }
0xab: {  	_ =	task [dreg:s7], $0x5FFFF  }
0xac: {  	[dreg:$0x1] =	wrdreg $0xFFFFFFFF  }
0xad: {  	[dreg:$0x0] =	wrdreg $0x60  }
0xae: {  	[dreg:$0x2] =	wrdreg s2  }
0xaf: {  	[dreg:$0x3] =	wrdreg s24  }
0xb0: {  	[dreg:$0x4] =	wrdreg $0x2A000  }
0xb1: {  	[dreg:$0x5] =	wrdreg $0x9  }
0xb2: {  	_ =	task.clear_ibuf [dreg:s7], $0x6FFFF;
	_ =	strace $0x9000004F  }
0xb3: {  	s29 =	simm.s32 $0x9;
	_ =	strace $0x80000051  }
0xb4: {  	_ =	swait.ge [sflag:s29], $0x1  }
0xb5: {  	[sflag:s29] =	ssyncadd.s32 $0xFFFFFFFF  }
0xb6: {  	_ =	strace $0x90000051  }
0xb7: {  	_ =	sfence  }
0xb8: {  	s30 =	sld [smem:$0x0];
	_ =	sdelay $0x2  }
0xb9: {  	s31 =	sshll.u32 s1, $0xD;
	s1 =	sshrl.u32 s1, $0x2  }
0xba: {  	s3 =	sand.u32 $0x4000, s31;
	s1 =	sadd.s32 s1, s30  }
0xbb: {  	s0 =	sor.u32 s3, s0;
	s1 =	sshll.u32 s1, $0x11  }
0xbc: {  	s0 =	sor.u32 s1, s0  }
0xbd: {  	s0 =	sadd.s32 $0x8F2B, s0  }
0xbe: {  	[sflag:s0] =	ssyncadd.remote.s32 $0x1  }
0xbf: {  	_ =	sfence.sel $0xFFFF  }
0xc0: {  	[dreg:$0x0] =	wrdreg $0xFFFFFFFF;
	(pc) =	sbr.abs _section_cstart, $3  }
0xc1: {  	[dreg:$0x1] =	wrdreg $0xFFFFFFFF  }
0xc2: {  	_ =	task.clear_ibuf [dreg:s7], $0x2FFFF;
	_ =	strace $0x9FFFFFFF  }
0xc3: {  	(tm) =	ssettm $0x7FFFFFFF  }
tec
execute0_lowered:
.L_overlay_start_1:
0x0: {  	(tag) =	ssettag $0x1  }
0x1: {  	s1 =	srdreg.scid  }
0x2: {  	s0 =	rddreg [dreg:$0x1];
	s17 =	stileid.u32  }
0x3: {  	s5 =	sand.u32 $0x1, s1;
	s1 =	simm.s32 $0x0;
	s7 =	smul.u32 $0x280, s17  }
0x4: {  	s8 =	smul.u32 $0x14000, s17;
	s9 =	sadd.s32 $0xCE00, s0;
	s3 =	sadd.s32 $0x8EC00, s0  }
0x5: {  	s15 =	sshll.u32 s17, $0x1;
	s2 =	ssub.s32 $0x2, s5;
	[smem:$0x7FF] =	sst s1  }
0x6: {  	s4 =	sshrl.u32 s2, $0x1;
	s6 =	sshrl.u32 s8, $0x3;
	s10 =	sor.u32 $0x50, s7  }
0x7: {  	s18 =	sadd.s32 $0xA0, s7;
	s12 =	sadd.s32 $0xF0, s7;
	s13 =	sadd.s32 $0x140, s7  }
0x8: {  	s21 =	sadd.s32 $0x190, s7;
	s4 =	ssub.s32 s2, s4;
	s2 =	sor.u32 s5, s15  }
0x9: {  	s6 =	sadd.s32 s9, s6;
	s11 =	sshll.u32 s10, $0x4;
	s19 =	sshll.u32 s12, $0x4  }
0xa: {  	s12 =	sshll.u32 s12, $0x7;
	s20 =	sshll.u32 s13, $0x4;
	s13 =	sshll.u32 s13, $0x7  }
0xb: {  	s14 =	sshll.u32 s21, $0x7;
	s15 =	sadd.s32 $0x1E0, s7;
	s7 =	sadd.s32 $0x230, s7  }
0xc: {  	[dreg:$0x4] =	wrdreg s6;
	s6 =	sshll.u32 s10, $0x7;
	s16 =	sadd.s32 s9, s11  }
0xd: {  	s11 =	sshll.u32 s18, $0x7;
	s10 =	sshll.u32 s18, $0x4;
	s22 =	sshll.u32 s15, $0x4  }
0xe: {  	s15 =	sshll.u32 s15, $0x7;
	[dreg:$0x5] =	wrdreg s16;
	s10 =	sadd.s32 s9, s10  }
0xf: {  	s16 =	smul.u32 $0x140000, s5;
	[dreg:$0x6] =	wrdreg s10;
	s10 =	sadd.s32 s9, s19  }
0x10: {  	s5 =	smul.u32 $0x2710, s5;
	[dreg:$0x7] =	wrdreg s10;
	s10 =	sadd.s32 s9, s20  }
0x11: {  	s8 =	sadd.s32 s8, s16;
	s24 =	sadd.s32 s16, s6;
	s26 =	sadd.s32 s16, s11  }
0x12: {  	s19 =	sadd.s32 s16, s13;
	[dreg:$0x8] =	wrdreg s10;
	s10 =	sshll.u32 s21, $0x4  }
0x13: {  	s23 =	sshrl.u32 s8, $0x3;
	s25 =	sshrl.u32 s24, $0x3;
	s8 =	sshrl.u32 s26, $0x3  }
0x14: {  	s20 =	sshrl.u32 s19, $0x3;
	s21 =	sadd.s32 s16, s14;
	s10 =	sadd.s32 s9, s10  }
0x15: {  	s26 =	smul.u32 $0x50000, s17;
	[dreg:$0x9] =	wrdreg s10;
	s10 =	sadd.s32 s9, s22  }
0x16: {  	[dreg:$0xa] =	wrdreg s10;
	s10 =	sshll.u32 s7, $0x7;
	s7 =	sshll.u32 s7, $0x4  }
0x17: {  	s17 =	smul.u32 $0x4E20, s17;
	s22 =	sshrl.u32 s21, $0x3;
	s7 =	sadd.s32 s9, s7  }
0x18: {  	s21 =	sadd.s32 $0x84E00, s0;
	[dreg:$0xb] =	wrdreg s7;
	s7 =	sadd.s32 s3, s23  }
0x19: {  	s9 =	sadd.s32 s16, s12;
	s23 =	sadd.s32 s16, s15;
	[dreg:$0xc] =	wrdreg s7  }
0x1a: {  	s7 =	sadd.s32 s3, s25;
	s25 =	sadd.s32 s16, s10;
	s16 =	rddreg [dreg:$0x0]  }
0x1b: {  	s18 =	sshrl.u32 s9, $0x3;
	[dreg:$0xd] =	wrdreg s7;
	s7 =	sadd.s32 s3, s8  }
0x1c: {  	s9 =	sshrl.u32 s26, $0x2;
	s24 =	sshrl.u32 s23, $0x3;
	[dreg:$0xe] =	wrdreg s7  }
0x1d: {  	s8 =	sshrl.u32 s25, $0x3;
	s7 =	sadd.s32 s3, s18;
	s18 =	rddreg [dreg:$0x2]  }
0x1e: {  	[dreg:$0xf] =	wrdreg s7;
	s7 =	sadd.s32 s3, s20;
	s23 =	sadd.s32 s9, s18  }
0x1f: {  	s25 =	sadd.s32 s11, s18;
	s11 =	smul.u32 $0x2710, s2;
	s26 =	sadd.s32 s12, s18  }
0x20: {  	s28 =	sadd.s32 s13, s18;
	s29 =	sadd.s32 s14, s18;
	s30 =	sadd.s32 s15, s18  }
0x21: {  	s31 =	sadd.s32 s10, s18;
	s20 =	smax.u32 s4, $0x1;
	s9 =	simm.s32 $0x4  }
0x22: {  	s10 =	simm.s32 $0x80;
	[dreg:$0x10] =	wrdreg s7;
	s7 =	sadd.s32 s3, s22  }
0x23: {  	s22 =	sadd.s32 $0x3000, s0;
	[dreg:$0x11] =	wrdreg s7;
	s7 =	sadd.s32 s3, s24  }
0x24: {  	s3 =	sadd.s32 s3, s8;
	s8 =	sadd.s32 s5, s17;
	[dreg:$0x12] =	wrdreg s7  }
0x25: {  	s24 =	sadd.s32 s6, s18;
	s0 =	sshrl.u32 s11, $0x3;
	[dreg:$0x13] =	wrdreg s3  }
0x26: {  	s12 =	sadd.s32 s21, s0;
	s13 =	sadd.s32 $0xA, s0;
	s14 =	sadd.s32 $0xF0, s8  }
0x27: {  	s0 =	sadd.s32 s22, s0;
	_ =	strace $0x80000050;
	[dreg:$0x14] =	wrdreg s12  }
0x28: {  	s11 =	simm.s32 $0x2;
	[dreg:$0x15] =	wrdreg s0;
	s15 =	sshrl.u32 s14, $0x3  }
0x29: {  	s17 =	sadd.s32 s21, s13;
	s19 =	sadd.s32 s22, s13;
	[dreg:$0x18] =	wrdreg s20  }
0x2a: {  	s0 =	sadd.s32 $0xA0, s8;
	s8 =	simm.s32 $0x200;
	s12 =	simm.s32 $0x100  }
0x2b: {  	s13 =	simm.s32 $0x180;
	s14 =	simm.s32 $0x50;
	[dreg:$0x16] =	wrdreg s17  }
0x2c: {  	s20 =	simm.s32 $0x0;
	[dreg:$0x17] =	wrdreg s19;
	s5 =	sadd.s32 s15, s22  }
0x2d: {  	s6 =	sadd.s32 s15, s21;
	s15 =	simm.s32 $0x1;
	s19 =	simm.s32 $0x3  }
.LBB2_1:
0x2e: {  	s2 =	rddreg [dreg:$0x4]  }
0x2f: {  	[tilespmem:s8], [sflag:$0x4] =	stream.linear.gather [hbm4b:s2+s1], $0x2800, $0x38;
	[tilespmem:$0x16A00] =	vst v63  }
0x30: {  	_ =	swait.ge [sflag:s9], $0x2800  }
0x31: {  	[sflag:s9] =	ssyncset.done $0x0  }
0x32: {  	[sflag:s9] =	ssyncadd.s32 $0xFFFFD800  }
0x33: {  	[spmem:s23] =	stream.linear.scatter [tilespmem:s8], [sflag:$0x4], $0x2800, $0x38;
	[tilespmem:$0x16A00] =	vst v63  }
0x34: {  	_ =	swait.ge [sflag:s9], $0x2800  }
0x35: {  	[sflag:s9] =	ssyncset.done $0x0  }
0x36: {  	s7 =	rddreg [dreg:$0x5];
	[sflag:s9] =	ssyncadd.s32 $0xFFFFD800  }
0x37: {  	[tilespmem:s8], [sflag:$0x4] =	stream.linear.gather [hbm4b:s7+s1], $0x2800, $0x38;
	[tilespmem:$0x16A00] =	vst v63  }
0x38: {  	_ =	swait.ge [sflag:s9], $0x2800  }
0x39: {  	[sflag:s9] =	ssyncset.done $0x0  }
0x3a: {  	[sflag:s9] =	ssyncadd.s32 $0xFFFFD800  }
0x3b: {  	[spmem:s24] =	stream.linear.scatter [tilespmem:s8], [sflag:$0x4], $0x2800, $0x38;
	[tilespmem:$0x16A00] =	vst v63  }
0x3c: {  	_ =	swait.ge [sflag:s9], $0x2800  }
0x3d: {  	[sflag:s9] =	ssyncset.done $0x0  }
0x3e: {  	s17 =	rddreg [dreg:$0x6];
	[sflag:s9] =	ssyncadd.s32 $0xFFFFD800  }
0x3f: {  	[tilespmem:s8], [sflag:$0x4] =	stream.linear.gather [hbm4b:s17+s1], $0x2800, $0x38;
	[tilespmem:$0x16A00] =	vst v63  }
0x40: {  	_ =	swait.ge [sflag:s9], $0x2800  }
0x41: {  	[sflag:s9] =	ssyncset.done $0x0  }
0x42: {  	[sflag:s9] =	ssyncadd.s32 $0xFFFFD800  }
0x43: {  	[spmem:s25] =	stream.linear.scatter [tilespmem:s8], [sflag:$0x4], $0x2800, $0x38;
	[tilespmem:$0x16A00] =	vst v63  }
0x44: {  	_ =	swait.ge [sflag:s9], $0x2800  }
0x45: {  	[sflag:s9] =	ssyncset.done $0x0  }
0x46: {  	s3 =	rddreg [dreg:$0x7];
	[sflag:s9] =	ssyncadd.s32 $0xFFFFD800  }
0x47: {  	[tilespmem:s8], [sflag:$0x4] =	stream.linear.gather [hbm4b:s3+s1], $0x2800, $0x38;
	[tilespmem:$0x16A00] =	vst v63  }
0x48: {  	_ =	swait.ge [sflag:s9], $0x2800  }
0x49: {  	[sflag:s9] =	ssyncset.done $0x0  }
0x4a: {  	[sflag:s9] =	ssyncadd.s32 $0xFFFFD800  }
0x4b: {  	[spmem:s26] =	stream.linear.scatter [tilespmem:s8], [sflag:$0x4], $0x2800, $0x38;
	[tilespmem:$0x16A00] =	vst v63  }
0x4c: {  	_ =	swait.ge [sflag:s9], $0x2800  }
0x4d: {  	[sflag:s9] =	ssyncset.done $0x0  }
0x4e: {  	s4 =	rddreg [dreg:$0x8];
	[sflag:s9] =	ssyncadd.s32 $0xFFFFD800  }
0x4f: {  	[tilespmem:s8], [sflag:$0x4] =	stream.linear.gather [hbm4b:s4+s1], $0x2800, $0x38;
	[tilespmem:$0x16A00] =	vst v63  }
0x50: {  	_ =	swait.ge [sflag:s9], $0x2800  }
0x51: {  	[sflag:s9] =	ssyncset.done $0x0  }
0x52: {  	[sflag:s9] =	ssyncadd.s32 $0xFFFFD800  }
0x53: {  	[spmem:s28] =	stream.linear.scatter [tilespmem:s8], [sflag:$0x4], $0x2800, $0x38;
	[tilespmem:$0x16A00] =	vst v63  }
0x54: {  	_ =	swait.ge [sflag:s9], $0x2800  }
0x55: {  	[sflag:s9] =	ssyncset.done $0x0  }
0x56: {  	s7 =	rddreg [dreg:$0x9];
	[sflag:s9] =	ssyncadd.s32 $0xFFFFD800  }
0x57: {  	[tilespmem:s8], [sflag:$0x4] =	stream.linear.gather [hbm4b:s7+s1], $0x2800, $0x38;
	[tilespmem:$0x16A00] =	vst v63  }
0x58: {  	_ =	swait.ge [sflag:s9], $0x2800  }
0x59: {  	[sflag:s9] =	ssyncset.done $0x0  }
0x5a: {  	[sflag:s9] =	ssyncadd.s32 $0xFFFFD800  }
0x5b: {  	[spmem:s29] =	stream.linear.scatter [tilespmem:s8], [sflag:$0x4], $0x2800, $0x38;
	[tilespmem:$0x16A00] =	vst v63  }
0x5c: {  	_ =	swait.ge [sflag:s9], $0x2800  }
0x5d: {  	[sflag:s9] =	ssyncset.done $0x0  }
0x5e: {  	s17 =	rddreg [dreg:$0xa];
	[sflag:s9] =	ssyncadd.s32 $0xFFFFD800  }
0x5f: {  	[tilespmem:s8], [sflag:$0x4] =	stream.linear.gather [hbm4b:s17+s1], $0x2800, $0x38;
	[tilespmem:$0x16A00] =	vst v63  }
0x60: {  	_ =	swait.ge [sflag:s9], $0x2800  }
0x61: {  	[sflag:s9] =	ssyncset.done $0x0  }
0x62: {  	[sflag:s9] =	ssyncadd.s32 $0xFFFFD800  }
0x63: {  	[spmem:s30] =	stream.linear.scatter [tilespmem:s8], [sflag:$0x4], $0x2800, $0x38;
	[tilespmem:$0x16A00] =	vst v63  }
0x64: {  	_ =	swait.ge [sflag:s9], $0x2800  }
0x65: {  	[sflag:s9] =	ssyncset.done $0x0  }
0x66: {  	s3 =	rddreg [dreg:$0xb];
	[sflag:s9] =	ssyncadd.s32 $0xFFFFD800  }
0x67: {  	[tilespmem:s8], [sflag:$0x4] =	stream.linear.gather [hbm4b:s3+s1], $0x2800, $0x38;
	[tilespmem:$0x16A00] =	vst v63  }
0x68: {  	_ =	swait.ge [sflag:s9], $0x2800  }
0x69: {  	[sflag:s9] =	ssyncset.done $0x0  }
0x6a: {  	[sflag:s9] =	ssyncadd.s32 $0xFFFFD800  }
0x6b: {  	[spmem:s31] =	stream.linear.scatter [tilespmem:s8], [sflag:$0x4], $0x2800, $0x38;
	[tilespmem:$0x16A00] =	vst v63  }
0x6c: {  	_ =	swait.ge [sflag:s9], $0x2800  }
0x6d: {  	[sflag:s9] =	ssyncset.done $0x0  }
0x6e: {  	[sflag:s9] =	ssyncadd.s32 $0xFFFFD800  }
0x6f: {  	[bflag:$0x0] =	sbarrier.arrive $0xFFFF  }
0x70: {  	s4 =	rddreg [dreg:$0x14]  }
0x71: {  	[tilespmem:s1], [sflag:$0x2] =	stream.linear.gather [hbm4b:s4+s1], $0x50, $0x38;
	[tilespmem:$0x16A00] =	vst v63  }
0x72: {  	s7 =	rddreg [dreg:$0x15]  }
0x73: {  	[tilespmem:s10], [sflag:$0x2] =	stream.linear.gather [hbm4b:s7+s1], $0x50, $0x38;
	[tilespmem:$0x16A00] =	vst v63  }
0x74: {  	_ =	swait.ge [sflag:s11], $0x50  }
0x75: {  	[sflag:s11] =	ssyncset.done $0x0  }
0x76: {  	[sflag:s11] =	ssyncadd.s32 $0xFFFFFFB0  }
0x77: {  	_ =	swait.ge [sflag:s11], $0x50  }
0x78: {  	[sflag:s11] =	ssyncset.done $0x0  }
0x79: {  	s17 =	rddreg [dreg:$0x16];
	[sflag:s11] =	ssyncadd.s32 $0xFFFFFFB0  }
0x7a: {  	[tilespmem:s12], [sflag:$0x3] =	stream.linear.gather [hbm4b:s17+s1], $0x50, $0x38;
	[tilespmem:$0x16A00] =	vst v63  }
0x7b: {  	s3 =	rddreg [dreg:$0x17]  }
0x7c: {  	[tilespmem:s13], [sflag:$0x3] =	stream.linear.gather [hbm4b:s3+s1], $0x50, $0x38;
	[tilespmem:$0x16A00] =	vst v63  }
0x7d: {  	_ = 	snop  }
0x7e: {  	[tilespmem:s8], [sflag:$0x1] =	stream.indirect.gather [hbm4b:s16+s14], $0x80, s1, s14, $0xb8;
	[tilespmem:$0x16A00] =	vst v63  }
0x7f: {  	_ =	swait.ge [sflag:s15], $0x2800  }
0x80: {  	[sflag:s15] =	ssyncset.done $0x0  }
0x81: {  	[sflag:s15] =	ssyncadd.s32 $0xFFFFD800  }
0x82: {  	[spmem:s18] =	stream.indirect.scatter.add.f32 [tilespmem:s8], [sflag:$0x4], $0x80, s10, s14, $0xb8;
	[tilespmem:$0x16A00] =	vst v63  }
0x83: {  	_ =	swait.ge [sflag:s9], $0x2800  }
0x84: {  	[sflag:s9] =	ssyncset.done $0x0  }
0x85: {  	[sflag:s9] =	ssyncadd.s32 $0xFFFFD800  }
0x86: {  	_ =	swait.ge [sflag:s19], $0x50  }
0x87: {  	[sflag:s19] =	ssyncset.done $0x0  }
0x88: {  	[sflag:s19] =	ssyncadd.s32 $0xFFFFFFB0  }
0x89: {  	_ =	swait.ge [sflag:s19], $0x50  }
0x8a: {  	s7 =	sshrl.u32 s0, $0x3;
	[sflag:s19] =	ssyncset.done $0x0  }
0x8b: {  	s17 =	sadd.s32 s21, s7;
	[sflag:s19] =	ssyncadd.s32 $0xFFFFFFB0  }
0x8c: {  	[tilespmem:s1], [sflag:$0x2] =	stream.linear.gather [hbm4b:s17+s1], $0x50, $0x38;
	[tilespmem:$0x16A00] =	vst v63  }
0x8d: {  	s7 =	sadd.s32 s22, s7  }
0x8e: {  	[tilespmem:s10], [sflag:$0x2] =	stream.linear.gather [hbm4b:s7+s1], $0x50, $0x38;
	[tilespmem:$0x16A00] =	vst v63  }
0x8f: {  	_ = 	snop  }
0x90: {  	[tilespmem:s8], [sflag:$0x1] =	stream.indirect.gather [hbm4b:s16+s14], $0x80, s12, s14, $0xb8;
	[tilespmem:$0x16A00] =	vst v63  }
0x91: {  	_ =	swait.ge [sflag:s15], $0x2800  }
0x92: {  	[sflag:s15] =	ssyncset.done $0x0  }
0x93: {  	[sflag:s15] =	ssyncadd.s32 $0xFFFFD800  }
0x94: {  	[spmem:s18] =	stream.indirect.scatter.add.f32 [tilespmem:s8], [sflag:$0x4], $0x80, s13, s14, $0xb8;
	[tilespmem:$0x16A00] =	vst v63  }
0x95: {  	_ =	swait.ge [sflag:s9], $0x2800  }
0x96: {  	[sflag:s9] =	ssyncset.done $0x0  }
0x97: {  	[sflag:s9] =	ssyncadd.s32 $0xFFFFD800  }
0x98: {  	_ =	swait.ge [sflag:s11], $0x50  }
0x99: {  	[sflag:s11] =	ssyncset.done $0x0  }
0x9a: {  	[sflag:s11] =	ssyncadd.s32 $0xFFFFFFB0  }
0x9b: {  	_ =	swait.ge [sflag:s11], $0x50  }
0x9c: {  	[sflag:s11] =	ssyncset.done $0x0  }
0x9d: {  	s4 =	sadd.s32 $0x0, s6;
	[sflag:s11] =	ssyncadd.s32 $0xFFFFFFB0  }
0x9e: {  	[tilespmem:s12], [sflag:$0x3] =	stream.linear.gather [hbm4b:s4+s1], $0x50, $0x38;
	[tilespmem:$0x16A00] =	vst v63  }
0x9f: {  	s17 =	sadd.s32 $0x0, s5  }
0xa0: {  	[tilespmem:s13], [sflag:$0x3] =	stream.linear.gather [hbm4b:s17+s1], $0x50, $0x38;
	[tilespmem:$0x16A00] =	vst v63  }
0xa1: {  	_ = 	snop  }
0xa2: {  	[tilespmem:s8], [sflag:$0x1] =	stream.indirect.gather [hbm4b:s16+s14], $0x80, s1, s14, $0xb8;
	[tilespmem:$0x16A00] =	vst v63  }
0xa3: {  	_ =	swait.ge [sflag:s15], $0x2800  }
0xa4: {  	[sflag:s15] =	ssyncset.done $0x0  }
0xa5: {  	[sflag:s15] =	ssyncadd.s32 $0xFFFFD800  }
0xa6: {  	[spmem:s18] =	stream.indirect.scatter.add.f32 [tilespmem:s8], [sflag:$0x4], $0x80, s10, s14, $0xb8;
	[tilespmem:$0x16A00] =	vst v63  }
0xa7: {  	_ =	swait.ge [sflag:s9], $0x2800  }
0xa8: {  	s7 =	smov.u32 s0;
	s17 =	simm.s32 $0x14;
	[sflag:s9] =	ssyncset.done $0x0  }
.LBB2_2:
0xa9: {  	p0 =	sne.s32 s17, $0x4C4;
	[sflag:s9] =	ssyncadd.s32 $0xFFFFD800;
	s7 =	sadd.s32 $0xA0, s7  }
0xaa: {  	s2 =	smov.u32 s17;
	s17 =	sadd.s32 $0x14, s17;
	_ =	swait.ge [sflag:s19], $0x50  }
0xab: {  	[sflag:s19] =	ssyncset.done $0x0  }
0xac: {  	[sflag:s19] =	ssyncadd.s32 $0xFFFFFFB0  }
0xad: {  	_ =	swait.ge [sflag:s19], $0x50  }
0xae: {  	s3 =	sshrl.u32 s7, $0x3;
	[sflag:s19] =	ssyncset.done $0x0  }
0xaf: {  	s4 =	sadd.s32 s21, s3;
	[sflag:s19] =	ssyncadd.s32 $0xFFFFFFB0  }
0xb0: {  	[tilespmem:s1], [sflag:$0x2] =	stream.linear.gather [hbm4b:s4+s1], $0x50, $0x38;
	[tilespmem:$0x16A00] =	vst v63  }
0xb1: {  	s3 =	sadd.s32 s22, s3  }
0xb2: {  	[tilespmem:s10], [sflag:$0x2] =	stream.linear.gather [hbm4b:s3+s1], $0x50, $0x38;
	[tilespmem:$0x16A00] =	vst v63  }
0xb3: {  	_ = 	snop  }
0xb4: {  	[tilespmem:s8], [sflag:$0x1] =	stream.indirect.gather [hbm4b:s16+s14], $0x80, s12, s14, $0xb8;
	[tilespmem:$0x16A00] =	vst v63  }
0xb5: {  	_ =	swait.ge [sflag:s15], $0x2800  }
0xb6: {  	[sflag:s15] =	ssyncset.done $0x0  }
0xb7: {  	[sflag:s15] =	ssyncadd.s32 $0xFFFFD800  }
0xb8: {  	[spmem:s18] =	stream.indirect.scatter.add.f32 [tilespmem:s8], [sflag:$0x4], $0x80, s13, s14, $0xb8;
	[tilespmem:$0x16A00] =	vst v63  }
0xb9: {  	_ =	swait.ge [sflag:s9], $0x2800  }
0xba: {  	[sflag:s9] =	ssyncset.done $0x0  }
0xbb: {  	[sflag:s9] =	ssyncadd.s32 $0xFFFFD800  }
0xbc: {  	_ =	swait.ge [sflag:s11], $0x50  }
0xbd: {  	[sflag:s11] =	ssyncset.done $0x0  }
0xbe: {  	[sflag:s11] =	ssyncadd.s32 $0xFFFFFFB0  }
0xbf: {  	_ =	swait.ge [sflag:s11], $0x50  }
0xc0: {  	[sflag:s11] =	ssyncset.done $0x0  }
0xc1: {  	s3 =	sadd.s32 s2, s6;
	[sflag:s11] =	ssyncadd.s32 $0xFFFFFFB0  }
0xc2: {  	[tilespmem:s12], [sflag:$0x3] =	stream.linear.gather [hbm4b:s3+s1], $0x50, $0x38;
	[tilespmem:$0x16A00] =	vst v63  }
0xc3: {  	s2 =	sadd.s32 s2, s5  }
0xc4: {  	[tilespmem:s13], [sflag:$0x3] =	stream.linear.gather [hbm4b:s2+s1], $0x50, $0x38;
	[tilespmem:$0x16A00] =	vst v63  }
0xc5: {  	_ = 	snop  }
0xc6: {  	[tilespmem:s8], [sflag:$0x1] =	stream.indirect.gather [hbm4b:s16+s14], $0x80, s1, s14, $0xb8;
	[tilespmem:$0x16A00] =	vst v63  }
0xc7: {  	_ =	swait.ge [sflag:s15], $0x2800  }
.Ltmp0:
0xc8: {  	[sflag:s15] =	ssyncset.done $0x0;
	(pc) =	sbr.rel @p0 .LBB2_2-.Ltmp0, $4  }
0xc9: {  	[sflag:s15] =	ssyncadd.s32 $0xFFFFD800  }
0xca: {  	[spmem:s18] =	stream.indirect.scatter.add.f32 [tilespmem:s8], [sflag:$0x4], $0x80, s10, s14, $0xb8;
	[tilespmem:$0x16A00] =	vst v63  }
0xcb: {  	_ =	swait.ge [sflag:s9], $0x2800  }
0xcc: {  	[sflag:s9] =	ssyncset.done $0x0  }
0xcd: {  	[sflag:s9] =	ssyncadd.s32 $0xFFFFD800  }
0xce: {  	_ =	swait.ge [sflag:s19], $0x50  }
0xcf: {  	[sflag:s19] =	ssyncset.done $0x0  }
0xd0: {  	[sflag:s19] =	ssyncadd.s32 $0xFFFFFFB0  }
0xd1: {  	_ =	swait.ge [sflag:s19], $0x50  }
0xd2: {  	[sflag:s19] =	ssyncset.done $0x0  }
0xd3: {  	[sflag:s19] =	ssyncadd.s32 $0xFFFFFFB0  }
0xd4: {  	[bflag:$0x0] =	sbarrier.arrive $0xFFFF  }
0xd5: {  	[tilespmem:s8], [sflag:$0x4] =	stream.linear.gather [spmem:s23], $0x2800, $0x38;
	[tilespmem:$0x16A00] =	vst v63  }
0xd6: {  	_ =	swait.ge [sflag:s9], $0x2800  }
0xd7: {  	[sflag:s9] =	ssyncset.done $0x0  }
0xd8: {  	s2 =	rddreg [dreg:$0xc];
	[sflag:s9] =	ssyncadd.s32 $0xFFFFD800  }
0xd9: {  	[hbm4b:s2+s1] =	stream.linear.scatter [tilespmem:s8], [sflag:$0x4], $0x2800, $0x38;
	[tilespmem:$0x16A00] =	vst v63  }
0xda: {  	_ =	swait.ge [sflag:s9], $0x2800  }
0xdb: {  	[sflag:s9] =	ssyncset.done $0x0  }
0xdc: {  	[sflag:s9] =	ssyncadd.s32 $0xFFFFD800  }
0xdd: {  	[tilespmem:s8], [sflag:$0x4] =	stream.linear.gather [spmem:s24], $0x2800, $0x38;
	[tilespmem:$0x16A00] =	vst v63  }
0xde: {  	_ =	swait.ge [sflag:s9], $0x2800  }
0xdf: {  	[sflag:s9] =	ssyncset.done $0x0  }
0xe0: {  	s3 =	rddreg [dreg:$0xd];
	[sflag:s9] =	ssyncadd.s32 $0xFFFFD800  }
0xe1: {  	[hbm4b:s3+s1] =	stream.linear.scatter [tilespmem:s8], [sflag:$0x4], $0x2800, $0x38;
	[tilespmem:$0x16A00] =	vst v63  }
0xe2: {  	_ =	swait.ge [sflag:s9], $0x2800  }
0xe3: {  	[sflag:s9] =	ssyncset.done $0x0  }
0xe4: {  	[sflag:s9] =	ssyncadd.s32 $0xFFFFD800  }
0xe5: {  	[tilespmem:s8], [sflag:$0x4] =	stream.linear.gather [spmem:s25], $0x2800, $0x38;
	[tilespmem:$0x16A00] =	vst v63  }
0xe6: {  	_ =	swait.ge [sflag:s9], $0x2800  }
0xe7: {  	[sflag:s9] =	ssyncset.done $0x0  }
0xe8: {  	s4 =	rddreg [dreg:$0xe];
	[sflag:s9] =	ssyncadd.s32 $0xFFFFD800  }
0xe9: {  	[hbm4b:s4+s1] =	stream.linear.scatter [tilespmem:s8], [sflag:$0x4], $0x2800, $0x38;
	[tilespmem:$0x16A00] =	vst v63  }
0xea: {  	_ =	swait.ge [sflag:s9], $0x2800  }
0xeb: {  	[sflag:s9] =	ssyncset.done $0x0  }
0xec: {  	[sflag:s9] =	ssyncadd.s32 $0xFFFFD800  }
0xed: {  	[tilespmem:s8], [sflag:$0x4] =	stream.linear.gather [spmem:s26], $0x2800, $0x38;
	[tilespmem:$0x16A00] =	vst v63  }
0xee: {  	_ =	swait.ge [sflag:s9], $0x2800  }
0xef: {  	[sflag:s9] =	ssyncset.done $0x0  }
0xf0: {  	s7 =	rddreg [dreg:$0xf];
	[sflag:s9] =	ssyncadd.s32 $0xFFFFD800  }
0xf1: {  	[hbm4b:s7+s1] =	stream.linear.scatter [tilespmem:s8], [sflag:$0x4], $0x2800, $0x38;
	[tilespmem:$0x16A00] =	vst v63  }
0xf2: {  	_ =	swait.ge [sflag:s9], $0x2800  }
0xf3: {  	[sflag:s9] =	ssyncset.done $0x0  }
0xf4: {  	[sflag:s9] =	ssyncadd.s32 $0xFFFFD800  }
0xf5: {  	[tilespmem:s8], [sflag:$0x4] =	stream.linear.gather [spmem:s28], $0x2800, $0x38;
	[tilespmem:$0x16A00] =	vst v63  }
0xf6: {  	_ =	swait.ge [sflag:s9], $0x2800  }
0xf7: {  	[sflag:s9] =	ssyncset.done $0x0  }
0xf8: {  	s17 =	rddreg [dreg:$0x10];
	[sflag:s9] =	ssyncadd.s32 $0xFFFFD800  }
0xf9: {  	[hbm4b:s17+s1] =	stream.linear.scatter [tilespmem:s8], [sflag:$0x4], $0x2800, $0x38;
	[tilespmem:$0x16A00] =	vst v63  }
0xfa: {  	_ =	swait.ge [sflag:s9], $0x2800  }
0xfb: {  	[sflag:s9] =	ssyncset.done $0x0  }
0xfc: {  	[sflag:s9] =	ssyncadd.s32 $0xFFFFD800  }
0xfd: {  	[tilespmem:s8], [sflag:$0x4] =	stream.linear.gather [spmem:s29], $0x2800, $0x38;
	[tilespmem:$0x16A00] =	vst v63  }
0xfe: {  	_ =	swait.ge [sflag:s9], $0x2800  }
0xff: {  	[sflag:s9] =	ssyncset.done $0x0  }
0x100: {  	s3 =	rddreg [dreg:$0x11];
	[sflag:s9] =	ssyncadd.s32 $0xFFFFD800  }
0x101: {  	[hbm4b:s3+s1] =	stream.linear.scatter [tilespmem:s8], [sflag:$0x4], $0x2800, $0x38;
	[tilespmem:$0x16A00] =	vst v63  }
0x102: {  	_ =	swait.ge [sflag:s9], $0x2800  }
0x103: {  	[sflag:s9] =	ssyncset.done $0x0  }
0x104: {  	[sflag:s9] =	ssyncadd.s32 $0xFFFFD800  }
0x105: {  	[tilespmem:s8], [sflag:$0x4] =	stream.linear.gather [spmem:s30], $0x2800, $0x38;
	[tilespmem:$0x16A00] =	vst v63  }
0x106: {  	_ =	swait.ge [sflag:s9], $0x2800  }
0x107: {  	[sflag:s9] =	ssyncset.done $0x0  }
0x108: {  	s4 =	rddreg [dreg:$0x12];
	[sflag:s9] =	ssyncadd.s32 $0xFFFFD800  }
0x109: {  	[hbm4b:s4+s1] =	stream.linear.scatter [tilespmem:s8], [sflag:$0x4], $0x2800, $0x38;
	[tilespmem:$0x16A00] =	vst v63  }
0x10a: {  	_ =	swait.ge [sflag:s9], $0x2800  }
0x10b: {  	[sflag:s9] =	ssyncset.done $0x0  }
0x10c: {  	[sflag:s9] =	ssyncadd.s32 $0xFFFFD800  }
0x10d: {  	[tilespmem:s8], [sflag:$0x4] =	stream.linear.gather [spmem:s31], $0x2800, $0x38;
	[tilespmem:$0x16A00] =	vst v63  }
0x10e: {  	_ =	swait.ge [sflag:s9], $0x2800  }
0x10f: {  	[sflag:s9] =	ssyncset.done $0x0  }
0x110: {  	s7 =	rddreg [dreg:$0x13];
	[sflag:s9] =	ssyncadd.s32 $0xFFFFD800  }
0x111: {  	[hbm4b:s7+s1] =	stream.linear.scatter [tilespmem:s8], [sflag:$0x4], $0x2800, $0x38;
	[tilespmem:$0x16A00] =	vst v63  }
0x112: {  	_ =	swait.ge [sflag:s9], $0x2800  }
0x113: {  	s20 =	sadd.s32 $0x1, s20;
	s17 =	rddreg [dreg:$0x18]  }
0x114: {  	p0 =	sne.s32 s20, s17  }
.Ltmp1:
0x115: {  	_ = 	snop;
	(pc) =	sbr.rel @p0 .LBB2_1-.Ltmp1, $3  }
0x116: {  	_ =	sdelay $0x1  }
0x117: {  	[sflag:s9] =	ssyncset.done $0x0  }
0x118: {  	[sflag:s9] =	ssyncadd.s32 $0xFFFFD800  }
0x119: {  	_ =	sfence.sel $0x180000  }
0x11a: {  	[bflag:$0x0] =	sbarrier.arrive $0xFFFF  }
0x11b: {  	_ =	strace $0x90000050  }
0x11c: {  	s0 =	stileid.u32;
	[bflag:$0x2] =	sbarrier.arrive $0xFFFF  }
0x11d: {  	p0 =	sne.s32 s0, $0x0;
	s0 =	rddreg [dreg:$0x3]  }
0x11e: {  	s0 =	sadd.s32 @!p0 $0x100000, s0  }
0x11f: {  	[sflag:s0] =	ssyncadd.tile.s32 @!p0 $0x1;
	_ =	shalt  }
.Lfunc_end2:
_tile_overlayer_lowered:
.L_overlay_start_2:
0x120: {  	(tag) =	ssettag $0x2  }
0x121: {  	s0 =	rddreg [dreg:$0x0];
	s2 =	stileid.u32  }
0x122: {  	s1 =	rddreg [dreg:$0x1];
	p0 =	sne.s32 s2, $0x0  }
0x123: {  	s3 =	rddreg [dreg:$0x2];
	[bflag:$0x3] =	sbarrier.arrive $0xFFFF;
	s2 =	simm.s32 @!p0 $0x1C04  }
0x124: {  	[timem:s3], [sflag:s2] =	dma.local @!p0 [hbm:s0], s1  }
0x125: {  	s0 =	simm.s32 @!p0 $0x4  }
0x126: {  	_ =	swait.ge @!p0 [sflag:s0], s1  }
0x127: {  	s1 =	ssub.s32 @!p0 $0x0, s1;
	[sflag:s0] =	ssyncset.done @!p0 $0x0  }
0x128: {  	[sflag:s0] =	ssyncadd.s32 @!p0 s1  }
0x129: {  	[bflag:$0x3] =	sbarrier.arrive $0xFFFF  }
0x12a: {  	_ =	shalt  }

// kernel: kernel.9.cloned.1.call-start
scs
__scs_entry_jumppad:
0x0: {  	(pc) =	sbr.rel $0x88, $3  }
0x1: {  	(tag) =	ssettag $0x0;
	lr =	simm.s32 $0x1  }
0x2: {  	[smem:$0x3F96] =	sst lr;
	_ =	strace $0xD0000000  }
0x3: {  	_ = 	snop  }
0x4: {  	_ = 	snop  }
0x5: {  	_ = 	snop  }
0x6: {  	_ = 	snop  }
0x7: {  	_ = 	snop  }
__scs_overlays_trampoline_lowered:
0x8: {  	[smem:$0x3FA5] =	sst s0  }
0x9: {  	[smem:$0x3FA6] =	sst s1  }
0xa: {  	[smem:$0x3FA7] =	sst s2  }
0xb: {  	[smem:$0x3FA8] =	sst s3  }
0xc: {  	[smem:$0x3FA9] =	sst s4  }
0xd: {  	[smem:$0x3FAA] =	sst s5  }
0xe: {  	[smem:$0x3FAB] =	sst s6  }
0xf: {  	[smem:$0x3FAC] =	sst s7  }
0x10: {  	[smem:$0x3FAD] =	sst s8  }
0x11: {  	[smem:$0x3FAE] =	sst s9;
	s0 =	simm.s32 @!p0 $0x0  }
0x12: {  	s1 =	sld [smem:$0x3F94];
	s0 =	simm.s32 @p0 $0x1  }
0x13: {  	[smem:$0x3FAF] =	sst s0;
	s0 =	simm.s32 @!p1 $0x0  }
0x14: {  	s2 =	sld [smem:$0x3F93];
	s0 =	simm.s32 @p1 $0x1  }
0x15: {  	[smem:$0x3FB0] =	sst s0;
	s0 =	simm.s32 @!p2 $0x0  }
0x16: {  	s3 =	sld [smem:$0x3FDB];
	s0 =	simm.s32 @p2 $0x1  }
0x17: {  	s4 =	simm.s32 $0x1BF5;
	[smem:$0x3FB2] =	sst s0  }
0x18: {  	s0 =	sld [smem:$0x3F95];
	_ =	swait.ge [sflag:s4], $0x0  }
0x19: {  	s7 =	sld [smem:$0x3F96]  }
0x1a: {  	s8 =	sadd.s32 $0xFFFFE003, lr  }
0x1b: {  	s9 =	sadd.s32 $0xFFFFFEF7, lr;
	s5 =	simm.s32 $0xFFFFFFFF;
	p2 =	slt.u32 s8, $0xFFFFF086  }
0x1c: {  	p1 =	slt.u32 s9, $0xF7A;
	s5 =	simm.s32 @!p2 $0x0  }
0x1d: {  	s5 =	simm.s32 @p1 $0x1;
	p0 =	seq.s32 s7, s2  }
0x1e: {  	s7 =	smul.u32 @!p0 $0xF7A, s2;
	p2 =	seq.s32 @!p0 s5, $0x0  }
0x1f: {  	s9 =	smul.u32 $0xF7A, s1;
	s8 =	simm.s32 @!p0 $0x1BF5;
	p2 =	por !p2, p0  }
0x20: {  	[sflag:s8] =	ssyncset.s32 @!p0 $0xFFFFF086;
	s6 =	sadd.s32 @!p0 s3, s7;
	s7 =	simm.s32 @!p0 $0x108  }
0x21: {  	s3 =	sadd.s32 s3, s9;
	s6 =	sadd.s32 @!p0 $0x88, s6;
	s7 =	simm.s32 @p2 $0x1082  }
0x22: {  	[simem:s7], [sflag:s8] =	dma.local @!p0 [hbm:s6], $0xF7A  }
0x23: {  	s9 =	sor.u32 $0xD0000000, s2;
	s6 =	simm.s32 $0x108;
	_ =	swait.ge @!p0 [sflag:s8], $0x0  }
0x24: {  	s3 =	sadd.s32 $0x88, s3;
	s6 =	simm.s32 @!p1 $0x1082;
	[sflag:s4] =	ssyncset.s32 $0xFFFFF086  }
0x25: {  	[simem:s6], [sflag:s4] =	dma.local [hbm:s3], $0xF7A  }
0x26: {  	[smem:$0x3F96] =	sst s1;
	(tag) =	ssettag s2;
	_ =	strace s9  }
0x27: {  	s1 =	sld [smem:$0x3FA6]  }
0x28: {  	s2 =	sld [smem:$0x3FA7]  }
0x29: {  	s4 =	sld [smem:$0x3FA9]  }
0x2a: {  	p0 =	seq.s32 s5, $0x0;
	s5 =	sld [smem:$0x3FAA]  }
0x2b: {  	s6 =	sld [smem:$0x3FAB]  }
0x2c: {  	s7 =	sld [smem:$0x3FAC]  }
0x2d: {  	s3 =	simm.s32 $0x108;
	s8 =	sld [smem:$0x3FAD]  }
0x2e: {  	s3 =	simm.s32 @!p0 $0x1082;
	s9 =	sld [smem:$0x3FAE]  }
0x2f: {  	lr =	sadd.s32 s0, s3;
	s0 =	sld [smem:$0x3FA5]  }
0x30: {  	s3 =	sld [smem:$0x3FA8]  }
0x31: {  	[smem:$0x3FB1] =	sst s10  }
0x32: {  	s10 =	sld [smem:$0x3FAF];
	_ =	sdelay $0x3  }
0x33: {  	p0 =	seq.s32 s10, $0x1;
	s10 =	sld [smem:$0x3FB1];
	_ =	sdelay $0x3  }
0x34: {  	[smem:$0x3FB1] =	sst s10  }
0x35: {  	s10 =	sld [smem:$0x3FB0];
	_ =	sdelay $0x3  }
0x36: {  	p1 =	seq.s32 s10, $0x1;
	s10 =	sld [smem:$0x3FB1];
	_ =	sdelay $0x3  }
0x37: {  	[smem:$0x3FB1] =	sst s10  }
0x38: {  	s10 =	sld [smem:$0x3FB2]  }
0x39: {  	_ = 	snop;
	(pc) =	sbr.ind lr, $3  }
0x3a: {  	_ = 	snop  }
0x3b: {  	_ = 	snop  }
0x3c: {  	p2 =	seq.s32 s10, $0x1;
	s10 =	sld [smem:$0x3FB1]  }
0x3d: {  	_ =	shalt  }
0x3e: {  	_ =	shalt  }
0x3f: {  	_ =	shalt  }
0x40: {  	_ =	shalt  }
0x41: {  	_ =	shalt  }
0x42: {  	_ =	shalt  }
0x43: {  	_ =	shalt  }
0x44: {  	_ =	shalt  }
0x45: {  	_ =	shalt  }
0x46: {  	_ =	shalt  }
0x47: {  	_ =	shalt  }
0x48: {  	_ =	shalt  }
0x49: {  	_ =	shalt  }
0x4a: {  	_ =	shalt  }
0x4b: {  	_ =	shalt  }
0x4c: {  	_ =	shalt  }
0x4d: {  	_ =	shalt  }
0x4e: {  	_ =	shalt  }
0x4f: {  	_ =	shalt  }
0x50: {  	_ =	shalt  }
0x51: {  	_ =	shalt  }
0x52: {  	_ =	shalt  }
0x53: {  	_ =	shalt  }
0x54: {  	_ =	shalt  }
0x55: {  	_ =	shalt  }
0x56: {  	_ =	shalt  }
0x57: {  	_ =	shalt  }
0x58: {  	_ =	shalt  }
0x59: {  	_ =	shalt  }
0x5a: {  	_ =	shalt  }
0x5b: {  	_ =	shalt  }
0x5c: {  	_ =	shalt  }
0x5d: {  	_ =	shalt  }
0x5e: {  	_ =	shalt  }
0x5f: {  	_ =	shalt  }
0x60: {  	_ =	shalt  }
0x61: {  	_ =	shalt  }
0x62: {  	_ =	shalt  }
0x63: {  	_ =	shalt  }
0x64: {  	_ =	shalt  }
0x65: {  	_ =	shalt  }
0x66: {  	_ =	shalt  }
0x67: {  	_ =	shalt  }
0x68: {  	_ =	shalt  }
0x69: {  	_ =	shalt  }
0x6a: {  	_ =	shalt  }
0x6b: {  	_ =	shalt  }
0x6c: {  	_ =	shalt  }
0x6d: {  	_ =	shalt  }
0x6e: {  	_ =	shalt  }
0x6f: {  	_ =	shalt  }
0x70: {  	_ =	shalt  }
0x71: {  	_ =	shalt  }
0x72: {  	_ =	shalt  }
0x73: {  	_ =	shalt  }
0x74: {  	_ =	shalt  }
0x75: {  	_ =	shalt  }
0x76: {  	_ =	shalt  }
0x77: {  	_ =	shalt  }
0x78: {  	_ =	shalt  }
0x79: {  	_ =	shalt  }
0x7a: {  	_ =	shalt  }
0x7b: {  	_ =	shalt  }
0x7c: {  	_ =	shalt  }
0x7d: {  	_ =	shalt  }
0x7e: {  	_ =	shalt  }
0x7f: {  	_ =	shalt  }
0x80: {  	_ =	shalt  }
0x81: {  	_ =	shalt  }
0x82: {  	_ =	shalt  }
0x83: {  	_ =	shalt  }
0x84: {  	_ =	shalt  }
0x85: {  	_ =	shalt  }
0x86: {  	_ =	shalt  }
0x87: {  	_ =	shalt  }
.Lfunc_end0:
.L_simem_size_0:
called_computation_lowered:
.L_overlay_start_0:
0x88: {  	s2 =	sld [smem:$0x3FD9]  }
0x89: {  	s3 =	sld [smem:$0x3FFE];
	_ =	sdelay $0x1  }
0x8a: {  	s1 =	srdreg.scid  }
0x8b: {  	s0 =	sand.u32 $0x1, s1  }
0x8c: {  	s17 =	sshll.u32 s0, $0xA;
	s2 =	sadd.s32 s3, s2  }
0x8d: {  	s2 =	sadd.s32 s2, s17  }
0x8e: {  	[smem:$0x3FBD] =	sst s2  }
0x8f: {  	_ = 	snop  }
0x90: {  	s2 =	sld [smem:$0x3FD0];
	(tm) =	ssettm $0x1  }
0x91: {  	s18 =	sld [smem:$0x3FFB];
	_ =	sdelay $0x3  }
0x92: {  	_ =	strace s18  }
0x93: {  	s3 =	sld [smem:$0x3FFC];
	_ =	sdelay $0x3  }
0x94: {  	_ =	strace s3  }
0x95: {  	s3 =	sld [smem:$0x3FFD];
	_ =	sdelay $0x3  }
0x96: {  	_ =	strace s3  }
0x97: {  	_ =	strace $0x8FFFFFFF  }
0x98: {  	s19 =	sld [smem:$0x3FDB];
	_ =	sdelay $0x1  }
0x99: {  	s4 =	simm.s32 $_scs_section_size  }
0x9a: {  	s5 =	simm.s32 $_size__tile_overlayer_lowered;
	s6 =	simm.s32 $_tile_overlayer_lowered  }
0x9b: {  	s22 =	simm.s32 $0x1BFF;
	s21 =	sshll.u32 s6, $0x1;
	s3 =	sadd.s32 s4, s19  }
0x9c: {  	s7 =	simm.s32 $0x0;
	s20 =	sshll.u32 s5, $0x1;
	s5 =	sadd.s32 s21, s3  }
0x9d: {  	[timem:s7], [sflag:s22] =	dma.local [hbm:s5], s20  }
0x9e: {  	_ =	swait.ge [sflag:s22], s20  }
0x9f: {  	s4 =	ssub.s32 $0x0, s20;
	[sflag:s22] =	ssyncset.done $0x0  }
0xa0: {  	[sflag:s22] =	ssyncadd.s32 s4;
	_ =	sdelay $0x1  }
0xa1: {  	s23 =	simm.s32 $0x1B8B  }
0xa2: {  	_ =	swait.ge [sflag:s23], $0x1  }
0xa3: {  	[sflag:s23] =	ssyncset.done $0x0  }
0xa4: {  	s25 =	simm.s32 $0x1B8E;
	s24 =	sld [smem:$0x3FFE];
	[sflag:s23] =	ssyncadd.s32 $0xFFFFFFFF  }
0xa5: {  	s26 =	simm.s32 $execute0_lowered;
	[smem:$0x3FD2] =	sst s25  }
0xa6: {  	s5 =	sshll.u32 s26, $0x1;
	_ =	strace $0x80000046;
	[dreg:$0x1] =	wrdreg $0xFFFFFFFF  }
0xa7: {  	s28 =	simm.s32 $_size_execute0_lowered;
	s3 =	sadd.s32 s3, s5;
	[dreg:$0x0] =	wrdreg $0x0  }
0xa8: {  	s5 =	sshll.u32 s28, $0x1;
	[dreg:$0x2] =	wrdreg s3  }
0xa9: {  	[dreg:$0x3] =	wrdreg s5  }
0xaa: {  	[dreg:$0x4] =	wrdreg $0xC0  }
0xab: {  	_ =	task [dreg:s7], $0x5FFFF  }
0xac: {  	[dreg:$0x1] =	wrdreg $0xFFFFFFFF  }
0xad: {  	[dreg:$0x0] =	wrdreg $0x60  }
0xae: {  	[dreg:$0x2] =	wrdreg s2  }
0xaf: {  	[dreg:$0x3] =	wrdreg s24  }
0xb0: {  	[dreg:$0x4] =	wrdreg $0x29000  }
0xb1: {  	[dreg:$0x5] =	wrdreg $0x9  }
0xb2: {  	_ =	task.clear_ibuf [dreg:s7], $0x6FFFF;
	_ =	strace $0x90000046  }
0xb3: {  	s29 =	simm.s32 $0x9;
	_ =	strace $0x80000048  }
0xb4: {  	_ =	swait.ge [sflag:s29], $0x1  }
0xb5: {  	[sflag:s29] =	ssyncadd.s32 $0xFFFFFFFF  }
0xb6: {  	_ =	strace $0x90000048  }
0xb7: {  	_ =	sfence  }
0xb8: {  	s30 =	sld [smem:$0x0];
	_ =	sdelay $0x2  }
0xb9: {  	s31 =	sshll.u32 s1, $0xD;
	s1 =	sshrl.u32 s1, $0x2  }
0xba: {  	s3 =	sand.u32 $0x4000, s31;
	s1 =	sadd.s32 s1, s30  }
0xbb: {  	s0 =	sor.u32 s3, s0;
	s1 =	sshll.u32 s1, $0x11  }
0xbc: {  	s0 =	sor.u32 s1, s0  }
0xbd: {  	s0 =	sadd.s32 $0x8F2B, s0  }
0xbe: {  	[sflag:s0] =	ssyncadd.remote.s32 $0x1  }
0xbf: {  	_ =	sfence.sel $0xFFFF  }
0xc0: {  	[dreg:$0x0] =	wrdreg $0xFFFFFFFF;
	(pc) =	sbr.abs _section_cstart, $3  }
0xc1: {  	[dreg:$0x1] =	wrdreg $0xFFFFFFFF  }
0xc2: {  	_ =	task.clear_ibuf [dreg:s7], $0x2FFFF;
	_ =	strace $0x9FFFFFFF  }
0xc3: {  	(tm) =	ssettm $0x7FFFFFFF  }
tec
execute0_lowered:
.L_overlay_start_1:
0x0: {  	(tag) =	ssettag $0x1  }
0x1: {  	s2 =	rddreg [dreg:$0x1]  }
0x2: {  	s0 =	srdreg.scid;
	s20 =	stileid.u32  }
0x3: {  	s1 =	simm.s32 $0x0;
	s5 =	sand.u32 $0x1, s0;
	s6 =	smul.u32 $0x280, s20  }
0x4: {  	[smem:$0x7FF] =	sst s1;
	s7 =	sadd.s32 $0xCE00, s2;
	s8 =	smul.u32 $0x14000, s20  }
0x5: {  	s4 =	sadd.s32 $0x34E00, s2;
	s11 =	sshll.u32 s20, $0x1;
	s0 =	ssub.s32 $0x2, s5  }
0x6: {  	s19 =	smul.u32 $0x140000, s5;
	s3 =	sshrl.u32 s0, $0x1;
	s9 =	sshrl.u32 s8, $0x3  }
0x7: {  	s10 =	sor.u32 $0x50, s6;
	s14 =	sadd.s32 $0xF0, s6;
	s21 =	sadd.s32 $0x1E0, s6  }
0x8: {  	s0 =	ssub.s32 s0, s3;
	s3 =	sor.u32 s5, s11;
	s9 =	sadd.s32 s7, s9  }
0x9: {  	s12 =	sshll.u32 s10, $0x4;
	s11 =	sadd.s32 $0xA0, s6;
	s10 =	sshll.u32 s10, $0x7  }
0xa: {  	s17 =	sshll.u32 s14, $0x7;
	s29 =	sshll.u32 s21, $0x7;
	s22 =	sshll.u32 s21, $0x4  }
0xb: {  	s8 =	sadd.s32 s8, s19;
	s5 =	smul.u32 $0x2710, s5;
	[dreg:$0x4] =	wrdreg s9  }
0xc: {  	s9 =	sadd.s32 s7, s12;
	s13 =	sshll.u32 s11, $0x4;
	s11 =	sshll.u32 s11, $0x7  }
0xd: {  	s12 =	sadd.s32 $0x140, s6;
	s8 =	sshrl.u32 s8, $0x3;
	s24 =	sadd.s32 s19, s10  }
0xe: {  	s26 =	sadd.s32 s19, s17;
	s21 =	sadd.s32 s19, s29;
	[dreg:$0x5] =	wrdreg s9  }
0xf: {  	s9 =	sadd.s32 s7, s13;
	s15 =	sshll.u32 s12, $0x4;
	s13 =	sadd.s32 $0x190, s6  }
0x10: {  	s18 =	sshll.u32 s12, $0x7;
	s6 =	sadd.s32 $0x230, s6;
	s23 =	sadd.s32 s4, s8  }
0x11: {  	s25 =	sadd.s32 s19, s11;
	s8 =	simm.s32 $0x2;
	[dreg:$0x6] =	wrdreg s9  }
0x12: {  	s9 =	sshll.u32 s14, $0x4;
	s16 =	sshll.u32 s13, $0x4;
	s30 =	sshll.u32 s6, $0x7  }
0x13: {  	s6 =	sshll.u32 s6, $0x4;
	[dreg:$0xc] =	wrdreg s23;
	s9 =	sadd.s32 s7, s9  }
0x14: {  	s23 =	sshrl.u32 s21, $0x3;
	s12 =	sadd.s32 s7, s16;
	[dreg:$0x7] =	wrdreg s9  }
0x15: {  	s21 =	sadd.s32 $0x3000, s2;
	s6 =	sadd.s32 s7, s6;
	[dreg:$0x9] =	wrdreg s12  }
0x16: {  	s9 =	sadd.s32 s7, s15;
	s12 =	sadd.s32 s7, s22;
	[dreg:$0xb] =	wrdreg s6  }
0x17: {  	s6 =	sshrl.u32 s24, $0x3;
	s15 =	sadd.s32 s19, s18;
	s24 =	sadd.s32 s19, s30  }
0x18: {  	s7 =	simm.s32 $0x50;
	[dreg:$0x8] =	wrdreg s9;
	s9 =	sshll.u32 s13, $0x7  }
0x19: {  	[dreg:$0xa] =	wrdreg s12;
	s6 =	sadd.s32 s4, s6;
	s12 =	sshrl.u32 s25, $0x3  }
0x1a: {  	s13 =	sshrl.u32 s26, $0x3;
	s25 =	smul.u32 $0x4E20, s20;
	[dreg:$0xd] =	wrdreg s6  }
0x1b: {  	s6 =	sadd.s32 s4, s12;
	s16 =	sadd.s32 s19, s9;
	s19 =	rddreg [dreg:$0x2]  }
0x1c: {  	s26 =	smul.u32 $0x50000, s20;
	s14 =	sadd.s32 s4, s13;
	[dreg:$0xe] =	wrdreg s6  }
0x1d: {  	[dreg:$0xf] =	wrdreg s14;
	s6 =	sshrl.u32 s15, $0x3;
	s22 =	sshrl.u32 s16, $0x3  }
0x1e: {  	s16 =	sadd.s32 s4, s23;
	s12 =	sadd.s32 s5, s25;
	s13 =	sshrl.u32 s26, $0x2  }
0x1f: {  	s23 =	sadd.s32 s10, s19;
	s25 =	sadd.s32 s17, s19;
	s26 =	sadd.s32 s18, s19  }
0x20: {  	s17 =	smul.u32 $0x2710, s3;
	s28 =	sadd.s32 s9, s19;
	s29 =	sadd.s32 s29, s19  }
0x21: {  	s30 =	sadd.s32 s30, s19;
	s5 =	simm.s32 $0x1;
	s9 =	simm.s32 $0x0  }
0x22: {  	s14 =	sadd.s32 s4, s6;
	s15 =	sadd.s32 s4, s22;
	s6 =	sshrl.u32 s24, $0x3  }
0x23: {  	_ =	strace $0x80000047;
	s22 =	sadd.s32 s13, s19;
	s24 =	sadd.s32 s11, s19  }
0x24: {  	s18 =	sadd.s32 $0xF0, s12;
	s11 =	sadd.s32 $0xA0, s12;
	s20 =	sadd.s32 s4, s6  }
0x25: {  	s2 =	sshrl.u32 s17, $0x3;
	s3 =	sshrl.u32 s18, $0x3;
	s18 =	smax.u32 s0, $0x1  }
0x26: {  	s4 =	simm.s32 $0x3;
	s6 =	simm.s32 $0x80;
	s31 =	sadd.s32 s21, s2  }
0x27: {  	s0 =	sadd.s32 s3, s21;
	s3 =	simm.s32 $0x100;
	s2 =	sadd.s32 $0xA, s31  }
.LBB2_1:
0x28: {  	s10 =	rddreg [dreg:$0x4]  }
0x29: {  	[tilespmem:s3], [sflag:$0x3] =	stream.linear.gather [hbm4b:s10+s1], $0x2800, $0x38;
	[tilespmem:$0x16900] =	vst v63  }
0x2a: {  	_ =	swait.ge [sflag:s4], $0x2800  }
0x2b: {  	[sflag:s4] =	ssyncset.done $0x0  }
0x2c: {  	[sflag:s4] =	ssyncadd.s32 $0xFFFFD800  }
0x2d: {  	[spmem:s22] =	stream.linear.scatter [tilespmem:s3], [sflag:$0x3], $0x2800, $0x38;
	[tilespmem:$0x16900] =	vst v63  }
0x2e: {  	_ =	swait.ge [sflag:s4], $0x2800  }
0x2f: {  	[sflag:s4] =	ssyncset.done $0x0  }
0x30: {  	s17 =	rddreg [dreg:$0x5];
	[sflag:s4] =	ssyncadd.s32 $0xFFFFD800  }
0x31: {  	[tilespmem:s3], [sflag:$0x3] =	stream.linear.gather [hbm4b:s17+s1], $0x2800, $0x38;
	[tilespmem:$0x16900] =	vst v63  }
0x32: {  	_ =	swait.ge [sflag:s4], $0x2800  }
0x33: {  	[sflag:s4] =	ssyncset.done $0x0  }
0x34: {  	[sflag:s4] =	ssyncadd.s32 $0xFFFFD800  }
0x35: {  	[spmem:s23] =	stream.linear.scatter [tilespmem:s3], [sflag:$0x3], $0x2800, $0x38;
	[tilespmem:$0x16900] =	vst v63  }
0x36: {  	_ =	swait.ge [sflag:s4], $0x2800  }
0x37: {  	[sflag:s4] =	ssyncset.done $0x0  }
0x38: {  	s12 =	rddreg [dreg:$0x6];
	[sflag:s4] =	ssyncadd.s32 $0xFFFFD800  }
0x39: {  	[tilespmem:s3], [sflag:$0x3] =	stream.linear.gather [hbm4b:s12+s1], $0x2800, $0x38;
	[tilespmem:$0x16900] =	vst v63  }
0x3a: {  	_ =	swait.ge [sflag:s4], $0x2800  }
0x3b: {  	[sflag:s4] =	ssyncset.done $0x0  }
0x3c: {  	[sflag:s4] =	ssyncadd.s32 $0xFFFFD800  }
0x3d: {  	[spmem:s24] =	stream.linear.scatter [tilespmem:s3], [sflag:$0x3], $0x2800, $0x38;
	[tilespmem:$0x16900] =	vst v63  }
0x3e: {  	_ =	swait.ge [sflag:s4], $0x2800  }
0x3f: {  	[sflag:s4] =	ssyncset.done $0x0  }
0x40: {  	s13 =	rddreg [dreg:$0x7];
	[sflag:s4] =	ssyncadd.s32 $0xFFFFD800  }
0x41: {  	[tilespmem:s3], [sflag:$0x3] =	stream.linear.gather [hbm4b:s13+s1], $0x2800, $0x38;
	[tilespmem:$0x16900] =	vst v63  }
0x42: {  	_ =	swait.ge [sflag:s4], $0x2800  }
0x43: {  	[sflag:s4] =	ssyncset.done $0x0  }
0x44: {  	[sflag:s4] =	ssyncadd.s32 $0xFFFFD800  }
0x45: {  	[spmem:s25] =	stream.linear.scatter [tilespmem:s3], [sflag:$0x3], $0x2800, $0x38;
	[tilespmem:$0x16900] =	vst v63  }
0x46: {  	_ =	swait.ge [sflag:s4], $0x2800  }
0x47: {  	[sflag:s4] =	ssyncset.done $0x0  }
0x48: {  	s17 =	rddreg [dreg:$0x8];
	[sflag:s4] =	ssyncadd.s32 $0xFFFFD800  }
0x49: {  	[tilespmem:s3], [sflag:$0x3] =	stream.linear.gather [hbm4b:s17+s1], $0x2800, $0x38;
	[tilespmem:$0x16900] =	vst v63  }
0x4a: {  	_ =	swait.ge [sflag:s4], $0x2800  }
0x4b: {  	[sflag:s4] =	ssyncset.done $0x0  }
0x4c: {  	[sflag:s4] =	ssyncadd.s32 $0xFFFFD800  }
0x4d: {  	[spmem:s26] =	stream.linear.scatter [tilespmem:s3], [sflag:$0x3], $0x2800, $0x38;
	[tilespmem:$0x16900] =	vst v63  }
0x4e: {  	_ =	swait.ge [sflag:s4], $0x2800  }
0x4f: {  	[sflag:s4] =	ssyncset.done $0x0  }
0x50: {  	s12 =	rddreg [dreg:$0x9];
	[sflag:s4] =	ssyncadd.s32 $0xFFFFD800  }
0x51: {  	[tilespmem:s3], [sflag:$0x3] =	stream.linear.gather [hbm4b:s12+s1], $0x2800, $0x38;
	[tilespmem:$0x16900] =	vst v63  }
0x52: {  	_ =	swait.ge [sflag:s4], $0x2800  }
0x53: {  	[sflag:s4] =	ssyncset.done $0x0  }
0x54: {  	[sflag:s4] =	ssyncadd.s32 $0xFFFFD800  }
0x55: {  	[spmem:s28] =	stream.linear.scatter [tilespmem:s3], [sflag:$0x3], $0x2800, $0x38;
	[tilespmem:$0x16900] =	vst v63  }
0x56: {  	_ =	swait.ge [sflag:s4], $0x2800  }
0x57: {  	[sflag:s4] =	ssyncset.done $0x0  }
0x58: {  	s13 =	rddreg [dreg:$0xa];
	[sflag:s4] =	ssyncadd.s32 $0xFFFFD800  }
0x59: {  	[tilespmem:s3], [sflag:$0x3] =	stream.linear.gather [hbm4b:s13+s1], $0x2800, $0x38;
	[tilespmem:$0x16900] =	vst v63  }
0x5a: {  	_ =	swait.ge [sflag:s4], $0x2800  }
0x5b: {  	[sflag:s4] =	ssyncset.done $0x0  }
0x5c: {  	[sflag:s4] =	ssyncadd.s32 $0xFFFFD800  }
0x5d: {  	[spmem:s29] =	stream.linear.scatter [tilespmem:s3], [sflag:$0x3], $0x2800, $0x38;
	[tilespmem:$0x16900] =	vst v63  }
0x5e: {  	_ =	swait.ge [sflag:s4], $0x2800  }
0x5f: {  	[sflag:s4] =	ssyncset.done $0x0  }
0x60: {  	s17 =	rddreg [dreg:$0xb];
	[sflag:s4] =	ssyncadd.s32 $0xFFFFD800  }
0x61: {  	[tilespmem:s3], [sflag:$0x3] =	stream.linear.gather [hbm4b:s17+s1], $0x2800, $0x38;
	[tilespmem:$0x16900] =	vst v63  }
0x62: {  	_ =	swait.ge [sflag:s4], $0x2800  }
0x63: {  	[sflag:s4] =	ssyncset.done $0x0  }
0x64: {  	[sflag:s4] =	ssyncadd.s32 $0xFFFFD800  }
0x65: {  	[spmem:s30] =	stream.linear.scatter [tilespmem:s3], [sflag:$0x3], $0x2800, $0x38;
	[tilespmem:$0x16900] =	vst v63  }
0x66: {  	_ =	swait.ge [sflag:s4], $0x2800  }
0x67: {  	[sflag:s4] =	ssyncset.done $0x0  }
0x68: {  	[sflag:s4] =	ssyncadd.s32 $0xFFFFD800  }
0x69: {  	[bflag:$0x0] =	sbarrier.arrive $0xFFFF  }
0x6a: {  	s12 =	rddreg [dreg:$0x0]  }
0x6b: {  	[tilespmem:s3], [sflag:$0x3] =	stream.linear.gather [hbm4b:s12+s1], $0x2800, $0x38;
	[tilespmem:$0x16900] =	vst v63  }
0x6c: {  	_ =	swait.ge [sflag:s4], $0x2800  }
0x6d: {  	[sflag:s4] =	ssyncset.done $0x0  }
0x6e: {  	[sflag:s4] =	ssyncadd.s32 $0xFFFFD800  }
0x6f: {  	[tilespmem:s1], [sflag:$0x1] =	stream.linear.gather [hbm4b:s31+s1], $0x50, $0x38;
	[tilespmem:$0x16900] =	vst v63  }
0x70: {  	_ =	swait.ge [sflag:s5], $0x50  }
0x71: {  	[sflag:s5] =	ssyncset.done $0x0  }
0x72: {  	[sflag:s5] =	ssyncadd.s32 $0xFFFFFFB0  }
0x73: {  	[tilespmem:s6], [sflag:$0x2] =	stream.linear.gather [hbm4b:s2+s1], $0x50, $0x38;
	[tilespmem:$0x16900] =	vst v63  }
0x74: {  	_ = 	snop  }
0x75: {  	[spmem:s19] =	stream.indirect.scatter.add.f32 [tilespmem:s3], [sflag:$0x3], $0x80, s1, s7, $0xb8;
	[tilespmem:$0x16900] =	vst v63  }
0x76: {  	_ =	swait.ge [sflag:s4], $0x2800  }
0x77: {  	[sflag:s4] =	ssyncset.done $0x0  }
0x78: {  	[sflag:s4] =	ssyncadd.s32 $0xFFFFD800  }
0x79: {  	_ =	swait.ge [sflag:s8], $0x50  }
0x7a: {  	s13 =	sshrl.u32 s11, $0x3;
	[sflag:s8] =	ssyncset.done $0x0  }
0x7b: {  	s10 =	sadd.s32 s21, s13;
	[sflag:s8] =	ssyncadd.s32 $0xFFFFFFB0  }
0x7c: {  	[tilespmem:s1], [sflag:$0x1] =	stream.linear.gather [hbm4b:s10+s1], $0x50, $0x38;
	[tilespmem:$0x16900] =	vst v63  }
0x7d: {  	_ = 	snop  }
0x7e: {  	[spmem:s19] =	stream.indirect.scatter.add.f32 [tilespmem:s3], [sflag:$0x3], $0x80, s6, s7, $0xb8;
	[tilespmem:$0x16900] =	vst v63  }
0x7f: {  	_ =	swait.ge [sflag:s4], $0x2800  }
0x80: {  	[sflag:s4] =	ssyncset.done $0x0  }
0x81: {  	[sflag:s4] =	ssyncadd.s32 $0xFFFFD800  }
0x82: {  	_ =	swait.ge [sflag:s5], $0x50  }
0x83: {  	[sflag:s5] =	ssyncset.done $0x0  }
0x84: {  	s17 =	sadd.s32 $0x0, s0;
	[sflag:s5] =	ssyncadd.s32 $0xFFFFFFB0  }
0x85: {  	[tilespmem:s6], [sflag:$0x2] =	stream.linear.gather [hbm4b:s17+s1], $0x50, $0x38;
	[tilespmem:$0x16900] =	vst v63  }
0x86: {  	_ = 	snop  }
0x87: {  	[spmem:s19] =	stream.indirect.scatter.add.f32 [tilespmem:s3], [sflag:$0x3], $0x80, s1, s7, $0xb8;
	[tilespmem:$0x16900] =	vst v63  }
0x88: {  	_ =	swait.ge [sflag:s4], $0x2800  }
0x89: {  	s10 =	simm.s32 $0x14;
	s17 =	smov.u32 s11;
	[sflag:s4] =	ssyncset.done $0x0  }
.LBB2_2:
0x8a: {  	p0 =	sne.s32 s10, $0x4C4;
	[sflag:s4] =	ssyncadd.s32 $0xFFFFD800;
	s17 =	sadd.s32 $0xA0, s17  }
0x8b: {  	s12 =	smov.u32 s10;
	s10 =	sadd.s32 $0x14, s10  }
0x8c: {  	_ =	swait.ge [sflag:s8], $0x50  }
0x8d: {  	s13 =	sshrl.u32 s17, $0x3;
	[sflag:s8] =	ssyncset.done $0x0  }
0x8e: {  	s13 =	sadd.s32 s21, s13;
	[sflag:s8] =	ssyncadd.s32 $0xFFFFFFB0  }
0x8f: {  	[tilespmem:s1], [sflag:$0x1] =	stream.linear.gather [hbm4b:s13+s1], $0x50, $0x38;
	[tilespmem:$0x16900] =	vst v63  }
0x90: {  	_ = 	snop  }
0x91: {  	[spmem:s19] =	stream.indirect.scatter.add.f32 [tilespmem:s3], [sflag:$0x3], $0x80, s6, s7, $0xb8;
	[tilespmem:$0x16900] =	vst v63  }
0x92: {  	_ =	swait.ge [sflag:s4], $0x2800  }
0x93: {  	[sflag:s4] =	ssyncset.done $0x0  }
0x94: {  	[sflag:s4] =	ssyncadd.s32 $0xFFFFD800  }
0x95: {  	_ =	swait.ge [sflag:s5], $0x50  }
0x96: {  	[sflag:s5] =	ssyncset.done $0x0  }
0x97: {  	s12 =	sadd.s32 s12, s0;
	[sflag:s5] =	ssyncadd.s32 $0xFFFFFFB0  }
0x98: {  	[tilespmem:s6], [sflag:$0x2] =	stream.linear.gather [hbm4b:s12+s1], $0x50, $0x38;
	[tilespmem:$0x16900] =	vst v63  }
.Ltmp0:
0x99: {  	_ = 	snop;
	(pc) =	sbr.rel @p0 .LBB2_2-.Ltmp0, $4  }
0x9a: {  	_ = 	snop  }
0x9b: {  	[spmem:s19] =	stream.indirect.scatter.add.f32 [tilespmem:s3], [sflag:$0x3], $0x80, s1, s7, $0xb8;
	[tilespmem:$0x16900] =	vst v63  }
0x9c: {  	_ =	swait.ge [sflag:s4], $0x2800  }
0x9d: {  	[sflag:s4] =	ssyncset.done $0x0  }
0x9e: {  	[sflag:s4] =	ssyncadd.s32 $0xFFFFD800  }
0x9f: {  	_ =	swait.ge [sflag:s8], $0x50  }
0xa0: {  	[sflag:s8] =	ssyncset.done $0x0  }
0xa1: {  	[sflag:s8] =	ssyncadd.s32 $0xFFFFFFB0  }
0xa2: {  	[bflag:$0x0] =	sbarrier.arrive $0xFFFF  }
0xa3: {  	[tilespmem:s3], [sflag:$0x3] =	stream.linear.gather [spmem:s22], $0x2800, $0x38;
	[tilespmem:$0x16900] =	vst v63  }
0xa4: {  	_ =	swait.ge [sflag:s4], $0x2800  }
0xa5: {  	[sflag:s4] =	ssyncset.done $0x0  }
0xa6: {  	s10 =	rddreg [dreg:$0xc];
	[sflag:s4] =	ssyncadd.s32 $0xFFFFD800  }
0xa7: {  	[hbm4b:s10+s1] =	stream.linear.scatter [tilespmem:s3], [sflag:$0x3], $0x2800, $0x38;
	[tilespmem:$0x16900] =	vst v63  }
0xa8: {  	_ =	swait.ge [sflag:s4], $0x2800  }
0xa9: {  	[sflag:s4] =	ssyncset.done $0x0  }
0xaa: {  	[sflag:s4] =	ssyncadd.s32 $0xFFFFD800  }
0xab: {  	[tilespmem:s3], [sflag:$0x3] =	stream.linear.gather [spmem:s23], $0x2800, $0x38;
	[tilespmem:$0x16900] =	vst v63  }
0xac: {  	_ =	swait.ge [sflag:s4], $0x2800  }
0xad: {  	[sflag:s4] =	ssyncset.done $0x0  }
0xae: {  	s12 =	rddreg [dreg:$0xd];
	[sflag:s4] =	ssyncadd.s32 $0xFFFFD800  }
0xaf: {  	[hbm4b:s12+s1] =	stream.linear.scatter [tilespmem:s3], [sflag:$0x3], $0x2800, $0x38;
	[tilespmem:$0x16900] =	vst v63  }
0xb0: {  	_ =	swait.ge [sflag:s4], $0x2800  }
0xb1: {  	[sflag:s4] =	ssyncset.done $0x0  }
0xb2: {  	[sflag:s4] =	ssyncadd.s32 $0xFFFFD800  }
0xb3: {  	[tilespmem:s3], [sflag:$0x3] =	stream.linear.gather [spmem:s24], $0x2800, $0x38;
	[tilespmem:$0x16900] =	vst v63  }
0xb4: {  	_ =	swait.ge [sflag:s4], $0x2800  }
0xb5: {  	[sflag:s4] =	ssyncset.done $0x0  }
0xb6: {  	s13 =	rddreg [dreg:$0xe];
	[sflag:s4] =	ssyncadd.s32 $0xFFFFD800  }
0xb7: {  	[hbm4b:s13+s1] =	stream.linear.scatter [tilespmem:s3], [sflag:$0x3], $0x2800, $0x38;
	[tilespmem:$0x16900] =	vst v63  }
0xb8: {  	_ =	swait.ge [sflag:s4], $0x2800  }
0xb9: {  	[sflag:s4] =	ssyncset.done $0x0  }
0xba: {  	[sflag:s4] =	ssyncadd.s32 $0xFFFFD800  }
0xbb: {  	[tilespmem:s3], [sflag:$0x3] =	stream.linear.gather [spmem:s25], $0x2800, $0x38;
	[tilespmem:$0x16900] =	vst v63  }
0xbc: {  	_ =	swait.ge [sflag:s4], $0x2800  }
0xbd: {  	[sflag:s4] =	ssyncset.done $0x0  }
0xbe: {  	s17 =	rddreg [dreg:$0xf];
	[sflag:s4] =	ssyncadd.s32 $0xFFFFD800  }
0xbf: {  	[hbm4b:s17+s1] =	stream.linear.scatter [tilespmem:s3], [sflag:$0x3], $0x2800, $0x38;
	[tilespmem:$0x16900] =	vst v63  }
0xc0: {  	_ =	swait.ge [sflag:s4], $0x2800  }
0xc1: {  	[sflag:s4] =	ssyncset.done $0x0  }
0xc2: {  	[sflag:s4] =	ssyncadd.s32 $0xFFFFD800  }
0xc3: {  	[tilespmem:s3], [sflag:$0x3] =	stream.linear.gather [spmem:s26], $0x2800, $0x38;
	[tilespmem:$0x16900] =	vst v63  }
0xc4: {  	_ =	swait.ge [sflag:s4], $0x2800  }
0xc5: {  	[sflag:s4] =	ssyncset.done $0x0  }
0xc6: {  	[sflag:s4] =	ssyncadd.s32 $0xFFFFD800  }
0xc7: {  	[hbm4b:s14+s1] =	stream.linear.scatter [tilespmem:s3], [sflag:$0x3], $0x2800, $0x38;
	[tilespmem:$0x16900] =	vst v63  }
0xc8: {  	_ =	swait.ge [sflag:s4], $0x2800  }
0xc9: {  	[sflag:s4] =	ssyncset.done $0x0  }
0xca: {  	[sflag:s4] =	ssyncadd.s32 $0xFFFFD800  }
0xcb: {  	[tilespmem:s3], [sflag:$0x3] =	stream.linear.gather [spmem:s28], $0x2800, $0x38;
	[tilespmem:$0x16900] =	vst v63  }
0xcc: {  	_ =	swait.ge [sflag:s4], $0x2800  }
0xcd: {  	[sflag:s4] =	ssyncset.done $0x0  }
0xce: {  	[sflag:s4] =	ssyncadd.s32 $0xFFFFD800  }
0xcf: {  	[hbm4b:s15+s1] =	stream.linear.scatter [tilespmem:s3], [sflag:$0x3], $0x2800, $0x38;
	[tilespmem:$0x16900] =	vst v63  }
0xd0: {  	_ =	swait.ge [sflag:s4], $0x2800  }
0xd1: {  	[sflag:s4] =	ssyncset.done $0x0  }
0xd2: {  	[sflag:s4] =	ssyncadd.s32 $0xFFFFD800  }
0xd3: {  	[tilespmem:s3], [sflag:$0x3] =	stream.linear.gather [spmem:s29], $0x2800, $0x38;
	[tilespmem:$0x16900] =	vst v63  }
0xd4: {  	_ =	swait.ge [sflag:s4], $0x2800  }
0xd5: {  	[sflag:s4] =	ssyncset.done $0x0  }
0xd6: {  	[sflag:s4] =	ssyncadd.s32 $0xFFFFD800  }
0xd7: {  	[hbm4b:s16+s1] =	stream.linear.scatter [tilespmem:s3], [sflag:$0x3], $0x2800, $0x38;
	[tilespmem:$0x16900] =	vst v63  }
0xd8: {  	_ =	swait.ge [sflag:s4], $0x2800  }
0xd9: {  	[sflag:s4] =	ssyncset.done $0x0  }
0xda: {  	[sflag:s4] =	ssyncadd.s32 $0xFFFFD800  }
0xdb: {  	[tilespmem:s3], [sflag:$0x3] =	stream.linear.gather [spmem:s30], $0x2800, $0x38;
	[tilespmem:$0x16900] =	vst v63  }
0xdc: {  	s9 =	sadd.s32 $0x1, s9;
	_ =	swait.ge [sflag:s4], $0x2800  }
0xdd: {  	p0 =	sne.s32 s9, s18;
	[sflag:s4] =	ssyncset.done $0x0  }
.Ltmp1:
0xde: {  	[sflag:s4] =	ssyncadd.s32 $0xFFFFD800;
	(pc) =	sbr.rel @p0 .LBB2_1-.Ltmp1, $4  }
0xdf: {  	[hbm4b:s20+s1] =	stream.linear.scatter [tilespmem:s3], [sflag:$0x3], $0x2800, $0x38;
	[tilespmem:$0x16900] =	vst v63  }
0xe0: {  	_ =	swait.ge [sflag:s4], $0x2800  }
0xe1: {  	[sflag:s4] =	ssyncset.done $0x0  }
0xe2: {  	[sflag:s4] =	ssyncadd.s32 $0xFFFFD800  }
0xe3: {  	_ =	sfence.sel $0x180000  }
0xe4: {  	[bflag:$0x0] =	sbarrier.arrive $0xFFFF  }
0xe5: {  	_ =	strace $0x90000047  }
0xe6: {  	s0 =	stileid.u32;
	[bflag:$0x2] =	sbarrier.arrive $0xFFFF  }
0xe7: {  	p0 =	sne.s32 s0, $0x0;
	s0 =	rddreg [dreg:$0x3]  }
0xe8: {  	s0 =	sadd.s32 @!p0 $0x100000, s0  }
0xe9: {  	[sflag:s0] =	ssyncadd.tile.s32 @!p0 $0x1;
	_ =	shalt  }
.Lfunc_end2:
_tile_overlayer_lowered:
.L_overlay_start_2:
0xea: {  	(tag) =	ssettag $0x2  }
0xeb: {  	s0 =	rddreg [dreg:$0x0];
	s2 =	stileid.u32  }
0xec: {  	s1 =	rddreg [dreg:$0x1];
	p0 =	sne.s32 s2, $0x0  }
0xed: {  	s3 =	rddreg [dreg:$0x2];
	[bflag:$0x3] =	sbarrier.arrive $0xFFFF;
	s2 =	simm.s32 @!p0 $0x1C03  }
0xee: {  	[timem:s3], [sflag:s2] =	dma.local @!p0 [hbm:s0], s1  }
0xef: {  	s0 =	simm.s32 @!p0 $0x3  }
0xf0: {  	_ =	swait.ge @!p0 [sflag:s0], s1  }
0xf1: {  	s1 =	ssub.s32 @!p0 $0x0, s1;
	[sflag:s0] =	ssyncset.done @!p0 $0x0  }
0xf2: {  	[sflag:s0] =	ssyncadd.s32 @!p0 s1  }
0xf3: {  	[bflag:$0x3] =	sbarrier.arrive $0xFFFF  }
0xf4: {  	_ =	shalt  }

</sc_bundles>
